<compile_context>
chip_gen: v7x
topology: tpu7x:2x2x1
jax: 0.10.2.dev20260603
libtpu: 0.0.44.dev20260713+nightly
codegen_flags: <defaults>
</compile_context>

<pallas_src>
import functools
import jax
import jax.numpy as jnp
from jax import lax
from jax.experimental import pallas as pl
from jax.experimental.pallas import tpu as pltpu
from jax.experimental.pallas import tpu_sc as plsc

_NW = 32
_CH = 16
_NBUF = 3
_DEPTH = 2
_LANES = 16


@jax.jit
def _pe_add(hidden, seq_pos, pe):
    B, S, D = hidden.shape
    N = B * S
    n_per_w = N // _NW
    n_chunks = n_per_w // _CH
    assert S % n_per_w == 0

    mesh = plsc.VectorSubcoreMesh(core_axis_name="c", subcore_axis_name="s")

    @functools.partial(
        pl.kernel,
        mesh=mesh,
        out_type=jax.ShapeDtypeStruct((B, S, D), jnp.float32),
        scratch_types=[
            pltpu.VMEM((n_per_w,), jnp.int32),
            pltpu.VMEM((_NBUF, _CH, D), jnp.float32),
            pltpu.VMEM((_NBUF, _CH, D), jnp.float32),
            pltpu.SemaphoreType.DMA,
            pltpu.SemaphoreType.DMA,
            pltpu.SemaphoreType.DMA,
        ],
    )
    def k(h_hbm, idx_hbm, pe_hbm, out_hbm, idx_all, peb, hidb, gsem, hsem, osem):
        wid = lax.axis_index("s") * 2 + lax.axis_index("c")
        base = wid * n_per_w
        bi = base // S
        r0 = base % S
        pltpu.sync_copy(idx_hbm.at[bi, pl.ds(r0, n_per_w)], idx_all)

        def issue(g):
            b = g % _NBUF
            gc = pltpu.async_copy(
                pe_hbm.at[idx_all.at[pl.ds(g * _CH, _CH)]], peb.at[b], gsem
            )
            hc = pltpu.async_copy(
                h_hbm.at[bi, pl.ds(r0 + g * _CH, _CH)], hidb.at[b], hsem
            )
            return gc, hc

        inflight = {g: issue(g) for g in range(_DEPTH)}
        outflight = {}
        for g in range(n_chunks):
            b = g % _NBUF
            gc, hc = inflight.pop(g)
            gc.wait()
            hc.wait()

            @plsc.parallel_loop(0, _CH)
            def _row(r):
                @plsc.parallel_loop(0, D, _LANES, unroll=8)
                def _col(j):
                    plsc.addupdate(
                        hidb.at[b, r, pl.ds(j, _LANES)], peb[b, r, pl.ds(j, _LANES)]
                    )

            outflight[g] = pltpu.async_copy(
                hidb.at[b], out_hbm.at[bi, pl.ds(r0 + g * _CH, _CH)], osem
            )
            if g + _DEPTH < n_chunks:
                stale = g + _DEPTH - _NBUF
                if stale >= 0:
                    outflight.pop(stale).wait()
                inflight[g + _DEPTH] = issue(g + _DEPTH)
        for g in sorted(outflight):
            outflight.pop(g).wait()

    return k(hidden, seq_pos, pe)


def kernel(hidden, seq_pos, pe):
    return _pe_add(hidden, seq_pos.astype(jnp.int32), pe)

# --- scband reference (transcript-rebuilt; emitter-appended) ---
"""Pipeline reference for scband-positional-encoding-63694364999976 (READ-ONLY COPY).

The authoritative reference and input builder live on the scoring server;
editing this copy changes nothing except your own understanding.
"""

import math
import jax, jax.numpy as jnp
import numpy as np

B, S, D, MAX_LEN = 4, 2048, 1024, 8192

def _build_pe(max_len, d):
    position = np.arange(0, max_len, dtype=np.float32)[:, None]
    div_term = np.exp(np.arange(0, d, 2).astype(np.float32) * (-math.log(10000.0) / d))
    pe = np.zeros((max_len, d), dtype=np.float32)
    pe[:, 0::2] = np.sin(position * div_term)
    pe[:, 1::2] = np.cos(position * div_term)
    return jnp.asarray(pe)

def setup_inputs(seed: int = 0) -> dict:
    key = jax.random.key(seed)
    k1, k2 = jax.random.split(key)
    hidden = jax.random.normal(k1, (B, S, D), dtype=jnp.float32)
    seq_pos = jax.random.randint(k2, (B, S), 0, MAX_LEN, dtype=jnp.int64) if jax.config.jax_enable_x64 else jax.random.randint(k2, (B, S), 0, MAX_LEN, dtype=jnp.int32)
    pe = _build_pe(MAX_LEN, D)
    return {"hidden": hidden, "seq_pos": seq_pos, "pe": pe}

def reference(hidden, seq_pos, pe):
    # seq_pos_clipped = seq_pos.clip(min=0)
    seq_pos_clipped = jnp.clip(seq_pos, 0)
    # gather rows of pe per (batch, position): pe.expand(B,-1,-1).gather(1, idx)
    pes = jnp.take(pe, seq_pos_clipped, axis=0)  # [B, S, D]
    # mask = seq_pos.lt(0); pes[mask] = 0
    mask = seq_pos < 0
    pes = jnp.where(mask[..., None], jnp.zeros_like(pes), pes)
    hidden = hidden + pes
    # dropout p=0.0 -> identity
    return hidden

if __name__ == "__main__":
    import jax
    _d = setup_inputs()
    print(jax.jit(kernel)(*tuple(_d.values())))

</pallas_src>

<mosaic_0001>
#map = affine_map<(d0, d1) -> (0, 0, 0)>
#map1 = affine_map<(d0, d1) -> (0, 0)>
module attributes {stable_mosaic.version = 14 : i64} {
  func.func @k(%arg0: i32, %arg1: i32, %arg2: memref<4x2048x1024xf32, #tpu.memory_space<hbm>>, %arg3: memref<4x2048xi32, #tpu.memory_space<hbm>>, %arg4: memref<8192x1024xf32, #tpu.memory_space<hbm>>, %arg5: memref<4x2048x1024xf32, #tpu.memory_space<hbm>>, %arg6: memref<256xi32, #tpu.memory_space<vmem>>, %arg7: memref<3x16x1024xf32, #tpu.memory_space<vmem>>, %arg8: memref<3x16x1024xf32, #tpu.memory_space<vmem>>, %arg9: memref<!tpu.dma_semaphore, #tpu.memory_space<semaphore_mem>>, %arg10: memref<!tpu.dma_semaphore, #tpu.memory_space<semaphore_mem>>, %arg11: memref<!tpu.dma_semaphore, #tpu.memory_space<semaphore_mem>>) attributes {dimension_semantics = [#tpu.dimension_semantics<core_parallel>, #tpu.dimension_semantics<subcore_parallel>], iteration_bounds = array<i64: 2, 16>, scalar_prefetch = 0 : i64, scratch_operands = 6 : i64, tpu.core_type = #tpu.core_type<sc_vector_subcore>, window_params = [{transform_indices = #map}, {transform_indices = #map1}, {transform_indices = #map1}, {transform_indices = #map}]} {
    %mul3A = arith.constant 2 : i32
    %mul3A_0 = arith.muli %arg1, %mul3A : i32
    %add3A = arith.addi %mul3A_0, %arg0 : i32
    %mul3A_1 = arith.constant 256 : i32
    %mul3A_2 = arith.muli %add3A, %mul3A_1 : i32
    %jit3A = arith.constant 2048 : i32
    %div3A = arith.divsi %mul3A_2, %jit3A : i32
    %sign3A = arith.constant 0 : i32
    %sign3A_3 = arith.cmpi sgt, %mul3A_2, %sign3A : i32
    %sign3A_4 = arith.extui %sign3A_3 : i1 to i32
    %sign3A_5 = arith.constant 0 : i32
    %sign3A_6 = arith.cmpi slt, %mul3A_2, %sign3A_5 : i32
    %sign3A_7 = arith.extui %sign3A_6 : i1 to i32
    %sign3A_8 = arith.subi %sign3A_4, %sign3A_7 : i32
    %sign3A_9 = arith.constant 0 : i32
    %sign3A_10 = arith.cmpi sgt, %jit3A, %sign3A_9 : i32
    %sign3A_11 = arith.extui %sign3A_10 : i1 to i32
    %sign3A_12 = arith.constant 0 : i32
    %sign3A_13 = arith.cmpi slt, %jit3A, %sign3A_12 : i32
    %sign3A_14 = arith.extui %sign3A_13 : i1 to i32
    %sign3A_15 = arith.subi %sign3A_11, %sign3A_14 : i32
    %ne3A = arith.cmpi ne, %sign3A_8, %sign3A_15 : i32
    %rem3A = arith.remsi %mul3A_2, %jit3A : i32
    %ne3A_16 = arith.constant 0 : i32
    %ne3A_17 = arith.cmpi ne, %rem3A, %ne3A_16 : i32
    %and3A = arith.andi %ne3A, %ne3A_17 : i1
    %sub3A = arith.constant 1 : i32
    %sub3A_18 = arith.subi %div3A, %sub3A : i32
    %select_n3A = arith.select %and3A, %sub3A_18, %div3A : i32
    %jit3A_19 = arith.constant 2048 : i32
    %eq3A = arith.constant 0 : i32
    %eq3A_20 = arith.cmpi eq, %jit3A_19, %eq3A : i32
    %jit3A_21 = arith.constant 1 : i32
    %select_n3A_22 = arith.select %eq3A_20, %jit3A_21, %jit3A_19 : i32
    %rem3A_23 = arith.remsi %mul3A_2, %select_n3A_22 : i32
    %ne3A_24 = arith.constant 0 : i32
    %ne3A_25 = arith.cmpi ne, %rem3A_23, %ne3A_24 : i32
    %lt3A = arith.constant 0 : i32
    %lt3A_26 = arith.cmpi slt, %rem3A_23, %lt3A : i32
    %lt3A_27 = arith.constant 0 : i32
    %lt3A_28 = arith.cmpi slt, %select_n3A_22, %lt3A_27 : i32
    %ne3A_29 = arith.xori %lt3A_26, %lt3A_28 : i1
    %and3A_30 = arith.andi %ne3A_29, %ne3A_25 : i1
    %add3A_31 = arith.addi %rem3A_23, %select_n3A_22 : i32
    %select_n3A_32 = arith.select %and3A_30, %add3A_31, %rem3A_23 : i32
    "tpu.region"() ({
      %run_scoped3A = tpu.sem_alloc : memref<!tpu.dma_semaphore, #tpu.memory_space<semaphore_mem>>
      %dma_start3A_1422 = tpu.memref_slice %arg3[%select_n3A, %select_n3A_32] : memref<4x2048xi32, #tpu.memory_space<hbm>> -> memref<1x256xi32, #tpu.memory_space<hbm>>
      %dma_start3A_1423 = tpu.memref_squeeze %dma_start3A_1422 : memref<1x256xi32, #tpu.memory_space<hbm>> -> memref<256xi32, #tpu.memory_space<hbm>>
      %dma_start3A_1424 = tpu.memref_slice %arg3[%select_n3A, %select_n3A_32] : memref<4x2048xi32, #tpu.memory_space<hbm>> -> memref<1x256xi32, #tpu.memory_space<hbm>>
      %dma_start3A_1425 = tpu.memref_squeeze %dma_start3A_1424 : memref<1x256xi32, #tpu.memory_space<hbm>> -> memref<256xi32, #tpu.memory_space<hbm>>
      tpu.enqueue_dma source(%dma_start3A_1425 : memref<256xi32, #tpu.memory_space<hbm>>) target(%arg6 : memref<256xi32, #tpu.memory_space<vmem>>) target_semaphore(%run_scoped3A : memref<!tpu.dma_semaphore, #tpu.memory_space<semaphore_mem>>)
      %dma_wait3A_1426 = tpu.memref_slice %arg3[%select_n3A, %select_n3A_32] : memref<4x2048xi32, #tpu.memory_space<hbm>> -> memref<1x256xi32, #tpu.memory_space<hbm>>
      %dma_wait3A_1427 = tpu.memref_squeeze %dma_wait3A_1426 : memref<1x256xi32, #tpu.memory_space<hbm>> -> memref<256xi32, #tpu.memory_space<hbm>>
      %dma_wait3A_1428 = tpu.memref_slice %arg3[%select_n3A, %select_n3A_32] : memref<4x2048xi32, #tpu.memory_space<hbm>> -> memref<1x256xi32, #tpu.memory_space<hbm>>
      %dma_wait3A_1429 = tpu.memref_squeeze %dma_wait3A_1428 : memref<1x256xi32, #tpu.memory_space<hbm>> -> memref<256xi32, #tpu.memory_space<hbm>>
      tpu.wait_dma2 semaphore(%run_scoped3A : memref<!tpu.dma_semaphore, #tpu.memory_space<semaphore_mem>>) src(%dma_wait3A_1429 : memref<256xi32, #tpu.memory_space<hbm>>) dst(%arg6 : memref<256xi32, #tpu.memory_space<vmem>>)
      tpu.yield
    }) : () -> ()
    %dma_start3A = arith.constant 0 : i32
    %dma_start3A_33 = arith.constant 0 : i32
    %dma_start3A_34 = arith.constant 0 : i32
    %dma_start3A_35 = tpu.memref_slice %arg7[%dma_start3A, %dma_start3A_33, %dma_start3A_34] : memref<3x16x1024xf32, #tpu.memory_space<vmem>> -> memref<1x16x1024xf32, #tpu.memory_space<vmem>>
    %dma_start3A_36 = tpu.memref_squeeze %dma_start3A_35 : memref<1x16x1024xf32, #tpu.memory_space<vmem>> -> memref<16x1024xf32, #tpu.memory_space<vmem>>
    %dma_start3A_37 = arith.constant 0 : i32
    %dma_start3A_38 = tpu.memref_slice %arg6[%dma_start3A_37] : memref<256xi32, #tpu.memory_space<vmem>> -> memref<16xi32, #tpu.memory_space<vmem>>
    %dma_start3A_39 = arith.constant 0 : i32
    %dma_start3A_40 = arith.constant 0 : i32
    %dma_start3A_41 = tpu.memref_slice %arg4[%dma_start3A_39, %dma_start3A_40] : memref<8192x1024xf32, #tpu.memory_space<hbm>> -> memref<8192x1024xf32, #tpu.memory_space<hbm>>
    tpu.enqueue_indirect_dma source(%dma_start3A_41 : memref<8192x1024xf32, #tpu.memory_space<hbm>>) target(%dma_start3A_36 : memref<16x1024xf32, #tpu.memory_space<vmem>>) offsets(%dma_start3A_38 : memref<16xi32, #tpu.memory_space<vmem>>) semaphore(%arg9 : memref<!tpu.dma_semaphore, #tpu.memory_space<semaphore_mem>>)
    %add3A_42 = arith.constant 0 : i32
    %add3A_43 = arith.addi %select_n3A_32, %add3A_42 : i32
    %dma_start3A_44 = arith.constant 0 : i32
    %dma_start3A_45 = arith.constant 0 : i32
    %dma_start3A_46 = arith.constant 0 : i32
    %dma_start3A_47 = tpu.memref_slice %arg8[%dma_start3A_44, %dma_start3A_45, %dma_start3A_46] : memref<3x16x1024xf32, #tpu.memory_space<vmem>> -> memref<1x16x1024xf32, #tpu.memory_space<vmem>>
    %dma_start3A_48 = tpu.memref_squeeze %dma_start3A_47 : memref<1x16x1024xf32, #tpu.memory_space<vmem>> -> memref<16x1024xf32, #tpu.memory_space<vmem>>
    %dma_start3A_49 = arith.constant 0 : i32
    %dma_start3A_50 = tpu.memref_slice %arg2[%select_n3A, %add3A_43, %dma_start3A_49] : memref<4x2048x1024xf32, #tpu.memory_space<hbm>> -> memref<1x16x1024xf32, #tpu.memory_space<hbm>>
    %dma_start3A_51 = tpu.memref_squeeze %dma_start3A_50 : memref<1x16x1024xf32, #tpu.memory_space<hbm>> -> memref<16x1024xf32, #tpu.memory_space<hbm>>
    %dma_start3A_52 = arith.constant 0 : i32
    %dma_start3A_53 = arith.constant 0 : i32
    %dma_start3A_54 = tpu.memref_slice %arg8[%dma_start3A_44, %dma_start3A_52, %dma_start3A_53] : memref<3x16x1024xf32, #tpu.memory_space<vmem>> -> memref<1x16x1024xf32, #tpu.memory_space<vmem>>
    %dma_start3A_55 = tpu.memref_squeeze %dma_start3A_54 : memref<1x16x1024xf32, #tpu.memory_space<vmem>> -> memref<16x1024xf32, #tpu.memory_space<vmem>>
    %dma_start3A_56 = arith.constant 0 : i32
    %dma_start3A_57 = tpu.memref_slice %arg2[%select_n3A, %add3A_43, %dma_start3A_56] : memref<4x2048x1024xf32, #tpu.memory_space<hbm>> -> memref<1x16x1024xf32, #tpu.memory_space<hbm>>
    %dma_start3A_58 = tpu.memref_squeeze %dma_start3A_57 : memref<1x16x1024xf32, #tpu.memory_space<hbm>> -> memref<16x1024xf32, #tpu.memory_space<hbm>>
    tpu.enqueue_dma source(%dma_start3A_58 : memref<16x1024xf32, #tpu.memory_space<hbm>>) target(%dma_start3A_55 : memref<16x1024xf32, #tpu.memory_space<vmem>>) target_semaphore(%arg10 : memref<!tpu.dma_semaphore, #tpu.memory_space<semaphore_mem>>)
    %dma_start3A_59 = arith.constant 1 : i32
    %dma_start3A_60 = arith.constant 0 : i32
    %dma_start3A_61 = arith.constant 0 : i32
    %dma_start3A_62 = tpu.memref_slice %arg7[%dma_start3A_59, %dma_start3A_60, %dma_start3A_61] : memref<3x16x1024xf32, #tpu.memory_space<vmem>> -> memref<1x16x1024xf32, #tpu.memory_space<vmem>>
    %dma_start3A_63 = tpu.memref_squeeze %dma_start3A_62 : memref<1x16x1024xf32, #tpu.memory_space<vmem>> -> memref<16x1024xf32, #tpu.memory_space<vmem>>
    %dma_start3A_64 = arith.constant 16 : i32
    %dma_start3A_65 = tpu.memref_slice %arg6[%dma_start3A_64] : memref<256xi32, #tpu.memory_space<vmem>> -> memref<16xi32, #tpu.memory_space<vmem>>
    %dma_start3A_66 = arith.constant 0 : i32
    %dma_start3A_67 = arith.constant 0 : i32
    %dma_start3A_68 = tpu.memref_slice %arg4[%dma_start3A_66, %dma_start3A_67] : memref<8192x1024xf32, #tpu.memory_space<hbm>> -> memref<8192x1024xf32, #tpu.memory_space<hbm>>
    tpu.enqueue_indirect_dma source(%dma_start3A_68 : memref<8192x1024xf32, #tpu.memory_space<hbm>>) target(%dma_start3A_63 : memref<16x1024xf32, #tpu.memory_space<vmem>>) offsets(%dma_start3A_65 : memref<16xi32, #tpu.memory_space<vmem>>) semaphore(%arg9 : memref<!tpu.dma_semaphore, #tpu.memory_space<semaphore_mem>>)
    %add3A_69 = arith.constant 16 : i32
    %add3A_70 = arith.addi %select_n3A_32, %add3A_69 : i32
    %dma_start3A_71 = arith.constant 1 : i32
    %dma_start3A_72 = arith.constant 0 : i32
    %dma_start3A_73 = arith.constant 0 : i32
    %dma_start3A_74 = tpu.memref_slice %arg8[%dma_start3A_71, %dma_start3A_72, %dma_start3A_73] : memref<3x16x1024xf32, #tpu.memory_space<vmem>> -> memref<1x16x1024xf32, #tpu.memory_space<vmem>>
    %dma_start3A_75 = tpu.memref_squeeze %dma_start3A_74 : memref<1x16x1024xf32, #tpu.memory_space<vmem>> -> memref<16x1024xf32, #tpu.memory_space<vmem>>
    %dma_start3A_76 = arith.constant 0 : i32
    %dma_start3A_77 = tpu.memref_slice %arg2[%select_n3A, %add3A_70, %dma_start3A_76] : memref<4x2048x1024xf32, #tpu.memory_space<hbm>> -> memref<1x16x1024xf32, #tpu.memory_space<hbm>>
    %dma_start3A_78 = tpu.memref_squeeze %dma_start3A_77 : memref<1x16x1024xf32, #tpu.memory_space<hbm>> -> memref<16x1024xf32, #tpu.memory_space<hbm>>
    %dma_start3A_79 = arith.constant 0 : i32
    %dma_start3A_80 = arith.constant 0 : i32
    %dma_start3A_81 = tpu.memref_slice %arg8[%dma_start3A_71, %dma_start3A_79, %dma_start3A_80] : memref<3x16x1024xf32, #tpu.memory_space<vmem>> -> memref<1x16x1024xf32, #tpu.memory_space<vmem>>
    %dma_start3A_82 = tpu.memref_squeeze %dma_start3A_81 : memref<1x16x1024xf32, #tpu.memory_space<vmem>> -> memref<16x1024xf32, #tpu.memory_space<vmem>>
    %dma_start3A_83 = arith.constant 0 : i32
    %dma_start3A_84 = tpu.memref_slice %arg2[%select_n3A, %add3A_70, %dma_start3A_83] : memref<4x2048x1024xf32, #tpu.memory_space<hbm>> -> memref<1x16x1024xf32, #tpu.memory_space<hbm>>
    %dma_start3A_85 = tpu.memref_squeeze %dma_start3A_84 : memref<1x16x1024xf32, #tpu.memory_space<hbm>> -> memref<16x1024xf32, #tpu.memory_space<hbm>>
    tpu.enqueue_dma source(%dma_start3A_85 : memref<16x1024xf32, #tpu.memory_space<hbm>>) target(%dma_start3A_82 : memref<16x1024xf32, #tpu.memory_space<vmem>>) target_semaphore(%arg10 : memref<!tpu.dma_semaphore, #tpu.memory_space<semaphore_mem>>)
    %dma_wait3A = arith.constant 0 : i32
    %dma_wait3A_86 = arith.constant 0 : i32
    %dma_wait3A_87 = arith.constant 0 : i32
    %dma_wait3A_88 = tpu.memref_slice %arg7[%dma_wait3A, %dma_wait3A_86, %dma_wait3A_87] : memref<3x16x1024xf32, #tpu.memory_space<vmem>> -> memref<1x16x1024xf32, #tpu.memory_space<vmem>>
    %dma_wait3A_89 = tpu.memref_squeeze %dma_wait3A_88 : memref<1x16x1024xf32, #tpu.memory_space<vmem>> -> memref<16x1024xf32, #tpu.memory_space<vmem>>
    %dma_wait3A_90 = arith.constant 0 : i32
    %dma_wait3A_91 = tpu.memref_slice %arg6[%dma_wait3A_90] : memref<256xi32, #tpu.memory_space<vmem>> -> memref<16xi32, #tpu.memory_space<vmem>>
    %dma_wait3A_92 = arith.constant 0 : i32
    %dma_wait3A_93 = arith.constant 0 : i32
    %dma_wait3A_94 = tpu.memref_slice %arg4[%dma_wait3A_92, %dma_wait3A_93] : memref<8192x1024xf32, #tpu.memory_space<hbm>> -> memref<8192x1024xf32, #tpu.memory_space<hbm>>
    tpu.wait_indirect_dma semaphore(%arg9 : memref<!tpu.dma_semaphore, #tpu.memory_space<semaphore_mem>>) src(%dma_wait3A_94 : memref<8192x1024xf32, #tpu.memory_space<hbm>>) dst(%dma_wait3A_89 : memref<16x1024xf32, #tpu.memory_space<vmem>>)
    %dma_wait3A_95 = arith.constant 0 : i32
    %dma_wait3A_96 = arith.constant 0 : i32
    %dma_wait3A_97 = arith.constant 0 : i32
    %dma_wait3A_98 = tpu.memref_slice %arg8[%dma_wait3A_95, %dma_wait3A_96, %dma_wait3A_97] : memref<3x16x1024xf32, #tpu.memory_space<vmem>> -> memref<1x16x1024xf32, #tpu.memory_space<vmem>>
    %dma_wait3A_99 = tpu.memref_squeeze %dma_wait3A_98 : memref<1x16x1024xf32, #tpu.memory_space<vmem>> -> memref<16x1024xf32, #tpu.memory_space<vmem>>
    %dma_wait3A_100 = arith.constant 0 : i32
    %dma_wait3A_101 = tpu.memref_slice %arg2[%select_n3A, %add3A_43, %dma_wait3A_100] : memref<4x2048x1024xf32, #tpu.memory_space<hbm>> -> memref<1x16x1024xf32, #tpu.memory_space<hbm>>
    %dma_wait3A_102 = tpu.memref_squeeze %dma_wait3A_101 : memref<1x16x1024xf32, #tpu.memory_space<hbm>> -> memref<16x1024xf32, #tpu.memory_space<hbm>>
    %dma_wait3A_103 = arith.constant 0 : i32
    %dma_wait3A_104 = arith.constant 0 : i32
    %dma_wait3A_105 = tpu.memref_slice %arg8[%dma_wait3A_95, %dma_wait3A_103, %dma_wait3A_104] : memref<3x16x1024xf32, #tpu.memory_space<vmem>> -> memref<1x16x1024xf32, #tpu.memory_space<vmem>>
    %dma_wait3A_106 = tpu.memref_squeeze %dma_wait3A_105 : memref<1x16x1024xf32, #tpu.memory_space<vmem>> -> memref<16x1024xf32, #tpu.memory_space<vmem>>
    %dma_wait3A_107 = arith.constant 0 : i32
    %dma_wait3A_108 = tpu.memref_slice %arg2[%select_n3A, %add3A_43, %dma_wait3A_107] : memref<4x2048x1024xf32, #tpu.memory_space<hbm>> -> memref<1x16x1024xf32, #tpu.memory_space<hbm>>
    %dma_wait3A_109 = tpu.memref_squeeze %dma_wait3A_108 : memref<1x16x1024xf32, #tpu.memory_space<hbm>> -> memref<16x1024xf32, #tpu.memory_space<hbm>>
    tpu.wait_dma2 semaphore(%arg10 : memref<!tpu.dma_semaphore, #tpu.memory_space<semaphore_mem>>) src(%dma_wait3A_109 : memref<16x1024xf32, #tpu.memory_space<hbm>>) dst(%dma_wait3A_106 : memref<16x1024xf32, #tpu.memory_space<vmem>>)
    %parallel_loop3A = arith.constant 0 : i32
    %parallel_loop3A_110 = arith.constant 16 : i32
    %parallel_loop3A_111 = arith.constant 1 : i32
    scf.for %parallel_loop3A_1422 = %parallel_loop3A to %parallel_loop3A_110 step %parallel_loop3A_111  : i32 {
      %parallel_loop3A_1423 = arith.constant 0 : i32
      %parallel_loop3A_1424 = arith.constant 1024 : i32
      %parallel_loop3A_1425 = arith.constant 16 : i32
      scf.for %parallel_loop3A_1426 = %parallel_loop3A_1423 to %parallel_loop3A_1424 step %parallel_loop3A_1425  : i32 {
        %parallel_loop3A_1427 = arith.constant 0 : i32
        %parallel_loop3A_1428 = arith.index_cast %parallel_loop3A_1427 : i32 to index
        %parallel_loop3A_1429 = arith.index_cast %parallel_loop3A_1422 : i32 to index
        %parallel_loop3A_1430 = arith.index_cast %parallel_loop3A_1426 : i32 to index
        %parallel_loop3A_1431 = tpu.vector_load %arg7[%parallel_loop3A_1428, %parallel_loop3A_1429, %parallel_loop3A_1430] {strides = array<i32>} : memref<3x16x1024xf32, #tpu.memory_space<vmem>>, vector<1x1x16xf32>,
        %parallel_loop3A_1432 = vector.shape_cast %parallel_loop3A_1431 : vector<1x1x16xf32> to vector<16xf32>
        %parallel_loop3A_1433 = arith.constant 0 : i32
        %parallel_loop3A_1434 = arith.index_cast %parallel_loop3A_1433 : i32 to index
        %parallel_loop3A_1435 = arith.index_cast %parallel_loop3A_1422 : i32 to index
        %parallel_loop3A_1436 = arith.index_cast %parallel_loop3A_1426 : i32 to index
        %parallel_loop3A_1437 = tpu.vector_load %arg8[%parallel_loop3A_1434, %parallel_loop3A_1435, %parallel_loop3A_1436] {strides = array<i32>} : memref<3x16x1024xf32, #tpu.memory_space<vmem>>, vector<1x1x16xf32>,
        %parallel_loop3A_1438 = vector.shape_cast %parallel_loop3A_1437 : vector<1x1x16xf32> to vector<16xf32>
        %parallel_loop3A_1439 = vector.shape_cast %parallel_loop3A_1432 : vector<16xf32> to vector<1x1x16xf32>
        tpu.vector_store %arg8[%parallel_loop3A_1434, %parallel_loop3A_1435, %parallel_loop3A_1436], %parallel_loop3A_1439 {add = true, strides = array<i32>} : memref<3x16x1024xf32, #tpu.memory_space<vmem>>, vector<1x1x16xf32>,
      } {sc.loop_unroll_factor = 8 : i64, sc.parallel_access}
    } {sc.loop_unroll_factor = 1 : i64, sc.parallel_access}
    %add3A_112 = arith.constant 0 : i32
    %add3A_113 = arith.addi %select_n3A_32, %add3A_112 : i32
    %dma_start3A_114 = arith.constant 0 : i32
    %dma_start3A_115 = arith.constant 0 : i32
    %dma_start3A_116 = arith.constant 0 : i32
    %dma_start3A_117 = tpu.memref_slice %arg8[%dma_start3A_114, %dma_start3A_115, %dma_start3A_116] : memref<3x16x1024xf32, #tpu.memory_space<vmem>> -> memref<1x16x1024xf32, #tpu.memory_space<vmem>>
    %dma_start3A_118 = tpu.memref_squeeze %dma_start3A_117 : memref<1x16x1024xf32, #tpu.memory_space<vmem>> -> memref<16x1024xf32, #tpu.memory_space<vmem>>
    %dma_start3A_119 = arith.constant 0 : i32
    %dma_start3A_120 = tpu.memref_slice %arg5[%select_n3A, %add3A_113, %dma_start3A_119] : memref<4x2048x1024xf32, #tpu.memory_space<hbm>> -> memref<1x16x1024xf32, #tpu.memory_space<hbm>>
    %dma_start3A_121 = tpu.memref_squeeze %dma_start3A_120 : memref<1x16x1024xf32, #tpu.memory_space<hbm>> -> memref<16x1024xf32, #tpu.memory_space<hbm>>
    %dma_start3A_122 = arith.constant 0 : i32
    %dma_start3A_123 = tpu.memref_slice %arg5[%select_n3A, %add3A_113, %dma_start3A_122] : memref<4x2048x1024xf32, #tpu.memory_space<hbm>> -> memref<1x16x1024xf32, #tpu.memory_space<hbm>>
    %dma_start3A_124 = tpu.memref_squeeze %dma_start3A_123 : memref<1x16x1024xf32, #tpu.memory_space<hbm>> -> memref<16x1024xf32, #tpu.memory_space<hbm>>
    %dma_start3A_125 = arith.constant 0 : i32
    %dma_start3A_126 = arith.constant 0 : i32
    %dma_start3A_127 = tpu.memref_slice %arg8[%dma_start3A_114, %dma_start3A_125, %dma_start3A_126] : memref<3x16x1024xf32, #tpu.memory_space<vmem>> -> memref<1x16x1024xf32, #tpu.memory_space<vmem>>
    %dma_start3A_128 = tpu.memref_squeeze %dma_start3A_127 : memref<1x16x1024xf32, #tpu.memory_space<vmem>> -> memref<16x1024xf32, #tpu.memory_space<vmem>>
    tpu.enqueue_dma source(%dma_start3A_128 : memref<16x1024xf32, #tpu.memory_space<vmem>>) target(%dma_start3A_124 : memref<16x1024xf32, #tpu.memory_space<hbm>>) target_semaphore(%arg11 : memref<!tpu.dma_semaphore, #tpu.memory_space<semaphore_mem>>)
    %dma_start3A_129 = arith.constant 2 : i32
    %dma_start3A_130 = arith.constant 0 : i32
    %dma_start3A_131 = arith.constant 0 : i32
    %dma_start3A_132 = tpu.memref_slice %arg7[%dma_start3A_129, %dma_start3A_130, %dma_start3A_131] : memref<3x16x1024xf32, #tpu.memory_space<vmem>> -> memref<1x16x1024xf32, #tpu.memory_space<vmem>>
    %dma_start3A_133 = tpu.memref_squeeze %dma_start3A_132 : memref<1x16x1024xf32, #tpu.memory_space<vmem>> -> memref<16x1024xf32, #tpu.memory_space<vmem>>
    %dma_start3A_134 = arith.constant 32 : i32
    %dma_start3A_135 = tpu.memref_slice %arg6[%dma_start3A_134] : memref<256xi32, #tpu.memory_space<vmem>> -> memref<16xi32, #tpu.memory_space<vmem>>
    %dma_start3A_136 = arith.constant 0 : i32
    %dma_start3A_137 = arith.constant 0 : i32
    %dma_start3A_138 = tpu.memref_slice %arg4[%dma_start3A_136, %dma_start3A_137] : memref<8192x1024xf32, #tpu.memory_space<hbm>> -> memref<8192x1024xf32, #tpu.memory_space<hbm>>
    tpu.enqueue_indirect_dma source(%dma_start3A_138 : memref<8192x1024xf32, #tpu.memory_space<hbm>>) target(%dma_start3A_133 : memref<16x1024xf32, #tpu.memory_space<vmem>>) offsets(%dma_start3A_135 : memref<16xi32, #tpu.memory_space<vmem>>) semaphore(%arg9 : memref<!tpu.dma_semaphore, #tpu.memory_space<semaphore_mem>>)
    %add3A_139 = arith.constant 32 : i32
    %add3A_140 = arith.addi %select_n3A_32, %add3A_139 : i32
    %dma_start3A_141 = arith.constant 2 : i32
    %dma_start3A_142 = arith.constant 0 : i32
    %dma_start3A_143 = arith.constant 0 : i32
    %dma_start3A_144 = tpu.memref_slice %arg8[%dma_start3A_141, %dma_start3A_142, %dma_start3A_143] : memref<3x16x1024xf32, #tpu.memory_space<vmem>> -> memref<1x16x1024xf32, #tpu.memory_space<vmem>>
    %dma_start3A_145 = tpu.memref_squeeze %dma_start3A_144 : memref<1x16x1024xf32, #tpu.memory_space<vmem>> -> memref<16x1024xf32, #tpu.memory_space<vmem>>
    %dma_start3A_146 = arith.constant 0 : i32
    %dma_start3A_147 = tpu.memref_slice %arg2[%select_n3A, %add3A_140, %dma_start3A_146] : memref<4x2048x1024xf32, #tpu.memory_space<hbm>> -> memref<1x16x1024xf32, #tpu.memory_space<hbm>>
    %dma_start3A_148 = tpu.memref_squeeze %dma_start3A_147 : memref<1x16x1024xf32, #tpu.memory_space<hbm>> -> memref<16x1024xf32, #tpu.memory_space<hbm>>
    %dma_start3A_149 = arith.constant 0 : i32
    %dma_start3A_150 = arith.constant 0 : i32
    %dma_start3A_151 = tpu.memref_slice %arg8[%dma_start3A_141, %dma_start3A_149, %dma_start3A_150] : memref<3x16x1024xf32, #tpu.memory_space<vmem>> -> memref<1x16x1024xf32, #tpu.memory_space<vmem>>
    %dma_start3A_152 = tpu.memref_squeeze %dma_start3A_151 : memref<1x16x1024xf32, #tpu.memory_space<vmem>> -> memref<16x1024xf32, #tpu.memory_space<vmem>>
    %dma_start3A_153 = arith.constant 0 : i32
    %dma_start3A_154 = tpu.memref_slice %arg2[%select_n3A, %add3A_140, %dma_start3A_153] : memref<4x2048x1024xf32, #tpu.memory_space<hbm>> -> memref<1x16x1024xf32, #tpu.memory_space<hbm>>
    %dma_start3A_155 = tpu.memref_squeeze %dma_start3A_154 : memref<1x16x1024xf32, #tpu.memory_space<hbm>> -> memref<16x1024xf32, #tpu.memory_space<hbm>>
    tpu.enqueue_dma source(%dma_start3A_155 : memref<16x1024xf32, #tpu.memory_space<hbm>>) target(%dma_start3A_152 : memref<16x1024xf32, #tpu.memory_space<vmem>>) target_semaphore(%arg10 : memref<!tpu.dma_semaphore, #tpu.memory_space<semaphore_mem>>)
    %dma_wait3A_156 = arith.constant 1 : i32
    %dma_wait3A_157 = arith.constant 0 : i32
    %dma_wait3A_158 = arith.constant 0 : i32
    %dma_wait3A_159 = tpu.memref_slice %arg7[%dma_wait3A_156, %dma_wait3A_157, %dma_wait3A_158] : memref<3x16x1024xf32, #tpu.memory_space<vmem>> -> memref<1x16x1024xf32, #tpu.memory_space<vmem>>
    %dma_wait3A_160 = tpu.memref_squeeze %dma_wait3A_159 : memref<1x16x1024xf32, #tpu.memory_space<vmem>> -> memref<16x1024xf32, #tpu.memory_space<vmem>>
    %dma_wait3A_161 = arith.constant 16 : i32
    %dma_wait3A_162 = tpu.memref_slice %arg6[%dma_wait3A_161] : memref<256xi32, #tpu.memory_space<vmem>> -> memref<16xi32, #tpu.memory_space<vmem>>
    %dma_wait3A_163 = arith.constant 0 : i32
    %dma_wait3A_164 = arith.constant 0 : i32
    %dma_wait3A_165 = tpu.memref_slice %arg4[%dma_wait3A_163, %dma_wait3A_164] : memref<8192x1024xf32, #tpu.memory_space<hbm>> -> memref<8192x1024xf32, #tpu.memory_space<hbm>>
    tpu.wait_indirect_dma semaphore(%arg9 : memref<!tpu.dma_semaphore, #tpu.memory_space<semaphore_mem>>) src(%dma_wait3A_165 : memref<8192x1024xf32, #tpu.memory_space<hbm>>) dst(%dma_wait3A_160 : memref<16x1024xf32, #tpu.memory_space<vmem>>)
    %dma_wait3A_166 = arith.constant 1 : i32
    %dma_wait3A_167 = arith.constant 0 : i32
    %dma_wait3A_168 = arith.constant 0 : i32
    %dma_wait3A_169 = tpu.memref_slice %arg8[%dma_wait3A_166, %dma_wait3A_167, %dma_wait3A_168] : memref<3x16x1024xf32, #tpu.memory_space<vmem>> -> memref<1x16x1024xf32, #tpu.memory_space<vmem>>
    %dma_wait3A_170 = tpu.memref_squeeze %dma_wait3A_169 : memref<1x16x1024xf32, #tpu.memory_space<vmem>> -> memref<16x1024xf32, #tpu.memory_space<vmem>>
    %dma_wait3A_171 = arith.constant 0 : i32
    %dma_wait3A_172 = tpu.memref_slice %arg2[%select_n3A, %add3A_70, %dma_wait3A_171] : memref<4x2048x1024xf32, #tpu.memory_space<hbm>> -> memref<1x16x1024xf32, #tpu.memory_space<hbm>>
    %dma_wait3A_173 = tpu.memref_squeeze %dma_wait3A_172 : memref<1x16x1024xf32, #tpu.memory_space<hbm>> -> memref<16x1024xf32, #tpu.memory_space<hbm>>
    %dma_wait3A_174 = arith.constant 0 : i32
    %dma_wait3A_175 = arith.constant 0 : i32
    %dma_wait3A_176 = tpu.memref_slice %arg8[%dma_wait3A_166, %dma_wait3A_174, %dma_wait3A_175] : memref<3x16x1024xf32, #tpu.memory_space<vmem>> -> memref<1x16x1024xf32, #tpu.memory_space<vmem>>
    %dma_wait3A_177 = tpu.memref_squeeze %dma_wait3A_176 : memref<1x16x1024xf32, #tpu.memory_space<vmem>> -> memref<16x1024xf32, #tpu.memory_space<vmem>>
    %dma_wait3A_178 = arith.constant 0 : i32
    %dma_wait3A_179 = tpu.memref_slice %arg2[%select_n3A, %add3A_70, %dma_wait3A_178] : memref<4x2048x1024xf32, #tpu.memory_space<hbm>> -> memref<1x16x1024xf32, #tpu.memory_space<hbm>>
    %dma_wait3A_180 = tpu.memref_squeeze %dma_wait3A_179 : memref<1x16x1024xf32, #tpu.memory_space<hbm>> -> memref<16x1024xf32, #tpu.memory_space<hbm>>
    tpu.wait_dma2 semaphore(%arg10 : memref<!tpu.dma_semaphore, #tpu.memory_space<semaphore_mem>>) src(%dma_wait3A_180 : memref<16x1024xf32, #tpu.memory_space<hbm>>) dst(%dma_wait3A_177 : memref<16x1024xf32, #tpu.memory_space<vmem>>)
    %parallel_loop3A_181 = arith.constant 0 : i32
    %parallel_loop3A_182 = arith.constant 16 : i32
    %parallel_loop3A_183 = arith.constant 1 : i32
    scf.for %parallel_loop3A_1422 = %parallel_loop3A_181 to %parallel_loop3A_182 step %parallel_loop3A_183  : i32 {
      %parallel_loop3A_1423 = arith.constant 0 : i32
      %parallel_loop3A_1424 = arith.constant 1024 : i32
      %parallel_loop3A_1425 = arith.constant 16 : i32
      scf.for %parallel_loop3A_1426 = %parallel_loop3A_1423 to %parallel_loop3A_1424 step %parallel_loop3A_1425  : i32 {
        %parallel_loop3A_1427 = arith.constant 1 : i32
        %parallel_loop3A_1428 = arith.index_cast %parallel_loop3A_1427 : i32 to index
        %parallel_loop3A_1429 = arith.index_cast %parallel_loop3A_1422 : i32 to index
        %parallel_loop3A_1430 = arith.index_cast %parallel_loop3A_1426 : i32 to index
        %parallel_loop3A_1431 = tpu.vector_load %arg7[%parallel_loop3A_1428, %parallel_loop3A_1429, %parallel_loop3A_1430] {strides = array<i32>} : memref<3x16x1024xf32, #tpu.memory_space<vmem>>, vector<1x1x16xf32>,
        %parallel_loop3A_1432 = vector.shape_cast %parallel_loop3A_1431 : vector<1x1x16xf32> to vector<16xf32>
        %parallel_loop3A_1433 = arith.constant 1 : i32
        %parallel_loop3A_1434 = arith.index_cast %parallel_loop3A_1433 : i32 to index
        %parallel_loop3A_1435 = arith.index_cast %parallel_loop3A_1422 : i32 to index
        %parallel_loop3A_1436 = arith.index_cast %parallel_loop3A_1426 : i32 to index
        %parallel_loop3A_1437 = tpu.vector_load %arg8[%parallel_loop3A_1434, %parallel_loop3A_1435, %parallel_loop3A_1436] {strides = array<i32>} : memref<3x16x1024xf32, #tpu.memory_space<vmem>>, vector<1x1x16xf32>,
        %parallel_loop3A_1438 = vector.shape_cast %parallel_loop3A_1437 : vector<1x1x16xf32> to vector<16xf32>
        %parallel_loop3A_1439 = vector.shape_cast %parallel_loop3A_1432 : vector<16xf32> to vector<1x1x16xf32>
        tpu.vector_store %arg8[%parallel_loop3A_1434, %parallel_loop3A_1435, %parallel_loop3A_1436], %parallel_loop3A_1439 {add = true, strides = array<i32>} : memref<3x16x1024xf32, #tpu.memory_space<vmem>>, vector<1x1x16xf32>,
      } {sc.loop_unroll_factor = 8 : i64, sc.parallel_access}
    } {sc.loop_unroll_factor = 1 : i64, sc.parallel_access}
    %add3A_184 = arith.constant 16 : i32
    %add3A_185 = arith.addi %select_n3A_32, %add3A_184 : i32
    %dma_start3A_186 = arith.constant 1 : i32
    %dma_start3A_187 = arith.constant 0 : i32
    %dma_start3A_188 = arith.constant 0 : i32
    %dma_start3A_189 = tpu.memref_slice %arg8[%dma_start3A_186, %dma_start3A_187, %dma_start3A_188] : memref<3x16x1024xf32, #tpu.memory_space<vmem>> -> memref<1x16x1024xf32, #tpu.memory_space<vmem>>
    %dma_start3A_190 = tpu.memref_squeeze %dma_start3A_189 : memref<1x16x1024xf32, #tpu.memory_space<vmem>> -> memref<16x1024xf32, #tpu.memory_space<vmem>>
    %dma_start3A_191 = arith.constant 0 : i32
    %dma_start3A_192 = tpu.memref_slice %arg5[%select_n3A, %add3A_185, %dma_start3A_191] : memref<4x2048x1024xf32, #tpu.memory_space<hbm>> -> memref<1x16x1024xf32, #tpu.memory_space<hbm>>
    %dma_start3A_193 = tpu.memref_squeeze %dma_start3A_192 : memref<1x16x1024xf32, #tpu.memory_space<hbm>> -> memref<16x1024xf32, #tpu.memory_space<hbm>>
    %dma_start3A_194 = arith.constant 0 : i32
    %dma_start3A_195 = tpu.memref_slice %arg5[%select_n3A, %add3A_185, %dma_start3A_194] : memref<4x2048x1024xf32, #tpu.memory_space<hbm>> -> memref<1x16x1024xf32, #tpu.memory_space<hbm>>
    %dma_start3A_196 = tpu.memref_squeeze %dma_start3A_195 : memref<1x16x1024xf32, #tpu.memory_space<hbm>> -> memref<16x1024xf32, #tpu.memory_space<hbm>>
    %dma_start3A_197 = arith.constant 0 : i32
    %dma_start3A_198 = arith.constant 0 : i32
    %dma_start3A_199 = tpu.memref_slice %arg8[%dma_start3A_186, %dma_start3A_197, %dma_start3A_198] : memref<3x16x1024xf32, #tpu.memory_space<vmem>> -> memref<1x16x1024xf32, #tpu.memory_space<vmem>>
    %dma_start3A_200 = tpu.memref_squeeze %dma_start3A_199 : memref<1x16x1024xf32, #tpu.memory_space<vmem>> -> memref<16x1024xf32, #tpu.memory_space<vmem>>
    tpu.enqueue_dma source(%dma_start3A_200 : memref<16x1024xf32, #tpu.memory_space<vmem>>) target(%dma_start3A_196 : memref<16x1024xf32, #tpu.memory_space<hbm>>) target_semaphore(%arg11 : memref<!tpu.dma_semaphore, #tpu.memory_space<semaphore_mem>>)
    %dma_wait3A_201 = arith.constant 0 : i32
    %dma_wait3A_202 = arith.constant 0 : i32
    %dma_wait3A_203 = arith.constant 0 : i32
    %dma_wait3A_204 = tpu.memref_slice %arg8[%dma_wait3A_201, %dma_wait3A_202, %dma_wait3A_203] : memref<3x16x1024xf32, #tpu.memory_space<vmem>> -> memref<1x16x1024xf32, #tpu.memory_space<vmem>>
    %dma_wait3A_205 = tpu.memref_squeeze %dma_wait3A_204 : memref<1x16x1024xf32, #tpu.memory_space<vmem>> -> memref<16x1024xf32, #tpu.memory_space<vmem>>
    %dma_wait3A_206 = arith.constant 0 : i32
    %dma_wait3A_207 = tpu.memref_slice %arg5[%select_n3A, %add3A_113, %dma_wait3A_206] : memref<4x2048x1024xf32, #tpu.memory_space<hbm>> -> memref<1x16x1024xf32, #tpu.memory_space<hbm>>
    %dma_wait3A_208 = tpu.memref_squeeze %dma_wait3A_207 : memref<1x16x1024xf32, #tpu.memory_space<hbm>> -> memref<16x1024xf32, #tpu.memory_space<hbm>>
    %dma_wait3A_209 = arith.constant 0 : i32
    %dma_wait3A_210 = tpu.memref_slice %arg5[%select_n3A, %add3A_113, %dma_wait3A_209] : memref<4x2048x1024xf32, #tpu.memory_space<hbm>> -> memref<1x16x1024xf32, #tpu.memory_space<hbm>>
    %dma_wait3A_211 = tpu.memref_squeeze %dma_wait3A_210 : memref<1x16x1024xf32, #tpu.memory_space<hbm>> -> memref<16x1024xf32, #tpu.memory_space<hbm>>
    %dma_wait3A_212 = arith.constant 0 : i32
    %dma_wait3A_213 = arith.constant 0 : i32
    %dma_wait3A_214 = tpu.memref_slice %arg8[%dma_wait3A_201, %dma_wait3A_212, %dma_wait3A_213] : memref<3x16x1024xf32, #tpu.memory_space<vmem>> -> memref<1x16x1024xf32, #tpu.memory_space<vmem>>
    %dma_wait3A_215 = tpu.memref_squeeze %dma_wait3A_214 : memref<1x16x1024xf32, #tpu.memory_space<vmem>> -> memref<16x1024xf32, #tpu.memory_space<vmem>>
    tpu.wait_dma2 semaphore(%arg11 : memref<!tpu.dma_semaphore, #tpu.memory_space<semaphore_mem>>) src(%dma_wait3A_215 : memref<16x1024xf32, #tpu.memory_space<vmem>>) dst(%dma_wait3A_211 : memref<16x1024xf32, #tpu.memory_space<hbm>>)
    %dma_start3A_216 = arith.constant 0 : i32
    %dma_start3A_217 = arith.constant 0 : i32
    %dma_start3A_218 = arith.constant 0 : i32
    %dma_start3A_219 = tpu.memref_slice %arg7[%dma_start3A_216, %dma_start3A_217, %dma_start3A_218] : memref<3x16x1024xf32, #tpu.memory_space<vmem>> -> memref<1x16x1024xf32, #tpu.memory_space<vmem>>
    %dma_start3A_220 = tpu.memref_squeeze %dma_start3A_219 : memref<1x16x1024xf32, #tpu.memory_space<vmem>> -> memref<16x1024xf32, #tpu.memory_space<vmem>>
    %dma_start3A_221 = arith.constant 48 : i32
    %dma_start3A_222 = tpu.memref_slice %arg6[%dma_start3A_221] : memref<256xi32, #tpu.memory_space<vmem>> -> memref<16xi32, #tpu.memory_space<vmem>>
    %dma_start3A_223 = arith.constant 0 : i32
    %dma_start3A_224 = arith.constant 0 : i32
    %dma_start3A_225 = tpu.memref_slice %arg4[%dma_start3A_223, %dma_start3A_224] : memref<8192x1024xf32, #tpu.memory_space<hbm>> -> memref<8192x1024xf32, #tpu.memory_space<hbm>>
    tpu.enqueue_indirect_dma source(%dma_start3A_225 : memref<8192x1024xf32, #tpu.memory_space<hbm>>) target(%dma_start3A_220 : memref<16x1024xf32, #tpu.memory_space<vmem>>) offsets(%dma_start3A_222 : memref<16xi32, #tpu.memory_space<vmem>>) semaphore(%arg9 : memref<!tpu.dma_semaphore, #tpu.memory_space<semaphore_mem>>)
    %add3A_226 = arith.constant 48 : i32
    %add3A_227 = arith.addi %select_n3A_32, %add3A_226 : i32
    %dma_start3A_228 = arith.constant 0 : i32
    %dma_start3A_229 = arith.constant 0 : i32
    %dma_start3A_230 = arith.constant 0 : i32
    %dma_start3A_231 = tpu.memref_slice %arg8[%dma_start3A_228, %dma_start3A_229, %dma_start3A_230] : memref<3x16x1024xf32, #tpu.memory_space<vmem>> -> memref<1x16x1024xf32, #tpu.memory_space<vmem>>
    %dma_start3A_232 = tpu.memref_squeeze %dma_start3A_231 : memref<1x16x1024xf32, #tpu.memory_space<vmem>> -> memref<16x1024xf32, #tpu.memory_space<vmem>>
    %dma_start3A_233 = arith.constant 0 : i32
    %dma_start3A_234 = tpu.memref_slice %arg2[%select_n3A, %add3A_227, %dma_start3A_233] : memref<4x2048x1024xf32, #tpu.memory_space<hbm>> -> memref<1x16x1024xf32, #tpu.memory_space<hbm>>
    %dma_start3A_235 = tpu.memref_squeeze %dma_start3A_234 : memref<1x16x1024xf32, #tpu.memory_space<hbm>> -> memref<16x1024xf32, #tpu.memory_space<hbm>>
    %dma_start3A_236 = arith.constant 0 : i32
    %dma_start3A_237 = arith.constant 0 : i32
    %dma_start3A_238 = tpu.memref_slice %arg8[%dma_start3A_228, %dma_start3A_236, %dma_start3A_237] : memref<3x16x1024xf32, #tpu.memory_space<vmem>> -> memref<1x16x1024xf32, #tpu.memory_space<vmem>>
    %dma_start3A_239 = tpu.memref_squeeze %dma_start3A_238 : memref<1x16x1024xf32, #tpu.memory_space<vmem>> -> memref<16x1024xf32, #tpu.memory_space<vmem>>
    %dma_start3A_240 = arith.constant 0 : i32
    %dma_start3A_241 = tpu.memref_slice %arg2[%select_n3A, %add3A_227, %dma_start3A_240] : memref<4x2048x1024xf32, #tpu.memory_space<hbm>> -> memref<1x16x1024xf32, #tpu.memory_space<hbm>>
    %dma_start3A_242 = tpu.memref_squeeze %dma_start3A_241 : memref<1x16x1024xf32, #tpu.memory_space<hbm>> -> memref<16x1024xf32, #tpu.memory_space<hbm>>
    tpu.enqueue_dma source(%dma_start3A_242 : memref<16x1024xf32, #tpu.memory_space<hbm>>) target(%dma_start3A_239 : memref<16x1024xf32, #tpu.memory_space<vmem>>) target_semaphore(%arg10 : memref<!tpu.dma_semaphore, #tpu.memory_space<semaphore_mem>>)
    %dma_wait3A_243 = arith.constant 2 : i32
    %dma_wait3A_244 = arith.constant 0 : i32
    %dma_wait3A_245 = arith.constant 0 : i32
    %dma_wait3A_246 = tpu.memref_slice %arg7[%dma_wait3A_243, %dma_wait3A_244, %dma_wait3A_245] : memref<3x16x1024xf32, #tpu.memory_space<vmem>> -> memref<1x16x1024xf32, #tpu.memory_space<vmem>>
    %dma_wait3A_247 = tpu.memref_squeeze %dma_wait3A_246 : memref<1x16x1024xf32, #tpu.memory_space<vmem>> -> memref<16x1024xf32, #tpu.memory_space<vmem>>
    %dma_wait3A_248 = arith.constant 32 : i32
    %dma_wait3A_249 = tpu.memref_slice %arg6[%dma_wait3A_248] : memref<256xi32, #tpu.memory_space<vmem>> -> memref<16xi32, #tpu.memory_space<vmem>>
    %dma_wait3A_250 = arith.constant 0 : i32
    %dma_wait3A_251 = arith.constant 0 : i32
    %dma_wait3A_252 = tpu.memref_slice %arg4[%dma_wait3A_250, %dma_wait3A_251] : memref<8192x1024xf32, #tpu.memory_space<hbm>> -> memref<8192x1024xf32, #tpu.memory_space<hbm>>
    tpu.wait_indirect_dma semaphore(%arg9 : memref<!tpu.dma_semaphore, #tpu.memory_space<semaphore_mem>>) src(%dma_wait3A_252 : memref<8192x1024xf32, #tpu.memory_space<hbm>>) dst(%dma_wait3A_247 : memref<16x1024xf32, #tpu.memory_space<vmem>>)
    %dma_wait3A_253 = arith.constant 2 : i32
    %dma_wait3A_254 = arith.constant 0 : i32
    %dma_wait3A_255 = arith.constant 0 : i32
    %dma_wait3A_256 = tpu.memref_slice %arg8[%dma_wait3A_253, %dma_wait3A_254, %dma_wait3A_255] : memref<3x16x1024xf32, #tpu.memory_space<vmem>> -> memref<1x16x1024xf32, #tpu.memory_space<vmem>>
    %dma_wait3A_257 = tpu.memref_squeeze %dma_wait3A_256 : memref<1x16x1024xf32, #tpu.memory_space<vmem>> -> memref<16x1024xf32, #tpu.memory_space<vmem>>
    %dma_wait3A_258 = arith.constant 0 : i32
    %dma_wait3A_259 = tpu.memref_slice %arg2[%select_n3A, %add3A_140, %dma_wait3A_258] : memref<4x2048x1024xf32, #tpu.memory_space<hbm>> -> memref<1x16x1024xf32, #tpu.memory_space<hbm>>
    %dma_wait3A_260 = tpu.memref_squeeze %dma_wait3A_259 : memref<1x16x1024xf32, #tpu.memory_space<hbm>> -> memref<16x1024xf32, #tpu.memory_space<hbm>>
    %dma_wait3A_261 = arith.constant 0 : i32
    %dma_wait3A_262 = arith.constant 0 : i32
    %dma_wait3A_263 = tpu.memref_slice %arg8[%dma_wait3A_253, %dma_wait3A_261, %dma_wait3A_262] : memref<3x16x1024xf32, #tpu.memory_space<vmem>> -> memref<1x16x1024xf32, #tpu.memory_space<vmem>>
    %dma_wait3A_264 = tpu.memref_squeeze %dma_wait3A_263 : memref<1x16x1024xf32, #tpu.memory_space<vmem>> -> memref<16x1024xf32, #tpu.memory_space<vmem>>
    %dma_wait3A_265 = arith.constant 0 : i32
    %dma_wait3A_266 = tpu.memref_slice %arg2[%select_n3A, %add3A_140, %dma_wait3A_265] : memref<4x2048x1024xf32, #tpu.memory_space<hbm>> -> memref<1x16x1024xf32, #tpu.memory_space<hbm>>
    %dma_wait3A_267 = tpu.memref_squeeze %dma_wait3A_266 : memref<1x16x1024xf32, #tpu.memory_space<hbm>> -> memref<16x1024xf32, #tpu.memory_space<hbm>>
    tpu.wait_dma2 semaphore(%arg10 : memref<!tpu.dma_semaphore, #tpu.memory_space<semaphore_mem>>) src(%dma_wait3A_267 : memref<16x1024xf32, #tpu.memory_space<hbm>>) dst(%dma_wait3A_264 : memref<16x1024xf32, #tpu.memory_space<vmem>>)
    %parallel_loop3A_268 = arith.constant 0 : i32
    %parallel_loop3A_269 = arith.constant 16 : i32
    %parallel_loop3A_270 = arith.constant 1 : i32
    scf.for %parallel_loop3A_1422 = %parallel_loop3A_268 to %parallel_loop3A_269 step %parallel_loop3A_270  : i32 {
      %parallel_loop3A_1423 = arith.constant 0 : i32
      %parallel_loop3A_1424 = arith.constant 1024 : i32
      %parallel_loop3A_1425 = arith.constant 16 : i32
      scf.for %parallel_loop3A_1426 = %parallel_loop3A_1423 to %parallel_loop3A_1424 step %parallel_loop3A_1425  : i32 {
        %parallel_loop3A_1427 = arith.constant 2 : i32
        %parallel_loop3A_1428 = arith.index_cast %parallel_loop3A_1427 : i32 to index
        %parallel_loop3A_1429 = arith.index_cast %parallel_loop3A_1422 : i32 to index
        %parallel_loop3A_1430 = arith.index_cast %parallel_loop3A_1426 : i32 to index
        %parallel_loop3A_1431 = tpu.vector_load %arg7[%parallel_loop3A_1428, %parallel_loop3A_1429, %parallel_loop3A_1430] {strides = array<i32>} : memref<3x16x1024xf32, #tpu.memory_space<vmem>>, vector<1x1x16xf32>,
        %parallel_loop3A_1432 = vector.shape_cast %parallel_loop3A_1431 : vector<1x1x16xf32> to vector<16xf32>
        %parallel_loop3A_1433 = arith.constant 2 : i32
        %parallel_loop3A_1434 = arith.index_cast %parallel_loop3A_1433 : i32 to index
        %parallel_loop3A_1435 = arith.index_cast %parallel_loop3A_1422 : i32 to index
        %parallel_loop3A_1436 = arith.index_cast %parallel_loop3A_1426 : i32 to index
        %parallel_loop3A_1437 = tpu.vector_load %arg8[%parallel_loop3A_1434, %parallel_loop3A_1435, %parallel_loop3A_1436] {strides = array<i32>} : memref<3x16x1024xf32, #tpu.memory_space<vmem>>, vector<1x1x16xf32>,
        %parallel_loop3A_1438 = vector.shape_cast %parallel_loop3A_1437 : vector<1x1x16xf32> to vector<16xf32>
        %parallel_loop3A_1439 = vector.shape_cast %parallel_loop3A_1432 : vector<16xf32> to vector<1x1x16xf32>
        tpu.vector_store %arg8[%parallel_loop3A_1434, %parallel_loop3A_1435, %parallel_loop3A_1436], %parallel_loop3A_1439 {add = true, strides = array<i32>} : memref<3x16x1024xf32, #tpu.memory_space<vmem>>, vector<1x1x16xf32>,
      } {sc.loop_unroll_factor = 8 : i64, sc.parallel_access}
    } {sc.loop_unroll_factor = 1 : i64, sc.parallel_access}
    %add3A_271 = arith.constant 32 : i32
    %add3A_272 = arith.addi %select_n3A_32, %add3A_271 : i32
    %dma_start3A_273 = arith.constant 2 : i32
    %dma_start3A_274 = arith.constant 0 : i32
    %dma_start3A_275 = arith.constant 0 : i32
    %dma_start3A_276 = tpu.memref_slice %arg8[%dma_start3A_273, %dma_start3A_274, %dma_start3A_275] : memref<3x16x1024xf32, #tpu.memory_space<vmem>> -> memref<1x16x1024xf32, #tpu.memory_space<vmem>>
    %dma_start3A_277 = tpu.memref_squeeze %dma_start3A_276 : memref<1x16x1024xf32, #tpu.memory_space<vmem>> -> memref<16x1024xf32, #tpu.memory_space<vmem>>
    %dma_start3A_278 = arith.constant 0 : i32
    %dma_start3A_279 = tpu.memref_slice %arg5[%select_n3A, %add3A_272, %dma_start3A_278] : memref<4x2048x1024xf32, #tpu.memory_space<hbm>> -> memref<1x16x1024xf32, #tpu.memory_space<hbm>>
    %dma_start3A_280 = tpu.memref_squeeze %dma_start3A_279 : memref<1x16x1024xf32, #tpu.memory_space<hbm>> -> memref<16x1024xf32, #tpu.memory_space<hbm>>
    %dma_start3A_281 = arith.constant 0 : i32
    %dma_start3A_282 = tpu.memref_slice %arg5[%select_n3A, %add3A_272, %dma_start3A_281] : memref<4x2048x1024xf32, #tpu.memory_space<hbm>> -> memref<1x16x1024xf32, #tpu.memory_space<hbm>>
    %dma_start3A_283 = tpu.memref_squeeze %dma_start3A_282 : memref<1x16x1024xf32, #tpu.memory_space<hbm>> -> memref<16x1024xf32, #tpu.memory_space<hbm>>
    %dma_start3A_284 = arith.constant 0 : i32
    %dma_start3A_285 = arith.constant 0 : i32
    %dma_start3A_286 = tpu.memref_slice %arg8[%dma_start3A_273, %dma_start3A_284, %dma_start3A_285] : memref<3x16x1024xf32, #tpu.memory_space<vmem>> -> memref<1x16x1024xf32, #tpu.memory_space<vmem>>
    %dma_start3A_287 = tpu.memref_squeeze %dma_start3A_286 : memref<1x16x1024xf32, #tpu.memory_space<vmem>> -> memref<16x1024xf32, #tpu.memory_space<vmem>>
    tpu.enqueue_dma source(%dma_start3A_287 : memref<16x1024xf32, #tpu.memory_space<vmem>>) target(%dma_start3A_283 : memref<16x1024xf32, #tpu.memory_space<hbm>>) target_semaphore(%arg11 : memref<!tpu.dma_semaphore, #tpu.memory_space<semaphore_mem>>)
    %dma_wait3A_288 = arith.constant 1 : i32
    %dma_wait3A_289 = arith.constant 0 : i32
    %dma_wait3A_290 = arith.constant 0 : i32
    %dma_wait3A_291 = tpu.memref_slice %arg8[%dma_wait3A_288, %dma_wait3A_289, %dma_wait3A_290] : memref<3x16x1024xf32, #tpu.memory_space<vmem>> -> memref<1x16x1024xf32, #tpu.memory_space<vmem>>
    %dma_wait3A_292 = tpu.memref_squeeze %dma_wait3A_291 : memref<1x16x1024xf32, #tpu.memory_space<vmem>> -> memref<16x1024xf32, #tpu.memory_space<vmem>>
    %dma_wait3A_293 = arith.constant 0 : i32
    %dma_wait3A_294 = tpu.memref_slice %arg5[%select_n3A, %add3A_185, %dma_wait3A_293] : memref<4x2048x1024xf32, #tpu.memory_space<hbm>> -> memref<1x16x1024xf32, #tpu.memory_space<hbm>>
    %dma_wait3A_295 = tpu.memref_squeeze %dma_wait3A_294 : memref<1x16x1024xf32, #tpu.memory_space<hbm>> -> memref<16x1024xf32, #tpu.memory_space<hbm>>
    %dma_wait3A_296 = arith.constant 0 : i32
    %dma_wait3A_297 = tpu.memref_slice %arg5[%select_n3A, %add3A_185, %dma_wait3A_296] : memref<4x2048x1024xf32, #tpu.memory_space<hbm>> -> memref<1x16x1024xf32, #tpu.memory_space<hbm>>
    %dma_wait3A_298 = tpu.memref_squeeze %dma_wait3A_297 : memref<1x16x1024xf32, #tpu.memory_space<hbm>> -> memref<16x1024xf32, #tpu.memory_space<hbm>>
    %dma_wait3A_299 = arith.constant 0 : i32
    %dma_wait3A_300 = arith.constant 0 : i32
    %dma_wait3A_301 = tpu.memref_slice %arg8[%dma_wait3A_288, %dma_wait3A_299, %dma_wait3A_300] : memref<3x16x1024xf32, #tpu.memory_space<vmem>> -> memref<1x16x1024xf32, #tpu.memory_space<vmem>>
    %dma_wait3A_302 = tpu.memref_squeeze %dma_wait3A_301 : memref<1x16x1024xf32, #tpu.memory_space<vmem>> -> memref<16x1024xf32, #tpu.memory_space<vmem>>
    tpu.wait_dma2 semaphore(%arg11 : memref<!tpu.dma_semaphore, #tpu.memory_space<semaphore_mem>>) src(%dma_wait3A_302 : memref<16x1024xf32, #tpu.memory_space<vmem>>) dst(%dma_wait3A_298 : memref<16x1024xf32, #tpu.memory_space<hbm>>)
    %dma_start3A_303 = arith.constant 1 : i32
    %dma_start3A_304 = arith.constant 0 : i32
    %dma_start3A_305 = arith.constant 0 : i32
    %dma_start3A_306 = tpu.memref_slice %arg7[%dma_start3A_303, %dma_start3A_304, %dma_start3A_305] : memref<3x16x1024xf32, #tpu.memory_space<vmem>> -> memref<1x16x1024xf32, #tpu.memory_space<vmem>>
    %dma_start3A_307 = tpu.memref_squeeze %dma_start3A_306 : memref<1x16x1024xf32, #tpu.memory_space<vmem>> -> memref<16x1024xf32, #tpu.memory_space<vmem>>
    %dma_start3A_308 = arith.constant 64 : i32
    %dma_start3A_309 = tpu.memref_slice %arg6[%dma_start3A_308] : memref<256xi32, #tpu.memory_space<vmem>> -> memref<16xi32, #tpu.memory_space<vmem>>
    %dma_start3A_310 = arith.constant 0 : i32
    %dma_start3A_311 = arith.constant 0 : i32
    %dma_start3A_312 = tpu.memref_slice %arg4[%dma_start3A_310, %dma_start3A_311] : memref<8192x1024xf32, #tpu.memory_space<hbm>> -> memref<8192x1024xf32, #tpu.memory_space<hbm>>
    tpu.enqueue_indirect_dma source(%dma_start3A_312 : memref<8192x1024xf32, #tpu.memory_space<hbm>>) target(%dma_start3A_307 : memref<16x1024xf32, #tpu.memory_space<vmem>>) offsets(%dma_start3A_309 : memref<16xi32, #tpu.memory_space<vmem>>) semaphore(%arg9 : memref<!tpu.dma_semaphore, #tpu.memory_space<semaphore_mem>>)
    %add3A_313 = arith.constant 64 : i32
    %add3A_314 = arith.addi %select_n3A_32, %add3A_313 : i32
    %dma_start3A_315 = arith.constant 1 : i32
    %dma_start3A_316 = arith.constant 0 : i32
    %dma_start3A_317 = arith.constant 0 : i32
    %dma_start3A_318 = tpu.memref_slice %arg8[%dma_start3A_315, %dma_start3A_316, %dma_start3A_317] : memref<3x16x1024xf32, #tpu.memory_space<vmem>> -> memref<1x16x1024xf32, #tpu.memory_space<vmem>>
    %dma_start3A_319 = tpu.memref_squeeze %dma_start3A_318 : memref<1x16x1024xf32, #tpu.memory_space<vmem>> -> memref<16x1024xf32, #tpu.memory_space<vmem>>
    %dma_start3A_320 = arith.constant 0 : i32
    %dma_start3A_321 = tpu.memref_slice %arg2[%select_n3A, %add3A_314, %dma_start3A_320] : memref<4x2048x1024xf32, #tpu.memory_space<hbm>> -> memref<1x16x1024xf32, #tpu.memory_space<hbm>>
    %dma_start3A_322 = tpu.memref_squeeze %dma_start3A_321 : memref<1x16x1024xf32, #tpu.memory_space<hbm>> -> memref<16x1024xf32, #tpu.memory_space<hbm>>
    %dma_start3A_323 = arith.constant 0 : i32
    %dma_start3A_324 = arith.constant 0 : i32
    %dma_start3A_325 = tpu.memref_slice %arg8[%dma_start3A_315, %dma_start3A_323, %dma_start3A_324] : memref<3x16x1024xf32, #tpu.memory_space<vmem>> -> memref<1x16x1024xf32, #tpu.memory_space<vmem>>
    %dma_start3A_326 = tpu.memref_squeeze %dma_start3A_325 : memref<1x16x1024xf32, #tpu.memory_space<vmem>> -> memref<16x1024xf32, #tpu.memory_space<vmem>>
    %dma_start3A_327 = arith.constant 0 : i32
    %dma_start3A_328 = tpu.memref_slice %arg2[%select_n3A, %add3A_314, %dma_start3A_327] : memref<4x2048x1024xf32, #tpu.memory_space<hbm>> -> memref<1x16x1024xf32, #tpu.memory_space<hbm>>
    %dma_start3A_329 = tpu.memref_squeeze %dma_start3A_328 : memref<1x16x1024xf32, #tpu.memory_space<hbm>> -> memref<16x1024xf32, #tpu.memory_space<hbm>>
    tpu.enqueue_dma source(%dma_start3A_329 : memref<16x1024xf32, #tpu.memory_space<hbm>>) target(%dma_start3A_326 : memref<16x1024xf32, #tpu.memory_space<vmem>>) target_semaphore(%arg10 : memref<!tpu.dma_semaphore, #tpu.memory_space<semaphore_mem>>)
    %dma_wait3A_330 = arith.constant 0 : i32
    %dma_wait3A_331 = arith.constant 0 : i32
    %dma_wait3A_332 = arith.constant 0 : i32
    %dma_wait3A_333 = tpu.memref_slice %arg7[%dma_wait3A_330, %dma_wait3A_331, %dma_wait3A_332] : memref<3x16x1024xf32, #tpu.memory_space<vmem>> -> memref<1x16x1024xf32, #tpu.memory_space<vmem>>
    %dma_wait3A_334 = tpu.memref_squeeze %dma_wait3A_333 : memref<1x16x1024xf32, #tpu.memory_space<vmem>> -> memref<16x1024xf32, #tpu.memory_space<vmem>>
    %dma_wait3A_335 = arith.constant 48 : i32
    %dma_wait3A_336 = tpu.memref_slice %arg6[%dma_wait3A_335] : memref<256xi32, #tpu.memory_space<vmem>> -> memref<16xi32, #tpu.memory_space<vmem>>
    %dma_wait3A_337 = arith.constant 0 : i32
    %dma_wait3A_338 = arith.constant 0 : i32
    %dma_wait3A_339 = tpu.memref_slice %arg4[%dma_wait3A_337, %dma_wait3A_338] : memref<8192x1024xf32, #tpu.memory_space<hbm>> -> memref<8192x1024xf32, #tpu.memory_space<hbm>>
    tpu.wait_indirect_dma semaphore(%arg9 : memref<!tpu.dma_semaphore, #tpu.memory_space<semaphore_mem>>) src(%dma_wait3A_339 : memref<8192x1024xf32, #tpu.memory_space<hbm>>) dst(%dma_wait3A_334 : memref<16x1024xf32, #tpu.memory_space<vmem>>)
    %dma_wait3A_340 = arith.constant 0 : i32
    %dma_wait3A_341 = arith.constant 0 : i32
    %dma_wait3A_342 = arith.constant 0 : i32
    %dma_wait3A_343 = tpu.memref_slice %arg8[%dma_wait3A_340, %dma_wait3A_341, %dma_wait3A_342] : memref<3x16x1024xf32, #tpu.memory_space<vmem>> -> memref<1x16x1024xf32, #tpu.memory_space<vmem>>
    %dma_wait3A_344 = tpu.memref_squeeze %dma_wait3A_343 : memref<1x16x1024xf32, #tpu.memory_space<vmem>> -> memref<16x1024xf32, #tpu.memory_space<vmem>>
    %dma_wait3A_345 = arith.constant 0 : i32
    %dma_wait3A_346 = tpu.memref_slice %arg2[%select_n3A, %add3A_227, %dma_wait3A_345] : memref<4x2048x1024xf32, #tpu.memory_space<hbm>> -> memref<1x16x1024xf32, #tpu.memory_space<hbm>>
    %dma_wait3A_347 = tpu.memref_squeeze %dma_wait3A_346 : memref<1x16x1024xf32, #tpu.memory_space<hbm>> -> memref<16x1024xf32, #tpu.memory_space<hbm>>
    %dma_wait3A_348 = arith.constant 0 : i32
    %dma_wait3A_349 = arith.constant 0 : i32
    %dma_wait3A_350 = tpu.memref_slice %arg8[%dma_wait3A_340, %dma_wait3A_348, %dma_wait3A_349] : memref<3x16x1024xf32, #tpu.memory_space<vmem>> -> memref<1x16x1024xf32, #tpu.memory_space<vmem>>
    %dma_wait3A_351 = tpu.memref_squeeze %dma_wait3A_350 : memref<1x16x1024xf32, #tpu.memory_space<vmem>> -> memref<16x1024xf32, #tpu.memory_space<vmem>>
    %dma_wait3A_352 = arith.constant 0 : i32
    %dma_wait3A_353 = tpu.memref_slice %arg2[%select_n3A, %add3A_227, %dma_wait3A_352] : memref<4x2048x1024xf32, #tpu.memory_space<hbm>> -> memref<1x16x1024xf32, #tpu.memory_space<hbm>>
    %dma_wait3A_354 = tpu.memref_squeeze %dma_wait3A_353 : memref<1x16x1024xf32, #tpu.memory_space<hbm>> -> memref<16x1024xf32, #tpu.memory_space<hbm>>
    tpu.wait_dma2 semaphore(%arg10 : memref<!tpu.dma_semaphore, #tpu.memory_space<semaphore_mem>>) src(%dma_wait3A_354 : memref<16x1024xf32, #tpu.memory_space<hbm>>) dst(%dma_wait3A_351 : memref<16x1024xf32, #tpu.memory_space<vmem>>)
    %parallel_loop3A_355 = arith.constant 0 : i32
    %parallel_loop3A_356 = arith.constant 16 : i32
    %parallel_loop3A_357 = arith.constant 1 : i32
    scf.for %parallel_loop3A_1422 = %parallel_loop3A_355 to %parallel_loop3A_356 step %parallel_loop3A_357  : i32 {
      %parallel_loop3A_1423 = arith.constant 0 : i32
      %parallel_loop3A_1424 = arith.constant 1024 : i32
      %parallel_loop3A_1425 = arith.constant 16 : i32
      scf.for %parallel_loop3A_1426 = %parallel_loop3A_1423 to %parallel_loop3A_1424 step %parallel_loop3A_1425  : i32 {
        %parallel_loop3A_1427 = arith.constant 0 : i32
        %parallel_loop3A_1428 = arith.index_cast %parallel_loop3A_1427 : i32 to index
        %parallel_loop3A_1429 = arith.index_cast %parallel_loop3A_1422 : i32 to index
        %parallel_loop3A_1430 = arith.index_cast %parallel_loop3A_1426 : i32 to index
        %parallel_loop3A_1431 = tpu.vector_load %arg7[%parallel_loop3A_1428, %parallel_loop3A_1429, %parallel_loop3A_1430] {strides = array<i32>} : memref<3x16x1024xf32, #tpu.memory_space<vmem>>, vector<1x1x16xf32>,
        %parallel_loop3A_1432 = vector.shape_cast %parallel_loop3A_1431 : vector<1x1x16xf32> to vector<16xf32>
        %parallel_loop3A_1433 = arith.constant 0 : i32
        %parallel_loop3A_1434 = arith.index_cast %parallel_loop3A_1433 : i32 to index
        %parallel_loop3A_1435 = arith.index_cast %parallel_loop3A_1422 : i32 to index
        %parallel_loop3A_1436 = arith.index_cast %parallel_loop3A_1426 : i32 to index
        %parallel_loop3A_1437 = tpu.vector_load %arg8[%parallel_loop3A_1434, %parallel_loop3A_1435, %parallel_loop3A_1436] {strides = array<i32>} : memref<3x16x1024xf32, #tpu.memory_space<vmem>>, vector<1x1x16xf32>,
        %parallel_loop3A_1438 = vector.shape_cast %parallel_loop3A_1437 : vector<1x1x16xf32> to vector<16xf32>
        %parallel_loop3A_1439 = vector.shape_cast %parallel_loop3A_1432 : vector<16xf32> to vector<1x1x16xf32>
        tpu.vector_store %arg8[%parallel_loop3A_1434, %parallel_loop3A_1435, %parallel_loop3A_1436], %parallel_loop3A_1439 {add = true, strides = array<i32>} : memref<3x16x1024xf32, #tpu.memory_space<vmem>>, vector<1x1x16xf32>,
      } {sc.loop_unroll_factor = 8 : i64, sc.parallel_access}
    } {sc.loop_unroll_factor = 1 : i64, sc.parallel_access}
    %add3A_358 = arith.constant 48 : i32
    %add3A_359 = arith.addi %select_n3A_32, %add3A_358 : i32
    %dma_start3A_360 = arith.constant 0 : i32
    %dma_start3A_361 = arith.constant 0 : i32
    %dma_start3A_362 = arith.constant 0 : i32
    %dma_start3A_363 = tpu.memref_slice %arg8[%dma_start3A_360, %dma_start3A_361, %dma_start3A_362] : memref<3x16x1024xf32, #tpu.memory_space<vmem>> -> memref<1x16x1024xf32, #tpu.memory_space<vmem>>
    %dma_start3A_364 = tpu.memref_squeeze %dma_start3A_363 : memref<1x16x1024xf32, #tpu.memory_space<vmem>> -> memref<16x1024xf32, #tpu.memory_space<vmem>>
    %dma_start3A_365 = arith.constant 0 : i32
    %dma_start3A_366 = tpu.memref_slice %arg5[%select_n3A, %add3A_359, %dma_start3A_365] : memref<4x2048x1024xf32, #tpu.memory_space<hbm>> -> memref<1x16x1024xf32, #tpu.memory_space<hbm>>
    %dma_start3A_367 = tpu.memref_squeeze %dma_start3A_366 : memref<1x16x1024xf32, #tpu.memory_space<hbm>> -> memref<16x1024xf32, #tpu.memory_space<hbm>>
    %dma_start3A_368 = arith.constant 0 : i32
    %dma_start3A_369 = tpu.memref_slice %arg5[%select_n3A, %add3A_359, %dma_start3A_368] : memref<4x2048x1024xf32, #tpu.memory_space<hbm>> -> memref<1x16x1024xf32, #tpu.memory_space<hbm>>
    %dma_start3A_370 = tpu.memref_squeeze %dma_start3A_369 : memref<1x16x1024xf32, #tpu.memory_space<hbm>> -> memref<16x1024xf32, #tpu.memory_space<hbm>>
    %dma_start3A_371 = arith.constant 0 : i32
    %dma_start3A_372 = arith.constant 0 : i32
    %dma_start3A_373 = tpu.memref_slice %arg8[%dma_start3A_360, %dma_start3A_371, %dma_start3A_372] : memref<3x16x1024xf32, #tpu.memory_space<vmem>> -> memref<1x16x1024xf32, #tpu.memory_space<vmem>>
    %dma_start3A_374 = tpu.memref_squeeze %dma_start3A_373 : memref<1x16x1024xf32, #tpu.memory_space<vmem>> -> memref<16x1024xf32, #tpu.memory_space<vmem>>
    tpu.enqueue_dma source(%dma_start3A_374 : memref<16x1024xf32, #tpu.memory_space<vmem>>) target(%dma_start3A_370 : memref<16x1024xf32, #tpu.memory_space<hbm>>) target_semaphore(%arg11 : memref<!tpu.dma_semaphore, #tpu.memory_space<semaphore_mem>>)
    %dma_wait3A_375 = arith.constant 2 : i32
    %dma_wait3A_376 = arith.constant 0 : i32
    %dma_wait3A_377 = arith.constant 0 : i32
    %dma_wait3A_378 = tpu.memref_slice %arg8[%dma_wait3A_375, %dma_wait3A_376, %dma_wait3A_377] : memref<3x16x1024xf32, #tpu.memory_space<vmem>> -> memref<1x16x1024xf32, #tpu.memory_space<vmem>>
    %dma_wait3A_379 = tpu.memref_squeeze %dma_wait3A_378 : memref<1x16x1024xf32, #tpu.memory_space<vmem>> -> memref<16x1024xf32, #tpu.memory_space<vmem>>
    %dma_wait3A_380 = arith.constant 0 : i32
    %dma_wait3A_381 = tpu.memref_slice %arg5[%select_n3A, %add3A_272, %dma_wait3A_380] : memref<4x2048x1024xf32, #tpu.memory_space<hbm>> -> memref<1x16x1024xf32, #tpu.memory_space<hbm>>
    %dma_wait3A_382 = tpu.memref_squeeze %dma_wait3A_381 : memref<1x16x1024xf32, #tpu.memory_space<hbm>> -> memref<16x1024xf32, #tpu.memory_space<hbm>>
    %dma_wait3A_383 = arith.constant 0 : i32
    %dma_wait3A_384 = tpu.memref_slice %arg5[%select_n3A, %add3A_272, %dma_wait3A_383] : memref<4x2048x1024xf32, #tpu.memory_space<hbm>> -> memref<1x16x1024xf32, #tpu.memory_space<hbm>>
    %dma_wait3A_385 = tpu.memref_squeeze %dma_wait3A_384 : memref<1x16x1024xf32, #tpu.memory_space<hbm>> -> memref<16x1024xf32, #tpu.memory_space<hbm>>
    %dma_wait3A_386 = arith.constant 0 : i32
    %dma_wait3A_387 = arith.constant 0 : i32
    %dma_wait3A_388 = tpu.memref_slice %arg8[%dma_wait3A_375, %dma_wait3A_386, %dma_wait3A_387] : memref<3x16x1024xf32, #tpu.memory_space<vmem>> -> memref<1x16x1024xf32, #tpu.memory_space<vmem>>
    %dma_wait3A_389 = tpu.memref_squeeze %dma_wait3A_388 : memref<1x16x1024xf32, #tpu.memory_space<vmem>> -> memref<16x1024xf32, #tpu.memory_space<vmem>>
    tpu.wait_dma2 semaphore(%arg11 : memref<!tpu.dma_semaphore, #tpu.memory_space<semaphore_mem>>) src(%dma_wait3A_389 : memref<16x1024xf32, #tpu.memory_space<vmem>>) dst(%dma_wait3A_385 : memref<16x1024xf32, #tpu.memory_space<hbm>>)
    %dma_start3A_390 = arith.constant 2 : i32
    %dma_start3A_391 = arith.constant 0 : i32
    %dma_start3A_392 = arith.constant 0 : i32
    %dma_start3A_393 = tpu.memref_slice %arg7[%dma_start3A_390, %dma_start3A_391, %dma_start3A_392] : memref<3x16x1024xf32, #tpu.memory_space<vmem>> -> memref<1x16x1024xf32, #tpu.memory_space<vmem>>
    %dma_start3A_394 = tpu.memref_squeeze %dma_start3A_393 : memref<1x16x1024xf32, #tpu.memory_space<vmem>> -> memref<16x1024xf32, #tpu.memory_space<vmem>>
    %dma_start3A_395 = arith.constant 80 : i32
    %dma_start3A_396 = tpu.memref_slice %arg6[%dma_start3A_395] : memref<256xi32, #tpu.memory_space<vmem>> -> memref<16xi32, #tpu.memory_space<vmem>>
    %dma_start3A_397 = arith.constant 0 : i32
    %dma_start3A_398 = arith.constant 0 : i32
    %dma_start3A_399 = tpu.memref_slice %arg4[%dma_start3A_397, %dma_start3A_398] : memref<8192x1024xf32, #tpu.memory_space<hbm>> -> memref<8192x1024xf32, #tpu.memory_space<hbm>>
    tpu.enqueue_indirect_dma source(%dma_start3A_399 : memref<8192x1024xf32, #tpu.memory_space<hbm>>) target(%dma_start3A_394 : memref<16x1024xf32, #tpu.memory_space<vmem>>) offsets(%dma_start3A_396 : memref<16xi32, #tpu.memory_space<vmem>>) semaphore(%arg9 : memref<!tpu.dma_semaphore, #tpu.memory_space<semaphore_mem>>)
    %add3A_400 = arith.constant 80 : i32
    %add3A_401 = arith.addi %select_n3A_32, %add3A_400 : i32
    %dma_start3A_402 = arith.constant 2 : i32
    %dma_start3A_403 = arith.constant 0 : i32
    %dma_start3A_404 = arith.constant 0 : i32
    %dma_start3A_405 = tpu.memref_slice %arg8[%dma_start3A_402, %dma_start3A_403, %dma_start3A_404] : memref<3x16x1024xf32, #tpu.memory_space<vmem>> -> memref<1x16x1024xf32, #tpu.memory_space<vmem>>
    %dma_start3A_406 = tpu.memref_squeeze %dma_start3A_405 : memref<1x16x1024xf32, #tpu.memory_space<vmem>> -> memref<16x1024xf32, #tpu.memory_space<vmem>>
    %dma_start3A_407 = arith.constant 0 : i32
    %dma_start3A_408 = tpu.memref_slice %arg2[%select_n3A, %add3A_401, %dma_start3A_407] : memref<4x2048x1024xf32, #tpu.memory_space<hbm>> -> memref<1x16x1024xf32, #tpu.memory_space<hbm>>
    %dma_start3A_409 = tpu.memref_squeeze %dma_start3A_408 : memref<1x16x1024xf32, #tpu.memory_space<hbm>> -> memref<16x1024xf32, #tpu.memory_space<hbm>>
    %dma_start3A_410 = arith.constant 0 : i32
    %dma_start3A_411 = arith.constant 0 : i32
    %dma_start3A_412 = tpu.memref_slice %arg8[%dma_start3A_402, %dma_start3A_410, %dma_start3A_411] : memref<3x16x1024xf32, #tpu.memory_space<vmem>> -> memref<1x16x1024xf32, #tpu.memory_space<vmem>>
    %dma_start3A_413 = tpu.memref_squeeze %dma_start3A_412 : memref<1x16x1024xf32, #tpu.memory_space<vmem>> -> memref<16x1024xf32, #tpu.memory_space<vmem>>
    %dma_start3A_414 = arith.constant 0 : i32
    %dma_start3A_415 = tpu.memref_slice %arg2[%select_n3A, %add3A_401, %dma_start3A_414] : memref<4x2048x1024xf32, #tpu.memory_space<hbm>> -> memref<1x16x1024xf32, #tpu.memory_space<hbm>>
    %dma_start3A_416 = tpu.memref_squeeze %dma_start3A_415 : memref<1x16x1024xf32, #tpu.memory_space<hbm>> -> memref<16x1024xf32, #tpu.memory_space<hbm>>
    tpu.enqueue_dma source(%dma_start3A_416 : memref<16x1024xf32, #tpu.memory_space<hbm>>) target(%dma_start3A_413 : memref<16x1024xf32, #tpu.memory_space<vmem>>) target_semaphore(%arg10 : memref<!tpu.dma_semaphore, #tpu.memory_space<semaphore_mem>>)
    %dma_wait3A_417 = arith.constant 1 : i32
    %dma_wait3A_418 = arith.constant 0 : i32
    %dma_wait3A_419 = arith.constant 0 : i32
    %dma_wait3A_420 = tpu.memref_slice %arg7[%dma_wait3A_417, %dma_wait3A_418, %dma_wait3A_419] : memref<3x16x1024xf32, #tpu.memory_space<vmem>> -> memref<1x16x1024xf32, #tpu.memory_space<vmem>>
    %dma_wait3A_421 = tpu.memref_squeeze %dma_wait3A_420 : memref<1x16x1024xf32, #tpu.memory_space<vmem>> -> memref<16x1024xf32, #tpu.memory_space<vmem>>
    %dma_wait3A_422 = arith.constant 64 : i32
    %dma_wait3A_423 = tpu.memref_slice %arg6[%dma_wait3A_422] : memref<256xi32, #tpu.memory_space<vmem>> -> memref<16xi32, #tpu.memory_space<vmem>>
    %dma_wait3A_424 = arith.constant 0 : i32
    %dma_wait3A_425 = arith.constant 0 : i32
    %dma_wait3A_426 = tpu.memref_slice %arg4[%dma_wait3A_424, %dma_wait3A_425] : memref<8192x1024xf32, #tpu.memory_space<hbm>> -> memref<8192x1024xf32, #tpu.memory_space<hbm>>
    tpu.wait_indirect_dma semaphore(%arg9 : memref<!tpu.dma_semaphore, #tpu.memory_space<semaphore_mem>>) src(%dma_wait3A_426 : memref<8192x1024xf32, #tpu.memory_space<hbm>>) dst(%dma_wait3A_421 : memref<16x1024xf32, #tpu.memory_space<vmem>>)
    %dma_wait3A_427 = arith.constant 1 : i32
    %dma_wait3A_428 = arith.constant 0 : i32
    %dma_wait3A_429 = arith.constant 0 : i32
    %dma_wait3A_430 = tpu.memref_slice %arg8[%dma_wait3A_427, %dma_wait3A_428, %dma_wait3A_429] : memref<3x16x1024xf32, #tpu.memory_space<vmem>> -> memref<1x16x1024xf32, #tpu.memory_space<vmem>>
    %dma_wait3A_431 = tpu.memref_squeeze %dma_wait3A_430 : memref<1x16x1024xf32, #tpu.memory_space<vmem>> -> memref<16x1024xf32, #tpu.memory_space<vmem>>
    %dma_wait3A_432 = arith.constant 0 : i32
    %dma_wait3A_433 = tpu.memref_slice %arg2[%select_n3A, %add3A_314, %dma_wait3A_432] : memref<4x2048x1024xf32, #tpu.memory_space<hbm>> -> memref<1x16x1024xf32, #tpu.memory_space<hbm>>
    %dma_wait3A_434 = tpu.memref_squeeze %dma_wait3A_433 : memref<1x16x1024xf32, #tpu.memory_space<hbm>> -> memref<16x1024xf32, #tpu.memory_space<hbm>>
    %dma_wait3A_435 = arith.constant 0 : i32
    %dma_wait3A_436 = arith.constant 0 : i32
    %dma_wait3A_437 = tpu.memref_slice %arg8[%dma_wait3A_427, %dma_wait3A_435, %dma_wait3A_436] : memref<3x16x1024xf32, #tpu.memory_space<vmem>> -> memref<1x16x1024xf32, #tpu.memory_space<vmem>>
    %dma_wait3A_438 = tpu.memref_squeeze %dma_wait3A_437 : memref<1x16x1024xf32, #tpu.memory_space<vmem>> -> memref<16x1024xf32, #tpu.memory_space<vmem>>
    %dma_wait3A_439 = arith.constant 0 : i32
    %dma_wait3A_440 = tpu.memref_slice %arg2[%select_n3A, %add3A_314, %dma_wait3A_439] : memref<4x2048x1024xf32, #tpu.memory_space<hbm>> -> memref<1x16x1024xf32, #tpu.memory_space<hbm>>
    %dma_wait3A_441 = tpu.memref_squeeze %dma_wait3A_440 : memref<1x16x1024xf32, #tpu.memory_space<hbm>> -> memref<16x1024xf32, #tpu.memory_space<hbm>>
    tpu.wait_dma2 semaphore(%arg10 : memref<!tpu.dma_semaphore, #tpu.memory_space<semaphore_mem>>) src(%dma_wait3A_441 : memref<16x1024xf32, #tpu.memory_space<hbm>>) dst(%dma_wait3A_438 : memref<16x1024xf32, #tpu.memory_space<vmem>>)
    %parallel_loop3A_442 = arith.constant 0 : i32
    %parallel_loop3A_443 = arith.constant 16 : i32
    %parallel_loop3A_444 = arith.constant 1 : i32
    scf.for %parallel_loop3A_1422 = %parallel_loop3A_442 to %parallel_loop3A_443 step %parallel_loop3A_444  : i32 {
      %parallel_loop3A_1423 = arith.constant 0 : i32
      %parallel_loop3A_1424 = arith.constant 1024 : i32
      %parallel_loop3A_1425 = arith.constant 16 : i32
      scf.for %parallel_loop3A_1426 = %parallel_loop3A_1423 to %parallel_loop3A_1424 step %parallel_loop3A_1425  : i32 {
        %parallel_loop3A_1427 = arith.constant 1 : i32
        %parallel_loop3A_1428 = arith.index_cast %parallel_loop3A_1427 : i32 to index
        %parallel_loop3A_1429 = arith.index_cast %parallel_loop3A_1422 : i32 to index
        %parallel_loop3A_1430 = arith.index_cast %parallel_loop3A_1426 : i32 to index
        %parallel_loop3A_1431 = tpu.vector_load %arg7[%parallel_loop3A_1428, %parallel_loop3A_1429, %parallel_loop3A_1430] {strides = array<i32>} : memref<3x16x1024xf32, #tpu.memory_space<vmem>>, vector<1x1x16xf32>,
        %parallel_loop3A_1432 = vector.shape_cast %parallel_loop3A_1431 : vector<1x1x16xf32> to vector<16xf32>
        %parallel_loop3A_1433 = arith.constant 1 : i32
        %parallel_loop3A_1434 = arith.index_cast %parallel_loop3A_1433 : i32 to index
        %parallel_loop3A_1435 = arith.index_cast %parallel_loop3A_1422 : i32 to index
        %parallel_loop3A_1436 = arith.index_cast %parallel_loop3A_1426 : i32 to index
        %parallel_loop3A_1437 = tpu.vector_load %arg8[%parallel_loop3A_1434, %parallel_loop3A_1435, %parallel_loop3A_1436] {strides = array<i32>} : memref<3x16x1024xf32, #tpu.memory_space<vmem>>, vector<1x1x16xf32>,
        %parallel_loop3A_1438 = vector.shape_cast %parallel_loop3A_1437 : vector<1x1x16xf32> to vector<16xf32>
        %parallel_loop3A_1439 = vector.shape_cast %parallel_loop3A_1432 : vector<16xf32> to vector<1x1x16xf32>
        tpu.vector_store %arg8[%parallel_loop3A_1434, %parallel_loop3A_1435, %parallel_loop3A_1436], %parallel_loop3A_1439 {add = true, strides = array<i32>} : memref<3x16x1024xf32, #tpu.memory_space<vmem>>, vector<1x1x16xf32>,
      } {sc.loop_unroll_factor = 8 : i64, sc.parallel_access}
    } {sc.loop_unroll_factor = 1 : i64, sc.parallel_access}
    %add3A_445 = arith.constant 64 : i32
    %add3A_446 = arith.addi %select_n3A_32, %add3A_445 : i32
    %dma_start3A_447 = arith.constant 1 : i32
    %dma_start3A_448 = arith.constant 0 : i32
    %dma_start3A_449 = arith.constant 0 : i32
    %dma_start3A_450 = tpu.memref_slice %arg8[%dma_start3A_447, %dma_start3A_448, %dma_start3A_449] : memref<3x16x1024xf32, #tpu.memory_space<vmem>> -> memref<1x16x1024xf32, #tpu.memory_space<vmem>>
    %dma_start3A_451 = tpu.memref_squeeze %dma_start3A_450 : memref<1x16x1024xf32, #tpu.memory_space<vmem>> -> memref<16x1024xf32, #tpu.memory_space<vmem>>
    %dma_start3A_452 = arith.constant 0 : i32
    %dma_start3A_453 = tpu.memref_slice %arg5[%select_n3A, %add3A_446, %dma_start3A_452] : memref<4x2048x1024xf32, #tpu.memory_space<hbm>> -> memref<1x16x1024xf32, #tpu.memory_space<hbm>>
    %dma_start3A_454 = tpu.memref_squeeze %dma_start3A_453 : memref<1x16x1024xf32, #tpu.memory_space<hbm>> -> memref<16x1024xf32, #tpu.memory_space<hbm>>
    %dma_start3A_455 = arith.constant 0 : i32
    %dma_start3A_456 = tpu.memref_slice %arg5[%select_n3A, %add3A_446, %dma_start3A_455] : memref<4x2048x1024xf32, #tpu.memory_space<hbm>> -> memref<1x16x1024xf32, #tpu.memory_space<hbm>>
    %dma_start3A_457 = tpu.memref_squeeze %dma_start3A_456 : memref<1x16x1024xf32, #tpu.memory_space<hbm>> -> memref<16x1024xf32, #tpu.memory_space<hbm>>
    %dma_start3A_458 = arith.constant 0 : i32
    %dma_start3A_459 = arith.constant 0 : i32
    %dma_start3A_460 = tpu.memref_slice %arg8[%dma_start3A_447, %dma_start3A_458, %dma_start3A_459] : memref<3x16x1024xf32, #tpu.memory_space<vmem>> -> memref<1x16x1024xf32, #tpu.memory_space<vmem>>
    %dma_start3A_461 = tpu.memref_squeeze %dma_start3A_460 : memref<1x16x1024xf32, #tpu.memory_space<vmem>> -> memref<16x1024xf32, #tpu.memory_space<vmem>>
    tpu.enqueue_dma source(%dma_start3A_461 : memref<16x1024xf32, #tpu.memory_space<vmem>>) target(%dma_start3A_457 : memref<16x1024xf32, #tpu.memory_space<hbm>>) target_semaphore(%arg11 : memref<!tpu.dma_semaphore, #tpu.memory_space<semaphore_mem>>)
    %dma_wait3A_462 = arith.constant 0 : i32
    %dma_wait3A_463 = arith.constant 0 : i32
    %dma_wait3A_464 = arith.constant 0 : i32
    %dma_wait3A_465 = tpu.memref_slice %arg8[%dma_wait3A_462, %dma_wait3A_463, %dma_wait3A_464] : memref<3x16x1024xf32, #tpu.memory_space<vmem>> -> memref<1x16x1024xf32, #tpu.memory_space<vmem>>
    %dma_wait3A_466 = tpu.memref_squeeze %dma_wait3A_465 : memref<1x16x1024xf32, #tpu.memory_space<vmem>> -> memref<16x1024xf32, #tpu.memory_space<vmem>>
    %dma_wait3A_467 = arith.constant 0 : i32
    %dma_wait3A_468 = tpu.memref_slice %arg5[%select_n3A, %add3A_359, %dma_wait3A_467] : memref<4x2048x1024xf32, #tpu.memory_space<hbm>> -> memref<1x16x1024xf32, #tpu.memory_space<hbm>>
    %dma_wait3A_469 = tpu.memref_squeeze %dma_wait3A_468 : memref<1x16x1024xf32, #tpu.memory_space<hbm>> -> memref<16x1024xf32, #tpu.memory_space<hbm>>
    %dma_wait3A_470 = arith.constant 0 : i32
    %dma_wait3A_471 = tpu.memref_slice %arg5[%select_n3A, %add3A_359, %dma_wait3A_470] : memref<4x2048x1024xf32, #tpu.memory_space<hbm>> -> memref<1x16x1024xf32, #tpu.memory_space<hbm>>
    %dma_wait3A_472 = tpu.memref_squeeze %dma_wait3A_471 : memref<1x16x1024xf32, #tpu.memory_space<hbm>> -> memref<16x1024xf32, #tpu.memory_space<hbm>>
    %dma_wait3A_473 = arith.constant 0 : i32
    %dma_wait3A_474 = arith.constant 0 : i32
    %dma_wait3A_475 = tpu.memref_slice %arg8[%dma_wait3A_462, %dma_wait3A_473, %dma_wait3A_474] : memref<3x16x1024xf32, #tpu.memory_space<vmem>> -> memref<1x16x1024xf32, #tpu.memory_space<vmem>>
    %dma_wait3A_476 = tpu.memref_squeeze %dma_wait3A_475 : memref<1x16x1024xf32, #tpu.memory_space<vmem>> -> memref<16x1024xf32, #tpu.memory_space<vmem>>
    tpu.wait_dma2 semaphore(%arg11 : memref<!tpu.dma_semaphore, #tpu.memory_space<semaphore_mem>>) src(%dma_wait3A_476 : memref<16x1024xf32, #tpu.memory_space<vmem>>) dst(%dma_wait3A_472 : memref<16x1024xf32, #tpu.memory_space<hbm>>)
    %dma_start3A_477 = arith.constant 0 : i32
    %dma_start3A_478 = arith.constant 0 : i32
    %dma_start3A_479 = arith.constant 0 : i32
    %dma_start3A_480 = tpu.memref_slice %arg7[%dma_start3A_477, %dma_start3A_478, %dma_start3A_479] : memref<3x16x1024xf32, #tpu.memory_space<vmem>> -> memref<1x16x1024xf32, #tpu.memory_space<vmem>>
    %dma_start3A_481 = tpu.memref_squeeze %dma_start3A_480 : memref<1x16x1024xf32, #tpu.memory_space<vmem>> -> memref<16x1024xf32, #tpu.memory_space<vmem>>
    %dma_start3A_482 = arith.constant 96 : i32
    %dma_start3A_483 = tpu.memref_slice %arg6[%dma_start3A_482] : memref<256xi32, #tpu.memory_space<vmem>> -> memref<16xi32, #tpu.memory_space<vmem>>
    %dma_start3A_484 = arith.constant 0 : i32
    %dma_start3A_485 = arith.constant 0 : i32
    %dma_start3A_486 = tpu.memref_slice %arg4[%dma_start3A_484, %dma_start3A_485] : memref<8192x1024xf32, #tpu.memory_space<hbm>> -> memref<8192x1024xf32, #tpu.memory_space<hbm>>
    tpu.enqueue_indirect_dma source(%dma_start3A_486 : memref<8192x1024xf32, #tpu.memory_space<hbm>>) target(%dma_start3A_481 : memref<16x1024xf32, #tpu.memory_space<vmem>>) offsets(%dma_start3A_483 : memref<16xi32, #tpu.memory_space<vmem>>) semaphore(%arg9 : memref<!tpu.dma_semaphore, #tpu.memory_space<semaphore_mem>>)
    %add3A_487 = arith.constant 96 : i32
    %add3A_488 = arith.addi %select_n3A_32, %add3A_487 : i32
    %dma_start3A_489 = arith.constant 0 : i32
    %dma_start3A_490 = arith.constant 0 : i32
    %dma_start3A_491 = arith.constant 0 : i32
    %dma_start3A_492 = tpu.memref_slice %arg8[%dma_start3A_489, %dma_start3A_490, %dma_start3A_491] : memref<3x16x1024xf32, #tpu.memory_space<vmem>> -> memref<1x16x1024xf32, #tpu.memory_space<vmem>>
    %dma_start3A_493 = tpu.memref_squeeze %dma_start3A_492 : memref<1x16x1024xf32, #tpu.memory_space<vmem>> -> memref<16x1024xf32, #tpu.memory_space<vmem>>
    %dma_start3A_494 = arith.constant 0 : i32
    %dma_start3A_495 = tpu.memref_slice %arg2[%select_n3A, %add3A_488, %dma_start3A_494] : memref<4x2048x1024xf32, #tpu.memory_space<hbm>> -> memref<1x16x1024xf32, #tpu.memory_space<hbm>>
    %dma_start3A_496 = tpu.memref_squeeze %dma_start3A_495 : memref<1x16x1024xf32, #tpu.memory_space<hbm>> -> memref<16x1024xf32, #tpu.memory_space<hbm>>
    %dma_start3A_497 = arith.constant 0 : i32
    %dma_start3A_498 = arith.constant 0 : i32
    %dma_start3A_499 = tpu.memref_slice %arg8[%dma_start3A_489, %dma_start3A_497, %dma_start3A_498] : memref<3x16x1024xf32, #tpu.memory_space<vmem>> -> memref<1x16x1024xf32, #tpu.memory_space<vmem>>
    %dma_start3A_500 = tpu.memref_squeeze %dma_start3A_499 : memref<1x16x1024xf32, #tpu.memory_space<vmem>> -> memref<16x1024xf32, #tpu.memory_space<vmem>>
    %dma_start3A_501 = arith.constant 0 : i32
    %dma_start3A_502 = tpu.memref_slice %arg2[%select_n3A, %add3A_488, %dma_start3A_501] : memref<4x2048x1024xf32, #tpu.memory_space<hbm>> -> memref<1x16x1024xf32, #tpu.memory_space<hbm>>
    %dma_start3A_503 = tpu.memref_squeeze %dma_start3A_502 : memref<1x16x1024xf32, #tpu.memory_space<hbm>> -> memref<16x1024xf32, #tpu.memory_space<hbm>>
    tpu.enqueue_dma source(%dma_start3A_503 : memref<16x1024xf32, #tpu.memory_space<hbm>>) target(%dma_start3A_500 : memref<16x1024xf32, #tpu.memory_space<vmem>>) target_semaphore(%arg10 : memref<!tpu.dma_semaphore, #tpu.memory_space<semaphore_mem>>)
    %dma_wait3A_504 = arith.constant 2 : i32
    %dma_wait3A_505 = arith.constant 0 : i32
    %dma_wait3A_506 = arith.constant 0 : i32
    %dma_wait3A_507 = tpu.memref_slice %arg7[%dma_wait3A_504, %dma_wait3A_505, %dma_wait3A_506] : memref<3x16x1024xf32, #tpu.memory_space<vmem>> -> memref<1x16x1024xf32, #tpu.memory_space<vmem>>
    %dma_wait3A_508 = tpu.memref_squeeze %dma_wait3A_507 : memref<1x16x1024xf32, #tpu.memory_space<vmem>> -> memref<16x1024xf32, #tpu.memory_space<vmem>>
    %dma_wait3A_509 = arith.constant 80 : i32
    %dma_wait3A_510 = tpu.memref_slice %arg6[%dma_wait3A_509] : memref<256xi32, #tpu.memory_space<vmem>> -> memref<16xi32, #tpu.memory_space<vmem>>
    %dma_wait3A_511 = arith.constant 0 : i32
    %dma_wait3A_512 = arith.constant 0 : i32
    %dma_wait3A_513 = tpu.memref_slice %arg4[%dma_wait3A_511, %dma_wait3A_512] : memref<8192x1024xf32, #tpu.memory_space<hbm>> -> memref<8192x1024xf32, #tpu.memory_space<hbm>>
    tpu.wait_indirect_dma semaphore(%arg9 : memref<!tpu.dma_semaphore, #tpu.memory_space<semaphore_mem>>) src(%dma_wait3A_513 : memref<8192x1024xf32, #tpu.memory_space<hbm>>) dst(%dma_wait3A_508 : memref<16x1024xf32, #tpu.memory_space<vmem>>)
    %dma_wait3A_514 = arith.constant 2 : i32
    %dma_wait3A_515 = arith.constant 0 : i32
    %dma_wait3A_516 = arith.constant 0 : i32
    %dma_wait3A_517 = tpu.memref_slice %arg8[%dma_wait3A_514, %dma_wait3A_515, %dma_wait3A_516] : memref<3x16x1024xf32, #tpu.memory_space<vmem>> -> memref<1x16x1024xf32, #tpu.memory_space<vmem>>
    %dma_wait3A_518 = tpu.memref_squeeze %dma_wait3A_517 : memref<1x16x1024xf32, #tpu.memory_space<vmem>> -> memref<16x1024xf32, #tpu.memory_space<vmem>>
    %dma_wait3A_519 = arith.constant 0 : i32
    %dma_wait3A_520 = tpu.memref_slice %arg2[%select_n3A, %add3A_401, %dma_wait3A_519] : memref<4x2048x1024xf32, #tpu.memory_space<hbm>> -> memref<1x16x1024xf32, #tpu.memory_space<hbm>>
    %dma_wait3A_521 = tpu.memref_squeeze %dma_wait3A_520 : memref<1x16x1024xf32, #tpu.memory_space<hbm>> -> memref<16x1024xf32, #tpu.memory_space<hbm>>
    %dma_wait3A_522 = arith.constant 0 : i32
    %dma_wait3A_523 = arith.constant 0 : i32
    %dma_wait3A_524 = tpu.memref_slice %arg8[%dma_wait3A_514, %dma_wait3A_522, %dma_wait3A_523] : memref<3x16x1024xf32, #tpu.memory_space<vmem>> -> memref<1x16x1024xf32, #tpu.memory_space<vmem>>
    %dma_wait3A_525 = tpu.memref_squeeze %dma_wait3A_524 : memref<1x16x1024xf32, #tpu.memory_space<vmem>> -> memref<16x1024xf32, #tpu.memory_space<vmem>>
    %dma_wait3A_526 = arith.constant 0 : i32
    %dma_wait3A_527 = tpu.memref_slice %arg2[%select_n3A, %add3A_401, %dma_wait3A_526] : memref<4x2048x1024xf32, #tpu.memory_space<hbm>> -> memref<1x16x1024xf32, #tpu.memory_space<hbm>>
    %dma_wait3A_528 = tpu.memref_squeeze %dma_wait3A_527 : memref<1x16x1024xf32, #tpu.memory_space<hbm>> -> memref<16x1024xf32, #tpu.memory_space<hbm>>
    tpu.wait_dma2 semaphore(%arg10 : memref<!tpu.dma_semaphore, #tpu.memory_space<semaphore_mem>>) src(%dma_wait3A_528 : memref<16x1024xf32, #tpu.memory_space<hbm>>) dst(%dma_wait3A_525 : memref<16x1024xf32, #tpu.memory_space<vmem>>)
    %parallel_loop3A_529 = arith.constant 0 : i32
    %parallel_loop3A_530 = arith.constant 16 : i32
    %parallel_loop3A_531 = arith.constant 1 : i32
    scf.for %parallel_loop3A_1422 = %parallel_loop3A_529 to %parallel_loop3A_530 step %parallel_loop3A_531  : i32 {
      %parallel_loop3A_1423 = arith.constant 0 : i32
      %parallel_loop3A_1424 = arith.constant 1024 : i32
      %parallel_loop3A_1425 = arith.constant 16 : i32
      scf.for %parallel_loop3A_1426 = %parallel_loop3A_1423 to %parallel_loop3A_1424 step %parallel_loop3A_1425  : i32 {
        %parallel_loop3A_1427 = arith.constant 2 : i32
        %parallel_loop3A_1428 = arith.index_cast %parallel_loop3A_1427 : i32 to index
        %parallel_loop3A_1429 = arith.index_cast %parallel_loop3A_1422 : i32 to index
        %parallel_loop3A_1430 = arith.index_cast %parallel_loop3A_1426 : i32 to index
        %parallel_loop3A_1431 = tpu.vector_load %arg7[%parallel_loop3A_1428, %parallel_loop3A_1429, %parallel_loop3A_1430] {strides = array<i32>} : memref<3x16x1024xf32, #tpu.memory_space<vmem>>, vector<1x1x16xf32>,
        %parallel_loop3A_1432 = vector.shape_cast %parallel_loop3A_1431 : vector<1x1x16xf32> to vector<16xf32>
        %parallel_loop3A_1433 = arith.constant 2 : i32
        %parallel_loop3A_1434 = arith.index_cast %parallel_loop3A_1433 : i32 to index
        %parallel_loop3A_1435 = arith.index_cast %parallel_loop3A_1422 : i32 to index
        %parallel_loop3A_1436 = arith.index_cast %parallel_loop3A_1426 : i32 to index
        %parallel_loop3A_1437 = tpu.vector_load %arg8[%parallel_loop3A_1434, %parallel_loop3A_1435, %parallel_loop3A_1436] {strides = array<i32>} : memref<3x16x1024xf32, #tpu.memory_space<vmem>>, vector<1x1x16xf32>,
        %parallel_loop3A_1438 = vector.shape_cast %parallel_loop3A_1437 : vector<1x1x16xf32> to vector<16xf32>
        %parallel_loop3A_1439 = vector.shape_cast %parallel_loop3A_1432 : vector<16xf32> to vector<1x1x16xf32>
        tpu.vector_store %arg8[%parallel_loop3A_1434, %parallel_loop3A_1435, %parallel_loop3A_1436], %parallel_loop3A_1439 {add = true, strides = array<i32>} : memref<3x16x1024xf32, #tpu.memory_space<vmem>>, vector<1x1x16xf32>,
      } {sc.loop_unroll_factor = 8 : i64, sc.parallel_access}
    } {sc.loop_unroll_factor = 1 : i64, sc.parallel_access}
    %add3A_532 = arith.constant 80 : i32
    %add3A_533 = arith.addi %select_n3A_32, %add3A_532 : i32
    %dma_start3A_534 = arith.constant 2 : i32
    %dma_start3A_535 = arith.constant 0 : i32
    %dma_start3A_536 = arith.constant 0 : i32
    %dma_start3A_537 = tpu.memref_slice %arg8[%dma_start3A_534, %dma_start3A_535, %dma_start3A_536] : memref<3x16x1024xf32, #tpu.memory_space<vmem>> -> memref<1x16x1024xf32, #tpu.memory_space<vmem>>
    %dma_start3A_538 = tpu.memref_squeeze %dma_start3A_537 : memref<1x16x1024xf32, #tpu.memory_space<vmem>> -> memref<16x1024xf32, #tpu.memory_space<vmem>>
    %dma_start3A_539 = arith.constant 0 : i32
    %dma_start3A_540 = tpu.memref_slice %arg5[%select_n3A, %add3A_533, %dma_start3A_539] : memref<4x2048x1024xf32, #tpu.memory_space<hbm>> -> memref<1x16x1024xf32, #tpu.memory_space<hbm>>
    %dma_start3A_541 = tpu.memref_squeeze %dma_start3A_540 : memref<1x16x1024xf32, #tpu.memory_space<hbm>> -> memref<16x1024xf32, #tpu.memory_space<hbm>>
    %dma_start3A_542 = arith.constant 0 : i32
    %dma_start3A_543 = tpu.memref_slice %arg5[%select_n3A, %add3A_533, %dma_start3A_542] : memref<4x2048x1024xf32, #tpu.memory_space<hbm>> -> memref<1x16x1024xf32, #tpu.memory_space<hbm>>
    %dma_start3A_544 = tpu.memref_squeeze %dma_start3A_543 : memref<1x16x1024xf32, #tpu.memory_space<hbm>> -> memref<16x1024xf32, #tpu.memory_space<hbm>>
    %dma_start3A_545 = arith.constant 0 : i32
    %dma_start3A_546 = arith.constant 0 : i32
    %dma_start3A_547 = tpu.memref_slice %arg8[%dma_start3A_534, %dma_start3A_545, %dma_start3A_546] : memref<3x16x1024xf32, #tpu.memory_space<vmem>> -> memref<1x16x1024xf32, #tpu.memory_space<vmem>>
    %dma_start3A_548 = tpu.memref_squeeze %dma_start3A_547 : memref<1x16x1024xf32, #tpu.memory_space<vmem>> -> memref<16x1024xf32, #tpu.memory_space<vmem>>
    tpu.enqueue_dma source(%dma_start3A_548 : memref<16x1024xf32, #tpu.memory_space<vmem>>) target(%dma_start3A_544 : memref<16x1024xf32, #tpu.memory_space<hbm>>) target_semaphore(%arg11 : memref<!tpu.dma_semaphore, #tpu.memory_space<semaphore_mem>>)
    %dma_wait3A_549 = arith.constant 1 : i32
    %dma_wait3A_550 = arith.constant 0 : i32
    %dma_wait3A_551 = arith.constant 0 : i32
    %dma_wait3A_552 = tpu.memref_slice %arg8[%dma_wait3A_549, %dma_wait3A_550, %dma_wait3A_551] : memref<3x16x1024xf32, #tpu.memory_space<vmem>> -> memref<1x16x1024xf32, #tpu.memory_space<vmem>>
    %dma_wait3A_553 = tpu.memref_squeeze %dma_wait3A_552 : memref<1x16x1024xf32, #tpu.memory_space<vmem>> -> memref<16x1024xf32, #tpu.memory_space<vmem>>
    %dma_wait3A_554 = arith.constant 0 : i32
    %dma_wait3A_555 = tpu.memref_slice %arg5[%select_n3A, %add3A_446, %dma_wait3A_554] : memref<4x2048x1024xf32, #tpu.memory_space<hbm>> -> memref<1x16x1024xf32, #tpu.memory_space<hbm>>
    %dma_wait3A_556 = tpu.memref_squeeze %dma_wait3A_555 : memref<1x16x1024xf32, #tpu.memory_space<hbm>> -> memref<16x1024xf32, #tpu.memory_space<hbm>>
    %dma_wait3A_557 = arith.constant 0 : i32
    %dma_wait3A_558 = tpu.memref_slice %arg5[%select_n3A, %add3A_446, %dma_wait3A_557] : memref<4x2048x1024xf32, #tpu.memory_space<hbm>> -> memref<1x16x1024xf32, #tpu.memory_space<hbm>>
    %dma_wait3A_559 = tpu.memref_squeeze %dma_wait3A_558 : memref<1x16x1024xf32, #tpu.memory_space<hbm>> -> memref<16x1024xf32, #tpu.memory_space<hbm>>
    %dma_wait3A_560 = arith.constant 0 : i32
    %dma_wait3A_561 = arith.constant 0 : i32
    %dma_wait3A_562 = tpu.memref_slice %arg8[%dma_wait3A_549, %dma_wait3A_560, %dma_wait3A_561] : memref<3x16x1024xf32, #tpu.memory_space<vmem>> -> memref<1x16x1024xf32, #tpu.memory_space<vmem>>
    %dma_wait3A_563 = tpu.memref_squeeze %dma_wait3A_562 : memref<1x16x1024xf32, #tpu.memory_space<vmem>> -> memref<16x1024xf32, #tpu.memory_space<vmem>>
    tpu.wait_dma2 semaphore(%arg11 : memref<!tpu.dma_semaphore, #tpu.memory_space<semaphore_mem>>) src(%dma_wait3A_563 : memref<16x1024xf32, #tpu.memory_space<vmem>>) dst(%dma_wait3A_559 : memref<16x1024xf32, #tpu.memory_space<hbm>>)
    %dma_start3A_564 = arith.constant 1 : i32
    %dma_start3A_565 = arith.constant 0 : i32
    %dma_start3A_566 = arith.constant 0 : i32
    %dma_start3A_567 = tpu.memref_slice %arg7[%dma_start3A_564, %dma_start3A_565, %dma_start3A_566] : memref<3x16x1024xf32, #tpu.memory_space<vmem>> -> memref<1x16x1024xf32, #tpu.memory_space<vmem>>
    %dma_start3A_568 = tpu.memref_squeeze %dma_start3A_567 : memref<1x16x1024xf32, #tpu.memory_space<vmem>> -> memref<16x1024xf32, #tpu.memory_space<vmem>>
    %dma_start3A_569 = arith.constant 112 : i32
    %dma_start3A_570 = tpu.memref_slice %arg6[%dma_start3A_569] : memref<256xi32, #tpu.memory_space<vmem>> -> memref<16xi32, #tpu.memory_space<vmem>>
    %dma_start3A_571 = arith.constant 0 : i32
    %dma_start3A_572 = arith.constant 0 : i32
    %dma_start3A_573 = tpu.memref_slice %arg4[%dma_start3A_571, %dma_start3A_572] : memref<8192x1024xf32, #tpu.memory_space<hbm>> -> memref<8192x1024xf32, #tpu.memory_space<hbm>>
    tpu.enqueue_indirect_dma source(%dma_start3A_573 : memref<8192x1024xf32, #tpu.memory_space<hbm>>) target(%dma_start3A_568 : memref<16x1024xf32, #tpu.memory_space<vmem>>) offsets(%dma_start3A_570 : memref<16xi32, #tpu.memory_space<vmem>>) semaphore(%arg9 : memref<!tpu.dma_semaphore, #tpu.memory_space<semaphore_mem>>)
    %add3A_574 = arith.constant 112 : i32
    %add3A_575 = arith.addi %select_n3A_32, %add3A_574 : i32
    %dma_start3A_576 = arith.constant 1 : i32
    %dma_start3A_577 = arith.constant 0 : i32
    %dma_start3A_578 = arith.constant 0 : i32
    %dma_start3A_579 = tpu.memref_slice %arg8[%dma_start3A_576, %dma_start3A_577, %dma_start3A_578] : memref<3x16x1024xf32, #tpu.memory_space<vmem>> -> memref<1x16x1024xf32, #tpu.memory_space<vmem>>
    %dma_start3A_580 = tpu.memref_squeeze %dma_start3A_579 : memref<1x16x1024xf32, #tpu.memory_space<vmem>> -> memref<16x1024xf32, #tpu.memory_space<vmem>>
    %dma_start3A_581 = arith.constant 0 : i32
    %dma_start3A_582 = tpu.memref_slice %arg2[%select_n3A, %add3A_575, %dma_start3A_581] : memref<4x2048x1024xf32, #tpu.memory_space<hbm>> -> memref<1x16x1024xf32, #tpu.memory_space<hbm>>
    %dma_start3A_583 = tpu.memref_squeeze %dma_start3A_582 : memref<1x16x1024xf32, #tpu.memory_space<hbm>> -> memref<16x1024xf32, #tpu.memory_space<hbm>>
    %dma_start3A_584 = arith.constant 0 : i32
    %dma_start3A_585 = arith.constant 0 : i32
    %dma_start3A_586 = tpu.memref_slice %arg8[%dma_start3A_576, %dma_start3A_584, %dma_start3A_585] : memref<3x16x1024xf32, #tpu.memory_space<vmem>> -> memref<1x16x1024xf32, #tpu.memory_space<vmem>>
    %dma_start3A_587 = tpu.memref_squeeze %dma_start3A_586 : memref<1x16x1024xf32, #tpu.memory_space<vmem>> -> memref<16x1024xf32, #tpu.memory_space<vmem>>
    %dma_start3A_588 = arith.constant 0 : i32
    %dma_start3A_589 = tpu.memref_slice %arg2[%select_n3A, %add3A_575, %dma_start3A_588] : memref<4x2048x1024xf32, #tpu.memory_space<hbm>> -> memref<1x16x1024xf32, #tpu.memory_space<hbm>>
    %dma_start3A_590 = tpu.memref_squeeze %dma_start3A_589 : memref<1x16x1024xf32, #tpu.memory_space<hbm>> -> memref<16x1024xf32, #tpu.memory_space<hbm>>
    tpu.enqueue_dma source(%dma_start3A_590 : memref<16x1024xf32, #tpu.memory_space<hbm>>) target(%dma_start3A_587 : memref<16x1024xf32, #tpu.memory_space<vmem>>) target_semaphore(%arg10 : memref<!tpu.dma_semaphore, #tpu.memory_space<semaphore_mem>>)
    %dma_wait3A_591 = arith.constant 0 : i32
    %dma_wait3A_592 = arith.constant 0 : i32
    %dma_wait3A_593 = arith.constant 0 : i32
    %dma_wait3A_594 = tpu.memref_slice %arg7[%dma_wait3A_591, %dma_wait3A_592, %dma_wait3A_593] : memref<3x16x1024xf32, #tpu.memory_space<vmem>> -> memref<1x16x1024xf32, #tpu.memory_space<vmem>>
    %dma_wait3A_595 = tpu.memref_squeeze %dma_wait3A_594 : memref<1x16x1024xf32, #tpu.memory_space<vmem>> -> memref<16x1024xf32, #tpu.memory_space<vmem>>
    %dma_wait3A_596 = arith.constant 96 : i32
    %dma_wait3A_597 = tpu.memref_slice %arg6[%dma_wait3A_596] : memref<256xi32, #tpu.memory_space<vmem>> -> memref<16xi32, #tpu.memory_space<vmem>>
    %dma_wait3A_598 = arith.constant 0 : i32
    %dma_wait3A_599 = arith.constant 0 : i32
    %dma_wait3A_600 = tpu.memref_slice %arg4[%dma_wait3A_598, %dma_wait3A_599] : memref<8192x1024xf32, #tpu.memory_space<hbm>> -> memref<8192x1024xf32, #tpu.memory_space<hbm>>
    tpu.wait_indirect_dma semaphore(%arg9 : memref<!tpu.dma_semaphore, #tpu.memory_space<semaphore_mem>>) src(%dma_wait3A_600 : memref<8192x1024xf32, #tpu.memory_space<hbm>>) dst(%dma_wait3A_595 : memref<16x1024xf32, #tpu.memory_space<vmem>>)
    %dma_wait3A_601 = arith.constant 0 : i32
    %dma_wait3A_602 = arith.constant 0 : i32
    %dma_wait3A_603 = arith.constant 0 : i32
    %dma_wait3A_604 = tpu.memref_slice %arg8[%dma_wait3A_601, %dma_wait3A_602, %dma_wait3A_603] : memref<3x16x1024xf32, #tpu.memory_space<vmem>> -> memref<1x16x1024xf32, #tpu.memory_space<vmem>>
    %dma_wait3A_605 = tpu.memref_squeeze %dma_wait3A_604 : memref<1x16x1024xf32, #tpu.memory_space<vmem>> -> memref<16x1024xf32, #tpu.memory_space<vmem>>
    %dma_wait3A_606 = arith.constant 0 : i32
    %dma_wait3A_607 = tpu.memref_slice %arg2[%select_n3A, %add3A_488, %dma_wait3A_606] : memref<4x2048x1024xf32, #tpu.memory_space<hbm>> -> memref<1x16x1024xf32, #tpu.memory_space<hbm>>
    %dma_wait3A_608 = tpu.memref_squeeze %dma_wait3A_607 : memref<1x16x1024xf32, #tpu.memory_space<hbm>> -> memref<16x1024xf32, #tpu.memory_space<hbm>>
    %dma_wait3A_609 = arith.constant 0 : i32
    %dma_wait3A_610 = arith.constant 0 : i32
    %dma_wait3A_611 = tpu.memref_slice %arg8[%dma_wait3A_601, %dma_wait3A_609, %dma_wait3A_610] : memref<3x16x1024xf32, #tpu.memory_space<vmem>> -> memref<1x16x1024xf32, #tpu.memory_space<vmem>>
    %dma_wait3A_612 = tpu.memref_squeeze %dma_wait3A_611 : memref<1x16x1024xf32, #tpu.memory_space<vmem>> -> memref<16x1024xf32, #tpu.memory_space<vmem>>
    %dma_wait3A_613 = arith.constant 0 : i32
    %dma_wait3A_614 = tpu.memref_slice %arg2[%select_n3A, %add3A_488, %dma_wait3A_613] : memref<4x2048x1024xf32, #tpu.memory_space<hbm>> -> memref<1x16x1024xf32, #tpu.memory_space<hbm>>
    %dma_wait3A_615 = tpu.memref_squeeze %dma_wait3A_614 : memref<1x16x1024xf32, #tpu.memory_space<hbm>> -> memref<16x1024xf32, #tpu.memory_space<hbm>>
    tpu.wait_dma2 semaphore(%arg10 : memref<!tpu.dma_semaphore, #tpu.memory_space<semaphore_mem>>) src(%dma_wait3A_615 : memref<16x1024xf32, #tpu.memory_space<hbm>>) dst(%dma_wait3A_612 : memref<16x1024xf32, #tpu.memory_space<vmem>>)
    %parallel_loop3A_616 = arith.constant 0 : i32
    %parallel_loop3A_617 = arith.constant 16 : i32
    %parallel_loop3A_618 = arith.constant 1 : i32
    scf.for %parallel_loop3A_1422 = %parallel_loop3A_616 to %parallel_loop3A_617 step %parallel_loop3A_618  : i32 {
      %parallel_loop3A_1423 = arith.constant 0 : i32
      %parallel_loop3A_1424 = arith.constant 1024 : i32
      %parallel_loop3A_1425 = arith.constant 16 : i32
      scf.for %parallel_loop3A_1426 = %parallel_loop3A_1423 to %parallel_loop3A_1424 step %parallel_loop3A_1425  : i32 {
        %parallel_loop3A_1427 = arith.constant 0 : i32
        %parallel_loop3A_1428 = arith.index_cast %parallel_loop3A_1427 : i32 to index
        %parallel_loop3A_1429 = arith.index_cast %parallel_loop3A_1422 : i32 to index
        %parallel_loop3A_1430 = arith.index_cast %parallel_loop3A_1426 : i32 to index
        %parallel_loop3A_1431 = tpu.vector_load %arg7[%parallel_loop3A_1428, %parallel_loop3A_1429, %parallel_loop3A_1430] {strides = array<i32>} : memref<3x16x1024xf32, #tpu.memory_space<vmem>>, vector<1x1x16xf32>,
        %parallel_loop3A_1432 = vector.shape_cast %parallel_loop3A_1431 : vector<1x1x16xf32> to vector<16xf32>
        %parallel_loop3A_1433 = arith.constant 0 : i32
        %parallel_loop3A_1434 = arith.index_cast %parallel_loop3A_1433 : i32 to index
        %parallel_loop3A_1435 = arith.index_cast %parallel_loop3A_1422 : i32 to index
        %parallel_loop3A_1436 = arith.index_cast %parallel_loop3A_1426 : i32 to index
        %parallel_loop3A_1437 = tpu.vector_load %arg8[%parallel_loop3A_1434, %parallel_loop3A_1435, %parallel_loop3A_1436] {strides = array<i32>} : memref<3x16x1024xf32, #tpu.memory_space<vmem>>, vector<1x1x16xf32>,
        %parallel_loop3A_1438 = vector.shape_cast %parallel_loop3A_1437 : vector<1x1x16xf32> to vector<16xf32>
        %parallel_loop3A_1439 = vector.shape_cast %parallel_loop3A_1432 : vector<16xf32> to vector<1x1x16xf32>
        tpu.vector_store %arg8[%parallel_loop3A_1434, %parallel_loop3A_1435, %parallel_loop3A_1436], %parallel_loop3A_1439 {add = true, strides = array<i32>} : memref<3x16x1024xf32, #tpu.memory_space<vmem>>, vector<1x1x16xf32>,
      } {sc.loop_unroll_factor = 8 : i64, sc.parallel_access}
    } {sc.loop_unroll_factor = 1 : i64, sc.parallel_access}
    %add3A_619 = arith.constant 96 : i32
    %add3A_620 = arith.addi %select_n3A_32, %add3A_619 : i32
    %dma_start3A_621 = arith.constant 0 : i32
    %dma_start3A_622 = arith.constant 0 : i32
    %dma_start3A_623 = arith.constant 0 : i32
    %dma_start3A_624 = tpu.memref_slice %arg8[%dma_start3A_621, %dma_start3A_622, %dma_start3A_623] : memref<3x16x1024xf32, #tpu.memory_space<vmem>> -> memref<1x16x1024xf32, #tpu.memory_space<vmem>>
    %dma_start3A_625 = tpu.memref_squeeze %dma_start3A_624 : memref<1x16x1024xf32, #tpu.memory_space<vmem>> -> memref<16x1024xf32, #tpu.memory_space<vmem>>
    %dma_start3A_626 = arith.constant 0 : i32
    %dma_start3A_627 = tpu.memref_slice %arg5[%select_n3A, %add3A_620, %dma_start3A_626] : memref<4x2048x1024xf32, #tpu.memory_space<hbm>> -> memref<1x16x1024xf32, #tpu.memory_space<hbm>>
    %dma_start3A_628 = tpu.memref_squeeze %dma_start3A_627 : memref<1x16x1024xf32, #tpu.memory_space<hbm>> -> memref<16x1024xf32, #tpu.memory_space<hbm>>
    %dma_start3A_629 = arith.constant 0 : i32
    %dma_start3A_630 = tpu.memref_slice %arg5[%select_n3A, %add3A_620, %dma_start3A_629] : memref<4x2048x1024xf32, #tpu.memory_space<hbm>> -> memref<1x16x1024xf32, #tpu.memory_space<hbm>>
    %dma_start3A_631 = tpu.memref_squeeze %dma_start3A_630 : memref<1x16x1024xf32, #tpu.memory_space<hbm>> -> memref<16x1024xf32, #tpu.memory_space<hbm>>
    %dma_start3A_632 = arith.constant 0 : i32
    %dma_start3A_633 = arith.constant 0 : i32
    %dma_start3A_634 = tpu.memref_slice %arg8[%dma_start3A_621, %dma_start3A_632, %dma_start3A_633] : memref<3x16x1024xf32, #tpu.memory_space<vmem>> -> memref<1x16x1024xf32, #tpu.memory_space<vmem>>
    %dma_start3A_635 = tpu.memref_squeeze %dma_start3A_634 : memref<1x16x1024xf32, #tpu.memory_space<vmem>> -> memref<16x1024xf32, #tpu.memory_space<vmem>>
    tpu.enqueue_dma source(%dma_start3A_635 : memref<16x1024xf32, #tpu.memory_space<vmem>>) target(%dma_start3A_631 : memref<16x1024xf32, #tpu.memory_space<hbm>>) target_semaphore(%arg11 : memref<!tpu.dma_semaphore, #tpu.memory_space<semaphore_mem>>)
    %dma_wait3A_636 = arith.constant 2 : i32
    %dma_wait3A_637 = arith.constant 0 : i32
    %dma_wait3A_638 = arith.constant 0 : i32
    %dma_wait3A_639 = tpu.memref_slice %arg8[%dma_wait3A_636, %dma_wait3A_637, %dma_wait3A_638] : memref<3x16x1024xf32, #tpu.memory_space<vmem>> -> memref<1x16x1024xf32, #tpu.memory_space<vmem>>
    %dma_wait3A_640 = tpu.memref_squeeze %dma_wait3A_639 : memref<1x16x1024xf32, #tpu.memory_space<vmem>> -> memref<16x1024xf32, #tpu.memory_space<vmem>>
    %dma_wait3A_641 = arith.constant 0 : i32
    %dma_wait3A_642 = tpu.memref_slice %arg5[%select_n3A, %add3A_533, %dma_wait3A_641] : memref<4x2048x1024xf32, #tpu.memory_space<hbm>> -> memref<1x16x1024xf32, #tpu.memory_space<hbm>>
    %dma_wait3A_643 = tpu.memref_squeeze %dma_wait3A_642 : memref<1x16x1024xf32, #tpu.memory_space<hbm>> -> memref<16x1024xf32, #tpu.memory_space<hbm>>
    %dma_wait3A_644 = arith.constant 0 : i32
    %dma_wait3A_645 = tpu.memref_slice %arg5[%select_n3A, %add3A_533, %dma_wait3A_644] : memref<4x2048x1024xf32, #tpu.memory_space<hbm>> -> memref<1x16x1024xf32, #tpu.memory_space<hbm>>
    %dma_wait3A_646 = tpu.memref_squeeze %dma_wait3A_645 : memref<1x16x1024xf32, #tpu.memory_space<hbm>> -> memref<16x1024xf32, #tpu.memory_space<hbm>>
    %dma_wait3A_647 = arith.constant 0 : i32
    %dma_wait3A_648 = arith.constant 0 : i32
    %dma_wait3A_649 = tpu.memref_slice %arg8[%dma_wait3A_636, %dma_wait3A_647, %dma_wait3A_648] : memref<3x16x1024xf32, #tpu.memory_space<vmem>> -> memref<1x16x1024xf32, #tpu.memory_space<vmem>>
    %dma_wait3A_650 = tpu.memref_squeeze %dma_wait3A_649 : memref<1x16x1024xf32, #tpu.memory_space<vmem>> -> memref<16x1024xf32, #tpu.memory_space<vmem>>
    tpu.wait_dma2 semaphore(%arg11 : memref<!tpu.dma_semaphore, #tpu.memory_space<semaphore_mem>>) src(%dma_wait3A_650 : memref<16x1024xf32, #tpu.memory_space<vmem>>) dst(%dma_wait3A_646 : memref<16x1024xf32, #tpu.memory_space<hbm>>)
    %dma_start3A_651 = arith.constant 2 : i32
    %dma_start3A_652 = arith.constant 0 : i32
    %dma_start3A_653 = arith.constant 0 : i32
    %dma_start3A_654 = tpu.memref_slice %arg7[%dma_start3A_651, %dma_start3A_652, %dma_start3A_653] : memref<3x16x1024xf32, #tpu.memory_space<vmem>> -> memref<1x16x1024xf32, #tpu.memory_space<vmem>>
    %dma_start3A_655 = tpu.memref_squeeze %dma_start3A_654 : memref<1x16x1024xf32, #tpu.memory_space<vmem>> -> memref<16x1024xf32, #tpu.memory_space<vmem>>
    %dma_start3A_656 = arith.constant 128 : i32
    %dma_start3A_657 = tpu.memref_slice %arg6[%dma_start3A_656] : memref<256xi32, #tpu.memory_space<vmem>> -> memref<16xi32, #tpu.memory_space<vmem>>
    %dma_start3A_658 = arith.constant 0 : i32
    %dma_start3A_659 = arith.constant 0 : i32
    %dma_start3A_660 = tpu.memref_slice %arg4[%dma_start3A_658, %dma_start3A_659] : memref<8192x1024xf32, #tpu.memory_space<hbm>> -> memref<8192x1024xf32, #tpu.memory_space<hbm>>
    tpu.enqueue_indirect_dma source(%dma_start3A_660 : memref<8192x1024xf32, #tpu.memory_space<hbm>>) target(%dma_start3A_655 : memref<16x1024xf32, #tpu.memory_space<vmem>>) offsets(%dma_start3A_657 : memref<16xi32, #tpu.memory_space<vmem>>) semaphore(%arg9 : memref<!tpu.dma_semaphore, #tpu.memory_space<semaphore_mem>>)
    %add3A_661 = arith.constant 128 : i32
    %add3A_662 = arith.addi %select_n3A_32, %add3A_661 : i32
    %dma_start3A_663 = arith.constant 2 : i32
    %dma_start3A_664 = arith.constant 0 : i32
    %dma_start3A_665 = arith.constant 0 : i32
    %dma_start3A_666 = tpu.memref_slice %arg8[%dma_start3A_663, %dma_start3A_664, %dma_start3A_665] : memref<3x16x1024xf32, #tpu.memory_space<vmem>> -> memref<1x16x1024xf32, #tpu.memory_space<vmem>>
    %dma_start3A_667 = tpu.memref_squeeze %dma_start3A_666 : memref<1x16x1024xf32, #tpu.memory_space<vmem>> -> memref<16x1024xf32, #tpu.memory_space<vmem>>
    %dma_start3A_668 = arith.constant 0 : i32
    %dma_start3A_669 = tpu.memref_slice %arg2[%select_n3A, %add3A_662, %dma_start3A_668] : memref<4x2048x1024xf32, #tpu.memory_space<hbm>> -> memref<1x16x1024xf32, #tpu.memory_space<hbm>>
    %dma_start3A_670 = tpu.memref_squeeze %dma_start3A_669 : memref<1x16x1024xf32, #tpu.memory_space<hbm>> -> memref<16x1024xf32, #tpu.memory_space<hbm>>
    %dma_start3A_671 = arith.constant 0 : i32
    %dma_start3A_672 = arith.constant 0 : i32
    %dma_start3A_673 = tpu.memref_slice %arg8[%dma_start3A_663, %dma_start3A_671, %dma_start3A_672] : memref<3x16x1024xf32, #tpu.memory_space<vmem>> -> memref<1x16x1024xf32, #tpu.memory_space<vmem>>
    %dma_start3A_674 = tpu.memref_squeeze %dma_start3A_673 : memref<1x16x1024xf32, #tpu.memory_space<vmem>> -> memref<16x1024xf32, #tpu.memory_space<vmem>>
    %dma_start3A_675 = arith.constant 0 : i32
    %dma_start3A_676 = tpu.memref_slice %arg2[%select_n3A, %add3A_662, %dma_start3A_675] : memref<4x2048x1024xf32, #tpu.memory_space<hbm>> -> memref<1x16x1024xf32, #tpu.memory_space<hbm>>
    %dma_start3A_677 = tpu.memref_squeeze %dma_start3A_676 : memref<1x16x1024xf32, #tpu.memory_space<hbm>> -> memref<16x1024xf32, #tpu.memory_space<hbm>>
    tpu.enqueue_dma source(%dma_start3A_677 : memref<16x1024xf32, #tpu.memory_space<hbm>>) target(%dma_start3A_674 : memref<16x1024xf32, #tpu.memory_space<vmem>>) target_semaphore(%arg10 : memref<!tpu.dma_semaphore, #tpu.memory_space<semaphore_mem>>)
    %dma_wait3A_678 = arith.constant 1 : i32
    %dma_wait3A_679 = arith.constant 0 : i32
    %dma_wait3A_680 = arith.constant 0 : i32
    %dma_wait3A_681 = tpu.memref_slice %arg7[%dma_wait3A_678, %dma_wait3A_679, %dma_wait3A_680] : memref<3x16x1024xf32, #tpu.memory_space<vmem>> -> memref<1x16x1024xf32, #tpu.memory_space<vmem>>
    %dma_wait3A_682 = tpu.memref_squeeze %dma_wait3A_681 : memref<1x16x1024xf32, #tpu.memory_space<vmem>> -> memref<16x1024xf32, #tpu.memory_space<vmem>>
    %dma_wait3A_683 = arith.constant 112 : i32
    %dma_wait3A_684 = tpu.memref_slice %arg6[%dma_wait3A_683] : memref<256xi32, #tpu.memory_space<vmem>> -> memref<16xi32, #tpu.memory_space<vmem>>
    %dma_wait3A_685 = arith.constant 0 : i32
    %dma_wait3A_686 = arith.constant 0 : i32
    %dma_wait3A_687 = tpu.memref_slice %arg4[%dma_wait3A_685, %dma_wait3A_686] : memref<8192x1024xf32, #tpu.memory_space<hbm>> -> memref<8192x1024xf32, #tpu.memory_space<hbm>>
    tpu.wait_indirect_dma semaphore(%arg9 : memref<!tpu.dma_semaphore, #tpu.memory_space<semaphore_mem>>) src(%dma_wait3A_687 : memref<8192x1024xf32, #tpu.memory_space<hbm>>) dst(%dma_wait3A_682 : memref<16x1024xf32, #tpu.memory_space<vmem>>)
    %dma_wait3A_688 = arith.constant 1 : i32
    %dma_wait3A_689 = arith.constant 0 : i32
    %dma_wait3A_690 = arith.constant 0 : i32
    %dma_wait3A_691 = tpu.memref_slice %arg8[%dma_wait3A_688, %dma_wait3A_689, %dma_wait3A_690] : memref<3x16x1024xf32, #tpu.memory_space<vmem>> -> memref<1x16x1024xf32, #tpu.memory_space<vmem>>
    %dma_wait3A_692 = tpu.memref_squeeze %dma_wait3A_691 : memref<1x16x1024xf32, #tpu.memory_space<vmem>> -> memref<16x1024xf32, #tpu.memory_space<vmem>>
    %dma_wait3A_693 = arith.constant 0 : i32
    %dma_wait3A_694 = tpu.memref_slice %arg2[%select_n3A, %add3A_575, %dma_wait3A_693] : memref<4x2048x1024xf32, #tpu.memory_space<hbm>> -> memref<1x16x1024xf32, #tpu.memory_space<hbm>>
    %dma_wait3A_695 = tpu.memref_squeeze %dma_wait3A_694 : memref<1x16x1024xf32, #tpu.memory_space<hbm>> -> memref<16x1024xf32, #tpu.memory_space<hbm>>
    %dma_wait3A_696 = arith.constant 0 : i32
    %dma_wait3A_697 = arith.constant 0 : i32
    %dma_wait3A_698 = tpu.memref_slice %arg8[%dma_wait3A_688, %dma_wait3A_696, %dma_wait3A_697] : memref<3x16x1024xf32, #tpu.memory_space<vmem>> -> memref<1x16x1024xf32, #tpu.memory_space<vmem>>
    %dma_wait3A_699 = tpu.memref_squeeze %dma_wait3A_698 : memref<1x16x1024xf32, #tpu.memory_space<vmem>> -> memref<16x1024xf32, #tpu.memory_space<vmem>>
    %dma_wait3A_700 = arith.constant 0 : i32
    %dma_wait3A_701 = tpu.memref_slice %arg2[%select_n3A, %add3A_575, %dma_wait3A_700] : memref<4x2048x1024xf32, #tpu.memory_space<hbm>> -> memref<1x16x1024xf32, #tpu.memory_space<hbm>>
    %dma_wait3A_702 = tpu.memref_squeeze %dma_wait3A_701 : memref<1x16x1024xf32, #tpu.memory_space<hbm>> -> memref<16x1024xf32, #tpu.memory_space<hbm>>
    tpu.wait_dma2 semaphore(%arg10 : memref<!tpu.dma_semaphore, #tpu.memory_space<semaphore_mem>>) src(%dma_wait3A_702 : memref<16x1024xf32, #tpu.memory_space<hbm>>) dst(%dma_wait3A_699 : memref<16x1024xf32, #tpu.memory_space<vmem>>)
    %parallel_loop3A_703 = arith.constant 0 : i32
    %parallel_loop3A_704 = arith.constant 16 : i32
    %parallel_loop3A_705 = arith.constant 1 : i32
    scf.for %parallel_loop3A_1422 = %parallel_loop3A_703 to %parallel_loop3A_704 step %parallel_loop3A_705  : i32 {
      %parallel_loop3A_1423 = arith.constant 0 : i32
      %parallel_loop3A_1424 = arith.constant 1024 : i32
      %parallel_loop3A_1425 = arith.constant 16 : i32
      scf.for %parallel_loop3A_1426 = %parallel_loop3A_1423 to %parallel_loop3A_1424 step %parallel_loop3A_1425  : i32 {
        %parallel_loop3A_1427 = arith.constant 1 : i32
        %parallel_loop3A_1428 = arith.index_cast %parallel_loop3A_1427 : i32 to index
        %parallel_loop3A_1429 = arith.index_cast %parallel_loop3A_1422 : i32 to index
        %parallel_loop3A_1430 = arith.index_cast %parallel_loop3A_1426 : i32 to index
        %parallel_loop3A_1431 = tpu.vector_load %arg7[%parallel_loop3A_1428, %parallel_loop3A_1429, %parallel_loop3A_1430] {strides = array<i32>} : memref<3x16x1024xf32, #tpu.memory_space<vmem>>, vector<1x1x16xf32>,
        %parallel_loop3A_1432 = vector.shape_cast %parallel_loop3A_1431 : vector<1x1x16xf32> to vector<16xf32>
        %parallel_loop3A_1433 = arith.constant 1 : i32
        %parallel_loop3A_1434 = arith.index_cast %parallel_loop3A_1433 : i32 to index
        %parallel_loop3A_1435 = arith.index_cast %parallel_loop3A_1422 : i32 to index
        %parallel_loop3A_1436 = arith.index_cast %parallel_loop3A_1426 : i32 to index
        %parallel_loop3A_1437 = tpu.vector_load %arg8[%parallel_loop3A_1434, %parallel_loop3A_1435, %parallel_loop3A_1436] {strides = array<i32>} : memref<3x16x1024xf32, #tpu.memory_space<vmem>>, vector<1x1x16xf32>,
        %parallel_loop3A_1438 = vector.shape_cast %parallel_loop3A_1437 : vector<1x1x16xf32> to vector<16xf32>
        %parallel_loop3A_1439 = vector.shape_cast %parallel_loop3A_1432 : vector<16xf32> to vector<1x1x16xf32>
        tpu.vector_store %arg8[%parallel_loop3A_1434, %parallel_loop3A_1435, %parallel_loop3A_1436], %parallel_loop3A_1439 {add = true, strides = array<i32>} : memref<3x16x1024xf32, #tpu.memory_space<vmem>>, vector<1x1x16xf32>,
      } {sc.loop_unroll_factor = 8 : i64, sc.parallel_access}
    } {sc.loop_unroll_factor = 1 : i64, sc.parallel_access}
    %add3A_706 = arith.constant 112 : i32
    %add3A_707 = arith.addi %select_n3A_32, %add3A_706 : i32
    %dma_start3A_708 = arith.constant 1 : i32
    %dma_start3A_709 = arith.constant 0 : i32
    %dma_start3A_710 = arith.constant 0 : i32
    %dma_start3A_711 = tpu.memref_slice %arg8[%dma_start3A_708, %dma_start3A_709, %dma_start3A_710] : memref<3x16x1024xf32, #tpu.memory_space<vmem>> -> memref<1x16x1024xf32, #tpu.memory_space<vmem>>
    %dma_start3A_712 = tpu.memref_squeeze %dma_start3A_711 : memref<1x16x1024xf32, #tpu.memory_space<vmem>> -> memref<16x1024xf32, #tpu.memory_space<vmem>>
    %dma_start3A_713 = arith.constant 0 : i32
    %dma_start3A_714 = tpu.memref_slice %arg5[%select_n3A, %add3A_707, %dma_start3A_713] : memref<4x2048x1024xf32, #tpu.memory_space<hbm>> -> memref<1x16x1024xf32, #tpu.memory_space<hbm>>
    %dma_start3A_715 = tpu.memref_squeeze %dma_start3A_714 : memref<1x16x1024xf32, #tpu.memory_space<hbm>> -> memref<16x1024xf32, #tpu.memory_space<hbm>>
    %dma_start3A_716 = arith.constant 0 : i32
    %dma_start3A_717 = tpu.memref_slice %arg5[%select_n3A, %add3A_707, %dma_start3A_716] : memref<4x2048x1024xf32, #tpu.memory_space<hbm>> -> memref<1x16x1024xf32, #tpu.memory_space<hbm>>
    %dma_start3A_718 = tpu.memref_squeeze %dma_start3A_717 : memref<1x16x1024xf32, #tpu.memory_space<hbm>> -> memref<16x1024xf32, #tpu.memory_space<hbm>>
    %dma_start3A_719 = arith.constant 0 : i32
    %dma_start3A_720 = arith.constant 0 : i32
    %dma_start3A_721 = tpu.memref_slice %arg8[%dma_start3A_708, %dma_start3A_719, %dma_start3A_720] : memref<3x16x1024xf32, #tpu.memory_space<vmem>> -> memref<1x16x1024xf32, #tpu.memory_space<vmem>>
    %dma_start3A_722 = tpu.memref_squeeze %dma_start3A_721 : memref<1x16x1024xf32, #tpu.memory_space<vmem>> -> memref<16x1024xf32, #tpu.memory_space<vmem>>
    tpu.enqueue_dma source(%dma_start3A_722 : memref<16x1024xf32, #tpu.memory_space<vmem>>) target(%dma_start3A_718 : memref<16x1024xf32, #tpu.memory_space<hbm>>) target_semaphore(%arg11 : memref<!tpu.dma_semaphore, #tpu.memory_space<semaphore_mem>>)
    %dma_wait3A_723 = arith.constant 0 : i32
    %dma_wait3A_724 = arith.constant 0 : i32
    %dma_wait3A_725 = arith.constant 0 : i32
    %dma_wait3A_726 = tpu.memref_slice %arg8[%dma_wait3A_723, %dma_wait3A_724, %dma_wait3A_725] : memref<3x16x1024xf32, #tpu.memory_space<vmem>> -> memref<1x16x1024xf32, #tpu.memory_space<vmem>>
    %dma_wait3A_727 = tpu.memref_squeeze %dma_wait3A_726 : memref<1x16x1024xf32, #tpu.memory_space<vmem>> -> memref<16x1024xf32, #tpu.memory_space<vmem>>
    %dma_wait3A_728 = arith.constant 0 : i32
    %dma_wait3A_729 = tpu.memref_slice %arg5[%select_n3A, %add3A_620, %dma_wait3A_728] : memref<4x2048x1024xf32, #tpu.memory_space<hbm>> -> memref<1x16x1024xf32, #tpu.memory_space<hbm>>
    %dma_wait3A_730 = tpu.memref_squeeze %dma_wait3A_729 : memref<1x16x1024xf32, #tpu.memory_space<hbm>> -> memref<16x1024xf32, #tpu.memory_space<hbm>>
    %dma_wait3A_731 = arith.constant 0 : i32
    %dma_wait3A_732 = tpu.memref_slice %arg5[%select_n3A, %add3A_620, %dma_wait3A_731] : memref<4x2048x1024xf32, #tpu.memory_space<hbm>> -> memref<1x16x1024xf32, #tpu.memory_space<hbm>>
    %dma_wait3A_733 = tpu.memref_squeeze %dma_wait3A_732 : memref<1x16x1024xf32, #tpu.memory_space<hbm>> -> memref<16x1024xf32, #tpu.memory_space<hbm>>
    %dma_wait3A_734 = arith.constant 0 : i32
    %dma_wait3A_735 = arith.constant 0 : i32
    %dma_wait3A_736 = tpu.memref_slice %arg8[%dma_wait3A_723, %dma_wait3A_734, %dma_wait3A_735] : memref<3x16x1024xf32, #tpu.memory_space<vmem>> -> memref<1x16x1024xf32, #tpu.memory_space<vmem>>
    %dma_wait3A_737 = tpu.memref_squeeze %dma_wait3A_736 : memref<1x16x1024xf32, #tpu.memory_space<vmem>> -> memref<16x1024xf32, #tpu.memory_space<vmem>>
    tpu.wait_dma2 semaphore(%arg11 : memref<!tpu.dma_semaphore, #tpu.memory_space<semaphore_mem>>) src(%dma_wait3A_737 : memref<16x1024xf32, #tpu.memory_space<vmem>>) dst(%dma_wait3A_733 : memref<16x1024xf32, #tpu.memory_space<hbm>>)
    %dma_start3A_738 = arith.constant 0 : i32
    %dma_start3A_739 = arith.constant 0 : i32
    %dma_start3A_740 = arith.constant 0 : i32
    %dma_start3A_741 = tpu.memref_slice %arg7[%dma_start3A_738, %dma_start3A_739, %dma_start3A_740] : memref<3x16x1024xf32, #tpu.memory_space<vmem>> -> memref<1x16x1024xf32, #tpu.memory_space<vmem>>
    %dma_start3A_742 = tpu.memref_squeeze %dma_start3A_741 : memref<1x16x1024xf32, #tpu.memory_space<vmem>> -> memref<16x1024xf32, #tpu.memory_space<vmem>>
    %dma_start3A_743 = arith.constant 144 : i32
    %dma_start3A_744 = tpu.memref_slice %arg6[%dma_start3A_743] : memref<256xi32, #tpu.memory_space<vmem>> -> memref<16xi32, #tpu.memory_space<vmem>>
    %dma_start3A_745 = arith.constant 0 : i32
    %dma_start3A_746 = arith.constant 0 : i32
    %dma_start3A_747 = tpu.memref_slice %arg4[%dma_start3A_745, %dma_start3A_746] : memref<8192x1024xf32, #tpu.memory_space<hbm>> -> memref<8192x1024xf32, #tpu.memory_space<hbm>>
    tpu.enqueue_indirect_dma source(%dma_start3A_747 : memref<8192x1024xf32, #tpu.memory_space<hbm>>) target(%dma_start3A_742 : memref<16x1024xf32, #tpu.memory_space<vmem>>) offsets(%dma_start3A_744 : memref<16xi32, #tpu.memory_space<vmem>>) semaphore(%arg9 : memref<!tpu.dma_semaphore, #tpu.memory_space<semaphore_mem>>)
    %add3A_748 = arith.constant 144 : i32
    %add3A_749 = arith.addi %select_n3A_32, %add3A_748 : i32
    %dma_start3A_750 = arith.constant 0 : i32
    %dma_start3A_751 = arith.constant 0 : i32
    %dma_start3A_752 = arith.constant 0 : i32
    %dma_start3A_753 = tpu.memref_slice %arg8[%dma_start3A_750, %dma_start3A_751, %dma_start3A_752] : memref<3x16x1024xf32, #tpu.memory_space<vmem>> -> memref<1x16x1024xf32, #tpu.memory_space<vmem>>
    %dma_start3A_754 = tpu.memref_squeeze %dma_start3A_753 : memref<1x16x1024xf32, #tpu.memory_space<vmem>> -> memref<16x1024xf32, #tpu.memory_space<vmem>>
    %dma_start3A_755 = arith.constant 0 : i32
    %dma_start3A_756 = tpu.memref_slice %arg2[%select_n3A, %add3A_749, %dma_start3A_755] : memref<4x2048x1024xf32, #tpu.memory_space<hbm>> -> memref<1x16x1024xf32, #tpu.memory_space<hbm>>
    %dma_start3A_757 = tpu.memref_squeeze %dma_start3A_756 : memref<1x16x1024xf32, #tpu.memory_space<hbm>> -> memref<16x1024xf32, #tpu.memory_space<hbm>>
    %dma_start3A_758 = arith.constant 0 : i32
    %dma_start3A_759 = arith.constant 0 : i32
    %dma_start3A_760 = tpu.memref_slice %arg8[%dma_start3A_750, %dma_start3A_758, %dma_start3A_759] : memref<3x16x1024xf32, #tpu.memory_space<vmem>> -> memref<1x16x1024xf32, #tpu.memory_space<vmem>>
    %dma_start3A_761 = tpu.memref_squeeze %dma_start3A_760 : memref<1x16x1024xf32, #tpu.memory_space<vmem>> -> memref<16x1024xf32, #tpu.memory_space<vmem>>
    %dma_start3A_762 = arith.constant 0 : i32
    %dma_start3A_763 = tpu.memref_slice %arg2[%select_n3A, %add3A_749, %dma_start3A_762] : memref<4x2048x1024xf32, #tpu.memory_space<hbm>> -> memref<1x16x1024xf32, #tpu.memory_space<hbm>>
    %dma_start3A_764 = tpu.memref_squeeze %dma_start3A_763 : memref<1x16x1024xf32, #tpu.memory_space<hbm>> -> memref<16x1024xf32, #tpu.memory_space<hbm>>
    tpu.enqueue_dma source(%dma_start3A_764 : memref<16x1024xf32, #tpu.memory_space<hbm>>) target(%dma_start3A_761 : memref<16x1024xf32, #tpu.memory_space<vmem>>) target_semaphore(%arg10 : memref<!tpu.dma_semaphore, #tpu.memory_space<semaphore_mem>>)
    %dma_wait3A_765 = arith.constant 2 : i32
    %dma_wait3A_766 = arith.constant 0 : i32
    %dma_wait3A_767 = arith.constant 0 : i32
    %dma_wait3A_768 = tpu.memref_slice %arg7[%dma_wait3A_765, %dma_wait3A_766, %dma_wait3A_767] : memref<3x16x1024xf32, #tpu.memory_space<vmem>> -> memref<1x16x1024xf32, #tpu.memory_space<vmem>>
    %dma_wait3A_769 = tpu.memref_squeeze %dma_wait3A_768 : memref<1x16x1024xf32, #tpu.memory_space<vmem>> -> memref<16x1024xf32, #tpu.memory_space<vmem>>
    %dma_wait3A_770 = arith.constant 128 : i32
    %dma_wait3A_771 = tpu.memref_slice %arg6[%dma_wait3A_770] : memref<256xi32, #tpu.memory_space<vmem>> -> memref<16xi32, #tpu.memory_space<vmem>>
    %dma_wait3A_772 = arith.constant 0 : i32
    %dma_wait3A_773 = arith.constant 0 : i32
    %dma_wait3A_774 = tpu.memref_slice %arg4[%dma_wait3A_772, %dma_wait3A_773] : memref<8192x1024xf32, #tpu.memory_space<hbm>> -> memref<8192x1024xf32, #tpu.memory_space<hbm>>
    tpu.wait_indirect_dma semaphore(%arg9 : memref<!tpu.dma_semaphore, #tpu.memory_space<semaphore_mem>>) src(%dma_wait3A_774 : memref<8192x1024xf32, #tpu.memory_space<hbm>>) dst(%dma_wait3A_769 : memref<16x1024xf32, #tpu.memory_space<vmem>>)
    %dma_wait3A_775 = arith.constant 2 : i32
    %dma_wait3A_776 = arith.constant 0 : i32
    %dma_wait3A_777 = arith.constant 0 : i32
    %dma_wait3A_778 = tpu.memref_slice %arg8[%dma_wait3A_775, %dma_wait3A_776, %dma_wait3A_777] : memref<3x16x1024xf32, #tpu.memory_space<vmem>> -> memref<1x16x1024xf32, #tpu.memory_space<vmem>>
    %dma_wait3A_779 = tpu.memref_squeeze %dma_wait3A_778 : memref<1x16x1024xf32, #tpu.memory_space<vmem>> -> memref<16x1024xf32, #tpu.memory_space<vmem>>
    %dma_wait3A_780 = arith.constant 0 : i32
    %dma_wait3A_781 = tpu.memref_slice %arg2[%select_n3A, %add3A_662, %dma_wait3A_780] : memref<4x2048x1024xf32, #tpu.memory_space<hbm>> -> memref<1x16x1024xf32, #tpu.memory_space<hbm>>
    %dma_wait3A_782 = tpu.memref_squeeze %dma_wait3A_781 : memref<1x16x1024xf32, #tpu.memory_space<hbm>> -> memref<16x1024xf32, #tpu.memory_space<hbm>>
    %dma_wait3A_783 = arith.constant 0 : i32
    %dma_wait3A_784 = arith.constant 0 : i32
    %dma_wait3A_785 = tpu.memref_slice %arg8[%dma_wait3A_775, %dma_wait3A_783, %dma_wait3A_784] : memref<3x16x1024xf32, #tpu.memory_space<vmem>> -> memref<1x16x1024xf32, #tpu.memory_space<vmem>>
    %dma_wait3A_786 = tpu.memref_squeeze %dma_wait3A_785 : memref<1x16x1024xf32, #tpu.memory_space<vmem>> -> memref<16x1024xf32, #tpu.memory_space<vmem>>
    %dma_wait3A_787 = arith.constant 0 : i32
    %dma_wait3A_788 = tpu.memref_slice %arg2[%select_n3A, %add3A_662, %dma_wait3A_787] : memref<4x2048x1024xf32, #tpu.memory_space<hbm>> -> memref<1x16x1024xf32, #tpu.memory_space<hbm>>
    %dma_wait3A_789 = tpu.memref_squeeze %dma_wait3A_788 : memref<1x16x1024xf32, #tpu.memory_space<hbm>> -> memref<16x1024xf32, #tpu.memory_space<hbm>>
    tpu.wait_dma2 semaphore(%arg10 : memref<!tpu.dma_semaphore, #tpu.memory_space<semaphore_mem>>) src(%dma_wait3A_789 : memref<16x1024xf32, #tpu.memory_space<hbm>>) dst(%dma_wait3A_786 : memref<16x1024xf32, #tpu.memory_space<vmem>>)
    %parallel_loop3A_790 = arith.constant 0 : i32
    %parallel_loop3A_791 = arith.constant 16 : i32
    %parallel_loop3A_792 = arith.constant 1 : i32
    scf.for %parallel_loop3A_1422 = %parallel_loop3A_790 to %parallel_loop3A_791 step %parallel_loop3A_792  : i32 {
      %parallel_loop3A_1423 = arith.constant 0 : i32
      %parallel_loop3A_1424 = arith.constant 1024 : i32
      %parallel_loop3A_1425 = arith.constant 16 : i32
      scf.for %parallel_loop3A_1426 = %parallel_loop3A_1423 to %parallel_loop3A_1424 step %parallel_loop3A_1425  : i32 {
        %parallel_loop3A_1427 = arith.constant 2 : i32
        %parallel_loop3A_1428 = arith.index_cast %parallel_loop3A_1427 : i32 to index
        %parallel_loop3A_1429 = arith.index_cast %parallel_loop3A_1422 : i32 to index
        %parallel_loop3A_1430 = arith.index_cast %parallel_loop3A_1426 : i32 to index
        %parallel_loop3A_1431 = tpu.vector_load %arg7[%parallel_loop3A_1428, %parallel_loop3A_1429, %parallel_loop3A_1430] {strides = array<i32>} : memref<3x16x1024xf32, #tpu.memory_space<vmem>>, vector<1x1x16xf32>,
        %parallel_loop3A_1432 = vector.shape_cast %parallel_loop3A_1431 : vector<1x1x16xf32> to vector<16xf32>
        %parallel_loop3A_1433 = arith.constant 2 : i32
        %parallel_loop3A_1434 = arith.index_cast %parallel_loop3A_1433 : i32 to index
        %parallel_loop3A_1435 = arith.index_cast %parallel_loop3A_1422 : i32 to index
        %parallel_loop3A_1436 = arith.index_cast %parallel_loop3A_1426 : i32 to index
        %parallel_loop3A_1437 = tpu.vector_load %arg8[%parallel_loop3A_1434, %parallel_loop3A_1435, %parallel_loop3A_1436] {strides = array<i32>} : memref<3x16x1024xf32, #tpu.memory_space<vmem>>, vector<1x1x16xf32>,
        %parallel_loop3A_1438 = vector.shape_cast %parallel_loop3A_1437 : vector<1x1x16xf32> to vector<16xf32>
        %parallel_loop3A_1439 = vector.shape_cast %parallel_loop3A_1432 : vector<16xf32> to vector<1x1x16xf32>
        tpu.vector_store %arg8[%parallel_loop3A_1434, %parallel_loop3A_1435, %parallel_loop3A_1436], %parallel_loop3A_1439 {add = true, strides = array<i32>} : memref<3x16x1024xf32, #tpu.memory_space<vmem>>, vector<1x1x16xf32>,
      } {sc.loop_unroll_factor = 8 : i64, sc.parallel_access}
    } {sc.loop_unroll_factor = 1 : i64, sc.parallel_access}
    %add3A_793 = arith.constant 128 : i32
    %add3A_794 = arith.addi %select_n3A_32, %add3A_793 : i32
    %dma_start3A_795 = arith.constant 2 : i32
    %dma_start3A_796 = arith.constant 0 : i32
    %dma_start3A_797 = arith.constant 0 : i32
    %dma_start3A_798 = tpu.memref_slice %arg8[%dma_start3A_795, %dma_start3A_796, %dma_start3A_797] : memref<3x16x1024xf32, #tpu.memory_space<vmem>> -> memref<1x16x1024xf32, #tpu.memory_space<vmem>>
    %dma_start3A_799 = tpu.memref_squeeze %dma_start3A_798 : memref<1x16x1024xf32, #tpu.memory_space<vmem>> -> memref<16x1024xf32, #tpu.memory_space<vmem>>
    %dma_start3A_800 = arith.constant 0 : i32
    %dma_start3A_801 = tpu.memref_slice %arg5[%select_n3A, %add3A_794, %dma_start3A_800] : memref<4x2048x1024xf32, #tpu.memory_space<hbm>> -> memref<1x16x1024xf32, #tpu.memory_space<hbm>>
    %dma_start3A_802 = tpu.memref_squeeze %dma_start3A_801 : memref<1x16x1024xf32, #tpu.memory_space<hbm>> -> memref<16x1024xf32, #tpu.memory_space<hbm>>
    %dma_start3A_803 = arith.constant 0 : i32
    %dma_start3A_804 = tpu.memref_slice %arg5[%select_n3A, %add3A_794, %dma_start3A_803] : memref<4x2048x1024xf32, #tpu.memory_space<hbm>> -> memref<1x16x1024xf32, #tpu.memory_space<hbm>>
    %dma_start3A_805 = tpu.memref_squeeze %dma_start3A_804 : memref<1x16x1024xf32, #tpu.memory_space<hbm>> -> memref<16x1024xf32, #tpu.memory_space<hbm>>
    %dma_start3A_806 = arith.constant 0 : i32
    %dma_start3A_807 = arith.constant 0 : i32
    %dma_start3A_808 = tpu.memref_slice %arg8[%dma_start3A_795, %dma_start3A_806, %dma_start3A_807] : memref<3x16x1024xf32, #tpu.memory_space<vmem>> -> memref<1x16x1024xf32, #tpu.memory_space<vmem>>
    %dma_start3A_809 = tpu.memref_squeeze %dma_start3A_808 : memref<1x16x1024xf32, #tpu.memory_space<vmem>> -> memref<16x1024xf32, #tpu.memory_space<vmem>>
    tpu.enqueue_dma source(%dma_start3A_809 : memref<16x1024xf32, #tpu.memory_space<vmem>>) target(%dma_start3A_805 : memref<16x1024xf32, #tpu.memory_space<hbm>>) target_semaphore(%arg11 : memref<!tpu.dma_semaphore, #tpu.memory_space<semaphore_mem>>)
    %dma_wait3A_810 = arith.constant 1 : i32
    %dma_wait3A_811 = arith.constant 0 : i32
    %dma_wait3A_812 = arith.constant 0 : i32
    %dma_wait3A_813 = tpu.memref_slice %arg8[%dma_wait3A_810, %dma_wait3A_811, %dma_wait3A_812] : memref<3x16x1024xf32, #tpu.memory_space<vmem>> -> memref<1x16x1024xf32, #tpu.memory_space<vmem>>
    %dma_wait3A_814 = tpu.memref_squeeze %dma_wait3A_813 : memref<1x16x1024xf32, #tpu.memory_space<vmem>> -> memref<16x1024xf32, #tpu.memory_space<vmem>>
    %dma_wait3A_815 = arith.constant 0 : i32
    %dma_wait3A_816 = tpu.memref_slice %arg5[%select_n3A, %add3A_707, %dma_wait3A_815] : memref<4x2048x1024xf32, #tpu.memory_space<hbm>> -> memref<1x16x1024xf32, #tpu.memory_space<hbm>>
    %dma_wait3A_817 = tpu.memref_squeeze %dma_wait3A_816 : memref<1x16x1024xf32, #tpu.memory_space<hbm>> -> memref<16x1024xf32, #tpu.memory_space<hbm>>
    %dma_wait3A_818 = arith.constant 0 : i32
    %dma_wait3A_819 = tpu.memref_slice %arg5[%select_n3A, %add3A_707, %dma_wait3A_818] : memref<4x2048x1024xf32, #tpu.memory_space<hbm>> -> memref<1x16x1024xf32, #tpu.memory_space<hbm>>
    %dma_wait3A_820 = tpu.memref_squeeze %dma_wait3A_819 : memref<1x16x1024xf32, #tpu.memory_space<hbm>> -> memref<16x1024xf32, #tpu.memory_space<hbm>>
    %dma_wait3A_821 = arith.constant 0 : i32
    %dma_wait3A_822 = arith.constant 0 : i32
    %dma_wait3A_823 = tpu.memref_slice %arg8[%dma_wait3A_810, %dma_wait3A_821, %dma_wait3A_822] : memref<3x16x1024xf32, #tpu.memory_space<vmem>> -> memref<1x16x1024xf32, #tpu.memory_space<vmem>>
    %dma_wait3A_824 = tpu.memref_squeeze %dma_wait3A_823 : memref<1x16x1024xf32, #tpu.memory_space<vmem>> -> memref<16x1024xf32, #tpu.memory_space<vmem>>
    tpu.wait_dma2 semaphore(%arg11 : memref<!tpu.dma_semaphore, #tpu.memory_space<semaphore_mem>>) src(%dma_wait3A_824 : memref<16x1024xf32, #tpu.memory_space<vmem>>) dst(%dma_wait3A_820 : memref<16x1024xf32, #tpu.memory_space<hbm>>)
    %dma_start3A_825 = arith.constant 1 : i32
    %dma_start3A_826 = arith.constant 0 : i32
    %dma_start3A_827 = arith.constant 0 : i32
    %dma_start3A_828 = tpu.memref_slice %arg7[%dma_start3A_825, %dma_start3A_826, %dma_start3A_827] : memref<3x16x1024xf32, #tpu.memory_space<vmem>> -> memref<1x16x1024xf32, #tpu.memory_space<vmem>>
    %dma_start3A_829 = tpu.memref_squeeze %dma_start3A_828 : memref<1x16x1024xf32, #tpu.memory_space<vmem>> -> memref<16x1024xf32, #tpu.memory_space<vmem>>
    %dma_start3A_830 = arith.constant 160 : i32
    %dma_start3A_831 = tpu.memref_slice %arg6[%dma_start3A_830] : memref<256xi32, #tpu.memory_space<vmem>> -> memref<16xi32, #tpu.memory_space<vmem>>
    %dma_start3A_832 = arith.constant 0 : i32
    %dma_start3A_833 = arith.constant 0 : i32
    %dma_start3A_834 = tpu.memref_slice %arg4[%dma_start3A_832, %dma_start3A_833] : memref<8192x1024xf32, #tpu.memory_space<hbm>> -> memref<8192x1024xf32, #tpu.memory_space<hbm>>
    tpu.enqueue_indirect_dma source(%dma_start3A_834 : memref<8192x1024xf32, #tpu.memory_space<hbm>>) target(%dma_start3A_829 : memref<16x1024xf32, #tpu.memory_space<vmem>>) offsets(%dma_start3A_831 : memref<16xi32, #tpu.memory_space<vmem>>) semaphore(%arg9 : memref<!tpu.dma_semaphore, #tpu.memory_space<semaphore_mem>>)
    %add3A_835 = arith.constant 160 : i32
    %add3A_836 = arith.addi %select_n3A_32, %add3A_835 : i32
    %dma_start3A_837 = arith.constant 1 : i32
    %dma_start3A_838 = arith.constant 0 : i32
    %dma_start3A_839 = arith.constant 0 : i32
    %dma_start3A_840 = tpu.memref_slice %arg8[%dma_start3A_837, %dma_start3A_838, %dma_start3A_839] : memref<3x16x1024xf32, #tpu.memory_space<vmem>> -> memref<1x16x1024xf32, #tpu.memory_space<vmem>>
    %dma_start3A_841 = tpu.memref_squeeze %dma_start3A_840 : memref<1x16x1024xf32, #tpu.memory_space<vmem>> -> memref<16x1024xf32, #tpu.memory_space<vmem>>
    %dma_start3A_842 = arith.constant 0 : i32
    %dma_start3A_843 = tpu.memref_slice %arg2[%select_n3A, %add3A_836, %dma_start3A_842] : memref<4x2048x1024xf32, #tpu.memory_space<hbm>> -> memref<1x16x1024xf32, #tpu.memory_space<hbm>>
    %dma_start3A_844 = tpu.memref_squeeze %dma_start3A_843 : memref<1x16x1024xf32, #tpu.memory_space<hbm>> -> memref<16x1024xf32, #tpu.memory_space<hbm>>
    %dma_start3A_845 = arith.constant 0 : i32
    %dma_start3A_846 = arith.constant 0 : i32
    %dma_start3A_847 = tpu.memref_slice %arg8[%dma_start3A_837, %dma_start3A_845, %dma_start3A_846] : memref<3x16x1024xf32, #tpu.memory_space<vmem>> -> memref<1x16x1024xf32, #tpu.memory_space<vmem>>
    %dma_start3A_848 = tpu.memref_squeeze %dma_start3A_847 : memref<1x16x1024xf32, #tpu.memory_space<vmem>> -> memref<16x1024xf32, #tpu.memory_space<vmem>>
    %dma_start3A_849 = arith.constant 0 : i32
    %dma_start3A_850 = tpu.memref_slice %arg2[%select_n3A, %add3A_836, %dma_start3A_849] : memref<4x2048x1024xf32, #tpu.memory_space<hbm>> -> memref<1x16x1024xf32, #tpu.memory_space<hbm>>
    %dma_start3A_851 = tpu.memref_squeeze %dma_start3A_850 : memref<1x16x1024xf32, #tpu.memory_space<hbm>> -> memref<16x1024xf32, #tpu.memory_space<hbm>>
    tpu.enqueue_dma source(%dma_start3A_851 : memref<16x1024xf32, #tpu.memory_space<hbm>>) target(%dma_start3A_848 : memref<16x1024xf32, #tpu.memory_space<vmem>>) target_semaphore(%arg10 : memref<!tpu.dma_semaphore, #tpu.memory_space<semaphore_mem>>)
    %dma_wait3A_852 = arith.constant 0 : i32
    %dma_wait3A_853 = arith.constant 0 : i32
    %dma_wait3A_854 = arith.constant 0 : i32
    %dma_wait3A_855 = tpu.memref_slice %arg7[%dma_wait3A_852, %dma_wait3A_853, %dma_wait3A_854] : memref<3x16x1024xf32, #tpu.memory_space<vmem>> -> memref<1x16x1024xf32, #tpu.memory_space<vmem>>
    %dma_wait3A_856 = tpu.memref_squeeze %dma_wait3A_855 : memref<1x16x1024xf32, #tpu.memory_space<vmem>> -> memref<16x1024xf32, #tpu.memory_space<vmem>>
    %dma_wait3A_857 = arith.constant 144 : i32
    %dma_wait3A_858 = tpu.memref_slice %arg6[%dma_wait3A_857] : memref<256xi32, #tpu.memory_space<vmem>> -> memref<16xi32, #tpu.memory_space<vmem>>
    %dma_wait3A_859 = arith.constant 0 : i32
    %dma_wait3A_860 = arith.constant 0 : i32
    %dma_wait3A_861 = tpu.memref_slice %arg4[%dma_wait3A_859, %dma_wait3A_860] : memref<8192x1024xf32, #tpu.memory_space<hbm>> -> memref<8192x1024xf32, #tpu.memory_space<hbm>>
    tpu.wait_indirect_dma semaphore(%arg9 : memref<!tpu.dma_semaphore, #tpu.memory_space<semaphore_mem>>) src(%dma_wait3A_861 : memref<8192x1024xf32, #tpu.memory_space<hbm>>) dst(%dma_wait3A_856 : memref<16x1024xf32, #tpu.memory_space<vmem>>)
    %dma_wait3A_862 = arith.constant 0 : i32
    %dma_wait3A_863 = arith.constant 0 : i32
    %dma_wait3A_864 = arith.constant 0 : i32
    %dma_wait3A_865 = tpu.memref_slice %arg8[%dma_wait3A_862, %dma_wait3A_863, %dma_wait3A_864] : memref<3x16x1024xf32, #tpu.memory_space<vmem>> -> memref<1x16x1024xf32, #tpu.memory_space<vmem>>
    %dma_wait3A_866 = tpu.memref_squeeze %dma_wait3A_865 : memref<1x16x1024xf32, #tpu.memory_space<vmem>> -> memref<16x1024xf32, #tpu.memory_space<vmem>>
    %dma_wait3A_867 = arith.constant 0 : i32
    %dma_wait3A_868 = tpu.memref_slice %arg2[%select_n3A, %add3A_749, %dma_wait3A_867] : memref<4x2048x1024xf32, #tpu.memory_space<hbm>> -> memref<1x16x1024xf32, #tpu.memory_space<hbm>>
    %dma_wait3A_869 = tpu.memref_squeeze %dma_wait3A_868 : memref<1x16x1024xf32, #tpu.memory_space<hbm>> -> memref<16x1024xf32, #tpu.memory_space<hbm>>
    %dma_wait3A_870 = arith.constant 0 : i32
    %dma_wait3A_871 = arith.constant 0 : i32
    %dma_wait3A_872 = tpu.memref_slice %arg8[%dma_wait3A_862, %dma_wait3A_870, %dma_wait3A_871] : memref<3x16x1024xf32, #tpu.memory_space<vmem>> -> memref<1x16x1024xf32, #tpu.memory_space<vmem>>
    %dma_wait3A_873 = tpu.memref_squeeze %dma_wait3A_872 : memref<1x16x1024xf32, #tpu.memory_space<vmem>> -> memref<16x1024xf32, #tpu.memory_space<vmem>>
    %dma_wait3A_874 = arith.constant 0 : i32
    %dma_wait3A_875 = tpu.memref_slice %arg2[%select_n3A, %add3A_749, %dma_wait3A_874] : memref<4x2048x1024xf32, #tpu.memory_space<hbm>> -> memref<1x16x1024xf32, #tpu.memory_space<hbm>>
    %dma_wait3A_876 = tpu.memref_squeeze %dma_wait3A_875 : memref<1x16x1024xf32, #tpu.memory_space<hbm>> -> memref<16x1024xf32, #tpu.memory_space<hbm>>
    tpu.wait_dma2 semaphore(%arg10 : memref<!tpu.dma_semaphore, #tpu.memory_space<semaphore_mem>>) src(%dma_wait3A_876 : memref<16x1024xf32, #tpu.memory_space<hbm>>) dst(%dma_wait3A_873 : memref<16x1024xf32, #tpu.memory_space<vmem>>)
    %parallel_loop3A_877 = arith.constant 0 : i32
    %parallel_loop3A_878 = arith.constant 16 : i32
    %parallel_loop3A_879 = arith.constant 1 : i32
    scf.for %parallel_loop3A_1422 = %parallel_loop3A_877 to %parallel_loop3A_878 step %parallel_loop3A_879  : i32 {
      %parallel_loop3A_1423 = arith.constant 0 : i32
      %parallel_loop3A_1424 = arith.constant 1024 : i32
      %parallel_loop3A_1425 = arith.constant 16 : i32
      scf.for %parallel_loop3A_1426 = %parallel_loop3A_1423 to %parallel_loop3A_1424 step %parallel_loop3A_1425  : i32 {
        %parallel_loop3A_1427 = arith.constant 0 : i32
        %parallel_loop3A_1428 = arith.index_cast %parallel_loop3A_1427 : i32 to index
        %parallel_loop3A_1429 = arith.index_cast %parallel_loop3A_1422 : i32 to index
        %parallel_loop3A_1430 = arith.index_cast %parallel_loop3A_1426 : i32 to index
        %parallel_loop3A_1431 = tpu.vector_load %arg7[%parallel_loop3A_1428, %parallel_loop3A_1429, %parallel_loop3A_1430] {strides = array<i32>} : memref<3x16x1024xf32, #tpu.memory_space<vmem>>, vector<1x1x16xf32>,
        %parallel_loop3A_1432 = vector.shape_cast %parallel_loop3A_1431 : vector<1x1x16xf32> to vector<16xf32>
        %parallel_loop3A_1433 = arith.constant 0 : i32
        %parallel_loop3A_1434 = arith.index_cast %parallel_loop3A_1433 : i32 to index
        %parallel_loop3A_1435 = arith.index_cast %parallel_loop3A_1422 : i32 to index
        %parallel_loop3A_1436 = arith.index_cast %parallel_loop3A_1426 : i32 to index
        %parallel_loop3A_1437 = tpu.vector_load %arg8[%parallel_loop3A_1434, %parallel_loop3A_1435, %parallel_loop3A_1436] {strides = array<i32>} : memref<3x16x1024xf32, #tpu.memory_space<vmem>>, vector<1x1x16xf32>,
        %parallel_loop3A_1438 = vector.shape_cast %parallel_loop3A_1437 : vector<1x1x16xf32> to vector<16xf32>
        %parallel_loop3A_1439 = vector.shape_cast %parallel_loop3A_1432 : vector<16xf32> to vector<1x1x16xf32>
        tpu.vector_store %arg8[%parallel_loop3A_1434, %parallel_loop3A_1435, %parallel_loop3A_1436], %parallel_loop3A_1439 {add = true, strides = array<i32>} : memref<3x16x1024xf32, #tpu.memory_space<vmem>>, vector<1x1x16xf32>,
      } {sc.loop_unroll_factor = 8 : i64, sc.parallel_access}
    } {sc.loop_unroll_factor = 1 : i64, sc.parallel_access}
    %add3A_880 = arith.constant 144 : i32
    %add3A_881 = arith.addi %select_n3A_32, %add3A_880 : i32
    %dma_start3A_882 = arith.constant 0 : i32
    %dma_start3A_883 = arith.constant 0 : i32
    %dma_start3A_884 = arith.constant 0 : i32
    %dma_start3A_885 = tpu.memref_slice %arg8[%dma_start3A_882, %dma_start3A_883, %dma_start3A_884] : memref<3x16x1024xf32, #tpu.memory_space<vmem>> -> memref<1x16x1024xf32, #tpu.memory_space<vmem>>
    %dma_start3A_886 = tpu.memref_squeeze %dma_start3A_885 : memref<1x16x1024xf32, #tpu.memory_space<vmem>> -> memref<16x1024xf32, #tpu.memory_space<vmem>>
    %dma_start3A_887 = arith.constant 0 : i32
    %dma_start3A_888 = tpu.memref_slice %arg5[%select_n3A, %add3A_881, %dma_start3A_887] : memref<4x2048x1024xf32, #tpu.memory_space<hbm>> -> memref<1x16x1024xf32, #tpu.memory_space<hbm>>
    %dma_start3A_889 = tpu.memref_squeeze %dma_start3A_888 : memref<1x16x1024xf32, #tpu.memory_space<hbm>> -> memref<16x1024xf32, #tpu.memory_space<hbm>>
    %dma_start3A_890 = arith.constant 0 : i32
    %dma_start3A_891 = tpu.memref_slice %arg5[%select_n3A, %add3A_881, %dma_start3A_890] : memref<4x2048x1024xf32, #tpu.memory_space<hbm>> -> memref<1x16x1024xf32, #tpu.memory_space<hbm>>
    %dma_start3A_892 = tpu.memref_squeeze %dma_start3A_891 : memref<1x16x1024xf32, #tpu.memory_space<hbm>> -> memref<16x1024xf32, #tpu.memory_space<hbm>>
    %dma_start3A_893 = arith.constant 0 : i32
    %dma_start3A_894 = arith.constant 0 : i32
    %dma_start3A_895 = tpu.memref_slice %arg8[%dma_start3A_882, %dma_start3A_893, %dma_start3A_894] : memref<3x16x1024xf32, #tpu.memory_space<vmem>> -> memref<1x16x1024xf32, #tpu.memory_space<vmem>>
    %dma_start3A_896 = tpu.memref_squeeze %dma_start3A_895 : memref<1x16x1024xf32, #tpu.memory_space<vmem>> -> memref<16x1024xf32, #tpu.memory_space<vmem>>
    tpu.enqueue_dma source(%dma_start3A_896 : memref<16x1024xf32, #tpu.memory_space<vmem>>) target(%dma_start3A_892 : memref<16x1024xf32, #tpu.memory_space<hbm>>) target_semaphore(%arg11 : memref<!tpu.dma_semaphore, #tpu.memory_space<semaphore_mem>>)
    %dma_wait3A_897 = arith.constant 2 : i32
    %dma_wait3A_898 = arith.constant 0 : i32
    %dma_wait3A_899 = arith.constant 0 : i32
    %dma_wait3A_900 = tpu.memref_slice %arg8[%dma_wait3A_897, %dma_wait3A_898, %dma_wait3A_899] : memref<3x16x1024xf32, #tpu.memory_space<vmem>> -> memref<1x16x1024xf32, #tpu.memory_space<vmem>>
    %dma_wait3A_901 = tpu.memref_squeeze %dma_wait3A_900 : memref<1x16x1024xf32, #tpu.memory_space<vmem>> -> memref<16x1024xf32, #tpu.memory_space<vmem>>
    %dma_wait3A_902 = arith.constant 0 : i32
    %dma_wait3A_903 = tpu.memref_slice %arg5[%select_n3A, %add3A_794, %dma_wait3A_902] : memref<4x2048x1024xf32, #tpu.memory_space<hbm>> -> memref<1x16x1024xf32, #tpu.memory_space<hbm>>
    %dma_wait3A_904 = tpu.memref_squeeze %dma_wait3A_903 : memref<1x16x1024xf32, #tpu.memory_space<hbm>> -> memref<16x1024xf32, #tpu.memory_space<hbm>>
    %dma_wait3A_905 = arith.constant 0 : i32
    %dma_wait3A_906 = tpu.memref_slice %arg5[%select_n3A, %add3A_794, %dma_wait3A_905] : memref<4x2048x1024xf32, #tpu.memory_space<hbm>> -> memref<1x16x1024xf32, #tpu.memory_space<hbm>>
    %dma_wait3A_907 = tpu.memref_squeeze %dma_wait3A_906 : memref<1x16x1024xf32, #tpu.memory_space<hbm>> -> memref<16x1024xf32, #tpu.memory_space<hbm>>
    %dma_wait3A_908 = arith.constant 0 : i32
    %dma_wait3A_909 = arith.constant 0 : i32
    %dma_wait3A_910 = tpu.memref_slice %arg8[%dma_wait3A_897, %dma_wait3A_908, %dma_wait3A_909] : memref<3x16x1024xf32, #tpu.memory_space<vmem>> -> memref<1x16x1024xf32, #tpu.memory_space<vmem>>
    %dma_wait3A_911 = tpu.memref_squeeze %dma_wait3A_910 : memref<1x16x1024xf32, #tpu.memory_space<vmem>> -> memref<16x1024xf32, #tpu.memory_space<vmem>>
    tpu.wait_dma2 semaphore(%arg11 : memref<!tpu.dma_semaphore, #tpu.memory_space<semaphore_mem>>) src(%dma_wait3A_911 : memref<16x1024xf32, #tpu.memory_space<vmem>>) dst(%dma_wait3A_907 : memref<16x1024xf32, #tpu.memory_space<hbm>>)
    %dma_start3A_912 = arith.constant 2 : i32
    %dma_start3A_913 = arith.constant 0 : i32
    %dma_start3A_914 = arith.constant 0 : i32
    %dma_start3A_915 = tpu.memref_slice %arg7[%dma_start3A_912, %dma_start3A_913, %dma_start3A_914] : memref<3x16x1024xf32, #tpu.memory_space<vmem>> -> memref<1x16x1024xf32, #tpu.memory_space<vmem>>
    %dma_start3A_916 = tpu.memref_squeeze %dma_start3A_915 : memref<1x16x1024xf32, #tpu.memory_space<vmem>> -> memref<16x1024xf32, #tpu.memory_space<vmem>>
    %dma_start3A_917 = arith.constant 176 : i32
    %dma_start3A_918 = tpu.memref_slice %arg6[%dma_start3A_917] : memref<256xi32, #tpu.memory_space<vmem>> -> memref<16xi32, #tpu.memory_space<vmem>>
    %dma_start3A_919 = arith.constant 0 : i32
    %dma_start3A_920 = arith.constant 0 : i32
    %dma_start3A_921 = tpu.memref_slice %arg4[%dma_start3A_919, %dma_start3A_920] : memref<8192x1024xf32, #tpu.memory_space<hbm>> -> memref<8192x1024xf32, #tpu.memory_space<hbm>>
    tpu.enqueue_indirect_dma source(%dma_start3A_921 : memref<8192x1024xf32, #tpu.memory_space<hbm>>) target(%dma_start3A_916 : memref<16x1024xf32, #tpu.memory_space<vmem>>) offsets(%dma_start3A_918 : memref<16xi32, #tpu.memory_space<vmem>>) semaphore(%arg9 : memref<!tpu.dma_semaphore, #tpu.memory_space<semaphore_mem>>)
    %add3A_922 = arith.constant 176 : i32
    %add3A_923 = arith.addi %select_n3A_32, %add3A_922 : i32
    %dma_start3A_924 = arith.constant 2 : i32
    %dma_start3A_925 = arith.constant 0 : i32
    %dma_start3A_926 = arith.constant 0 : i32
    %dma_start3A_927 = tpu.memref_slice %arg8[%dma_start3A_924, %dma_start3A_925, %dma_start3A_926] : memref<3x16x1024xf32, #tpu.memory_space<vmem>> -> memref<1x16x1024xf32, #tpu.memory_space<vmem>>
    %dma_start3A_928 = tpu.memref_squeeze %dma_start3A_927 : memref<1x16x1024xf32, #tpu.memory_space<vmem>> -> memref<16x1024xf32, #tpu.memory_space<vmem>>
    %dma_start3A_929 = arith.constant 0 : i32
    %dma_start3A_930 = tpu.memref_slice %arg2[%select_n3A, %add3A_923, %dma_start3A_929] : memref<4x2048x1024xf32, #tpu.memory_space<hbm>> -> memref<1x16x1024xf32, #tpu.memory_space<hbm>>
    %dma_start3A_931 = tpu.memref_squeeze %dma_start3A_930 : memref<1x16x1024xf32, #tpu.memory_space<hbm>> -> memref<16x1024xf32, #tpu.memory_space<hbm>>
    %dma_start3A_932 = arith.constant 0 : i32
    %dma_start3A_933 = arith.constant 0 : i32
    %dma_start3A_934 = tpu.memref_slice %arg8[%dma_start3A_924, %dma_start3A_932, %dma_start3A_933] : memref<3x16x1024xf32, #tpu.memory_space<vmem>> -> memref<1x16x1024xf32, #tpu.memory_space<vmem>>
    %dma_start3A_935 = tpu.memref_squeeze %dma_start3A_934 : memref<1x16x1024xf32, #tpu.memory_space<vmem>> -> memref<16x1024xf32, #tpu.memory_space<vmem>>
    %dma_start3A_936 = arith.constant 0 : i32
    %dma_start3A_937 = tpu.memref_slice %arg2[%select_n3A, %add3A_923, %dma_start3A_936] : memref<4x2048x1024xf32, #tpu.memory_space<hbm>> -> memref<1x16x1024xf32, #tpu.memory_space<hbm>>
    %dma_start3A_938 = tpu.memref_squeeze %dma_start3A_937 : memref<1x16x1024xf32, #tpu.memory_space<hbm>> -> memref<16x1024xf32, #tpu.memory_space<hbm>>
    tpu.enqueue_dma source(%dma_start3A_938 : memref<16x1024xf32, #tpu.memory_space<hbm>>) target(%dma_start3A_935 : memref<16x1024xf32, #tpu.memory_space<vmem>>) target_semaphore(%arg10 : memref<!tpu.dma_semaphore, #tpu.memory_space<semaphore_mem>>)
    %dma_wait3A_939 = arith.constant 1 : i32
    %dma_wait3A_940 = arith.constant 0 : i32
    %dma_wait3A_941 = arith.constant 0 : i32
    %dma_wait3A_942 = tpu.memref_slice %arg7[%dma_wait3A_939, %dma_wait3A_940, %dma_wait3A_941] : memref<3x16x1024xf32, #tpu.memory_space<vmem>> -> memref<1x16x1024xf32, #tpu.memory_space<vmem>>
    %dma_wait3A_943 = tpu.memref_squeeze %dma_wait3A_942 : memref<1x16x1024xf32, #tpu.memory_space<vmem>> -> memref<16x1024xf32, #tpu.memory_space<vmem>>
    %dma_wait3A_944 = arith.constant 160 : i32
    %dma_wait3A_945 = tpu.memref_slice %arg6[%dma_wait3A_944] : memref<256xi32, #tpu.memory_space<vmem>> -> memref<16xi32, #tpu.memory_space<vmem>>
    %dma_wait3A_946 = arith.constant 0 : i32
    %dma_wait3A_947 = arith.constant 0 : i32
    %dma_wait3A_948 = tpu.memref_slice %arg4[%dma_wait3A_946, %dma_wait3A_947] : memref<8192x1024xf32, #tpu.memory_space<hbm>> -> memref<8192x1024xf32, #tpu.memory_space<hbm>>
    tpu.wait_indirect_dma semaphore(%arg9 : memref<!tpu.dma_semaphore, #tpu.memory_space<semaphore_mem>>) src(%dma_wait3A_948 : memref<8192x1024xf32, #tpu.memory_space<hbm>>) dst(%dma_wait3A_943 : memref<16x1024xf32, #tpu.memory_space<vmem>>)
    %dma_wait3A_949 = arith.constant 1 : i32
    %dma_wait3A_950 = arith.constant 0 : i32
    %dma_wait3A_951 = arith.constant 0 : i32
    %dma_wait3A_952 = tpu.memref_slice %arg8[%dma_wait3A_949, %dma_wait3A_950, %dma_wait3A_951] : memref<3x16x1024xf32, #tpu.memory_space<vmem>> -> memref<1x16x1024xf32, #tpu.memory_space<vmem>>
    %dma_wait3A_953 = tpu.memref_squeeze %dma_wait3A_952 : memref<1x16x1024xf32, #tpu.memory_space<vmem>> -> memref<16x1024xf32, #tpu.memory_space<vmem>>
    %dma_wait3A_954 = arith.constant 0 : i32
    %dma_wait3A_955 = tpu.memref_slice %arg2[%select_n3A, %add3A_836, %dma_wait3A_954] : memref<4x2048x1024xf32, #tpu.memory_space<hbm>> -> memref<1x16x1024xf32, #tpu.memory_space<hbm>>
    %dma_wait3A_956 = tpu.memref_squeeze %dma_wait3A_955 : memref<1x16x1024xf32, #tpu.memory_space<hbm>> -> memref<16x1024xf32, #tpu.memory_space<hbm>>
    %dma_wait3A_957 = arith.constant 0 : i32
    %dma_wait3A_958 = arith.constant 0 : i32
    %dma_wait3A_959 = tpu.memref_slice %arg8[%dma_wait3A_949, %dma_wait3A_957, %dma_wait3A_958] : memref<3x16x1024xf32, #tpu.memory_space<vmem>> -> memref<1x16x1024xf32, #tpu.memory_space<vmem>>
    %dma_wait3A_960 = tpu.memref_squeeze %dma_wait3A_959 : memref<1x16x1024xf32, #tpu.memory_space<vmem>> -> memref<16x1024xf32, #tpu.memory_space<vmem>>
    %dma_wait3A_961 = arith.constant 0 : i32
    %dma_wait3A_962 = tpu.memref_slice %arg2[%select_n3A, %add3A_836, %dma_wait3A_961] : memref<4x2048x1024xf32, #tpu.memory_space<hbm>> -> memref<1x16x1024xf32, #tpu.memory_space<hbm>>
    %dma_wait3A_963 = tpu.memref_squeeze %dma_wait3A_962 : memref<1x16x1024xf32, #tpu.memory_space<hbm>> -> memref<16x1024xf32, #tpu.memory_space<hbm>>
    tpu.wait_dma2 semaphore(%arg10 : memref<!tpu.dma_semaphore, #tpu.memory_space<semaphore_mem>>) src(%dma_wait3A_963 : memref<16x1024xf32, #tpu.memory_space<hbm>>) dst(%dma_wait3A_960 : memref<16x1024xf32, #tpu.memory_space<vmem>>)
    %parallel_loop3A_964 = arith.constant 0 : i32
    %parallel_loop3A_965 = arith.constant 16 : i32
    %parallel_loop3A_966 = arith.constant 1 : i32
    scf.for %parallel_loop3A_1422 = %parallel_loop3A_964 to %parallel_loop3A_965 step %parallel_loop3A_966  : i32 {
      %parallel_loop3A_1423 = arith.constant 0 : i32
      %parallel_loop3A_1424 = arith.constant 1024 : i32
      %parallel_loop3A_1425 = arith.constant 16 : i32
      scf.for %parallel_loop3A_1426 = %parallel_loop3A_1423 to %parallel_loop3A_1424 step %parallel_loop3A_1425  : i32 {
        %parallel_loop3A_1427 = arith.constant 1 : i32
        %parallel_loop3A_1428 = arith.index_cast %parallel_loop3A_1427 : i32 to index
        %parallel_loop3A_1429 = arith.index_cast %parallel_loop3A_1422 : i32 to index
        %parallel_loop3A_1430 = arith.index_cast %parallel_loop3A_1426 : i32 to index
        %parallel_loop3A_1431 = tpu.vector_load %arg7[%parallel_loop3A_1428, %parallel_loop3A_1429, %parallel_loop3A_1430] {strides = array<i32>} : memref<3x16x1024xf32, #tpu.memory_space<vmem>>, vector<1x1x16xf32>,
        %parallel_loop3A_1432 = vector.shape_cast %parallel_loop3A_1431 : vector<1x1x16xf32> to vector<16xf32>
        %parallel_loop3A_1433 = arith.constant 1 : i32
        %parallel_loop3A_1434 = arith.index_cast %parallel_loop3A_1433 : i32 to index
        %parallel_loop3A_1435 = arith.index_cast %parallel_loop3A_1422 : i32 to index
        %parallel_loop3A_1436 = arith.index_cast %parallel_loop3A_1426 : i32 to index
        %parallel_loop3A_1437 = tpu.vector_load %arg8[%parallel_loop3A_1434, %parallel_loop3A_1435, %parallel_loop3A_1436] {strides = array<i32>} : memref<3x16x1024xf32, #tpu.memory_space<vmem>>, vector<1x1x16xf32>,
        %parallel_loop3A_1438 = vector.shape_cast %parallel_loop3A_1437 : vector<1x1x16xf32> to vector<16xf32>
        %parallel_loop3A_1439 = vector.shape_cast %parallel_loop3A_1432 : vector<16xf32> to vector<1x1x16xf32>
        tpu.vector_store %arg8[%parallel_loop3A_1434, %parallel_loop3A_1435, %parallel_loop3A_1436], %parallel_loop3A_1439 {add = true, strides = array<i32>} : memref<3x16x1024xf32, #tpu.memory_space<vmem>>, vector<1x1x16xf32>,
      } {sc.loop_unroll_factor = 8 : i64, sc.parallel_access}
    } {sc.loop_unroll_factor = 1 : i64, sc.parallel_access}
    %add3A_967 = arith.constant 160 : i32
    %add3A_968 = arith.addi %select_n3A_32, %add3A_967 : i32
    %dma_start3A_969 = arith.constant 1 : i32
    %dma_start3A_970 = arith.constant 0 : i32
    %dma_start3A_971 = arith.constant 0 : i32
    %dma_start3A_972 = tpu.memref_slice %arg8[%dma_start3A_969, %dma_start3A_970, %dma_start3A_971] : memref<3x16x1024xf32, #tpu.memory_space<vmem>> -> memref<1x16x1024xf32, #tpu.memory_space<vmem>>
    %dma_start3A_973 = tpu.memref_squeeze %dma_start3A_972 : memref<1x16x1024xf32, #tpu.memory_space<vmem>> -> memref<16x1024xf32, #tpu.memory_space<vmem>>
    %dma_start3A_974 = arith.constant 0 : i32
    %dma_start3A_975 = tpu.memref_slice %arg5[%select_n3A, %add3A_968, %dma_start3A_974] : memref<4x2048x1024xf32, #tpu.memory_space<hbm>> -> memref<1x16x1024xf32, #tpu.memory_space<hbm>>
    %dma_start3A_976 = tpu.memref_squeeze %dma_start3A_975 : memref<1x16x1024xf32, #tpu.memory_space<hbm>> -> memref<16x1024xf32, #tpu.memory_space<hbm>>
    %dma_start3A_977 = arith.constant 0 : i32
    %dma_start3A_978 = tpu.memref_slice %arg5[%select_n3A, %add3A_968, %dma_start3A_977] : memref<4x2048x1024xf32, #tpu.memory_space<hbm>> -> memref<1x16x1024xf32, #tpu.memory_space<hbm>>
    %dma_start3A_979 = tpu.memref_squeeze %dma_start3A_978 : memref<1x16x1024xf32, #tpu.memory_space<hbm>> -> memref<16x1024xf32, #tpu.memory_space<hbm>>
    %dma_start3A_980 = arith.constant 0 : i32
    %dma_start3A_981 = arith.constant 0 : i32
    %dma_start3A_982 = tpu.memref_slice %arg8[%dma_start3A_969, %dma_start3A_980, %dma_start3A_981] : memref<3x16x1024xf32, #tpu.memory_space<vmem>> -> memref<1x16x1024xf32, #tpu.memory_space<vmem>>
    %dma_start3A_983 = tpu.memref_squeeze %dma_start3A_982 : memref<1x16x1024xf32, #tpu.memory_space<vmem>> -> memref<16x1024xf32, #tpu.memory_space<vmem>>
    tpu.enqueue_dma source(%dma_start3A_983 : memref<16x1024xf32, #tpu.memory_space<vmem>>) target(%dma_start3A_979 : memref<16x1024xf32, #tpu.memory_space<hbm>>) target_semaphore(%arg11 : memref<!tpu.dma_semaphore, #tpu.memory_space<semaphore_mem>>)
    %dma_wait3A_984 = arith.constant 0 : i32
    %dma_wait3A_985 = arith.constant 0 : i32
    %dma_wait3A_986 = arith.constant 0 : i32
    %dma_wait3A_987 = tpu.memref_slice %arg8[%dma_wait3A_984, %dma_wait3A_985, %dma_wait3A_986] : memref<3x16x1024xf32, #tpu.memory_space<vmem>> -> memref<1x16x1024xf32, #tpu.memory_space<vmem>>
    %dma_wait3A_988 = tpu.memref_squeeze %dma_wait3A_987 : memref<1x16x1024xf32, #tpu.memory_space<vmem>> -> memref<16x1024xf32, #tpu.memory_space<vmem>>
    %dma_wait3A_989 = arith.constant 0 : i32
    %dma_wait3A_990 = tpu.memref_slice %arg5[%select_n3A, %add3A_881, %dma_wait3A_989] : memref<4x2048x1024xf32, #tpu.memory_space<hbm>> -> memref<1x16x1024xf32, #tpu.memory_space<hbm>>
    %dma_wait3A_991 = tpu.memref_squeeze %dma_wait3A_990 : memref<1x16x1024xf32, #tpu.memory_space<hbm>> -> memref<16x1024xf32, #tpu.memory_space<hbm>>
    %dma_wait3A_992 = arith.constant 0 : i32
    %dma_wait3A_993 = tpu.memref_slice %arg5[%select_n3A, %add3A_881, %dma_wait3A_992] : memref<4x2048x1024xf32, #tpu.memory_space<hbm>> -> memref<1x16x1024xf32, #tpu.memory_space<hbm>>
    %dma_wait3A_994 = tpu.memref_squeeze %dma_wait3A_993 : memref<1x16x1024xf32, #tpu.memory_space<hbm>> -> memref<16x1024xf32, #tpu.memory_space<hbm>>
    %dma_wait3A_995 = arith.constant 0 : i32
    %dma_wait3A_996 = arith.constant 0 : i32
    %dma_wait3A_997 = tpu.memref_slice %arg8[%dma_wait3A_984, %dma_wait3A_995, %dma_wait3A_996] : memref<3x16x1024xf32, #tpu.memory_space<vmem>> -> memref<1x16x1024xf32, #tpu.memory_space<vmem>>
    %dma_wait3A_998 = tpu.memref_squeeze %dma_wait3A_997 : memref<1x16x1024xf32, #tpu.memory_space<vmem>> -> memref<16x1024xf32, #tpu.memory_space<vmem>>
    tpu.wait_dma2 semaphore(%arg11 : memref<!tpu.dma_semaphore, #tpu.memory_space<semaphore_mem>>) src(%dma_wait3A_998 : memref<16x1024xf32, #tpu.memory_space<vmem>>) dst(%dma_wait3A_994 : memref<16x1024xf32, #tpu.memory_space<hbm>>)
    %dma_start3A_999 = arith.constant 0 : i32
    %dma_start3A_1000 = arith.constant 0 : i32
    %dma_start3A_1001 = arith.constant 0 : i32
    %dma_start3A_1002 = tpu.memref_slice %arg7[%dma_start3A_999, %dma_start3A_1000, %dma_start3A_1001] : memref<3x16x1024xf32, #tpu.memory_space<vmem>> -> memref<1x16x1024xf32, #tpu.memory_space<vmem>>
    %dma_start3A_1003 = tpu.memref_squeeze %dma_start3A_1002 : memref<1x16x1024xf32, #tpu.memory_space<vmem>> -> memref<16x1024xf32, #tpu.memory_space<vmem>>
    %dma_start3A_1004 = arith.constant 192 : i32
    %dma_start3A_1005 = tpu.memref_slice %arg6[%dma_start3A_1004] : memref<256xi32, #tpu.memory_space<vmem>> -> memref<16xi32, #tpu.memory_space<vmem>>
    %dma_start3A_1006 = arith.constant 0 : i32
    %dma_start3A_1007 = arith.constant 0 : i32
    %dma_start3A_1008 = tpu.memref_slice %arg4[%dma_start3A_1006, %dma_start3A_1007] : memref<8192x1024xf32, #tpu.memory_space<hbm>> -> memref<8192x1024xf32, #tpu.memory_space<hbm>>
    tpu.enqueue_indirect_dma source(%dma_start3A_1008 : memref<8192x1024xf32, #tpu.memory_space<hbm>>) target(%dma_start3A_1003 : memref<16x1024xf32, #tpu.memory_space<vmem>>) offsets(%dma_start3A_1005 : memref<16xi32, #tpu.memory_space<vmem>>) semaphore(%arg9 : memref<!tpu.dma_semaphore, #tpu.memory_space<semaphore_mem>>)
    %add3A_1009 = arith.constant 192 : i32
    %add3A_1010 = arith.addi %select_n3A_32, %add3A_1009 : i32
    %dma_start3A_1011 = arith.constant 0 : i32
    %dma_start3A_1012 = arith.constant 0 : i32
    %dma_start3A_1013 = arith.constant 0 : i32
    %dma_start3A_1014 = tpu.memref_slice %arg8[%dma_start3A_1011, %dma_start3A_1012, %dma_start3A_1013] : memref<3x16x1024xf32, #tpu.memory_space<vmem>> -> memref<1x16x1024xf32, #tpu.memory_space<vmem>>
    %dma_start3A_1015 = tpu.memref_squeeze %dma_start3A_1014 : memref<1x16x1024xf32, #tpu.memory_space<vmem>> -> memref<16x1024xf32, #tpu.memory_space<vmem>>
    %dma_start3A_1016 = arith.constant 0 : i32
    %dma_start3A_1017 = tpu.memref_slice %arg2[%select_n3A, %add3A_1010, %dma_start3A_1016] : memref<4x2048x1024xf32, #tpu.memory_space<hbm>> -> memref<1x16x1024xf32, #tpu.memory_space<hbm>>
    %dma_start3A_1018 = tpu.memref_squeeze %dma_start3A_1017 : memref<1x16x1024xf32, #tpu.memory_space<hbm>> -> memref<16x1024xf32, #tpu.memory_space<hbm>>
    %dma_start3A_1019 = arith.constant 0 : i32
    %dma_start3A_1020 = arith.constant 0 : i32
    %dma_start3A_1021 = tpu.memref_slice %arg8[%dma_start3A_1011, %dma_start3A_1019, %dma_start3A_1020] : memref<3x16x1024xf32, #tpu.memory_space<vmem>> -> memref<1x16x1024xf32, #tpu.memory_space<vmem>>
    %dma_start3A_1022 = tpu.memref_squeeze %dma_start3A_1021 : memref<1x16x1024xf32, #tpu.memory_space<vmem>> -> memref<16x1024xf32, #tpu.memory_space<vmem>>
    %dma_start3A_1023 = arith.constant 0 : i32
    %dma_start3A_1024 = tpu.memref_slice %arg2[%select_n3A, %add3A_1010, %dma_start3A_1023] : memref<4x2048x1024xf32, #tpu.memory_space<hbm>> -> memref<1x16x1024xf32, #tpu.memory_space<hbm>>
    %dma_start3A_1025 = tpu.memref_squeeze %dma_start3A_1024 : memref<1x16x1024xf32, #tpu.memory_space<hbm>> -> memref<16x1024xf32, #tpu.memory_space<hbm>>
    tpu.enqueue_dma source(%dma_start3A_1025 : memref<16x1024xf32, #tpu.memory_space<hbm>>) target(%dma_start3A_1022 : memref<16x1024xf32, #tpu.memory_space<vmem>>) target_semaphore(%arg10 : memref<!tpu.dma_semaphore, #tpu.memory_space<semaphore_mem>>)
    %dma_wait3A_1026 = arith.constant 2 : i32
    %dma_wait3A_1027 = arith.constant 0 : i32
    %dma_wait3A_1028 = arith.constant 0 : i32
    %dma_wait3A_1029 = tpu.memref_slice %arg7[%dma_wait3A_1026, %dma_wait3A_1027, %dma_wait3A_1028] : memref<3x16x1024xf32, #tpu.memory_space<vmem>> -> memref<1x16x1024xf32, #tpu.memory_space<vmem>>
    %dma_wait3A_1030 = tpu.memref_squeeze %dma_wait3A_1029 : memref<1x16x1024xf32, #tpu.memory_space<vmem>> -> memref<16x1024xf32, #tpu.memory_space<vmem>>
    %dma_wait3A_1031 = arith.constant 176 : i32
    %dma_wait3A_1032 = tpu.memref_slice %arg6[%dma_wait3A_1031] : memref<256xi32, #tpu.memory_space<vmem>> -> memref<16xi32, #tpu.memory_space<vmem>>
    %dma_wait3A_1033 = arith.constant 0 : i32
    %dma_wait3A_1034 = arith.constant 0 : i32
    %dma_wait3A_1035 = tpu.memref_slice %arg4[%dma_wait3A_1033, %dma_wait3A_1034] : memref<8192x1024xf32, #tpu.memory_space<hbm>> -> memref<8192x1024xf32, #tpu.memory_space<hbm>>
    tpu.wait_indirect_dma semaphore(%arg9 : memref<!tpu.dma_semaphore, #tpu.memory_space<semaphore_mem>>) src(%dma_wait3A_1035 : memref<8192x1024xf32, #tpu.memory_space<hbm>>) dst(%dma_wait3A_1030 : memref<16x1024xf32, #tpu.memory_space<vmem>>)
    %dma_wait3A_1036 = arith.constant 2 : i32
    %dma_wait3A_1037 = arith.constant 0 : i32
    %dma_wait3A_1038 = arith.constant 0 : i32
    %dma_wait3A_1039 = tpu.memref_slice %arg8[%dma_wait3A_1036, %dma_wait3A_1037, %dma_wait3A_1038] : memref<3x16x1024xf32, #tpu.memory_space<vmem>> -> memref<1x16x1024xf32, #tpu.memory_space<vmem>>
    %dma_wait3A_1040 = tpu.memref_squeeze %dma_wait3A_1039 : memref<1x16x1024xf32, #tpu.memory_space<vmem>> -> memref<16x1024xf32, #tpu.memory_space<vmem>>
    %dma_wait3A_1041 = arith.constant 0 : i32
    %dma_wait3A_1042 = tpu.memref_slice %arg2[%select_n3A, %add3A_923, %dma_wait3A_1041] : memref<4x2048x1024xf32, #tpu.memory_space<hbm>> -> memref<1x16x1024xf32, #tpu.memory_space<hbm>>
    %dma_wait3A_1043 = tpu.memref_squeeze %dma_wait3A_1042 : memref<1x16x1024xf32, #tpu.memory_space<hbm>> -> memref<16x1024xf32, #tpu.memory_space<hbm>>
    %dma_wait3A_1044 = arith.constant 0 : i32
    %dma_wait3A_1045 = arith.constant 0 : i32
    %dma_wait3A_1046 = tpu.memref_slice %arg8[%dma_wait3A_1036, %dma_wait3A_1044, %dma_wait3A_1045] : memref<3x16x1024xf32, #tpu.memory_space<vmem>> -> memref<1x16x1024xf32, #tpu.memory_space<vmem>>
    %dma_wait3A_1047 = tpu.memref_squeeze %dma_wait3A_1046 : memref<1x16x1024xf32, #tpu.memory_space<vmem>> -> memref<16x1024xf32, #tpu.memory_space<vmem>>
    %dma_wait3A_1048 = arith.constant 0 : i32
    %dma_wait3A_1049 = tpu.memref_slice %arg2[%select_n3A, %add3A_923, %dma_wait3A_1048] : memref<4x2048x1024xf32, #tpu.memory_space<hbm>> -> memref<1x16x1024xf32, #tpu.memory_space<hbm>>
    %dma_wait3A_1050 = tpu.memref_squeeze %dma_wait3A_1049 : memref<1x16x1024xf32, #tpu.memory_space<hbm>> -> memref<16x1024xf32, #tpu.memory_space<hbm>>
    tpu.wait_dma2 semaphore(%arg10 : memref<!tpu.dma_semaphore, #tpu.memory_space<semaphore_mem>>) src(%dma_wait3A_1050 : memref<16x1024xf32, #tpu.memory_space<hbm>>) dst(%dma_wait3A_1047 : memref<16x1024xf32, #tpu.memory_space<vmem>>)
    %parallel_loop3A_1051 = arith.constant 0 : i32
    %parallel_loop3A_1052 = arith.constant 16 : i32
    %parallel_loop3A_1053 = arith.constant 1 : i32
    scf.for %parallel_loop3A_1422 = %parallel_loop3A_1051 to %parallel_loop3A_1052 step %parallel_loop3A_1053  : i32 {
      %parallel_loop3A_1423 = arith.constant 0 : i32
      %parallel_loop3A_1424 = arith.constant 1024 : i32
      %parallel_loop3A_1425 = arith.constant 16 : i32
      scf.for %parallel_loop3A_1426 = %parallel_loop3A_1423 to %parallel_loop3A_1424 step %parallel_loop3A_1425  : i32 {
        %parallel_loop3A_1427 = arith.constant 2 : i32
        %parallel_loop3A_1428 = arith.index_cast %parallel_loop3A_1427 : i32 to index
        %parallel_loop3A_1429 = arith.index_cast %parallel_loop3A_1422 : i32 to index
        %parallel_loop3A_1430 = arith.index_cast %parallel_loop3A_1426 : i32 to index
        %parallel_loop3A_1431 = tpu.vector_load %arg7[%parallel_loop3A_1428, %parallel_loop3A_1429, %parallel_loop3A_1430] {strides = array<i32>} : memref<3x16x1024xf32, #tpu.memory_space<vmem>>, vector<1x1x16xf32>,
        %parallel_loop3A_1432 = vector.shape_cast %parallel_loop3A_1431 : vector<1x1x16xf32> to vector<16xf32>
        %parallel_loop3A_1433 = arith.constant 2 : i32
        %parallel_loop3A_1434 = arith.index_cast %parallel_loop3A_1433 : i32 to index
        %parallel_loop3A_1435 = arith.index_cast %parallel_loop3A_1422 : i32 to index
        %parallel_loop3A_1436 = arith.index_cast %parallel_loop3A_1426 : i32 to index
        %parallel_loop3A_1437 = tpu.vector_load %arg8[%parallel_loop3A_1434, %parallel_loop3A_1435, %parallel_loop3A_1436] {strides = array<i32>} : memref<3x16x1024xf32, #tpu.memory_space<vmem>>, vector<1x1x16xf32>,
        %parallel_loop3A_1438 = vector.shape_cast %parallel_loop3A_1437 : vector<1x1x16xf32> to vector<16xf32>
        %parallel_loop3A_1439 = vector.shape_cast %parallel_loop3A_1432 : vector<16xf32> to vector<1x1x16xf32>
        tpu.vector_store %arg8[%parallel_loop3A_1434, %parallel_loop3A_1435, %parallel_loop3A_1436], %parallel_loop3A_1439 {add = true, strides = array<i32>} : memref<3x16x1024xf32, #tpu.memory_space<vmem>>, vector<1x1x16xf32>,
      } {sc.loop_unroll_factor = 8 : i64, sc.parallel_access}
    } {sc.loop_unroll_factor = 1 : i64, sc.parallel_access}
    %add3A_1054 = arith.constant 176 : i32
    %add3A_1055 = arith.addi %select_n3A_32, %add3A_1054 : i32
    %dma_start3A_1056 = arith.constant 2 : i32
    %dma_start3A_1057 = arith.constant 0 : i32
    %dma_start3A_1058 = arith.constant 0 : i32
    %dma_start3A_1059 = tpu.memref_slice %arg8[%dma_start3A_1056, %dma_start3A_1057, %dma_start3A_1058] : memref<3x16x1024xf32, #tpu.memory_space<vmem>> -> memref<1x16x1024xf32, #tpu.memory_space<vmem>>
    %dma_start3A_1060 = tpu.memref_squeeze %dma_start3A_1059 : memref<1x16x1024xf32, #tpu.memory_space<vmem>> -> memref<16x1024xf32, #tpu.memory_space<vmem>>
    %dma_start3A_1061 = arith.constant 0 : i32
    %dma_start3A_1062 = tpu.memref_slice %arg5[%select_n3A, %add3A_1055, %dma_start3A_1061] : memref<4x2048x1024xf32, #tpu.memory_space<hbm>> -> memref<1x16x1024xf32, #tpu.memory_space<hbm>>
    %dma_start3A_1063 = tpu.memref_squeeze %dma_start3A_1062 : memref<1x16x1024xf32, #tpu.memory_space<hbm>> -> memref<16x1024xf32, #tpu.memory_space<hbm>>
    %dma_start3A_1064 = arith.constant 0 : i32
    %dma_start3A_1065 = tpu.memref_slice %arg5[%select_n3A, %add3A_1055, %dma_start3A_1064] : memref<4x2048x1024xf32, #tpu.memory_space<hbm>> -> memref<1x16x1024xf32, #tpu.memory_space<hbm>>
    %dma_start3A_1066 = tpu.memref_squeeze %dma_start3A_1065 : memref<1x16x1024xf32, #tpu.memory_space<hbm>> -> memref<16x1024xf32, #tpu.memory_space<hbm>>
    %dma_start3A_1067 = arith.constant 0 : i32
    %dma_start3A_1068 = arith.constant 0 : i32
    %dma_start3A_1069 = tpu.memref_slice %arg8[%dma_start3A_1056, %dma_start3A_1067, %dma_start3A_1068] : memref<3x16x1024xf32, #tpu.memory_space<vmem>> -> memref<1x16x1024xf32, #tpu.memory_space<vmem>>
    %dma_start3A_1070 = tpu.memref_squeeze %dma_start3A_1069 : memref<1x16x1024xf32, #tpu.memory_space<vmem>> -> memref<16x1024xf32, #tpu.memory_space<vmem>>
    tpu.enqueue_dma source(%dma_start3A_1070 : memref<16x1024xf32, #tpu.memory_space<vmem>>) target(%dma_start3A_1066 : memref<16x1024xf32, #tpu.memory_space<hbm>>) target_semaphore(%arg11 : memref<!tpu.dma_semaphore, #tpu.memory_space<semaphore_mem>>)
    %dma_wait3A_1071 = arith.constant 1 : i32
    %dma_wait3A_1072 = arith.constant 0 : i32
    %dma_wait3A_1073 = arith.constant 0 : i32
    %dma_wait3A_1074 = tpu.memref_slice %arg8[%dma_wait3A_1071, %dma_wait3A_1072, %dma_wait3A_1073] : memref<3x16x1024xf32, #tpu.memory_space<vmem>> -> memref<1x16x1024xf32, #tpu.memory_space<vmem>>
    %dma_wait3A_1075 = tpu.memref_squeeze %dma_wait3A_1074 : memref<1x16x1024xf32, #tpu.memory_space<vmem>> -> memref<16x1024xf32, #tpu.memory_space<vmem>>
    %dma_wait3A_1076 = arith.constant 0 : i32
    %dma_wait3A_1077 = tpu.memref_slice %arg5[%select_n3A, %add3A_968, %dma_wait3A_1076] : memref<4x2048x1024xf32, #tpu.memory_space<hbm>> -> memref<1x16x1024xf32, #tpu.memory_space<hbm>>
    %dma_wait3A_1078 = tpu.memref_squeeze %dma_wait3A_1077 : memref<1x16x1024xf32, #tpu.memory_space<hbm>> -> memref<16x1024xf32, #tpu.memory_space<hbm>>
    %dma_wait3A_1079 = arith.constant 0 : i32
    %dma_wait3A_1080 = tpu.memref_slice %arg5[%select_n3A, %add3A_968, %dma_wait3A_1079] : memref<4x2048x1024xf32, #tpu.memory_space<hbm>> -> memref<1x16x1024xf32, #tpu.memory_space<hbm>>
    %dma_wait3A_1081 = tpu.memref_squeeze %dma_wait3A_1080 : memref<1x16x1024xf32, #tpu.memory_space<hbm>> -> memref<16x1024xf32, #tpu.memory_space<hbm>>
    %dma_wait3A_1082 = arith.constant 0 : i32
    %dma_wait3A_1083 = arith.constant 0 : i32
    %dma_wait3A_1084 = tpu.memref_slice %arg8[%dma_wait3A_1071, %dma_wait3A_1082, %dma_wait3A_1083] : memref<3x16x1024xf32, #tpu.memory_space<vmem>> -> memref<1x16x1024xf32, #tpu.memory_space<vmem>>
    %dma_wait3A_1085 = tpu.memref_squeeze %dma_wait3A_1084 : memref<1x16x1024xf32, #tpu.memory_space<vmem>> -> memref<16x1024xf32, #tpu.memory_space<vmem>>
    tpu.wait_dma2 semaphore(%arg11 : memref<!tpu.dma_semaphore, #tpu.memory_space<semaphore_mem>>) src(%dma_wait3A_1085 : memref<16x1024xf32, #tpu.memory_space<vmem>>) dst(%dma_wait3A_1081 : memref<16x1024xf32, #tpu.memory_space<hbm>>)
    %dma_start3A_1086 = arith.constant 1 : i32
    %dma_start3A_1087 = arith.constant 0 : i32
    %dma_start3A_1088 = arith.constant 0 : i32
    %dma_start3A_1089 = tpu.memref_slice %arg7[%dma_start3A_1086, %dma_start3A_1087, %dma_start3A_1088] : memref<3x16x1024xf32, #tpu.memory_space<vmem>> -> memref<1x16x1024xf32, #tpu.memory_space<vmem>>
    %dma_start3A_1090 = tpu.memref_squeeze %dma_start3A_1089 : memref<1x16x1024xf32, #tpu.memory_space<vmem>> -> memref<16x1024xf32, #tpu.memory_space<vmem>>
    %dma_start3A_1091 = arith.constant 208 : i32
    %dma_start3A_1092 = tpu.memref_slice %arg6[%dma_start3A_1091] : memref<256xi32, #tpu.memory_space<vmem>> -> memref<16xi32, #tpu.memory_space<vmem>>
    %dma_start3A_1093 = arith.constant 0 : i32
    %dma_start3A_1094 = arith.constant 0 : i32
    %dma_start3A_1095 = tpu.memref_slice %arg4[%dma_start3A_1093, %dma_start3A_1094] : memref<8192x1024xf32, #tpu.memory_space<hbm>> -> memref<8192x1024xf32, #tpu.memory_space<hbm>>
    tpu.enqueue_indirect_dma source(%dma_start3A_1095 : memref<8192x1024xf32, #tpu.memory_space<hbm>>) target(%dma_start3A_1090 : memref<16x1024xf32, #tpu.memory_space<vmem>>) offsets(%dma_start3A_1092 : memref<16xi32, #tpu.memory_space<vmem>>) semaphore(%arg9 : memref<!tpu.dma_semaphore, #tpu.memory_space<semaphore_mem>>)
    %add3A_1096 = arith.constant 208 : i32
    %add3A_1097 = arith.addi %select_n3A_32, %add3A_1096 : i32
    %dma_start3A_1098 = arith.constant 1 : i32
    %dma_start3A_1099 = arith.constant 0 : i32
    %dma_start3A_1100 = arith.constant 0 : i32
    %dma_start3A_1101 = tpu.memref_slice %arg8[%dma_start3A_1098, %dma_start3A_1099, %dma_start3A_1100] : memref<3x16x1024xf32, #tpu.memory_space<vmem>> -> memref<1x16x1024xf32, #tpu.memory_space<vmem>>
    %dma_start3A_1102 = tpu.memref_squeeze %dma_start3A_1101 : memref<1x16x1024xf32, #tpu.memory_space<vmem>> -> memref<16x1024xf32, #tpu.memory_space<vmem>>
    %dma_start3A_1103 = arith.constant 0 : i32
    %dma_start3A_1104 = tpu.memref_slice %arg2[%select_n3A, %add3A_1097, %dma_start3A_1103] : memref<4x2048x1024xf32, #tpu.memory_space<hbm>> -> memref<1x16x1024xf32, #tpu.memory_space<hbm>>
    %dma_start3A_1105 = tpu.memref_squeeze %dma_start3A_1104 : memref<1x16x1024xf32, #tpu.memory_space<hbm>> -> memref<16x1024xf32, #tpu.memory_space<hbm>>
    %dma_start3A_1106 = arith.constant 0 : i32
    %dma_start3A_1107 = arith.constant 0 : i32
    %dma_start3A_1108 = tpu.memref_slice %arg8[%dma_start3A_1098, %dma_start3A_1106, %dma_start3A_1107] : memref<3x16x1024xf32, #tpu.memory_space<vmem>> -> memref<1x16x1024xf32, #tpu.memory_space<vmem>>
    %dma_start3A_1109 = tpu.memref_squeeze %dma_start3A_1108 : memref<1x16x1024xf32, #tpu.memory_space<vmem>> -> memref<16x1024xf32, #tpu.memory_space<vmem>>
    %dma_start3A_1110 = arith.constant 0 : i32
    %dma_start3A_1111 = tpu.memref_slice %arg2[%select_n3A, %add3A_1097, %dma_start3A_1110] : memref<4x2048x1024xf32, #tpu.memory_space<hbm>> -> memref<1x16x1024xf32, #tpu.memory_space<hbm>>
    %dma_start3A_1112 = tpu.memref_squeeze %dma_start3A_1111 : memref<1x16x1024xf32, #tpu.memory_space<hbm>> -> memref<16x1024xf32, #tpu.memory_space<hbm>>
    tpu.enqueue_dma source(%dma_start3A_1112 : memref<16x1024xf32, #tpu.memory_space<hbm>>) target(%dma_start3A_1109 : memref<16x1024xf32, #tpu.memory_space<vmem>>) target_semaphore(%arg10 : memref<!tpu.dma_semaphore, #tpu.memory_space<semaphore_mem>>)
    %dma_wait3A_1113 = arith.constant 0 : i32
    %dma_wait3A_1114 = arith.constant 0 : i32
    %dma_wait3A_1115 = arith.constant 0 : i32
    %dma_wait3A_1116 = tpu.memref_slice %arg7[%dma_wait3A_1113, %dma_wait3A_1114, %dma_wait3A_1115] : memref<3x16x1024xf32, #tpu.memory_space<vmem>> -> memref<1x16x1024xf32, #tpu.memory_space<vmem>>
    %dma_wait3A_1117 = tpu.memref_squeeze %dma_wait3A_1116 : memref<1x16x1024xf32, #tpu.memory_space<vmem>> -> memref<16x1024xf32, #tpu.memory_space<vmem>>
    %dma_wait3A_1118 = arith.constant 192 : i32
    %dma_wait3A_1119 = tpu.memref_slice %arg6[%dma_wait3A_1118] : memref<256xi32, #tpu.memory_space<vmem>> -> memref<16xi32, #tpu.memory_space<vmem>>
    %dma_wait3A_1120 = arith.constant 0 : i32
    %dma_wait3A_1121 = arith.constant 0 : i32
    %dma_wait3A_1122 = tpu.memref_slice %arg4[%dma_wait3A_1120, %dma_wait3A_1121] : memref<8192x1024xf32, #tpu.memory_space<hbm>> -> memref<8192x1024xf32, #tpu.memory_space<hbm>>
    tpu.wait_indirect_dma semaphore(%arg9 : memref<!tpu.dma_semaphore, #tpu.memory_space<semaphore_mem>>) src(%dma_wait3A_1122 : memref<8192x1024xf32, #tpu.memory_space<hbm>>) dst(%dma_wait3A_1117 : memref<16x1024xf32, #tpu.memory_space<vmem>>)
    %dma_wait3A_1123 = arith.constant 0 : i32
    %dma_wait3A_1124 = arith.constant 0 : i32
    %dma_wait3A_1125 = arith.constant 0 : i32
    %dma_wait3A_1126 = tpu.memref_slice %arg8[%dma_wait3A_1123, %dma_wait3A_1124, %dma_wait3A_1125] : memref<3x16x1024xf32, #tpu.memory_space<vmem>> -> memref<1x16x1024xf32, #tpu.memory_space<vmem>>
    %dma_wait3A_1127 = tpu.memref_squeeze %dma_wait3A_1126 : memref<1x16x1024xf32, #tpu.memory_space<vmem>> -> memref<16x1024xf32, #tpu.memory_space<vmem>>
    %dma_wait3A_1128 = arith.constant 0 : i32
    %dma_wait3A_1129 = tpu.memref_slice %arg2[%select_n3A, %add3A_1010, %dma_wait3A_1128] : memref<4x2048x1024xf32, #tpu.memory_space<hbm>> -> memref<1x16x1024xf32, #tpu.memory_space<hbm>>
    %dma_wait3A_1130 = tpu.memref_squeeze %dma_wait3A_1129 : memref<1x16x1024xf32, #tpu.memory_space<hbm>> -> memref<16x1024xf32, #tpu.memory_space<hbm>>
    %dma_wait3A_1131 = arith.constant 0 : i32
    %dma_wait3A_1132 = arith.constant 0 : i32
    %dma_wait3A_1133 = tpu.memref_slice %arg8[%dma_wait3A_1123, %dma_wait3A_1131, %dma_wait3A_1132] : memref<3x16x1024xf32, #tpu.memory_space<vmem>> -> memref<1x16x1024xf32, #tpu.memory_space<vmem>>
    %dma_wait3A_1134 = tpu.memref_squeeze %dma_wait3A_1133 : memref<1x16x1024xf32, #tpu.memory_space<vmem>> -> memref<16x1024xf32, #tpu.memory_space<vmem>>
    %dma_wait3A_1135 = arith.constant 0 : i32
    %dma_wait3A_1136 = tpu.memref_slice %arg2[%select_n3A, %add3A_1010, %dma_wait3A_1135] : memref<4x2048x1024xf32, #tpu.memory_space<hbm>> -> memref<1x16x1024xf32, #tpu.memory_space<hbm>>
    %dma_wait3A_1137 = tpu.memref_squeeze %dma_wait3A_1136 : memref<1x16x1024xf32, #tpu.memory_space<hbm>> -> memref<16x1024xf32, #tpu.memory_space<hbm>>
    tpu.wait_dma2 semaphore(%arg10 : memref<!tpu.dma_semaphore, #tpu.memory_space<semaphore_mem>>) src(%dma_wait3A_1137 : memref<16x1024xf32, #tpu.memory_space<hbm>>) dst(%dma_wait3A_1134 : memref<16x1024xf32, #tpu.memory_space<vmem>>)
    %parallel_loop3A_1138 = arith.constant 0 : i32
    %parallel_loop3A_1139 = arith.constant 16 : i32
    %parallel_loop3A_1140 = arith.constant 1 : i32
    scf.for %parallel_loop3A_1422 = %parallel_loop3A_1138 to %parallel_loop3A_1139 step %parallel_loop3A_1140  : i32 {
      %parallel_loop3A_1423 = arith.constant 0 : i32
      %parallel_loop3A_1424 = arith.constant 1024 : i32
      %parallel_loop3A_1425 = arith.constant 16 : i32
      scf.for %parallel_loop3A_1426 = %parallel_loop3A_1423 to %parallel_loop3A_1424 step %parallel_loop3A_1425  : i32 {
        %parallel_loop3A_1427 = arith.constant 0 : i32
        %parallel_loop3A_1428 = arith.index_cast %parallel_loop3A_1427 : i32 to index
        %parallel_loop3A_1429 = arith.index_cast %parallel_loop3A_1422 : i32 to index
        %parallel_loop3A_1430 = arith.index_cast %parallel_loop3A_1426 : i32 to index
        %parallel_loop3A_1431 = tpu.vector_load %arg7[%parallel_loop3A_1428, %parallel_loop3A_1429, %parallel_loop3A_1430] {strides = array<i32>} : memref<3x16x1024xf32, #tpu.memory_space<vmem>>, vector<1x1x16xf32>,
        %parallel_loop3A_1432 = vector.shape_cast %parallel_loop3A_1431 : vector<1x1x16xf32> to vector<16xf32>
        %parallel_loop3A_1433 = arith.constant 0 : i32
        %parallel_loop3A_1434 = arith.index_cast %parallel_loop3A_1433 : i32 to index
        %parallel_loop3A_1435 = arith.index_cast %parallel_loop3A_1422 : i32 to index
        %parallel_loop3A_1436 = arith.index_cast %parallel_loop3A_1426 : i32 to index
        %parallel_loop3A_1437 = tpu.vector_load %arg8[%parallel_loop3A_1434, %parallel_loop3A_1435, %parallel_loop3A_1436] {strides = array<i32>} : memref<3x16x1024xf32, #tpu.memory_space<vmem>>, vector<1x1x16xf32>,
        %parallel_loop3A_1438 = vector.shape_cast %parallel_loop3A_1437 : vector<1x1x16xf32> to vector<16xf32>
        %parallel_loop3A_1439 = vector.shape_cast %parallel_loop3A_1432 : vector<16xf32> to vector<1x1x16xf32>
        tpu.vector_store %arg8[%parallel_loop3A_1434, %parallel_loop3A_1435, %parallel_loop3A_1436], %parallel_loop3A_1439 {add = true, strides = array<i32>} : memref<3x16x1024xf32, #tpu.memory_space<vmem>>, vector<1x1x16xf32>,
      } {sc.loop_unroll_factor = 8 : i64, sc.parallel_access}
    } {sc.loop_unroll_factor = 1 : i64, sc.parallel_access}
    %add3A_1141 = arith.constant 192 : i32
    %add3A_1142 = arith.addi %select_n3A_32, %add3A_1141 : i32
    %dma_start3A_1143 = arith.constant 0 : i32
    %dma_start3A_1144 = arith.constant 0 : i32
    %dma_start3A_1145 = arith.constant 0 : i32
    %dma_start3A_1146 = tpu.memref_slice %arg8[%dma_start3A_1143, %dma_start3A_1144, %dma_start3A_1145] : memref<3x16x1024xf32, #tpu.memory_space<vmem>> -> memref<1x16x1024xf32, #tpu.memory_space<vmem>>
    %dma_start3A_1147 = tpu.memref_squeeze %dma_start3A_1146 : memref<1x16x1024xf32, #tpu.memory_space<vmem>> -> memref<16x1024xf32, #tpu.memory_space<vmem>>
    %dma_start3A_1148 = arith.constant 0 : i32
    %dma_start3A_1149 = tpu.memref_slice %arg5[%select_n3A, %add3A_1142, %dma_start3A_1148] : memref<4x2048x1024xf32, #tpu.memory_space<hbm>> -> memref<1x16x1024xf32, #tpu.memory_space<hbm>>
    %dma_start3A_1150 = tpu.memref_squeeze %dma_start3A_1149 : memref<1x16x1024xf32, #tpu.memory_space<hbm>> -> memref<16x1024xf32, #tpu.memory_space<hbm>>
    %dma_start3A_1151 = arith.constant 0 : i32
    %dma_start3A_1152 = tpu.memref_slice %arg5[%select_n3A, %add3A_1142, %dma_start3A_1151] : memref<4x2048x1024xf32, #tpu.memory_space<hbm>> -> memref<1x16x1024xf32, #tpu.memory_space<hbm>>
    %dma_start3A_1153 = tpu.memref_squeeze %dma_start3A_1152 : memref<1x16x1024xf32, #tpu.memory_space<hbm>> -> memref<16x1024xf32, #tpu.memory_space<hbm>>
    %dma_start3A_1154 = arith.constant 0 : i32
    %dma_start3A_1155 = arith.constant 0 : i32
    %dma_start3A_1156 = tpu.memref_slice %arg8[%dma_start3A_1143, %dma_start3A_1154, %dma_start3A_1155] : memref<3x16x1024xf32, #tpu.memory_space<vmem>> -> memref<1x16x1024xf32, #tpu.memory_space<vmem>>
    %dma_start3A_1157 = tpu.memref_squeeze %dma_start3A_1156 : memref<1x16x1024xf32, #tpu.memory_space<vmem>> -> memref<16x1024xf32, #tpu.memory_space<vmem>>
    tpu.enqueue_dma source(%dma_start3A_1157 : memref<16x1024xf32, #tpu.memory_space<vmem>>) target(%dma_start3A_1153 : memref<16x1024xf32, #tpu.memory_space<hbm>>) target_semaphore(%arg11 : memref<!tpu.dma_semaphore, #tpu.memory_space<semaphore_mem>>)
    %dma_wait3A_1158 = arith.constant 2 : i32
    %dma_wait3A_1159 = arith.constant 0 : i32
    %dma_wait3A_1160 = arith.constant 0 : i32
    %dma_wait3A_1161 = tpu.memref_slice %arg8[%dma_wait3A_1158, %dma_wait3A_1159, %dma_wait3A_1160] : memref<3x16x1024xf32, #tpu.memory_space<vmem>> -> memref<1x16x1024xf32, #tpu.memory_space<vmem>>
    %dma_wait3A_1162 = tpu.memref_squeeze %dma_wait3A_1161 : memref<1x16x1024xf32, #tpu.memory_space<vmem>> -> memref<16x1024xf32, #tpu.memory_space<vmem>>
    %dma_wait3A_1163 = arith.constant 0 : i32
    %dma_wait3A_1164 = tpu.memref_slice %arg5[%select_n3A, %add3A_1055, %dma_wait3A_1163] : memref<4x2048x1024xf32, #tpu.memory_space<hbm>> -> memref<1x16x1024xf32, #tpu.memory_space<hbm>>
    %dma_wait3A_1165 = tpu.memref_squeeze %dma_wait3A_1164 : memref<1x16x1024xf32, #tpu.memory_space<hbm>> -> memref<16x1024xf32, #tpu.memory_space<hbm>>
    %dma_wait3A_1166 = arith.constant 0 : i32
    %dma_wait3A_1167 = tpu.memref_slice %arg5[%select_n3A, %add3A_1055, %dma_wait3A_1166] : memref<4x2048x1024xf32, #tpu.memory_space<hbm>> -> memref<1x16x1024xf32, #tpu.memory_space<hbm>>
    %dma_wait3A_1168 = tpu.memref_squeeze %dma_wait3A_1167 : memref<1x16x1024xf32, #tpu.memory_space<hbm>> -> memref<16x1024xf32, #tpu.memory_space<hbm>>
    %dma_wait3A_1169 = arith.constant 0 : i32
    %dma_wait3A_1170 = arith.constant 0 : i32
    %dma_wait3A_1171 = tpu.memref_slice %arg8[%dma_wait3A_1158, %dma_wait3A_1169, %dma_wait3A_1170] : memref<3x16x1024xf32, #tpu.memory_space<vmem>> -> memref<1x16x1024xf32, #tpu.memory_space<vmem>>
    %dma_wait3A_1172 = tpu.memref_squeeze %dma_wait3A_1171 : memref<1x16x1024xf32, #tpu.memory_space<vmem>> -> memref<16x1024xf32, #tpu.memory_space<vmem>>
    tpu.wait_dma2 semaphore(%arg11 : memref<!tpu.dma_semaphore, #tpu.memory_space<semaphore_mem>>) src(%dma_wait3A_1172 : memref<16x1024xf32, #tpu.memory_space<vmem>>) dst(%dma_wait3A_1168 : memref<16x1024xf32, #tpu.memory_space<hbm>>)
    %dma_start3A_1173 = arith.constant 2 : i32
    %dma_start3A_1174 = arith.constant 0 : i32
    %dma_start3A_1175 = arith.constant 0 : i32
    %dma_start3A_1176 = tpu.memref_slice %arg7[%dma_start3A_1173, %dma_start3A_1174, %dma_start3A_1175] : memref<3x16x1024xf32, #tpu.memory_space<vmem>> -> memref<1x16x1024xf32, #tpu.memory_space<vmem>>
    %dma_start3A_1177 = tpu.memref_squeeze %dma_start3A_1176 : memref<1x16x1024xf32, #tpu.memory_space<vmem>> -> memref<16x1024xf32, #tpu.memory_space<vmem>>
    %dma_start3A_1178 = arith.constant 224 : i32
    %dma_start3A_1179 = tpu.memref_slice %arg6[%dma_start3A_1178] : memref<256xi32, #tpu.memory_space<vmem>> -> memref<16xi32, #tpu.memory_space<vmem>>
    %dma_start3A_1180 = arith.constant 0 : i32
    %dma_start3A_1181 = arith.constant 0 : i32
    %dma_start3A_1182 = tpu.memref_slice %arg4[%dma_start3A_1180, %dma_start3A_1181] : memref<8192x1024xf32, #tpu.memory_space<hbm>> -> memref<8192x1024xf32, #tpu.memory_space<hbm>>
    tpu.enqueue_indirect_dma source(%dma_start3A_1182 : memref<8192x1024xf32, #tpu.memory_space<hbm>>) target(%dma_start3A_1177 : memref<16x1024xf32, #tpu.memory_space<vmem>>) offsets(%dma_start3A_1179 : memref<16xi32, #tpu.memory_space<vmem>>) semaphore(%arg9 : memref<!tpu.dma_semaphore, #tpu.memory_space<semaphore_mem>>)
    %add3A_1183 = arith.constant 224 : i32
    %add3A_1184 = arith.addi %select_n3A_32, %add3A_1183 : i32
    %dma_start3A_1185 = arith.constant 2 : i32
    %dma_start3A_1186 = arith.constant 0 : i32
    %dma_start3A_1187 = arith.constant 0 : i32
    %dma_start3A_1188 = tpu.memref_slice %arg8[%dma_start3A_1185, %dma_start3A_1186, %dma_start3A_1187] : memref<3x16x1024xf32, #tpu.memory_space<vmem>> -> memref<1x16x1024xf32, #tpu.memory_space<vmem>>
    %dma_start3A_1189 = tpu.memref_squeeze %dma_start3A_1188 : memref<1x16x1024xf32, #tpu.memory_space<vmem>> -> memref<16x1024xf32, #tpu.memory_space<vmem>>
    %dma_start3A_1190 = arith.constant 0 : i32
    %dma_start3A_1191 = tpu.memref_slice %arg2[%select_n3A, %add3A_1184, %dma_start3A_1190] : memref<4x2048x1024xf32, #tpu.memory_space<hbm>> -> memref<1x16x1024xf32, #tpu.memory_space<hbm>>
    %dma_start3A_1192 = tpu.memref_squeeze %dma_start3A_1191 : memref<1x16x1024xf32, #tpu.memory_space<hbm>> -> memref<16x1024xf32, #tpu.memory_space<hbm>>
    %dma_start3A_1193 = arith.constant 0 : i32
    %dma_start3A_1194 = arith.constant 0 : i32
    %dma_start3A_1195 = tpu.memref_slice %arg8[%dma_start3A_1185, %dma_start3A_1193, %dma_start3A_1194] : memref<3x16x1024xf32, #tpu.memory_space<vmem>> -> memref<1x16x1024xf32, #tpu.memory_space<vmem>>
    %dma_start3A_1196 = tpu.memref_squeeze %dma_start3A_1195 : memref<1x16x1024xf32, #tpu.memory_space<vmem>> -> memref<16x1024xf32, #tpu.memory_space<vmem>>
    %dma_start3A_1197 = arith.constant 0 : i32
    %dma_start3A_1198 = tpu.memref_slice %arg2[%select_n3A, %add3A_1184, %dma_start3A_1197] : memref<4x2048x1024xf32, #tpu.memory_space<hbm>> -> memref<1x16x1024xf32, #tpu.memory_space<hbm>>
    %dma_start3A_1199 = tpu.memref_squeeze %dma_start3A_1198 : memref<1x16x1024xf32, #tpu.memory_space<hbm>> -> memref<16x1024xf32, #tpu.memory_space<hbm>>
    tpu.enqueue_dma source(%dma_start3A_1199 : memref<16x1024xf32, #tpu.memory_space<hbm>>) target(%dma_start3A_1196 : memref<16x1024xf32, #tpu.memory_space<vmem>>) target_semaphore(%arg10 : memref<!tpu.dma_semaphore, #tpu.memory_space<semaphore_mem>>)
    %dma_wait3A_1200 = arith.constant 1 : i32
    %dma_wait3A_1201 = arith.constant 0 : i32
    %dma_wait3A_1202 = arith.constant 0 : i32
    %dma_wait3A_1203 = tpu.memref_slice %arg7[%dma_wait3A_1200, %dma_wait3A_1201, %dma_wait3A_1202] : memref<3x16x1024xf32, #tpu.memory_space<vmem>> -> memref<1x16x1024xf32, #tpu.memory_space<vmem>>
    %dma_wait3A_1204 = tpu.memref_squeeze %dma_wait3A_1203 : memref<1x16x1024xf32, #tpu.memory_space<vmem>> -> memref<16x1024xf32, #tpu.memory_space<vmem>>
    %dma_wait3A_1205 = arith.constant 208 : i32
    %dma_wait3A_1206 = tpu.memref_slice %arg6[%dma_wait3A_1205] : memref<256xi32, #tpu.memory_space<vmem>> -> memref<16xi32, #tpu.memory_space<vmem>>
    %dma_wait3A_1207 = arith.constant 0 : i32
    %dma_wait3A_1208 = arith.constant 0 : i32
    %dma_wait3A_1209 = tpu.memref_slice %arg4[%dma_wait3A_1207, %dma_wait3A_1208] : memref<8192x1024xf32, #tpu.memory_space<hbm>> -> memref<8192x1024xf32, #tpu.memory_space<hbm>>
    tpu.wait_indirect_dma semaphore(%arg9 : memref<!tpu.dma_semaphore, #tpu.memory_space<semaphore_mem>>) src(%dma_wait3A_1209 : memref<8192x1024xf32, #tpu.memory_space<hbm>>) dst(%dma_wait3A_1204 : memref<16x1024xf32, #tpu.memory_space<vmem>>)
    %dma_wait3A_1210 = arith.constant 1 : i32
    %dma_wait3A_1211 = arith.constant 0 : i32
    %dma_wait3A_1212 = arith.constant 0 : i32
    %dma_wait3A_1213 = tpu.memref_slice %arg8[%dma_wait3A_1210, %dma_wait3A_1211, %dma_wait3A_1212] : memref<3x16x1024xf32, #tpu.memory_space<vmem>> -> memref<1x16x1024xf32, #tpu.memory_space<vmem>>
    %dma_wait3A_1214 = tpu.memref_squeeze %dma_wait3A_1213 : memref<1x16x1024xf32, #tpu.memory_space<vmem>> -> memref<16x1024xf32, #tpu.memory_space<vmem>>
    %dma_wait3A_1215 = arith.constant 0 : i32
    %dma_wait3A_1216 = tpu.memref_slice %arg2[%select_n3A, %add3A_1097, %dma_wait3A_1215] : memref<4x2048x1024xf32, #tpu.memory_space<hbm>> -> memref<1x16x1024xf32, #tpu.memory_space<hbm>>
    %dma_wait3A_1217 = tpu.memref_squeeze %dma_wait3A_1216 : memref<1x16x1024xf32, #tpu.memory_space<hbm>> -> memref<16x1024xf32, #tpu.memory_space<hbm>>
    %dma_wait3A_1218 = arith.constant 0 : i32
    %dma_wait3A_1219 = arith.constant 0 : i32
    %dma_wait3A_1220 = tpu.memref_slice %arg8[%dma_wait3A_1210, %dma_wait3A_1218, %dma_wait3A_1219] : memref<3x16x1024xf32, #tpu.memory_space<vmem>> -> memref<1x16x1024xf32, #tpu.memory_space<vmem>>
    %dma_wait3A_1221 = tpu.memref_squeeze %dma_wait3A_1220 : memref<1x16x1024xf32, #tpu.memory_space<vmem>> -> memref<16x1024xf32, #tpu.memory_space<vmem>>
    %dma_wait3A_1222 = arith.constant 0 : i32
    %dma_wait3A_1223 = tpu.memref_slice %arg2[%select_n3A, %add3A_1097, %dma_wait3A_1222] : memref<4x2048x1024xf32, #tpu.memory_space<hbm>> -> memref<1x16x1024xf32, #tpu.memory_space<hbm>>
    %dma_wait3A_1224 = tpu.memref_squeeze %dma_wait3A_1223 : memref<1x16x1024xf32, #tpu.memory_space<hbm>> -> memref<16x1024xf32, #tpu.memory_space<hbm>>
    tpu.wait_dma2 semaphore(%arg10 : memref<!tpu.dma_semaphore, #tpu.memory_space<semaphore_mem>>) src(%dma_wait3A_1224 : memref<16x1024xf32, #tpu.memory_space<hbm>>) dst(%dma_wait3A_1221 : memref<16x1024xf32, #tpu.memory_space<vmem>>)
    %parallel_loop3A_1225 = arith.constant 0 : i32
    %parallel_loop3A_1226 = arith.constant 16 : i32
    %parallel_loop3A_1227 = arith.constant 1 : i32
    scf.for %parallel_loop3A_1422 = %parallel_loop3A_1225 to %parallel_loop3A_1226 step %parallel_loop3A_1227  : i32 {
      %parallel_loop3A_1423 = arith.constant 0 : i32
      %parallel_loop3A_1424 = arith.constant 1024 : i32
      %parallel_loop3A_1425 = arith.constant 16 : i32
      scf.for %parallel_loop3A_1426 = %parallel_loop3A_1423 to %parallel_loop3A_1424 step %parallel_loop3A_1425  : i32 {
        %parallel_loop3A_1427 = arith.constant 1 : i32
        %parallel_loop3A_1428 = arith.index_cast %parallel_loop3A_1427 : i32 to index
        %parallel_loop3A_1429 = arith.index_cast %parallel_loop3A_1422 : i32 to index
        %parallel_loop3A_1430 = arith.index_cast %parallel_loop3A_1426 : i32 to index
        %parallel_loop3A_1431 = tpu.vector_load %arg7[%parallel_loop3A_1428, %parallel_loop3A_1429, %parallel_loop3A_1430] {strides = array<i32>} : memref<3x16x1024xf32, #tpu.memory_space<vmem>>, vector<1x1x16xf32>,
        %parallel_loop3A_1432 = vector.shape_cast %parallel_loop3A_1431 : vector<1x1x16xf32> to vector<16xf32>
        %parallel_loop3A_1433 = arith.constant 1 : i32
        %parallel_loop3A_1434 = arith.index_cast %parallel_loop3A_1433 : i32 to index
        %parallel_loop3A_1435 = arith.index_cast %parallel_loop3A_1422 : i32 to index
        %parallel_loop3A_1436 = arith.index_cast %parallel_loop3A_1426 : i32 to index
        %parallel_loop3A_1437 = tpu.vector_load %arg8[%parallel_loop3A_1434, %parallel_loop3A_1435, %parallel_loop3A_1436] {strides = array<i32>} : memref<3x16x1024xf32, #tpu.memory_space<vmem>>, vector<1x1x16xf32>,
        %parallel_loop3A_1438 = vector.shape_cast %parallel_loop3A_1437 : vector<1x1x16xf32> to vector<16xf32>
        %parallel_loop3A_1439 = vector.shape_cast %parallel_loop3A_1432 : vector<16xf32> to vector<1x1x16xf32>
        tpu.vector_store %arg8[%parallel_loop3A_1434, %parallel_loop3A_1435, %parallel_loop3A_1436], %parallel_loop3A_1439 {add = true, strides = array<i32>} : memref<3x16x1024xf32, #tpu.memory_space<vmem>>, vector<1x1x16xf32>,
      } {sc.loop_unroll_factor = 8 : i64, sc.parallel_access}
    } {sc.loop_unroll_factor = 1 : i64, sc.parallel_access}
    %add3A_1228 = arith.constant 208 : i32
    %add3A_1229 = arith.addi %select_n3A_32, %add3A_1228 : i32
    %dma_start3A_1230 = arith.constant 1 : i32
    %dma_start3A_1231 = arith.constant 0 : i32
    %dma_start3A_1232 = arith.constant 0 : i32
    %dma_start3A_1233 = tpu.memref_slice %arg8[%dma_start3A_1230, %dma_start3A_1231, %dma_start3A_1232] : memref<3x16x1024xf32, #tpu.memory_space<vmem>> -> memref<1x16x1024xf32, #tpu.memory_space<vmem>>
    %dma_start3A_1234 = tpu.memref_squeeze %dma_start3A_1233 : memref<1x16x1024xf32, #tpu.memory_space<vmem>> -> memref<16x1024xf32, #tpu.memory_space<vmem>>
    %dma_start3A_1235 = arith.constant 0 : i32
    %dma_start3A_1236 = tpu.memref_slice %arg5[%select_n3A, %add3A_1229, %dma_start3A_1235] : memref<4x2048x1024xf32, #tpu.memory_space<hbm>> -> memref<1x16x1024xf32, #tpu.memory_space<hbm>>
    %dma_start3A_1237 = tpu.memref_squeeze %dma_start3A_1236 : memref<1x16x1024xf32, #tpu.memory_space<hbm>> -> memref<16x1024xf32, #tpu.memory_space<hbm>>
    %dma_start3A_1238 = arith.constant 0 : i32
    %dma_start3A_1239 = tpu.memref_slice %arg5[%select_n3A, %add3A_1229, %dma_start3A_1238] : memref<4x2048x1024xf32, #tpu.memory_space<hbm>> -> memref<1x16x1024xf32, #tpu.memory_space<hbm>>
    %dma_start3A_1240 = tpu.memref_squeeze %dma_start3A_1239 : memref<1x16x1024xf32, #tpu.memory_space<hbm>> -> memref<16x1024xf32, #tpu.memory_space<hbm>>
    %dma_start3A_1241 = arith.constant 0 : i32
    %dma_start3A_1242 = arith.constant 0 : i32
    %dma_start3A_1243 = tpu.memref_slice %arg8[%dma_start3A_1230, %dma_start3A_1241, %dma_start3A_1242] : memref<3x16x1024xf32, #tpu.memory_space<vmem>> -> memref<1x16x1024xf32, #tpu.memory_space<vmem>>
    %dma_start3A_1244 = tpu.memref_squeeze %dma_start3A_1243 : memref<1x16x1024xf32, #tpu.memory_space<vmem>> -> memref<16x1024xf32, #tpu.memory_space<vmem>>
    tpu.enqueue_dma source(%dma_start3A_1244 : memref<16x1024xf32, #tpu.memory_space<vmem>>) target(%dma_start3A_1240 : memref<16x1024xf32, #tpu.memory_space<hbm>>) target_semaphore(%arg11 : memref<!tpu.dma_semaphore, #tpu.memory_space<semaphore_mem>>)
    %dma_wait3A_1245 = arith.constant 0 : i32
    %dma_wait3A_1246 = arith.constant 0 : i32
    %dma_wait3A_1247 = arith.constant 0 : i32
    %dma_wait3A_1248 = tpu.memref_slice %arg8[%dma_wait3A_1245, %dma_wait3A_1246, %dma_wait3A_1247] : memref<3x16x1024xf32, #tpu.memory_space<vmem>> -> memref<1x16x1024xf32, #tpu.memory_space<vmem>>
    %dma_wait3A_1249 = tpu.memref_squeeze %dma_wait3A_1248 : memref<1x16x1024xf32, #tpu.memory_space<vmem>> -> memref<16x1024xf32, #tpu.memory_space<vmem>>
    %dma_wait3A_1250 = arith.constant 0 : i32
    %dma_wait3A_1251 = tpu.memref_slice %arg5[%select_n3A, %add3A_1142, %dma_wait3A_1250] : memref<4x2048x1024xf32, #tpu.memory_space<hbm>> -> memref<1x16x1024xf32, #tpu.memory_space<hbm>>
    %dma_wait3A_1252 = tpu.memref_squeeze %dma_wait3A_1251 : memref<1x16x1024xf32, #tpu.memory_space<hbm>> -> memref<16x1024xf32, #tpu.memory_space<hbm>>
    %dma_wait3A_1253 = arith.constant 0 : i32
    %dma_wait3A_1254 = tpu.memref_slice %arg5[%select_n3A, %add3A_1142, %dma_wait3A_1253] : memref<4x2048x1024xf32, #tpu.memory_space<hbm>> -> memref<1x16x1024xf32, #tpu.memory_space<hbm>>
    %dma_wait3A_1255 = tpu.memref_squeeze %dma_wait3A_1254 : memref<1x16x1024xf32, #tpu.memory_space<hbm>> -> memref<16x1024xf32, #tpu.memory_space<hbm>>
    %dma_wait3A_1256 = arith.constant 0 : i32
    %dma_wait3A_1257 = arith.constant 0 : i32
    %dma_wait3A_1258 = tpu.memref_slice %arg8[%dma_wait3A_1245, %dma_wait3A_1256, %dma_wait3A_1257] : memref<3x16x1024xf32, #tpu.memory_space<vmem>> -> memref<1x16x1024xf32, #tpu.memory_space<vmem>>
    %dma_wait3A_1259 = tpu.memref_squeeze %dma_wait3A_1258 : memref<1x16x1024xf32, #tpu.memory_space<vmem>> -> memref<16x1024xf32, #tpu.memory_space<vmem>>
    tpu.wait_dma2 semaphore(%arg11 : memref<!tpu.dma_semaphore, #tpu.memory_space<semaphore_mem>>) src(%dma_wait3A_1259 : memref<16x1024xf32, #tpu.memory_space<vmem>>) dst(%dma_wait3A_1255 : memref<16x1024xf32, #tpu.memory_space<hbm>>)
    %dma_start3A_1260 = arith.constant 0 : i32
    %dma_start3A_1261 = arith.constant 0 : i32
    %dma_start3A_1262 = arith.constant 0 : i32
    %dma_start3A_1263 = tpu.memref_slice %arg7[%dma_start3A_1260, %dma_start3A_1261, %dma_start3A_1262] : memref<3x16x1024xf32, #tpu.memory_space<vmem>> -> memref<1x16x1024xf32, #tpu.memory_space<vmem>>
    %dma_start3A_1264 = tpu.memref_squeeze %dma_start3A_1263 : memref<1x16x1024xf32, #tpu.memory_space<vmem>> -> memref<16x1024xf32, #tpu.memory_space<vmem>>
    %dma_start3A_1265 = arith.constant 240 : i32
    %dma_start3A_1266 = tpu.memref_slice %arg6[%dma_start3A_1265] : memref<256xi32, #tpu.memory_space<vmem>> -> memref<16xi32, #tpu.memory_space<vmem>>
    %dma_start3A_1267 = arith.constant 0 : i32
    %dma_start3A_1268 = arith.constant 0 : i32
    %dma_start3A_1269 = tpu.memref_slice %arg4[%dma_start3A_1267, %dma_start3A_1268] : memref<8192x1024xf32, #tpu.memory_space<hbm>> -> memref<8192x1024xf32, #tpu.memory_space<hbm>>
    tpu.enqueue_indirect_dma source(%dma_start3A_1269 : memref<8192x1024xf32, #tpu.memory_space<hbm>>) target(%dma_start3A_1264 : memref<16x1024xf32, #tpu.memory_space<vmem>>) offsets(%dma_start3A_1266 : memref<16xi32, #tpu.memory_space<vmem>>) semaphore(%arg9 : memref<!tpu.dma_semaphore, #tpu.memory_space<semaphore_mem>>)
    %add3A_1270 = arith.constant 240 : i32
    %add3A_1271 = arith.addi %select_n3A_32, %add3A_1270 : i32
    %dma_start3A_1272 = arith.constant 0 : i32
    %dma_start3A_1273 = arith.constant 0 : i32
    %dma_start3A_1274 = arith.constant 0 : i32
    %dma_start3A_1275 = tpu.memref_slice %arg8[%dma_start3A_1272, %dma_start3A_1273, %dma_start3A_1274] : memref<3x16x1024xf32, #tpu.memory_space<vmem>> -> memref<1x16x1024xf32, #tpu.memory_space<vmem>>
    %dma_start3A_1276 = tpu.memref_squeeze %dma_start3A_1275 : memref<1x16x1024xf32, #tpu.memory_space<vmem>> -> memref<16x1024xf32, #tpu.memory_space<vmem>>
    %dma_start3A_1277 = arith.constant 0 : i32
    %dma_start3A_1278 = tpu.memref_slice %arg2[%select_n3A, %add3A_1271, %dma_start3A_1277] : memref<4x2048x1024xf32, #tpu.memory_space<hbm>> -> memref<1x16x1024xf32, #tpu.memory_space<hbm>>
    %dma_start3A_1279 = tpu.memref_squeeze %dma_start3A_1278 : memref<1x16x1024xf32, #tpu.memory_space<hbm>> -> memref<16x1024xf32, #tpu.memory_space<hbm>>
    %dma_start3A_1280 = arith.constant 0 : i32
    %dma_start3A_1281 = arith.constant 0 : i32
    %dma_start3A_1282 = tpu.memref_slice %arg8[%dma_start3A_1272, %dma_start3A_1280, %dma_start3A_1281] : memref<3x16x1024xf32, #tpu.memory_space<vmem>> -> memref<1x16x1024xf32, #tpu.memory_space<vmem>>
    %dma_start3A_1283 = tpu.memref_squeeze %dma_start3A_1282 : memref<1x16x1024xf32, #tpu.memory_space<vmem>> -> memref<16x1024xf32, #tpu.memory_space<vmem>>
    %dma_start3A_1284 = arith.constant 0 : i32
    %dma_start3A_1285 = tpu.memref_slice %arg2[%select_n3A, %add3A_1271, %dma_start3A_1284] : memref<4x2048x1024xf32, #tpu.memory_space<hbm>> -> memref<1x16x1024xf32, #tpu.memory_space<hbm>>
    %dma_start3A_1286 = tpu.memref_squeeze %dma_start3A_1285 : memref<1x16x1024xf32, #tpu.memory_space<hbm>> -> memref<16x1024xf32, #tpu.memory_space<hbm>>
    tpu.enqueue_dma source(%dma_start3A_1286 : memref<16x1024xf32, #tpu.memory_space<hbm>>) target(%dma_start3A_1283 : memref<16x1024xf32, #tpu.memory_space<vmem>>) target_semaphore(%arg10 : memref<!tpu.dma_semaphore, #tpu.memory_space<semaphore_mem>>)
    %dma_wait3A_1287 = arith.constant 2 : i32
    %dma_wait3A_1288 = arith.constant 0 : i32
    %dma_wait3A_1289 = arith.constant 0 : i32
    %dma_wait3A_1290 = tpu.memref_slice %arg7[%dma_wait3A_1287, %dma_wait3A_1288, %dma_wait3A_1289] : memref<3x16x1024xf32, #tpu.memory_space<vmem>> -> memref<1x16x1024xf32, #tpu.memory_space<vmem>>
    %dma_wait3A_1291 = tpu.memref_squeeze %dma_wait3A_1290 : memref<1x16x1024xf32, #tpu.memory_space<vmem>> -> memref<16x1024xf32, #tpu.memory_space<vmem>>
    %dma_wait3A_1292 = arith.constant 224 : i32
    %dma_wait3A_1293 = tpu.memref_slice %arg6[%dma_wait3A_1292] : memref<256xi32, #tpu.memory_space<vmem>> -> memref<16xi32, #tpu.memory_space<vmem>>
    %dma_wait3A_1294 = arith.constant 0 : i32
    %dma_wait3A_1295 = arith.constant 0 : i32
    %dma_wait3A_1296 = tpu.memref_slice %arg4[%dma_wait3A_1294, %dma_wait3A_1295] : memref<8192x1024xf32, #tpu.memory_space<hbm>> -> memref<8192x1024xf32, #tpu.memory_space<hbm>>
    tpu.wait_indirect_dma semaphore(%arg9 : memref<!tpu.dma_semaphore, #tpu.memory_space<semaphore_mem>>) src(%dma_wait3A_1296 : memref<8192x1024xf32, #tpu.memory_space<hbm>>) dst(%dma_wait3A_1291 : memref<16x1024xf32, #tpu.memory_space<vmem>>)
    %dma_wait3A_1297 = arith.constant 2 : i32
    %dma_wait3A_1298 = arith.constant 0 : i32
    %dma_wait3A_1299 = arith.constant 0 : i32
    %dma_wait3A_1300 = tpu.memref_slice %arg8[%dma_wait3A_1297, %dma_wait3A_1298, %dma_wait3A_1299] : memref<3x16x1024xf32, #tpu.memory_space<vmem>> -> memref<1x16x1024xf32, #tpu.memory_space<vmem>>
    %dma_wait3A_1301 = tpu.memref_squeeze %dma_wait3A_1300 : memref<1x16x1024xf32, #tpu.memory_space<vmem>> -> memref<16x1024xf32, #tpu.memory_space<vmem>>
    %dma_wait3A_1302 = arith.constant 0 : i32
    %dma_wait3A_1303 = tpu.memref_slice %arg2[%select_n3A, %add3A_1184, %dma_wait3A_1302] : memref<4x2048x1024xf32, #tpu.memory_space<hbm>> -> memref<1x16x1024xf32, #tpu.memory_space<hbm>>
    %dma_wait3A_1304 = tpu.memref_squeeze %dma_wait3A_1303 : memref<1x16x1024xf32, #tpu.memory_space<hbm>> -> memref<16x1024xf32, #tpu.memory_space<hbm>>
    %dma_wait3A_1305 = arith.constant 0 : i32
    %dma_wait3A_1306 = arith.constant 0 : i32
    %dma_wait3A_1307 = tpu.memref_slice %arg8[%dma_wait3A_1297, %dma_wait3A_1305, %dma_wait3A_1306] : memref<3x16x1024xf32, #tpu.memory_space<vmem>> -> memref<1x16x1024xf32, #tpu.memory_space<vmem>>
    %dma_wait3A_1308 = tpu.memref_squeeze %dma_wait3A_1307 : memref<1x16x1024xf32, #tpu.memory_space<vmem>> -> memref<16x1024xf32, #tpu.memory_space<vmem>>
    %dma_wait3A_1309 = arith.constant 0 : i32
    %dma_wait3A_1310 = tpu.memref_slice %arg2[%select_n3A, %add3A_1184, %dma_wait3A_1309] : memref<4x2048x1024xf32, #tpu.memory_space<hbm>> -> memref<1x16x1024xf32, #tpu.memory_space<hbm>>
    %dma_wait3A_1311 = tpu.memref_squeeze %dma_wait3A_1310 : memref<1x16x1024xf32, #tpu.memory_space<hbm>> -> memref<16x1024xf32, #tpu.memory_space<hbm>>
    tpu.wait_dma2 semaphore(%arg10 : memref<!tpu.dma_semaphore, #tpu.memory_space<semaphore_mem>>) src(%dma_wait3A_1311 : memref<16x1024xf32, #tpu.memory_space<hbm>>) dst(%dma_wait3A_1308 : memref<16x1024xf32, #tpu.memory_space<vmem>>)
    %parallel_loop3A_1312 = arith.constant 0 : i32
    %parallel_loop3A_1313 = arith.constant 16 : i32
    %parallel_loop3A_1314 = arith.constant 1 : i32
    scf.for %parallel_loop3A_1422 = %parallel_loop3A_1312 to %parallel_loop3A_1313 step %parallel_loop3A_1314  : i32 {
      %parallel_loop3A_1423 = arith.constant 0 : i32
      %parallel_loop3A_1424 = arith.constant 1024 : i32
      %parallel_loop3A_1425 = arith.constant 16 : i32
      scf.for %parallel_loop3A_1426 = %parallel_loop3A_1423 to %parallel_loop3A_1424 step %parallel_loop3A_1425  : i32 {
        %parallel_loop3A_1427 = arith.constant 2 : i32
        %parallel_loop3A_1428 = arith.index_cast %parallel_loop3A_1427 : i32 to index
        %parallel_loop3A_1429 = arith.index_cast %parallel_loop3A_1422 : i32 to index
        %parallel_loop3A_1430 = arith.index_cast %parallel_loop3A_1426 : i32 to index
        %parallel_loop3A_1431 = tpu.vector_load %arg7[%parallel_loop3A_1428, %parallel_loop3A_1429, %parallel_loop3A_1430] {strides = array<i32>} : memref<3x16x1024xf32, #tpu.memory_space<vmem>>, vector<1x1x16xf32>,
        %parallel_loop3A_1432 = vector.shape_cast %parallel_loop3A_1431 : vector<1x1x16xf32> to vector<16xf32>
        %parallel_loop3A_1433 = arith.constant 2 : i32
        %parallel_loop3A_1434 = arith.index_cast %parallel_loop3A_1433 : i32 to index
        %parallel_loop3A_1435 = arith.index_cast %parallel_loop3A_1422 : i32 to index
        %parallel_loop3A_1436 = arith.index_cast %parallel_loop3A_1426 : i32 to index
        %parallel_loop3A_1437 = tpu.vector_load %arg8[%parallel_loop3A_1434, %parallel_loop3A_1435, %parallel_loop3A_1436] {strides = array<i32>} : memref<3x16x1024xf32, #tpu.memory_space<vmem>>, vector<1x1x16xf32>,
        %parallel_loop3A_1438 = vector.shape_cast %parallel_loop3A_1437 : vector<1x1x16xf32> to vector<16xf32>
        %parallel_loop3A_1439 = vector.shape_cast %parallel_loop3A_1432 : vector<16xf32> to vector<1x1x16xf32>
        tpu.vector_store %arg8[%parallel_loop3A_1434, %parallel_loop3A_1435, %parallel_loop3A_1436], %parallel_loop3A_1439 {add = true, strides = array<i32>} : memref<3x16x1024xf32, #tpu.memory_space<vmem>>, vector<1x1x16xf32>,
      } {sc.loop_unroll_factor = 8 : i64, sc.parallel_access}
    } {sc.loop_unroll_factor = 1 : i64, sc.parallel_access}
    %add3A_1315 = arith.constant 224 : i32
    %add3A_1316 = arith.addi %select_n3A_32, %add3A_1315 : i32
    %dma_start3A_1317 = arith.constant 2 : i32
    %dma_start3A_1318 = arith.constant 0 : i32
    %dma_start3A_1319 = arith.constant 0 : i32
    %dma_start3A_1320 = tpu.memref_slice %arg8[%dma_start3A_1317, %dma_start3A_1318, %dma_start3A_1319] : memref<3x16x1024xf32, #tpu.memory_space<vmem>> -> memref<1x16x1024xf32, #tpu.memory_space<vmem>>
    %dma_start3A_1321 = tpu.memref_squeeze %dma_start3A_1320 : memref<1x16x1024xf32, #tpu.memory_space<vmem>> -> memref<16x1024xf32, #tpu.memory_space<vmem>>
    %dma_start3A_1322 = arith.constant 0 : i32
    %dma_start3A_1323 = tpu.memref_slice %arg5[%select_n3A, %add3A_1316, %dma_start3A_1322] : memref<4x2048x1024xf32, #tpu.memory_space<hbm>> -> memref<1x16x1024xf32, #tpu.memory_space<hbm>>
    %dma_start3A_1324 = tpu.memref_squeeze %dma_start3A_1323 : memref<1x16x1024xf32, #tpu.memory_space<hbm>> -> memref<16x1024xf32, #tpu.memory_space<hbm>>
    %dma_start3A_1325 = arith.constant 0 : i32
    %dma_start3A_1326 = tpu.memref_slice %arg5[%select_n3A, %add3A_1316, %dma_start3A_1325] : memref<4x2048x1024xf32, #tpu.memory_space<hbm>> -> memref<1x16x1024xf32, #tpu.memory_space<hbm>>
    %dma_start3A_1327 = tpu.memref_squeeze %dma_start3A_1326 : memref<1x16x1024xf32, #tpu.memory_space<hbm>> -> memref<16x1024xf32, #tpu.memory_space<hbm>>
    %dma_start3A_1328 = arith.constant 0 : i32
    %dma_start3A_1329 = arith.constant 0 : i32
    %dma_start3A_1330 = tpu.memref_slice %arg8[%dma_start3A_1317, %dma_start3A_1328, %dma_start3A_1329] : memref<3x16x1024xf32, #tpu.memory_space<vmem>> -> memref<1x16x1024xf32, #tpu.memory_space<vmem>>
    %dma_start3A_1331 = tpu.memref_squeeze %dma_start3A_1330 : memref<1x16x1024xf32, #tpu.memory_space<vmem>> -> memref<16x1024xf32, #tpu.memory_space<vmem>>
    tpu.enqueue_dma source(%dma_start3A_1331 : memref<16x1024xf32, #tpu.memory_space<vmem>>) target(%dma_start3A_1327 : memref<16x1024xf32, #tpu.memory_space<hbm>>) target_semaphore(%arg11 : memref<!tpu.dma_semaphore, #tpu.memory_space<semaphore_mem>>)
    %dma_wait3A_1332 = arith.constant 0 : i32
    %dma_wait3A_1333 = arith.constant 0 : i32
    %dma_wait3A_1334 = arith.constant 0 : i32
    %dma_wait3A_1335 = tpu.memref_slice %arg7[%dma_wait3A_1332, %dma_wait3A_1333, %dma_wait3A_1334] : memref<3x16x1024xf32, #tpu.memory_space<vmem>> -> memref<1x16x1024xf32, #tpu.memory_space<vmem>>
    %dma_wait3A_1336 = tpu.memref_squeeze %dma_wait3A_1335 : memref<1x16x1024xf32, #tpu.memory_space<vmem>> -> memref<16x1024xf32, #tpu.memory_space<vmem>>
    %dma_wait3A_1337 = arith.constant 240 : i32
    %dma_wait3A_1338 = tpu.memref_slice %arg6[%dma_wait3A_1337] : memref<256xi32, #tpu.memory_space<vmem>> -> memref<16xi32, #tpu.memory_space<vmem>>
    %dma_wait3A_1339 = arith.constant 0 : i32
    %dma_wait3A_1340 = arith.constant 0 : i32
    %dma_wait3A_1341 = tpu.memref_slice %arg4[%dma_wait3A_1339, %dma_wait3A_1340] : memref<8192x1024xf32, #tpu.memory_space<hbm>> -> memref<8192x1024xf32, #tpu.memory_space<hbm>>
    tpu.wait_indirect_dma semaphore(%arg9 : memref<!tpu.dma_semaphore, #tpu.memory_space<semaphore_mem>>) src(%dma_wait3A_1341 : memref<8192x1024xf32, #tpu.memory_space<hbm>>) dst(%dma_wait3A_1336 : memref<16x1024xf32, #tpu.memory_space<vmem>>)
    %dma_wait3A_1342 = arith.constant 0 : i32
    %dma_wait3A_1343 = arith.constant 0 : i32
    %dma_wait3A_1344 = arith.constant 0 : i32
    %dma_wait3A_1345 = tpu.memref_slice %arg8[%dma_wait3A_1342, %dma_wait3A_1343, %dma_wait3A_1344] : memref<3x16x1024xf32, #tpu.memory_space<vmem>> -> memref<1x16x1024xf32, #tpu.memory_space<vmem>>
    %dma_wait3A_1346 = tpu.memref_squeeze %dma_wait3A_1345 : memref<1x16x1024xf32, #tpu.memory_space<vmem>> -> memref<16x1024xf32, #tpu.memory_space<vmem>>
    %dma_wait3A_1347 = arith.constant 0 : i32
    %dma_wait3A_1348 = tpu.memref_slice %arg2[%select_n3A, %add3A_1271, %dma_wait3A_1347] : memref<4x2048x1024xf32, #tpu.memory_space<hbm>> -> memref<1x16x1024xf32, #tpu.memory_space<hbm>>
    %dma_wait3A_1349 = tpu.memref_squeeze %dma_wait3A_1348 : memref<1x16x1024xf32, #tpu.memory_space<hbm>> -> memref<16x1024xf32, #tpu.memory_space<hbm>>
    %dma_wait3A_1350 = arith.constant 0 : i32
    %dma_wait3A_1351 = arith.constant 0 : i32
    %dma_wait3A_1352 = tpu.memref_slice %arg8[%dma_wait3A_1342, %dma_wait3A_1350, %dma_wait3A_1351] : memref<3x16x1024xf32, #tpu.memory_space<vmem>> -> memref<1x16x1024xf32, #tpu.memory_space<vmem>>
    %dma_wait3A_1353 = tpu.memref_squeeze %dma_wait3A_1352 : memref<1x16x1024xf32, #tpu.memory_space<vmem>> -> memref<16x1024xf32, #tpu.memory_space<vmem>>
    %dma_wait3A_1354 = arith.constant 0 : i32
    %dma_wait3A_1355 = tpu.memref_slice %arg2[%select_n3A, %add3A_1271, %dma_wait3A_1354] : memref<4x2048x1024xf32, #tpu.memory_space<hbm>> -> memref<1x16x1024xf32, #tpu.memory_space<hbm>>
    %dma_wait3A_1356 = tpu.memref_squeeze %dma_wait3A_1355 : memref<1x16x1024xf32, #tpu.memory_space<hbm>> -> memref<16x1024xf32, #tpu.memory_space<hbm>>
    tpu.wait_dma2 semaphore(%arg10 : memref<!tpu.dma_semaphore, #tpu.memory_space<semaphore_mem>>) src(%dma_wait3A_1356 : memref<16x1024xf32, #tpu.memory_space<hbm>>) dst(%dma_wait3A_1353 : memref<16x1024xf32, #tpu.memory_space<vmem>>)
    %parallel_loop3A_1357 = arith.constant 0 : i32
    %parallel_loop3A_1358 = arith.constant 16 : i32
    %parallel_loop3A_1359 = arith.constant 1 : i32
    scf.for %parallel_loop3A_1422 = %parallel_loop3A_1357 to %parallel_loop3A_1358 step %parallel_loop3A_1359  : i32 {
      %parallel_loop3A_1423 = arith.constant 0 : i32
      %parallel_loop3A_1424 = arith.constant 1024 : i32
      %parallel_loop3A_1425 = arith.constant 16 : i32
      scf.for %parallel_loop3A_1426 = %parallel_loop3A_1423 to %parallel_loop3A_1424 step %parallel_loop3A_1425  : i32 {
        %parallel_loop3A_1427 = arith.constant 0 : i32
        %parallel_loop3A_1428 = arith.index_cast %parallel_loop3A_1427 : i32 to index
        %parallel_loop3A_1429 = arith.index_cast %parallel_loop3A_1422 : i32 to index
        %parallel_loop3A_1430 = arith.index_cast %parallel_loop3A_1426 : i32 to index
        %parallel_loop3A_1431 = tpu.vector_load %arg7[%parallel_loop3A_1428, %parallel_loop3A_1429, %parallel_loop3A_1430] {strides = array<i32>} : memref<3x16x1024xf32, #tpu.memory_space<vmem>>, vector<1x1x16xf32>,
        %parallel_loop3A_1432 = vector.shape_cast %parallel_loop3A_1431 : vector<1x1x16xf32> to vector<16xf32>
        %parallel_loop3A_1433 = arith.constant 0 : i32
        %parallel_loop3A_1434 = arith.index_cast %parallel_loop3A_1433 : i32 to index
        %parallel_loop3A_1435 = arith.index_cast %parallel_loop3A_1422 : i32 to index
        %parallel_loop3A_1436 = arith.index_cast %parallel_loop3A_1426 : i32 to index
        %parallel_loop3A_1437 = tpu.vector_load %arg8[%parallel_loop3A_1434, %parallel_loop3A_1435, %parallel_loop3A_1436] {strides = array<i32>} : memref<3x16x1024xf32, #tpu.memory_space<vmem>>, vector<1x1x16xf32>,
        %parallel_loop3A_1438 = vector.shape_cast %parallel_loop3A_1437 : vector<1x1x16xf32> to vector<16xf32>
        %parallel_loop3A_1439 = vector.shape_cast %parallel_loop3A_1432 : vector<16xf32> to vector<1x1x16xf32>
        tpu.vector_store %arg8[%parallel_loop3A_1434, %parallel_loop3A_1435, %parallel_loop3A_1436], %parallel_loop3A_1439 {add = true, strides = array<i32>} : memref<3x16x1024xf32, #tpu.memory_space<vmem>>, vector<1x1x16xf32>,
      } {sc.loop_unroll_factor = 8 : i64, sc.parallel_access}
    } {sc.loop_unroll_factor = 1 : i64, sc.parallel_access}
    %add3A_1360 = arith.constant 240 : i32
    %add3A_1361 = arith.addi %select_n3A_32, %add3A_1360 : i32
    %dma_start3A_1362 = arith.constant 0 : i32
    %dma_start3A_1363 = arith.constant 0 : i32
    %dma_start3A_1364 = arith.constant 0 : i32
    %dma_start3A_1365 = tpu.memref_slice %arg8[%dma_start3A_1362, %dma_start3A_1363, %dma_start3A_1364] : memref<3x16x1024xf32, #tpu.memory_space<vmem>> -> memref<1x16x1024xf32, #tpu.memory_space<vmem>>
    %dma_start3A_1366 = tpu.memref_squeeze %dma_start3A_1365 : memref<1x16x1024xf32, #tpu.memory_space<vmem>> -> memref<16x1024xf32, #tpu.memory_space<vmem>>
    %dma_start3A_1367 = arith.constant 0 : i32
    %dma_start3A_1368 = tpu.memref_slice %arg5[%select_n3A, %add3A_1361, %dma_start3A_1367] : memref<4x2048x1024xf32, #tpu.memory_space<hbm>> -> memref<1x16x1024xf32, #tpu.memory_space<hbm>>
    %dma_start3A_1369 = tpu.memref_squeeze %dma_start3A_1368 : memref<1x16x1024xf32, #tpu.memory_space<hbm>> -> memref<16x1024xf32, #tpu.memory_space<hbm>>
    %dma_start3A_1370 = arith.constant 0 : i32
    %dma_start3A_1371 = tpu.memref_slice %arg5[%select_n3A, %add3A_1361, %dma_start3A_1370] : memref<4x2048x1024xf32, #tpu.memory_space<hbm>> -> memref<1x16x1024xf32, #tpu.memory_space<hbm>>
    %dma_start3A_1372 = tpu.memref_squeeze %dma_start3A_1371 : memref<1x16x1024xf32, #tpu.memory_space<hbm>> -> memref<16x1024xf32, #tpu.memory_space<hbm>>
    %dma_start3A_1373 = arith.constant 0 : i32
    %dma_start3A_1374 = arith.constant 0 : i32
    %dma_start3A_1375 = tpu.memref_slice %arg8[%dma_start3A_1362, %dma_start3A_1373, %dma_start3A_1374] : memref<3x16x1024xf32, #tpu.memory_space<vmem>> -> memref<1x16x1024xf32, #tpu.memory_space<vmem>>
    %dma_start3A_1376 = tpu.memref_squeeze %dma_start3A_1375 : memref<1x16x1024xf32, #tpu.memory_space<vmem>> -> memref<16x1024xf32, #tpu.memory_space<vmem>>
    tpu.enqueue_dma source(%dma_start3A_1376 : memref<16x1024xf32, #tpu.memory_space<vmem>>) target(%dma_start3A_1372 : memref<16x1024xf32, #tpu.memory_space<hbm>>) target_semaphore(%arg11 : memref<!tpu.dma_semaphore, #tpu.memory_space<semaphore_mem>>)
    %dma_wait3A_1377 = arith.constant 1 : i32
    %dma_wait3A_1378 = arith.constant 0 : i32
    %dma_wait3A_1379 = arith.constant 0 : i32
    %dma_wait3A_1380 = tpu.memref_slice %arg8[%dma_wait3A_1377, %dma_wait3A_1378, %dma_wait3A_1379] : memref<3x16x1024xf32, #tpu.memory_space<vmem>> -> memref<1x16x1024xf32, #tpu.memory_space<vmem>>
    %dma_wait3A_1381 = tpu.memref_squeeze %dma_wait3A_1380 : memref<1x16x1024xf32, #tpu.memory_space<vmem>> -> memref<16x1024xf32, #tpu.memory_space<vmem>>
    %dma_wait3A_1382 = arith.constant 0 : i32
    %dma_wait3A_1383 = tpu.memref_slice %arg5[%select_n3A, %add3A_1229, %dma_wait3A_1382] : memref<4x2048x1024xf32, #tpu.memory_space<hbm>> -> memref<1x16x1024xf32, #tpu.memory_space<hbm>>
    %dma_wait3A_1384 = tpu.memref_squeeze %dma_wait3A_1383 : memref<1x16x1024xf32, #tpu.memory_space<hbm>> -> memref<16x1024xf32, #tpu.memory_space<hbm>>
    %dma_wait3A_1385 = arith.constant 0 : i32
    %dma_wait3A_1386 = tpu.memref_slice %arg5[%select_n3A, %add3A_1229, %dma_wait3A_1385] : memref<4x2048x1024xf32, #tpu.memory_space<hbm>> -> memref<1x16x1024xf32, #tpu.memory_space<hbm>>
    %dma_wait3A_1387 = tpu.memref_squeeze %dma_wait3A_1386 : memref<1x16x1024xf32, #tpu.memory_space<hbm>> -> memref<16x1024xf32, #tpu.memory_space<hbm>>
    %dma_wait3A_1388 = arith.constant 0 : i32
    %dma_wait3A_1389 = arith.constant 0 : i32
    %dma_wait3A_1390 = tpu.memref_slice %arg8[%dma_wait3A_1377, %dma_wait3A_1388, %dma_wait3A_1389] : memref<3x16x1024xf32, #tpu.memory_space<vmem>> -> memref<1x16x1024xf32, #tpu.memory_space<vmem>>
    %dma_wait3A_1391 = tpu.memref_squeeze %dma_wait3A_1390 : memref<1x16x1024xf32, #tpu.memory_space<vmem>> -> memref<16x1024xf32, #tpu.memory_space<vmem>>
    tpu.wait_dma2 semaphore(%arg11 : memref<!tpu.dma_semaphore, #tpu.memory_space<semaphore_mem>>) src(%dma_wait3A_1391 : memref<16x1024xf32, #tpu.memory_space<vmem>>) dst(%dma_wait3A_1387 : memref<16x1024xf32, #tpu.memory_space<hbm>>)
    %dma_wait3A_1392 = arith.constant 2 : i32
    %dma_wait3A_1393 = arith.constant 0 : i32
    %dma_wait3A_1394 = arith.constant 0 : i32
    %dma_wait3A_1395 = tpu.memref_slice %arg8[%dma_wait3A_1392, %dma_wait3A_1393, %dma_wait3A_1394] : memref<3x16x1024xf32, #tpu.memory_space<vmem>> -> memref<1x16x1024xf32, #tpu.memory_space<vmem>>
    %dma_wait3A_1396 = tpu.memref_squeeze %dma_wait3A_1395 : memref<1x16x1024xf32, #tpu.memory_space<vmem>> -> memref<16x1024xf32, #tpu.memory_space<vmem>>
    %dma_wait3A_1397 = arith.constant 0 : i32
    %dma_wait3A_1398 = tpu.memref_slice %arg5[%select_n3A, %add3A_1316, %dma_wait3A_1397] : memref<4x2048x1024xf32, #tpu.memory_space<hbm>> -> memref<1x16x1024xf32, #tpu.memory_space<hbm>>
    %dma_wait3A_1399 = tpu.memref_squeeze %dma_wait3A_1398 : memref<1x16x1024xf32, #tpu.memory_space<hbm>> -> memref<16x1024xf32, #tpu.memory_space<hbm>>
    %dma_wait3A_1400 = arith.constant 0 : i32
    %dma_wait3A_1401 = tpu.memref_slice %arg5[%select_n3A, %add3A_1316, %dma_wait3A_1400] : memref<4x2048x1024xf32, #tpu.memory_space<hbm>> -> memref<1x16x1024xf32, #tpu.memory_space<hbm>>
    %dma_wait3A_1402 = tpu.memref_squeeze %dma_wait3A_1401 : memref<1x16x1024xf32, #tpu.memory_space<hbm>> -> memref<16x1024xf32, #tpu.memory_space<hbm>>
    %dma_wait3A_1403 = arith.constant 0 : i32
    %dma_wait3A_1404 = arith.constant 0 : i32
    %dma_wait3A_1405 = tpu.memref_slice %arg8[%dma_wait3A_1392, %dma_wait3A_1403, %dma_wait3A_1404] : memref<3x16x1024xf32, #tpu.memory_space<vmem>> -> memref<1x16x1024xf32, #tpu.memory_space<vmem>>
    %dma_wait3A_1406 = tpu.memref_squeeze %dma_wait3A_1405 : memref<1x16x1024xf32, #tpu.memory_space<vmem>> -> memref<16x1024xf32, #tpu.memory_space<vmem>>
    tpu.wait_dma2 semaphore(%arg11 : memref<!tpu.dma_semaphore, #tpu.memory_space<semaphore_mem>>) src(%dma_wait3A_1406 : memref<16x1024xf32, #tpu.memory_space<vmem>>) dst(%dma_wait3A_1402 : memref<16x1024xf32, #tpu.memory_space<hbm>>)
    %dma_wait3A_1407 = arith.constant 0 : i32
    %dma_wait3A_1408 = arith.constant 0 : i32
    %dma_wait3A_1409 = arith.constant 0 : i32
    %dma_wait3A_1410 = tpu.memref_slice %arg8[%dma_wait3A_1407, %dma_wait3A_1408, %dma_wait3A_1409] : memref<3x16x1024xf32, #tpu.memory_space<vmem>> -> memref<1x16x1024xf32, #tpu.memory_space<vmem>>
    %dma_wait3A_1411 = tpu.memref_squeeze %dma_wait3A_1410 : memref<1x16x1024xf32, #tpu.memory_space<vmem>> -> memref<16x1024xf32, #tpu.memory_space<vmem>>
    %dma_wait3A_1412 = arith.constant 0 : i32
    %dma_wait3A_1413 = tpu.memref_slice %arg5[%select_n3A, %add3A_1361, %dma_wait3A_1412] : memref<4x2048x1024xf32, #tpu.memory_space<hbm>> -> memref<1x16x1024xf32, #tpu.memory_space<hbm>>
    %dma_wait3A_1414 = tpu.memref_squeeze %dma_wait3A_1413 : memref<1x16x1024xf32, #tpu.memory_space<hbm>> -> memref<16x1024xf32, #tpu.memory_space<hbm>>
    %dma_wait3A_1415 = arith.constant 0 : i32
    %dma_wait3A_1416 = tpu.memref_slice %arg5[%select_n3A, %add3A_1361, %dma_wait3A_1415] : memref<4x2048x1024xf32, #tpu.memory_space<hbm>> -> memref<1x16x1024xf32, #tpu.memory_space<hbm>>
    %dma_wait3A_1417 = tpu.memref_squeeze %dma_wait3A_1416 : memref<1x16x1024xf32, #tpu.memory_space<hbm>> -> memref<16x1024xf32, #tpu.memory_space<hbm>>
    %dma_wait3A_1418 = arith.constant 0 : i32
    %dma_wait3A_1419 = arith.constant 0 : i32
    %dma_wait3A_1420 = tpu.memref_slice %arg8[%dma_wait3A_1407, %dma_wait3A_1418, %dma_wait3A_1419] : memref<3x16x1024xf32, #tpu.memory_space<vmem>> -> memref<1x16x1024xf32, #tpu.memory_space<vmem>>
    %dma_wait3A_1421 = tpu.memref_squeeze %dma_wait3A_1420 : memref<1x16x1024xf32, #tpu.memory_space<vmem>> -> memref<16x1024xf32, #tpu.memory_space<vmem>>
    tpu.wait_dma2 semaphore(%arg11 : memref<!tpu.dma_semaphore, #tpu.memory_space<semaphore_mem>>) src(%dma_wait3A_1421 : memref<16x1024xf32, #tpu.memory_space<vmem>>) dst(%dma_wait3A_1417 : memref<16x1024xf32, #tpu.memory_space<hbm>>)
    return
  }
}

</mosaic_0001>

<sc_bundles>
// kernel: _pe_add.3.cloned.1.call-start
scs
__scs_entry_jumppad:
0x0: {  	(pc) =	sbr.rel $0x88, $3  }
0x1: {  	(tag) =	ssettag $0x0;
	lr =	simm.s32 $0x1  }
0x2: {  	[smem:$0x3F9E] =	sst lr;
	_ =	strace $0xD0000000  }
0x3: {  	_ = 	snop  }
0x4: {  	_ = 	snop  }
0x5: {  	_ = 	snop  }
0x6: {  	_ = 	snop  }
0x7: {  	_ = 	snop  }
__scs_overlays_trampoline_lowered:
0x8: {  	[smem:$0x3FAD] =	sst s0  }
0x9: {  	[smem:$0x3FAE] =	sst s1  }
0xa: {  	[smem:$0x3FAF] =	sst s2  }
0xb: {  	[smem:$0x3FB0] =	sst s3  }
0xc: {  	[smem:$0x3FB1] =	sst s4  }
0xd: {  	[smem:$0x3FB2] =	sst s5  }
0xe: {  	[smem:$0x3FB3] =	sst s6  }
0xf: {  	[smem:$0x3FB4] =	sst s7  }
0x10: {  	[smem:$0x3FB5] =	sst s8  }
0x11: {  	[smem:$0x3FB6] =	sst s9;
	s0 =	simm.s32 @!p0 $0x0  }
0x12: {  	s1 =	sld [smem:$0x3F9C];
	s0 =	simm.s32 @p0 $0x1  }
0x13: {  	[smem:$0x3FB7] =	sst s0;
	s0 =	simm.s32 @!p1 $0x0  }
0x14: {  	s2 =	sld [smem:$0x3F9B];
	s0 =	simm.s32 @p1 $0x1  }
0x15: {  	[smem:$0x3FB8] =	sst s0;
	s0 =	simm.s32 @!p2 $0x0  }
0x16: {  	s3 =	sld [smem:$0x3FDB];
	s0 =	simm.s32 @p2 $0x1  }
0x17: {  	s4 =	simm.s32 $0x1BF5;
	[smem:$0x3FBA] =	sst s0  }
0x18: {  	s0 =	sld [smem:$0x3F9D];
	_ =	swait.ge [sflag:s4], $0x0  }
0x19: {  	s7 =	sld [smem:$0x3F9E]  }
0x1a: {  	s8 =	sadd.s32 $0xFFFFE003, lr  }
0x1b: {  	s9 =	sadd.s32 $0xFFFFFEF7, lr;
	s5 =	simm.s32 $0xFFFFFFFF;
	p2 =	slt.u32 s8, $0xFFFFF086  }
0x1c: {  	p1 =	slt.u32 s9, $0xF7A;
	s5 =	simm.s32 @!p2 $0x0  }
0x1d: {  	s5 =	simm.s32 @p1 $0x1;
	p0 =	seq.s32 s7, s2  }
0x1e: {  	s7 =	smul.u32 @!p0 $0xF7A, s2;
	p2 =	seq.s32 @!p0 s5, $0x0  }
0x1f: {  	s9 =	smul.u32 $0xF7A, s1;
	s8 =	simm.s32 @!p0 $0x1BF5;
	p2 =	por !p2, p0  }
0x20: {  	[sflag:s8] =	ssyncset.s32 @!p0 $0xFFFFF086;
	s6 =	sadd.s32 @!p0 s3, s7;
	s7 =	simm.s32 @!p0 $0x108  }
0x21: {  	s3 =	sadd.s32 s3, s9;
	s6 =	sadd.s32 @!p0 $0x88, s6;
	s7 =	simm.s32 @p2 $0x1082  }
0x22: {  	[simem:s7], [sflag:s8] =	dma.local @!p0 [hbm:s6], $0xF7A  }
0x23: {  	s9 =	sor.u32 $0xD0000000, s2;
	s6 =	simm.s32 $0x108;
	_ =	swait.ge @!p0 [sflag:s8], $0x0  }
0x24: {  	s3 =	sadd.s32 $0x88, s3;
	s6 =	simm.s32 @!p1 $0x1082;
	[sflag:s4] =	ssyncset.s32 $0xFFFFF086  }
0x25: {  	[simem:s6], [sflag:s4] =	dma.local [hbm:s3], $0xF7A  }
0x26: {  	[smem:$0x3F9E] =	sst s1;
	(tag) =	ssettag s2;
	_ =	strace s9  }
0x27: {  	s1 =	sld [smem:$0x3FAE]  }
0x28: {  	s2 =	sld [smem:$0x3FAF]  }
0x29: {  	s4 =	sld [smem:$0x3FB1]  }
0x2a: {  	p0 =	seq.s32 s5, $0x0;
	s5 =	sld [smem:$0x3FB2]  }
0x2b: {  	s6 =	sld [smem:$0x3FB3]  }
0x2c: {  	s7 =	sld [smem:$0x3FB4]  }
0x2d: {  	s3 =	simm.s32 $0x108;
	s8 =	sld [smem:$0x3FB5]  }
0x2e: {  	s3 =	simm.s32 @!p0 $0x1082;
	s9 =	sld [smem:$0x3FB6]  }
0x2f: {  	lr =	sadd.s32 s0, s3;
	s0 =	sld [smem:$0x3FAD]  }
0x30: {  	s3 =	sld [smem:$0x3FB0]  }
0x31: {  	[smem:$0x3FB9] =	sst s10  }
0x32: {  	s10 =	sld [smem:$0x3FB7];
	_ =	sdelay $0x3  }
0x33: {  	p0 =	seq.s32 s10, $0x1;
	s10 =	sld [smem:$0x3FB9];
	_ =	sdelay $0x3  }
0x34: {  	[smem:$0x3FB9] =	sst s10  }
0x35: {  	s10 =	sld [smem:$0x3FB8];
	_ =	sdelay $0x3  }
0x36: {  	p1 =	seq.s32 s10, $0x1;
	s10 =	sld [smem:$0x3FB9];
	_ =	sdelay $0x3  }
0x37: {  	[smem:$0x3FB9] =	sst s10  }
0x38: {  	s10 =	sld [smem:$0x3FBA]  }
0x39: {  	_ = 	snop;
	(pc) =	sbr.ind lr, $3  }
0x3a: {  	_ = 	snop  }
0x3b: {  	_ = 	snop  }
0x3c: {  	p2 =	seq.s32 s10, $0x1;
	s10 =	sld [smem:$0x3FB9]  }
0x3d: {  	_ =	shalt  }
0x3e: {  	_ =	shalt  }
0x3f: {  	_ =	shalt  }
0x40: {  	_ =	shalt  }
0x41: {  	_ =	shalt  }
0x42: {  	_ =	shalt  }
0x43: {  	_ =	shalt  }
0x44: {  	_ =	shalt  }
0x45: {  	_ =	shalt  }
0x46: {  	_ =	shalt  }
0x47: {  	_ =	shalt  }
0x48: {  	_ =	shalt  }
0x49: {  	_ =	shalt  }
0x4a: {  	_ =	shalt  }
0x4b: {  	_ =	shalt  }
0x4c: {  	_ =	shalt  }
0x4d: {  	_ =	shalt  }
0x4e: {  	_ =	shalt  }
0x4f: {  	_ =	shalt  }
0x50: {  	_ =	shalt  }
0x51: {  	_ =	shalt  }
0x52: {  	_ =	shalt  }
0x53: {  	_ =	shalt  }
0x54: {  	_ =	shalt  }
0x55: {  	_ =	shalt  }
0x56: {  	_ =	shalt  }
0x57: {  	_ =	shalt  }
0x58: {  	_ =	shalt  }
0x59: {  	_ =	shalt  }
0x5a: {  	_ =	shalt  }
0x5b: {  	_ =	shalt  }
0x5c: {  	_ =	shalt  }
0x5d: {  	_ =	shalt  }
0x5e: {  	_ =	shalt  }
0x5f: {  	_ =	shalt  }
0x60: {  	_ =	shalt  }
0x61: {  	_ =	shalt  }
0x62: {  	_ =	shalt  }
0x63: {  	_ =	shalt  }
0x64: {  	_ =	shalt  }
0x65: {  	_ =	shalt  }
0x66: {  	_ =	shalt  }
0x67: {  	_ =	shalt  }
0x68: {  	_ =	shalt  }
0x69: {  	_ =	shalt  }
0x6a: {  	_ =	shalt  }
0x6b: {  	_ =	shalt  }
0x6c: {  	_ =	shalt  }
0x6d: {  	_ =	shalt  }
0x6e: {  	_ =	shalt  }
0x6f: {  	_ =	shalt  }
0x70: {  	_ =	shalt  }
0x71: {  	_ =	shalt  }
0x72: {  	_ =	shalt  }
0x73: {  	_ =	shalt  }
0x74: {  	_ =	shalt  }
0x75: {  	_ =	shalt  }
0x76: {  	_ =	shalt  }
0x77: {  	_ =	shalt  }
0x78: {  	_ =	shalt  }
0x79: {  	_ =	shalt  }
0x7a: {  	_ =	shalt  }
0x7b: {  	_ =	shalt  }
0x7c: {  	_ =	shalt  }
0x7d: {  	_ =	shalt  }
0x7e: {  	_ =	shalt  }
0x7f: {  	_ =	shalt  }
0x80: {  	_ =	shalt  }
0x81: {  	_ =	shalt  }
0x82: {  	_ =	shalt  }
0x83: {  	_ =	shalt  }
0x84: {  	_ =	shalt  }
0x85: {  	_ =	shalt  }
0x86: {  	_ =	shalt  }
0x87: {  	_ =	shalt  }
.Lfunc_end0:
.L_simem_size_0:
called_computation_lowered:
.L_overlay_start_0:
0x88: {  	s2 =	sld [smem:$0x3FD9]  }
0x89: {  	s3 =	sld [smem:$0x3FFE];
	_ =	sdelay $0x1  }
0x8a: {  	s1 =	srdreg.scid  }
0x8b: {  	s0 =	sand.u32 $0x1, s1  }
0x8c: {  	s18 =	sshll.u32 s0, $0xA;
	s2 =	sadd.s32 s3, s2  }
0x8d: {  	s2 =	sadd.s32 s2, s18  }
0x8e: {  	[smem:$0x3FC5] =	sst s2  }
0x8f: {  	_ = 	snop  }
0x90: {  	s2 =	sld [smem:$0x3FC9]  }
0x91: {  	s19 =	sld [smem:$0x3FC8]  }
0x92: {  	s4 =	sld [smem:$0x3FC7]  }
0x93: {  	s5 =	sld [smem:$0x3FD0];
	(tm) =	ssettm $0x1  }
0x94: {  	s6 =	sld [smem:$0x3FFB];
	_ =	sdelay $0x3  }
0x95: {  	_ =	strace s6  }
0x96: {  	s6 =	sld [smem:$0x3FFC];
	_ =	sdelay $0x3  }
0x97: {  	_ =	strace s6  }
0x98: {  	s6 =	sld [smem:$0x3FFD];
	_ =	sdelay $0x3  }
0x99: {  	_ =	strace s6  }
0x9a: {  	_ =	strace $0x8FFFFFFF  }
0x9b: {  	s20 =	sld [smem:$0x3FDB];
	_ =	sdelay $0x1  }
0x9c: {  	s7 =	simm.s32 $_scs_section_size  }
0x9d: {  	s8 =	simm.s32 $_size__tile_overlayer_lowered;
	s9 =	simm.s32 $_tile_overlayer_lowered  }
0x9e: {  	s23 =	simm.s32 $0x1BFF;
	s22 =	sshll.u32 s9, $0x1;
	s6 =	sadd.s32 s7, s20  }
0x9f: {  	s10 =	simm.s32 $0x0;
	s21 =	sshll.u32 s8, $0x1;
	s8 =	sadd.s32 s22, s6  }
0xa0: {  	[timem:s10], [sflag:s23] =	dma.local [hbm:s8], s21  }
0xa1: {  	_ =	swait.ge [sflag:s23], s21  }
0xa2: {  	s7 =	ssub.s32 $0x0, s21;
	[sflag:s23] =	ssyncset.done $0x0  }
0xa3: {  	[sflag:s23] =	ssyncadd.s32 s7;
	_ =	sdelay $0x1  }
0xa4: {  	s24 =	simm.s32 $0x1B8B  }
0xa5: {  	_ =	swait.ge [sflag:s24], $0x1  }
0xa6: {  	[sflag:s24] =	ssyncset.done $0x0  }
0xa7: {  	s25 =	simm.s32 $0x1B8E;
	[sflag:s24] =	ssyncadd.s32 $0xFFFFFFFF  }
0xa8: {  	s26 =	simm.s32 $execute0_lowered;
	[smem:$0x3FD2] =	sst s25  }
0xa9: {  	s7 =	sshll.u32 s26, $0x1;
	_ =	strace $0x80000046;
	[dreg:$0x1] =	wrdreg $0xFFFFFFFF  }
0xaa: {  	s28 =	simm.s32 $_size_execute0_lowered;
	s6 =	sadd.s32 s6, s7;
	[dreg:$0x0] =	wrdreg $0x0  }
0xab: {  	s7 =	sshll.u32 s28, $0x1;
	[dreg:$0x2] =	wrdreg s6  }
0xac: {  	[dreg:$0x3] =	wrdreg s7  }
0xad: {  	[dreg:$0x4] =	wrdreg $0xC0  }
0xae: {  	_ =	task [dreg:s10], $0x5FFFF  }
0xaf: {  	[dreg:$0x1] =	wrdreg $0xFFFFFFFF  }
0xb0: {  	[dreg:$0x0] =	wrdreg $0x60  }
0xb1: {  	[dreg:$0x2] =	wrdreg s2  }
0xb2: {  	[dreg:$0x3] =	wrdreg s19  }
0xb3: {  	[dreg:$0x4] =	wrdreg s4  }
0xb4: {  	[dreg:$0x5] =	wrdreg s5  }
0xb5: {  	[dreg:$0x6] =	wrdreg $0x9  }
0xb6: {  	_ =	task.clear_ibuf [dreg:s10], $0x7FFFF;
	_ =	strace $0x90000046  }
0xb7: {  	s29 =	simm.s32 $0x9;
	_ =	strace $0x80000048  }
0xb8: {  	_ =	swait.ge [sflag:s29], $0x1  }
0xb9: {  	[sflag:s29] =	ssyncadd.s32 $0xFFFFFFFF  }
0xba: {  	_ =	strace $0x90000048  }
0xbb: {  	_ =	sfence  }
0xbc: {  	s30 =	sld [smem:$0x0];
	_ =	sdelay $0x2  }
0xbd: {  	s31 =	sshll.u32 s1, $0xD;
	s1 =	sshrl.u32 s1, $0x2  }
0xbe: {  	s3 =	sand.u32 $0x4000, s31;
	s1 =	sadd.s32 s1, s30  }
0xbf: {  	s0 =	sor.u32 s3, s0;
	s1 =	sshll.u32 s1, $0x11  }
0xc0: {  	s0 =	sor.u32 s1, s0  }
0xc1: {  	s0 =	sadd.s32 $0x8F2B, s0  }
0xc2: {  	[sflag:s0] =	ssyncadd.remote.s32 $0x1  }
0xc3: {  	_ =	sfence.sel $0xFFFF  }
0xc4: {  	[dreg:$0x0] =	wrdreg $0xFFFFFFFF;
	(pc) =	sbr.abs _section_cstart, $3  }
0xc5: {  	[dreg:$0x1] =	wrdreg $0xFFFFFFFF  }
0xc6: {  	_ =	task.clear_ibuf [dreg:s10], $0x2FFFF;
	_ =	strace $0x9FFFFFFF  }
0xc7: {  	(tm) =	ssettm $0x7FFFFFFF  }
tec
execute0_lowered:
.L_overlay_start_1:
0x0: {  	(tag) =	ssettag $0x1  }
0x1: {  	s1 =	srdreg.scid;
	s7 =	stileid.u32  }
0x2: {  	s4 =	sand.u32 $0x1, s1;
	s5 =	sshll.u32 s7, $0x9  }
0x3: {  	s0 =	rddreg [dreg:$0x0];
	s6 =	sshll.u32 s4, $0x8;
	s5 =	sand.u32 $0x600, s5  }
0x4: {  	s3 =	rddreg [dreg:$0x1];
	s11 =	sshrl.u32 s7, $0x2;
	s5 =	sor.u32 s6, s5  }
0x5: {  	s2 =	rddreg [dreg:$0x3];
	s8 =	sshll.u32 s11, $0x7;
	s12 =	sshll.u32 s5, $0x2  }
0x6: {  	s6 =	sshll.u32 s11, $0x12;
	s5 =	sshll.u32 s5, $0x7;
	s7 =	sor.u32 s8, s12  }
0x7: {  	s1 =	simm.s32 $0x0;
	s5 =	sor.u32 s6, s5;
	s7 =	sshrl.u32 s7, $0x3  }
0x8: {  	[smem:$0x7FF] =	sst s1;
	s14 =	sor.u32 $0x800, s5;
	s3 =	sadd.s32 s3, s7  }
0x9: {  	s16 =	sor.u32 $0x1000, s5;
	s15 =	sadd.s32 s0, s14;
	[dreg:$0x5] =	wrdreg s3  }
0xa: {  	s17 =	sor.u32 $0x1800, s5;
	s18 =	sadd.s32 s0, s16;
	[dreg:$0x6] =	wrdreg s15  }
0xb: {  	s19 =	sadd.s32 s0, s17;
	[dreg:$0x7] =	wrdreg s18  }
0xc: {  	s21 =	sor.u32 $0x2000, s5;
	s20 =	sadd.s32 s2, s16;
	[dreg:$0x9] =	wrdreg s19  }
0xd: {  	s29 =	simm.s32 $0x10100;
	s23 =	sadd.s32 s0, s21;
	[dreg:$0xa] =	wrdreg s20  }
0xe: {  	s22 =	sor.u32 $0x2800, s5;
	s7 =	sadd.s32 s2, s17;
	[dreg:$0xb] =	wrdreg s23  }
0xf: {  	s25 =	sor.u32 $0x3000, s5;
	s24 =	sadd.s32 s0, s22;
	[dreg:$0xc] =	wrdreg s7  }
0x10: {  	s30 =	simm.s32 $0x1;
	s28 =	sadd.s32 s0, s25;
	[dreg:$0xd] =	wrdreg s24  }
0x11: {  	s26 =	sor.u32 $0x3800, s5;
	s6 =	sadd.s32 s2, s22;
	[dreg:$0xf] =	wrdreg s28  }
0x12: {  	s9 =	sor.u32 $0x4000, s5;
	s8 =	sadd.s32 s0, s26;
	[dreg:$0x10] =	wrdreg s6  }
0x13: {  	s10 =	sor.u32 $0x4800, s5;
	s11 =	sadd.s32 s0, s9;
	[dreg:$0x11] =	wrdreg s8  }
0x14: {  	s31 =	simm.s32 $0x2;
	s12 =	sadd.s32 s0, s10;
	[dreg:$0x13] =	wrdreg s11  }
0x15: {  	s4 =	ssub.s32 $0x2, s4;
	s22 =	sadd.s32 s2, s5;
	[dreg:$0x15] =	wrdreg s12  }
0x16: {  	s13 =	sshrl.u32 s4, $0x1;
	s3 =	sadd.s32 s2, s14;
	[smem:$0x7F8] =	sst s22  }
0x17: {  	s4 =	ssub.s32 s4, s13;
	s7 =	sadd.s32 s2, s26;
	[dreg:$0x8] =	wrdreg s3  }
0x18: {  	s13 =	sor.u32 $0x5000, s5;
	s6 =	sadd.s32 s2, s10;
	[dreg:$0x14] =	wrdreg s7  }
0x19: {  	s17 =	sor.u32 $0x6000, s5;
	s14 =	sadd.s32 s0, s13;
	[dreg:$0x17] =	wrdreg s6  }
0x1a: {  	s15 =	sor.u32 $0x5800, s5;
	s18 =	sadd.s32 s0, s17;
	[dreg:$0x18] =	wrdreg s14  }
0x1b: {  	s19 =	sor.u32 $0x6800, s5;
	s3 =	sadd.s32 s2, s21;
	[dreg:$0x1c] =	wrdreg s18  }
0x1c: {  	s23 =	sor.u32 $0x7000, s5;
	s16 =	sadd.s32 s0, s15;
	[dreg:$0xe] =	wrdreg s3  }
0x1d: {  	s28 =	smax.u32 s4, $0x1;
	s20 =	sadd.s32 s0, s19;
	[dreg:$0x1a] =	wrdreg s16  }
0x1e: {  	s11 =	simm.s32 $0x100;
	s21 =	sadd.s32 s0, s5;
	[dreg:$0x1e] =	wrdreg s20  }
0x1f: {  	s12 =	simm.s32 $0x900;
	s24 =	sadd.s32 s0, s23;
	[smem:$0x7F7] =	sst s21  }
0x20: {  	s5 =	sor.u32 $0x7800, s5;
	s3 =	sadd.s32 s2, s25;
	[smem:$0x7F9] =	sst s24  }
0x21: {  	s10 =	simm.s32 $0xA900;
	s0 =	sadd.s32 s0, s5;
	[dreg:$0x12] =	wrdreg s3  }
0x22: {  	s22 =	simm.s32 $0x14100;
	s25 =	sadd.s32 s2, s23;
	[smem:$0x7FA] =	sst s0  }
0x23: {  	s14 =	simm.s32 $0x1900;
	s26 =	sadd.s32 s2, s5;
	[smem:$0x7FB] =	sst s25  }
0x24: {  	s18 =	simm.s32 $0x3900;
	s3 =	sadd.s32 s2, s9;
	[smem:$0x7FC] =	sst s26  }
0x25: {  	s16 =	simm.s32 $0x2900;
	[dreg:$0x16] =	wrdreg s3;
	s3 =	sadd.s32 s2, s13  }
0x26: {  	s20 =	simm.s32 $0xB100;
	[dreg:$0x19] =	wrdreg s3;
	s3 =	sadd.s32 s2, s15  }
0x27: {  	s21 =	simm.s32 $0xB900;
	[dreg:$0x1b] =	wrdreg s3;
	s3 =	sadd.s32 s2, s17  }
0x28: {  	s23 =	simm.s32 $0x3;
	[dreg:$0x1d] =	wrdreg s3;
	s3 =	sadd.s32 s2, s19  }
0x29: {  	s24 =	simm.s32 $0x0;
	s13 =	simm.s32 $0x1100;
	[dreg:$0x1f] =	wrdreg s3  }
0x2a: {  	v2 =	vlaneseq.u32;
	s15 =	simm.s32 $0x2100;
	s17 =	simm.s32 $0x3100;
	s3 =	rddreg [dreg:$0x2]  }
0x2b: {  	vm0 =	vmmov $0xffff;
	v1 =	vshrl.u32 v2, $0x3;
	s19 =	simm.s32 $0xC100;
	_ =	strace $0x80000047;
	[smem:$0x7FD] =	sst s28  }
0x2c: {  	v0 =	vand.u32 $0x7, v2;
	v2 =	vor.u32 $0x8, v2;
	v1 =	vmul.u32 $0x8, v1;
	s7 =	sadd.s32 $0x100, s3;
	s8 =	sadd.s32 $0x200, s3;
	s9 =	sadd.s32 $0x300, s3  }
.LBB2_1:
0x2d: {  	s0 =	rddreg [dreg:$0x5];
	s2 =	simm.s32 $0x80;
	s4 =	simm.s32 $0x200  }
0x2e: {  	[tilespmem:s1], [sflag:$0x4] =	stream.strided.gather [hbm4b:s0+s2], $0x100, s4, s2, $0x38;
	[tilespmem:$0x18100] =	vst v63  }
0x2f: {  	s4 =	simm.s32 $0x4  }
0x30: {  	_ =	swait.ge [sflag:s4], $0x100  }
0x31: {  	[sflag:s4] =	ssyncset.done $0x0  }
0x32: {  	[sflag:s4] =	ssyncadd.s32 $0xFFFFFF00  }
0x33: {  	v3 =	vld [tilespmem:$0x0];
	_ =	sdelay $0x4  }
0x34: {  	v4 =	vshll.u32 v3, $0x3  }
0x35: {  	v3 =	vand.u32 $0x7, v3;
	v4 =	vand.u32 $0xFFFFFFC0, v4  }
0x36: {  	v3 =	vor.u32 v3, v4  }
0x37: {  	v4 =	vperm.xlane v3, v0;
	_ =	sdelay $0x1  }
0x38: {  	v4 =	vadd.s32 v1, v4;
	_ =	sdelay $0x4  }
0x39: {  	[tilespmem:s11], [sflag:$0x1] =	stream.indirect_vreg.gather [hbm4b:s3+s1], $0x80, v4, vm0, $0xb8;
	[tilespmem:$0x18100] =	vst v63  }
0x3a: {  	v3 =	vperm.xlane v3, v2  }
0x3b: {  	[tilespmem:s12], [sflag:$0x1] =	stream.indirect_vreg.gather [hbm4b:s7+s1], $0x80, v4, vm0, $0xb8;
	[tilespmem:$0x18100] =	vst v63  }
0x3c: {  	v3 =	vadd.s32 v1, v3  }
0x3d: {  	[tilespmem:s13], [sflag:$0x1] =	stream.indirect_vreg.gather [hbm4b:s8+s1], $0x80, v4, vm0, $0xb8;
	[tilespmem:$0x18100] =	vst v63  }
0x3e: {  	_ = 	snop  }
0x3f: {  	[tilespmem:s14], [sflag:$0x1] =	stream.indirect_vreg.gather [hbm4b:s9+s1], $0x80, v4, vm0, $0xb8;
	[tilespmem:$0x18100] =	vst v63  }
0x40: {  	_ = 	snop  }
0x41: {  	[tilespmem:s15], [sflag:$0x1] =	stream.indirect_vreg.gather [hbm4b:s3+s1], $0x80, v3, vm0, $0xb8;
	[tilespmem:$0x18100] =	vst v63  }
0x42: {  	_ = 	snop  }
0x43: {  	[tilespmem:s16], [sflag:$0x1] =	stream.indirect_vreg.gather [hbm4b:s7+s1], $0x80, v3, vm0, $0xb8;
	[tilespmem:$0x18100] =	vst v63  }
0x44: {  	_ = 	snop  }
0x45: {  	[tilespmem:s17], [sflag:$0x1] =	stream.indirect_vreg.gather [hbm4b:s8+s1], $0x80, v3, vm0, $0xb8;
	[tilespmem:$0x18100] =	vst v63  }
0x46: {  	s5 =	sld [smem:$0x7F7]  }
0x47: {  	[tilespmem:s18], [sflag:$0x1] =	stream.indirect_vreg.gather [hbm4b:s9+s1], $0x80, v3, vm0, $0xb8;
	[tilespmem:$0x18100] =	vst v63  }
0x48: {  	_ = 	snop  }
0x49: {  	[tilespmem:s19], [sflag:$0x2] =	stream.linear.gather [hbm4b:s5+s1], $0x4000, $0x38;
	[tilespmem:$0x18100] =	vst v63  }
0x4a: {  	v3 =	vld [tilespmem:$0x10];
	_ =	sdelay $0x4  }
0x4b: {  	v63 =	vshll.u32 v3, $0x3  }
0x4c: {  	v3 =	vand.u32 $0x7, v3;
	v4 =	vand.u32 $0xFFFFFFC0, v63  }
0x4d: {  	v3 =	vor.u32 v3, v4  }
0x4e: {  	v4 =	vperm.xlane v3, v0;
	_ =	sdelay $0x1  }
0x4f: {  	v4 =	vadd.s32 v1, v4;
	_ =	sdelay $0x3  }
0x50: {  	s6 =	simm.s32 $0x4100  }
0x51: {  	[tilespmem:s6], [sflag:$0x1] =	stream.indirect_vreg.gather [hbm4b:s3+s1], $0x80, v4, vm0, $0xb8;
	[tilespmem:$0x18100] =	vst v63  }
0x52: {  	s25 =	simm.s32 $0x4900;
	v3 =	vperm.xlane v3, v2  }
0x53: {  	[tilespmem:s25], [sflag:$0x1] =	stream.indirect_vreg.gather [hbm4b:s7+s1], $0x80, v4, vm0, $0xb8;
	[tilespmem:$0x18100] =	vst v63  }
0x54: {  	s26 =	simm.s32 $0x5100;
	v3 =	vadd.s32 v1, v3  }
0x55: {  	[tilespmem:s26], [sflag:$0x1] =	stream.indirect_vreg.gather [hbm4b:s8+s1], $0x80, v4, vm0, $0xb8;
	[tilespmem:$0x18100] =	vst v63  }
0x56: {  	s2 =	simm.s32 $0x5900  }
0x57: {  	[tilespmem:s2], [sflag:$0x1] =	stream.indirect_vreg.gather [hbm4b:s9+s1], $0x80, v4, vm0, $0xb8;
	[tilespmem:$0x18100] =	vst v63  }
0x58: {  	s4 =	simm.s32 $0x6100  }
0x59: {  	[tilespmem:s4], [sflag:$0x1] =	stream.indirect_vreg.gather [hbm4b:s3+s1], $0x80, v3, vm0, $0xb8;
	[tilespmem:$0x18100] =	vst v63  }
0x5a: {  	s5 =	simm.s32 $0x6900  }
0x5b: {  	[tilespmem:s5], [sflag:$0x1] =	stream.indirect_vreg.gather [hbm4b:s7+s1], $0x80, v3, vm0, $0xb8;
	[tilespmem:$0x18100] =	vst v63  }
0x5c: {  	s6 =	simm.s32 $0x7100  }
0x5d: {  	[tilespmem:s6], [sflag:$0x1] =	stream.indirect_vreg.gather [hbm4b:s8+s1], $0x80, v3, vm0, $0xb8;
	[tilespmem:$0x18100] =	vst v63  }
0x5e: {  	s25 =	simm.s32 $0x7900  }
0x5f: {  	[tilespmem:s25], [sflag:$0x1] =	stream.indirect_vreg.gather [hbm4b:s9+s1], $0x80, v3, vm0, $0xb8;
	[tilespmem:$0x18100] =	vst v63  }
0x60: {  	s26 =	rddreg [dreg:$0x6]  }
0x61: {  	[tilespmem:s29], [sflag:$0x2] =	stream.linear.gather [hbm4b:s26+s1], $0x4000, $0x38;
	[tilespmem:$0x18100] =	vst v63  }
0x62: {  	_ =	swait.ge [sflag:s30], $0x4000  }
0x63: {  	[sflag:s30] =	ssyncset.done $0x0  }
0x64: {  	[sflag:s30] =	ssyncadd.s32 $0xFFFFC000  }
0x65: {  	_ =	swait.ge [sflag:s31], $0x4000  }
0x66: {  	s28 =	simm.s32 $0x0;
	[sflag:s31] =	ssyncset.done $0x0  }
0x67: {  	s25 =	simm.s32 $0x0;
	s26 =	simm.s32 $0x0;
	[sflag:s31] =	ssyncadd.s32 $0xFFFFC000  }
.LBB2_2:
0x68: {  	s0 =	sand.u32 $0x7, s26  }
0x69: {  	s0 =	sshll.u32 s0, $0x9  }
0x6a: {  	s0 =	sshrl.u32 s0, $0x2  }
0x6b: {  	v3 =	vmov s0;
	_ =	sdelay $0x2  }
0x6c: {  	s2 =	sand.u32 $0x3FFFE000, s25  }
0x6d: {  	s5 =	sor.u32 $0x140, s2  }
0x6e: {  	v4 =	vld.idx.msk [tilespmem:v3+s5+$0x30 ss:$0x1], $0xffff  }
0x6f: {  	v5 =	vld.idx.msk [tilespmem:v3+s5+$0xFFFFFFD0 ss:$0x1], $0xffff  }
0x70: {  	v6 =	vld.idx.msk [tilespmem:v3+s5+$0xFFFFFFE0 ss:$0x1], $0xffff  }
0x71: {  	v7 =	vld.idx.msk [tilespmem:v3+s5+$0xFFFFFFF0 ss:$0x1], $0xffff  }
0x72: {  	v8 =	vld.idx.msk [tilespmem:v3+s5+$0x0 ss:$0x1], $0xffff  }
0x73: {  	s2 =	sadd.s32 $0xC100, s2;
	v9 =	vld.idx.msk [tilespmem:v3+s5+$0x10 ss:$0x1], $0xffff  }
0x74: {  	s6 =	sadd.s32 s0, s2;
	v10 =	vld.idx.msk [tilespmem:v3+s5+$0xFFFFFFC0 ss:$0x1], $0xffff  }
0x75: {  	[tilespmem:s6+$0x70] =	vst.add.f32.msk $0xffff, v4  }
0x76: {  	v4 =	vld.idx.msk [tilespmem:v3+s5+$0x20 ss:$0x1], $0xffff  }
0x77: {  	[tilespmem:s6+$0x10] =	vst.add.f32.msk $0xffff, v5  }
0x78: {  	[tilespmem:s6+$0x20] =	vst.add.f32.msk $0xffff, v6  }
0x79: {  	[tilespmem:s6+$0x30] =	vst.add.f32.msk $0xffff, v7  }
0x7a: {  	[tilespmem:s6+$0x40] =	vst.add.f32.msk $0xffff, v8  }
0x7b: {  	[tilespmem:s6+$0x50] =	vst.add.f32.msk $0xffff, v9  }
0x7c: {  	[tilespmem:s6+$0x0] =	vst.add.f32.msk $0xffff, v10  }
0x7d: {  	s4 =	simm.s32 $0x0;
	s5 =	sadd.s32 $0x400, s5;
	[tilespmem:s6+$0x60] =	vst.add.f32.msk $0xffff, v4  }
.LBB2_3:
0x7e: {  	v4 =	vld.idx.msk [tilespmem:v3+s5+$0x30 ss:$0x1], $0xffff;
	s4 =	sadd.s32 $0x80, s4  }
0x7f: {  	v5 =	vld.idx.msk [tilespmem:v3+s5+$0xFFFFFFD0 ss:$0x1], $0xffff;
	p0 =	slt.u32 s4, $0x380  }
0x80: {  	v6 =	vld.idx.msk [tilespmem:v3+s5+$0xFFFFFFE0 ss:$0x1], $0xffff  }
0x81: {  	v7 =	vld.idx.msk [tilespmem:v3+s5+$0xFFFFFFF0 ss:$0x1], $0xffff  }
0x82: {  	s2 =	sadd.s32 $0x400, s2;
	v8 =	vld.idx.msk [tilespmem:v3+s5+$0x0 ss:$0x1], $0xffff  }
0x83: {  	s6 =	sadd.s32 s0, s2;
	v9 =	vld.idx.msk [tilespmem:v3+s5+$0x10 ss:$0x1], $0xffff  }
0x84: {  	[tilespmem:s6+$0x70] =	vst.add.f32.msk $0xffff, v4  }
0x85: {  	v4 =	vld.idx.msk [tilespmem:v3+s5+$0x20 ss:$0x1], $0xffff  }
0x86: {  	v10 =	vld.idx.msk [tilespmem:v3+s5+$0xFFFFFFC0 ss:$0x1], $0xffff  }
0x87: {  	[tilespmem:s6+$0x10] =	vst.add.f32.msk $0xffff, v5  }
0x88: {  	[tilespmem:s6+$0x20] =	vst.add.f32.msk $0xffff, v6  }
.Ltmp0:
0x89: {  	[tilespmem:s6+$0x30] =	vst.add.f32.msk $0xffff, v7;
	(pc) =	sbr.rel @p0 .LBB2_3-.Ltmp0, $4  }
0x8a: {  	[tilespmem:s6+$0x40] =	vst.add.f32.msk $0xffff, v8  }
0x8b: {  	[tilespmem:s6+$0x50] =	vst.add.f32.msk $0xffff, v9  }
0x8c: {  	[tilespmem:s6+$0x0] =	vst.add.f32.msk $0xffff, v10  }
0x8d: {  	s5 =	sadd.s32 $0x400, s5;
	[tilespmem:s6+$0x60] =	vst.add.f32.msk $0xffff, v4  }
0x8e: {  	s28 =	sadd.s32 $0x1, s28  }
0x8f: {  	p0 =	sne.s32 s28, $0x10  }
.Ltmp1:
0x90: {  	_ = 	snop;
	(pc) =	sbr.rel @p0 .LBB2_2-.Ltmp1, $2  }
0x91: {  	_ =	sdelay $0x2  }
0x92: {  	s26 =	sadd.s32 $0x1, s26;
	s25 =	sadd.s32 $0x400, s25  }
0x93: {  	s0 =	sld [smem:$0x7F8];
	_ =	sdelay $0x1  }
0x94: {  	s25 =	simm.s32 $0x0  }
0x95: {  	[hbm4b:s0+s25] =	stream.linear.scatter [tilespmem:s19], [sflag:$0x3], $0x4000, $0x38;
	[tilespmem:$0x18100] =	vst v63  }
0x96: {  	v3 =	vld [tilespmem:$0x20];
	_ =	sdelay $0x4  }
0x97: {  	v4 =	vshll.u32 v3, $0x3  }
0x98: {  	v3 =	vand.u32 $0x7, v3;
	v4 =	vand.u32 $0xFFFFFFC0, v4  }
0x99: {  	v3 =	vor.u32 v3, v4  }
0x9a: {  	v4 =	vperm.xlane v3, v0;
	_ =	sdelay $0x1  }
0x9b: {  	v4 =	vadd.s32 v1, v4;
	_ =	sdelay $0x3  }
0x9c: {  	s26 =	simm.s32 $0x8100  }
0x9d: {  	[tilespmem:s26], [sflag:$0x1] =	stream.indirect_vreg.gather [hbm4b:s3+s25], $0x80, v4, vm0, $0xb8;
	[tilespmem:$0x18100] =	vst v63  }
0x9e: {  	s2 =	simm.s32 $0x8900;
	v3 =	vperm.xlane v3, v2  }
0x9f: {  	[tilespmem:s2], [sflag:$0x1] =	stream.indirect_vreg.gather [hbm4b:s7+s25], $0x80, v4, vm0, $0xb8;
	[tilespmem:$0x18100] =	vst v63  }
0xa0: {  	s4 =	simm.s32 $0x9100;
	v3 =	vadd.s32 v1, v3  }
0xa1: {  	[tilespmem:s4], [sflag:$0x1] =	stream.indirect_vreg.gather [hbm4b:s8+s25], $0x80, v4, vm0, $0xb8;
	[tilespmem:$0x18100] =	vst v63  }
0xa2: {  	s5 =	simm.s32 $0x9900  }
0xa3: {  	[tilespmem:s5], [sflag:$0x1] =	stream.indirect_vreg.gather [hbm4b:s9+s25], $0x80, v4, vm0, $0xb8;
	[tilespmem:$0x18100] =	vst v63  }
0xa4: {  	s6 =	simm.s32 $0xA100  }
0xa5: {  	[tilespmem:s6], [sflag:$0x1] =	stream.indirect_vreg.gather [hbm4b:s3+s25], $0x80, v3, vm0, $0xb8;
	[tilespmem:$0x18100] =	vst v63  }
0xa6: {  	_ = 	snop  }
0xa7: {  	[tilespmem:s10], [sflag:$0x1] =	stream.indirect_vreg.gather [hbm4b:s7+s25], $0x80, v3, vm0, $0xb8;
	[tilespmem:$0x18100] =	vst v63  }
0xa8: {  	_ = 	snop  }
0xa9: {  	[tilespmem:s20], [sflag:$0x1] =	stream.indirect_vreg.gather [hbm4b:s8+s25], $0x80, v3, vm0, $0xb8;
	[tilespmem:$0x18100] =	vst v63  }
0xaa: {  	_ = 	snop  }
0xab: {  	[tilespmem:s21], [sflag:$0x1] =	stream.indirect_vreg.gather [hbm4b:s9+s25], $0x80, v3, vm0, $0xb8;
	[tilespmem:$0x18100] =	vst v63  }
0xac: {  	s26 =	rddreg [dreg:$0x7]  }
0xad: {  	[tilespmem:s22], [sflag:$0x2] =	stream.linear.gather [hbm4b:s26+s25], $0x4000, $0x38;
	[tilespmem:$0x18100] =	vst v63  }
0xae: {  	_ =	swait.ge [sflag:s30], $0x4000  }
0xaf: {  	[sflag:s30] =	ssyncset.done $0x0  }
0xb0: {  	[sflag:s30] =	ssyncadd.s32 $0xFFFFC000  }
0xb1: {  	_ =	swait.ge [sflag:s31], $0x4000  }
0xb2: {  	[sflag:s31] =	ssyncset.done $0x0  }
0xb3: {  	s28 =	simm.s32 $0x0;
	s26 =	simm.s32 $0x0;
	[sflag:s31] =	ssyncadd.s32 $0xFFFFC000  }
.LBB2_6:
0xb4: {  	s0 =	sand.u32 $0x7, s26  }
0xb5: {  	s0 =	sshll.u32 s0, $0x9  }
0xb6: {  	s0 =	sshrl.u32 s0, $0x2  }
0xb7: {  	v3 =	vmov s0;
	_ =	sdelay $0x2  }
0xb8: {  	s2 =	sand.u32 $0x3FFFE000, s25  }
0xb9: {  	s5 =	sor.u32 $0x100, s2  }
0xba: {  	v4 =	vld.idx.msk [tilespmem:v3+s5+$0x4070 ss:$0x1], $0xffff  }
0xbb: {  	v5 =	vld.idx.msk [tilespmem:v3+s5+$0x4010 ss:$0x1], $0xffff  }
0xbc: {  	v6 =	vld.idx.msk [tilespmem:v3+s5+$0x4020 ss:$0x1], $0xffff  }
0xbd: {  	v7 =	vld.idx.msk [tilespmem:v3+s5+$0x4030 ss:$0x1], $0xffff  }
0xbe: {  	v8 =	vld.idx.msk [tilespmem:v3+s5+$0x4040 ss:$0x1], $0xffff  }
0xbf: {  	s2 =	sadd.s32 $0xC100, s2;
	v9 =	vld.idx.msk [tilespmem:v3+s5+$0x4050 ss:$0x1], $0xffff  }
0xc0: {  	s6 =	sadd.s32 s0, s2;
	v10 =	vld.idx.msk [tilespmem:v3+s5+$0x4000 ss:$0x1], $0xffff  }
0xc1: {  	[tilespmem:s6+$0x4070] =	vst.add.f32.msk $0xffff, v4  }
0xc2: {  	v4 =	vld.idx.msk [tilespmem:v3+s5+$0x4060 ss:$0x1], $0xffff  }
0xc3: {  	[tilespmem:s6+$0x4010] =	vst.add.f32.msk $0xffff, v5  }
0xc4: {  	[tilespmem:s6+$0x4020] =	vst.add.f32.msk $0xffff, v6  }
0xc5: {  	[tilespmem:s6+$0x4030] =	vst.add.f32.msk $0xffff, v7  }
0xc6: {  	[tilespmem:s6+$0x4040] =	vst.add.f32.msk $0xffff, v8  }
0xc7: {  	[tilespmem:s6+$0x4050] =	vst.add.f32.msk $0xffff, v9  }
0xc8: {  	[tilespmem:s6+$0x4000] =	vst.add.f32.msk $0xffff, v10  }
0xc9: {  	s4 =	simm.s32 $0x0;
	s5 =	sadd.s32 $0x400, s5;
	[tilespmem:s6+$0x4060] =	vst.add.f32.msk $0xffff, v4  }
.LBB2_7:
0xca: {  	v4 =	vld.idx.msk [tilespmem:v3+s5+$0x4070 ss:$0x1], $0xffff;
	s4 =	sadd.s32 $0x80, s4  }
0xcb: {  	v5 =	vld.idx.msk [tilespmem:v3+s5+$0x4010 ss:$0x1], $0xffff;
	p0 =	slt.u32 s4, $0x380  }
0xcc: {  	v6 =	vld.idx.msk [tilespmem:v3+s5+$0x4020 ss:$0x1], $0xffff  }
0xcd: {  	v7 =	vld.idx.msk [tilespmem:v3+s5+$0x4030 ss:$0x1], $0xffff  }
0xce: {  	s2 =	sadd.s32 $0x400, s2;
	v8 =	vld.idx.msk [tilespmem:v3+s5+$0x4040 ss:$0x1], $0xffff  }
0xcf: {  	s6 =	sadd.s32 s0, s2;
	v9 =	vld.idx.msk [tilespmem:v3+s5+$0x4050 ss:$0x1], $0xffff  }
0xd0: {  	[tilespmem:s6+$0x4070] =	vst.add.f32.msk $0xffff, v4  }
0xd1: {  	v4 =	vld.idx.msk [tilespmem:v3+s5+$0x4060 ss:$0x1], $0xffff  }
0xd2: {  	v10 =	vld.idx.msk [tilespmem:v3+s5+$0x4000 ss:$0x1], $0xffff  }
0xd3: {  	[tilespmem:s6+$0x4010] =	vst.add.f32.msk $0xffff, v5  }
0xd4: {  	[tilespmem:s6+$0x4020] =	vst.add.f32.msk $0xffff, v6  }
.Ltmp2:
0xd5: {  	[tilespmem:s6+$0x4030] =	vst.add.f32.msk $0xffff, v7;
	(pc) =	sbr.rel @p0 .LBB2_7-.Ltmp2, $4  }
0xd6: {  	[tilespmem:s6+$0x4040] =	vst.add.f32.msk $0xffff, v8  }
0xd7: {  	[tilespmem:s6+$0x4050] =	vst.add.f32.msk $0xffff, v9  }
0xd8: {  	[tilespmem:s6+$0x4000] =	vst.add.f32.msk $0xffff, v10  }
0xd9: {  	s5 =	sadd.s32 $0x400, s5;
	[tilespmem:s6+$0x4060] =	vst.add.f32.msk $0xffff, v4  }
0xda: {  	s28 =	sadd.s32 $0x1, s28  }
0xdb: {  	p0 =	sne.s32 s28, $0x10  }
.Ltmp3:
0xdc: {  	_ = 	snop;
	(pc) =	sbr.rel @p0 .LBB2_6-.Ltmp3, $2  }
0xdd: {  	_ =	sdelay $0x2  }
0xde: {  	s26 =	sadd.s32 $0x1, s26;
	s25 =	sadd.s32 $0x400, s25  }
0xdf: {  	s25 =	simm.s32 $0x0;
	s0 =	rddreg [dreg:$0x8]  }
0xe0: {  	[hbm4b:s0+s25] =	stream.linear.scatter [tilespmem:s29], [sflag:$0x3], $0x4000, $0x38;
	[tilespmem:$0x18100] =	vst v63  }
0xe1: {  	_ =	swait.ge [sflag:s23], $0x4000  }
0xe2: {  	[sflag:s23] =	ssyncset.done $0x0  }
0xe3: {  	[sflag:s23] =	ssyncadd.s32 $0xFFFFC000  }
0xe4: {  	v3 =	vld [tilespmem:$0x30];
	_ =	sdelay $0x4  }
0xe5: {  	v4 =	vshll.u32 v3, $0x3  }
0xe6: {  	v3 =	vand.u32 $0x7, v3;
	v4 =	vand.u32 $0xFFFFFFC0, v4  }
0xe7: {  	v3 =	vor.u32 v3, v4  }
0xe8: {  	v4 =	vperm.xlane v3, v0;
	_ =	sdelay $0x1  }
0xe9: {  	v4 =	vadd.s32 v1, v4;
	_ =	sdelay $0x4  }
0xea: {  	[tilespmem:s11], [sflag:$0x1] =	stream.indirect_vreg.gather [hbm4b:s3+s25], $0x80, v4, vm0, $0xb8;
	[tilespmem:$0x18100] =	vst v63  }
0xeb: {  	v3 =	vperm.xlane v3, v2  }
0xec: {  	[tilespmem:s12], [sflag:$0x1] =	stream.indirect_vreg.gather [hbm4b:s7+s25], $0x80, v4, vm0, $0xb8;
	[tilespmem:$0x18100] =	vst v63  }
0xed: {  	v3 =	vadd.s32 v1, v3  }
0xee: {  	[tilespmem:s13], [sflag:$0x1] =	stream.indirect_vreg.gather [hbm4b:s8+s25], $0x80, v4, vm0, $0xb8;
	[tilespmem:$0x18100] =	vst v63  }
0xef: {  	_ = 	snop  }
0xf0: {  	[tilespmem:s14], [sflag:$0x1] =	stream.indirect_vreg.gather [hbm4b:s9+s25], $0x80, v4, vm0, $0xb8;
	[tilespmem:$0x18100] =	vst v63  }
0xf1: {  	_ = 	snop  }
0xf2: {  	[tilespmem:s15], [sflag:$0x1] =	stream.indirect_vreg.gather [hbm4b:s3+s25], $0x80, v3, vm0, $0xb8;
	[tilespmem:$0x18100] =	vst v63  }
0xf3: {  	_ = 	snop  }
0xf4: {  	[tilespmem:s16], [sflag:$0x1] =	stream.indirect_vreg.gather [hbm4b:s7+s25], $0x80, v3, vm0, $0xb8;
	[tilespmem:$0x18100] =	vst v63  }
0xf5: {  	_ = 	snop  }
0xf6: {  	[tilespmem:s17], [sflag:$0x1] =	stream.indirect_vreg.gather [hbm4b:s8+s25], $0x80, v3, vm0, $0xb8;
	[tilespmem:$0x18100] =	vst v63  }
0xf7: {  	_ = 	snop  }
0xf8: {  	[tilespmem:s18], [sflag:$0x1] =	stream.indirect_vreg.gather [hbm4b:s9+s25], $0x80, v3, vm0, $0xb8;
	[tilespmem:$0x18100] =	vst v63  }
0xf9: {  	s26 =	rddreg [dreg:$0x9]  }
0xfa: {  	[tilespmem:s19], [sflag:$0x2] =	stream.linear.gather [hbm4b:s26+s25], $0x4000, $0x38;
	[tilespmem:$0x18100] =	vst v63  }
0xfb: {  	_ =	swait.ge [sflag:s30], $0x4000  }
0xfc: {  	[sflag:s30] =	ssyncset.done $0x0  }
0xfd: {  	[sflag:s30] =	ssyncadd.s32 $0xFFFFC000  }
0xfe: {  	_ =	swait.ge [sflag:s31], $0x4000  }
0xff: {  	[sflag:s31] =	ssyncset.done $0x0  }
0x100: {  	s28 =	simm.s32 $0x0;
	s26 =	simm.s32 $0x0;
	[sflag:s31] =	ssyncadd.s32 $0xFFFFC000  }
.LBB2_10:
0x101: {  	s0 =	sand.u32 $0x7, s26  }
0x102: {  	s0 =	sshll.u32 s0, $0x9  }
0x103: {  	s0 =	sshrl.u32 s0, $0x2  }
0x104: {  	v3 =	vmov s0;
	_ =	sdelay $0x2  }
0x105: {  	s2 =	sand.u32 $0x3FFFE000, s25  }
0x106: {  	s5 =	sor.u32 $0x100, s2  }
0x107: {  	v4 =	vld.idx.msk [tilespmem:v3+s5+$0x8070 ss:$0x1], $0xffff  }
0x108: {  	v5 =	vld.idx.msk [tilespmem:v3+s5+$0x8010 ss:$0x1], $0xffff  }
0x109: {  	v6 =	vld.idx.msk [tilespmem:v3+s5+$0x8020 ss:$0x1], $0xffff  }
0x10a: {  	v7 =	vld.idx.msk [tilespmem:v3+s5+$0x8030 ss:$0x1], $0xffff  }
0x10b: {  	v8 =	vld.idx.msk [tilespmem:v3+s5+$0x8040 ss:$0x1], $0xffff  }
0x10c: {  	s2 =	sadd.s32 $0xC100, s2;
	v9 =	vld.idx.msk [tilespmem:v3+s5+$0x8050 ss:$0x1], $0xffff  }
0x10d: {  	s6 =	sadd.s32 s0, s2;
	v10 =	vld.idx.msk [tilespmem:v3+s5+$0x8000 ss:$0x1], $0xffff  }
0x10e: {  	[tilespmem:s6+$0x8070] =	vst.add.f32.msk $0xffff, v4  }
0x10f: {  	v4 =	vld.idx.msk [tilespmem:v3+s5+$0x8060 ss:$0x1], $0xffff  }
0x110: {  	[tilespmem:s6+$0x8010] =	vst.add.f32.msk $0xffff, v5  }
0x111: {  	[tilespmem:s6+$0x8020] =	vst.add.f32.msk $0xffff, v6  }
0x112: {  	[tilespmem:s6+$0x8030] =	vst.add.f32.msk $0xffff, v7  }
0x113: {  	[tilespmem:s6+$0x8040] =	vst.add.f32.msk $0xffff, v8  }
0x114: {  	[tilespmem:s6+$0x8050] =	vst.add.f32.msk $0xffff, v9  }
0x115: {  	[tilespmem:s6+$0x8000] =	vst.add.f32.msk $0xffff, v10  }
0x116: {  	s4 =	simm.s32 $0x0;
	s5 =	sadd.s32 $0x400, s5;
	[tilespmem:s6+$0x8060] =	vst.add.f32.msk $0xffff, v4  }
.LBB2_11:
0x117: {  	v4 =	vld.idx.msk [tilespmem:v3+s5+$0x8070 ss:$0x1], $0xffff;
	s4 =	sadd.s32 $0x80, s4  }
0x118: {  	v5 =	vld.idx.msk [tilespmem:v3+s5+$0x8010 ss:$0x1], $0xffff;
	p0 =	slt.u32 s4, $0x380  }
0x119: {  	v6 =	vld.idx.msk [tilespmem:v3+s5+$0x8020 ss:$0x1], $0xffff  }
0x11a: {  	v7 =	vld.idx.msk [tilespmem:v3+s5+$0x8030 ss:$0x1], $0xffff  }
0x11b: {  	s2 =	sadd.s32 $0x400, s2;
	v8 =	vld.idx.msk [tilespmem:v3+s5+$0x8040 ss:$0x1], $0xffff  }
0x11c: {  	s6 =	sadd.s32 s0, s2;
	v9 =	vld.idx.msk [tilespmem:v3+s5+$0x8050 ss:$0x1], $0xffff  }
0x11d: {  	[tilespmem:s6+$0x8070] =	vst.add.f32.msk $0xffff, v4  }
0x11e: {  	v4 =	vld.idx.msk [tilespmem:v3+s5+$0x8060 ss:$0x1], $0xffff  }
0x11f: {  	v10 =	vld.idx.msk [tilespmem:v3+s5+$0x8000 ss:$0x1], $0xffff  }
0x120: {  	[tilespmem:s6+$0x8010] =	vst.add.f32.msk $0xffff, v5  }
0x121: {  	[tilespmem:s6+$0x8020] =	vst.add.f32.msk $0xffff, v6  }
.Ltmp4:
0x122: {  	[tilespmem:s6+$0x8030] =	vst.add.f32.msk $0xffff, v7;
	(pc) =	sbr.rel @p0 .LBB2_11-.Ltmp4, $4  }
0x123: {  	[tilespmem:s6+$0x8040] =	vst.add.f32.msk $0xffff, v8  }
0x124: {  	[tilespmem:s6+$0x8050] =	vst.add.f32.msk $0xffff, v9  }
0x125: {  	[tilespmem:s6+$0x8000] =	vst.add.f32.msk $0xffff, v10  }
0x126: {  	s5 =	sadd.s32 $0x400, s5;
	[tilespmem:s6+$0x8060] =	vst.add.f32.msk $0xffff, v4  }
0x127: {  	s28 =	sadd.s32 $0x1, s28  }
0x128: {  	p0 =	sne.s32 s28, $0x10  }
.Ltmp5:
0x129: {  	_ = 	snop;
	(pc) =	sbr.rel @p0 .LBB2_10-.Ltmp5, $2  }
0x12a: {  	_ =	sdelay $0x2  }
0x12b: {  	s26 =	sadd.s32 $0x1, s26;
	s25 =	sadd.s32 $0x400, s25  }
0x12c: {  	s25 =	simm.s32 $0x0;
	s0 =	rddreg [dreg:$0xa]  }
0x12d: {  	[hbm4b:s0+s25] =	stream.linear.scatter [tilespmem:s22], [sflag:$0x3], $0x4000, $0x38;
	[tilespmem:$0x18100] =	vst v63  }
0x12e: {  	_ =	swait.ge [sflag:s23], $0x4000  }
0x12f: {  	[sflag:s23] =	ssyncset.done $0x0  }
0x130: {  	[sflag:s23] =	ssyncadd.s32 $0xFFFFC000  }
0x131: {  	v3 =	vld [tilespmem:$0x40];
	_ =	sdelay $0x4  }
0x132: {  	v4 =	vshll.u32 v3, $0x3  }
0x133: {  	v3 =	vand.u32 $0x7, v3;
	v4 =	vand.u32 $0xFFFFFFC0, v4  }
0x134: {  	v3 =	vor.u32 v3, v4  }
0x135: {  	v4 =	vperm.xlane v3, v0;
	_ =	sdelay $0x1  }
0x136: {  	v4 =	vadd.s32 v1, v4;
	_ =	sdelay $0x3  }
0x137: {  	s4 =	simm.s32 $0x4100  }
0x138: {  	[tilespmem:s4], [sflag:$0x1] =	stream.indirect_vreg.gather [hbm4b:s3+s25], $0x80, v4, vm0, $0xb8;
	[tilespmem:$0x18100] =	vst v63  }
0x139: {  	s5 =	simm.s32 $0x4900;
	v3 =	vperm.xlane v3, v2  }
0x13a: {  	[tilespmem:s5], [sflag:$0x1] =	stream.indirect_vreg.gather [hbm4b:s7+s25], $0x80, v4, vm0, $0xb8;
	[tilespmem:$0x18100] =	vst v63  }
0x13b: {  	s6 =	simm.s32 $0x5100;
	v3 =	vadd.s32 v1, v3  }
0x13c: {  	[tilespmem:s6], [sflag:$0x1] =	stream.indirect_vreg.gather [hbm4b:s8+s25], $0x80, v4, vm0, $0xb8;
	[tilespmem:$0x18100] =	vst v63  }
0x13d: {  	s26 =	simm.s32 $0x5900  }
0x13e: {  	[tilespmem:s26], [sflag:$0x1] =	stream.indirect_vreg.gather [hbm4b:s9+s25], $0x80, v4, vm0, $0xb8;
	[tilespmem:$0x18100] =	vst v63  }
0x13f: {  	s2 =	simm.s32 $0x6100  }
0x140: {  	[tilespmem:s2], [sflag:$0x1] =	stream.indirect_vreg.gather [hbm4b:s3+s25], $0x80, v3, vm0, $0xb8;
	[tilespmem:$0x18100] =	vst v63  }
0x141: {  	s4 =	simm.s32 $0x6900  }
0x142: {  	[tilespmem:s4], [sflag:$0x1] =	stream.indirect_vreg.gather [hbm4b:s7+s25], $0x80, v3, vm0, $0xb8;
	[tilespmem:$0x18100] =	vst v63  }
0x143: {  	s5 =	simm.s32 $0x7100  }
0x144: {  	[tilespmem:s5], [sflag:$0x1] =	stream.indirect_vreg.gather [hbm4b:s8+s25], $0x80, v3, vm0, $0xb8;
	[tilespmem:$0x18100] =	vst v63  }
0x145: {  	s6 =	simm.s32 $0x7900  }
0x146: {  	[tilespmem:s6], [sflag:$0x1] =	stream.indirect_vreg.gather [hbm4b:s9+s25], $0x80, v3, vm0, $0xb8;
	[tilespmem:$0x18100] =	vst v63  }
0x147: {  	s26 =	rddreg [dreg:$0xb]  }
0x148: {  	[tilespmem:s29], [sflag:$0x2] =	stream.linear.gather [hbm4b:s26+s25], $0x4000, $0x38;
	[tilespmem:$0x18100] =	vst v63  }
0x149: {  	_ =	swait.ge [sflag:s30], $0x4000  }
0x14a: {  	[sflag:s30] =	ssyncset.done $0x0  }
0x14b: {  	[sflag:s30] =	ssyncadd.s32 $0xFFFFC000  }
0x14c: {  	_ =	swait.ge [sflag:s31], $0x4000  }
0x14d: {  	[sflag:s31] =	ssyncset.done $0x0  }
0x14e: {  	s28 =	simm.s32 $0x0;
	s26 =	simm.s32 $0x0;
	[sflag:s31] =	ssyncadd.s32 $0xFFFFC000  }
.LBB2_14:
0x14f: {  	s0 =	sand.u32 $0x7, s26  }
0x150: {  	s0 =	sshll.u32 s0, $0x9  }
0x151: {  	s0 =	sshrl.u32 s0, $0x2  }
0x152: {  	v3 =	vmov s0;
	_ =	sdelay $0x2  }
0x153: {  	s2 =	sand.u32 $0x3FFFE000, s25  }
0x154: {  	s5 =	sor.u32 $0x140, s2  }
0x155: {  	v4 =	vld.idx.msk [tilespmem:v3+s5+$0x30 ss:$0x1], $0xffff  }
0x156: {  	v5 =	vld.idx.msk [tilespmem:v3+s5+$0xFFFFFFD0 ss:$0x1], $0xffff  }
0x157: {  	v6 =	vld.idx.msk [tilespmem:v3+s5+$0xFFFFFFE0 ss:$0x1], $0xffff  }
0x158: {  	v7 =	vld.idx.msk [tilespmem:v3+s5+$0xFFFFFFF0 ss:$0x1], $0xffff  }
0x159: {  	v8 =	vld.idx.msk [tilespmem:v3+s5+$0x0 ss:$0x1], $0xffff  }
0x15a: {  	s2 =	sadd.s32 $0xC100, s2;
	v9 =	vld.idx.msk [tilespmem:v3+s5+$0x10 ss:$0x1], $0xffff  }
0x15b: {  	s6 =	sadd.s32 s0, s2;
	v10 =	vld.idx.msk [tilespmem:v3+s5+$0xFFFFFFC0 ss:$0x1], $0xffff  }
0x15c: {  	[tilespmem:s6+$0x70] =	vst.add.f32.msk $0xffff, v4  }
0x15d: {  	v4 =	vld.idx.msk [tilespmem:v3+s5+$0x20 ss:$0x1], $0xffff  }
0x15e: {  	[tilespmem:s6+$0x10] =	vst.add.f32.msk $0xffff, v5  }
0x15f: {  	[tilespmem:s6+$0x20] =	vst.add.f32.msk $0xffff, v6  }
0x160: {  	[tilespmem:s6+$0x30] =	vst.add.f32.msk $0xffff, v7  }
0x161: {  	[tilespmem:s6+$0x40] =	vst.add.f32.msk $0xffff, v8  }
0x162: {  	[tilespmem:s6+$0x50] =	vst.add.f32.msk $0xffff, v9  }
0x163: {  	[tilespmem:s6+$0x0] =	vst.add.f32.msk $0xffff, v10  }
0x164: {  	s4 =	simm.s32 $0x0;
	s5 =	sadd.s32 $0x400, s5;
	[tilespmem:s6+$0x60] =	vst.add.f32.msk $0xffff, v4  }
.LBB2_15:
0x165: {  	v4 =	vld.idx.msk [tilespmem:v3+s5+$0x30 ss:$0x1], $0xffff;
	s4 =	sadd.s32 $0x80, s4  }
0x166: {  	v5 =	vld.idx.msk [tilespmem:v3+s5+$0xFFFFFFD0 ss:$0x1], $0xffff;
	p0 =	slt.u32 s4, $0x380  }
0x167: {  	v6 =	vld.idx.msk [tilespmem:v3+s5+$0xFFFFFFE0 ss:$0x1], $0xffff  }
0x168: {  	v7 =	vld.idx.msk [tilespmem:v3+s5+$0xFFFFFFF0 ss:$0x1], $0xffff  }
0x169: {  	s2 =	sadd.s32 $0x400, s2;
	v8 =	vld.idx.msk [tilespmem:v3+s5+$0x0 ss:$0x1], $0xffff  }
0x16a: {  	s6 =	sadd.s32 s0, s2;
	v9 =	vld.idx.msk [tilespmem:v3+s5+$0x10 ss:$0x1], $0xffff  }
0x16b: {  	[tilespmem:s6+$0x70] =	vst.add.f32.msk $0xffff, v4  }
0x16c: {  	v4 =	vld.idx.msk [tilespmem:v3+s5+$0x20 ss:$0x1], $0xffff  }
0x16d: {  	v10 =	vld.idx.msk [tilespmem:v3+s5+$0xFFFFFFC0 ss:$0x1], $0xffff  }
0x16e: {  	[tilespmem:s6+$0x10] =	vst.add.f32.msk $0xffff, v5  }
0x16f: {  	[tilespmem:s6+$0x20] =	vst.add.f32.msk $0xffff, v6  }
.Ltmp6:
0x170: {  	[tilespmem:s6+$0x30] =	vst.add.f32.msk $0xffff, v7;
	(pc) =	sbr.rel @p0 .LBB2_15-.Ltmp6, $4  }
0x171: {  	[tilespmem:s6+$0x40] =	vst.add.f32.msk $0xffff, v8  }
0x172: {  	[tilespmem:s6+$0x50] =	vst.add.f32.msk $0xffff, v9  }
0x173: {  	[tilespmem:s6+$0x0] =	vst.add.f32.msk $0xffff, v10  }
0x174: {  	s5 =	sadd.s32 $0x400, s5;
	[tilespmem:s6+$0x60] =	vst.add.f32.msk $0xffff, v4  }
0x175: {  	s28 =	sadd.s32 $0x1, s28  }
0x176: {  	p0 =	sne.s32 s28, $0x10  }
.Ltmp7:
0x177: {  	_ = 	snop;
	(pc) =	sbr.rel @p0 .LBB2_14-.Ltmp7, $2  }
0x178: {  	_ =	sdelay $0x2  }
0x179: {  	s26 =	sadd.s32 $0x1, s26;
	s25 =	sadd.s32 $0x400, s25  }
0x17a: {  	s25 =	simm.s32 $0x0;
	s0 =	rddreg [dreg:$0xc]  }
0x17b: {  	[hbm4b:s0+s25] =	stream.linear.scatter [tilespmem:s19], [sflag:$0x3], $0x4000, $0x38;
	[tilespmem:$0x18100] =	vst v63  }
0x17c: {  	_ =	swait.ge [sflag:s23], $0x4000  }
0x17d: {  	[sflag:s23] =	ssyncset.done $0x0  }
0x17e: {  	[sflag:s23] =	ssyncadd.s32 $0xFFFFC000  }
0x17f: {  	v3 =	vld [tilespmem:$0x50];
	_ =	sdelay $0x4  }
0x180: {  	v4 =	vshll.u32 v3, $0x3  }
0x181: {  	v3 =	vand.u32 $0x7, v3;
	v4 =	vand.u32 $0xFFFFFFC0, v4  }
0x182: {  	v3 =	vor.u32 v3, v4  }
0x183: {  	v4 =	vperm.xlane v3, v0;
	_ =	sdelay $0x1  }
0x184: {  	v4 =	vadd.s32 v1, v4;
	_ =	sdelay $0x3  }
0x185: {  	s26 =	simm.s32 $0x8100  }
0x186: {  	[tilespmem:s26], [sflag:$0x1] =	stream.indirect_vreg.gather [hbm4b:s3+s25], $0x80, v4, vm0, $0xb8;
	[tilespmem:$0x18100] =	vst v63  }
0x187: {  	s2 =	simm.s32 $0x8900;
	v3 =	vperm.xlane v3, v2  }
0x188: {  	[tilespmem:s2], [sflag:$0x1] =	stream.indirect_vreg.gather [hbm4b:s7+s25], $0x80, v4, vm0, $0xb8;
	[tilespmem:$0x18100] =	vst v63  }
0x189: {  	s4 =	simm.s32 $0x9100;
	v3 =	vadd.s32 v1, v3  }
0x18a: {  	[tilespmem:s4], [sflag:$0x1] =	stream.indirect_vreg.gather [hbm4b:s8+s25], $0x80, v4, vm0, $0xb8;
	[tilespmem:$0x18100] =	vst v63  }
0x18b: {  	s5 =	simm.s32 $0x9900  }
0x18c: {  	[tilespmem:s5], [sflag:$0x1] =	stream.indirect_vreg.gather [hbm4b:s9+s25], $0x80, v4, vm0, $0xb8;
	[tilespmem:$0x18100] =	vst v63  }
0x18d: {  	s6 =	simm.s32 $0xA100  }
0x18e: {  	[tilespmem:s6], [sflag:$0x1] =	stream.indirect_vreg.gather [hbm4b:s3+s25], $0x80, v3, vm0, $0xb8;
	[tilespmem:$0x18100] =	vst v63  }
0x18f: {  	_ = 	snop  }
0x190: {  	[tilespmem:s10], [sflag:$0x1] =	stream.indirect_vreg.gather [hbm4b:s7+s25], $0x80, v3, vm0, $0xb8;
	[tilespmem:$0x18100] =	vst v63  }
0x191: {  	_ = 	snop  }
0x192: {  	[tilespmem:s20], [sflag:$0x1] =	stream.indirect_vreg.gather [hbm4b:s8+s25], $0x80, v3, vm0, $0xb8;
	[tilespmem:$0x18100] =	vst v63  }
0x193: {  	_ = 	snop  }
0x194: {  	[tilespmem:s21], [sflag:$0x1] =	stream.indirect_vreg.gather [hbm4b:s9+s25], $0x80, v3, vm0, $0xb8;
	[tilespmem:$0x18100] =	vst v63  }
0x195: {  	s26 =	rddreg [dreg:$0xd]  }
0x196: {  	[tilespmem:s22], [sflag:$0x2] =	stream.linear.gather [hbm4b:s26+s25], $0x4000, $0x38;
	[tilespmem:$0x18100] =	vst v63  }
0x197: {  	_ =	swait.ge [sflag:s30], $0x4000  }
0x198: {  	[sflag:s30] =	ssyncset.done $0x0  }
0x199: {  	[sflag:s30] =	ssyncadd.s32 $0xFFFFC000  }
0x19a: {  	_ =	swait.ge [sflag:s31], $0x4000  }
0x19b: {  	[sflag:s31] =	ssyncset.done $0x0  }
0x19c: {  	s28 =	simm.s32 $0x0;
	s26 =	simm.s32 $0x0;
	[sflag:s31] =	ssyncadd.s32 $0xFFFFC000  }
.LBB2_18:
0x19d: {  	s0 =	sand.u32 $0x7, s26  }
0x19e: {  	s0 =	sshll.u32 s0, $0x9  }
0x19f: {  	s0 =	sshrl.u32 s0, $0x2  }
0x1a0: {  	v3 =	vmov s0;
	_ =	sdelay $0x2  }
0x1a1: {  	s2 =	sand.u32 $0x3FFFE000, s25  }
0x1a2: {  	s5 =	sor.u32 $0x100, s2  }
0x1a3: {  	v4 =	vld.idx.msk [tilespmem:v3+s5+$0x4070 ss:$0x1], $0xffff  }
0x1a4: {  	v5 =	vld.idx.msk [tilespmem:v3+s5+$0x4010 ss:$0x1], $0xffff  }
0x1a5: {  	v6 =	vld.idx.msk [tilespmem:v3+s5+$0x4020 ss:$0x1], $0xffff  }
0x1a6: {  	v7 =	vld.idx.msk [tilespmem:v3+s5+$0x4030 ss:$0x1], $0xffff  }
0x1a7: {  	v8 =	vld.idx.msk [tilespmem:v3+s5+$0x4040 ss:$0x1], $0xffff  }
0x1a8: {  	s2 =	sadd.s32 $0xC100, s2;
	v9 =	vld.idx.msk [tilespmem:v3+s5+$0x4050 ss:$0x1], $0xffff  }
0x1a9: {  	s6 =	sadd.s32 s0, s2;
	v10 =	vld.idx.msk [tilespmem:v3+s5+$0x4000 ss:$0x1], $0xffff  }
0x1aa: {  	[tilespmem:s6+$0x4070] =	vst.add.f32.msk $0xffff, v4  }
0x1ab: {  	v4 =	vld.idx.msk [tilespmem:v3+s5+$0x4060 ss:$0x1], $0xffff  }
0x1ac: {  	[tilespmem:s6+$0x4010] =	vst.add.f32.msk $0xffff, v5  }
0x1ad: {  	[tilespmem:s6+$0x4020] =	vst.add.f32.msk $0xffff, v6  }
0x1ae: {  	[tilespmem:s6+$0x4030] =	vst.add.f32.msk $0xffff, v7  }
0x1af: {  	[tilespmem:s6+$0x4040] =	vst.add.f32.msk $0xffff, v8  }
0x1b0: {  	[tilespmem:s6+$0x4050] =	vst.add.f32.msk $0xffff, v9  }
0x1b1: {  	[tilespmem:s6+$0x4000] =	vst.add.f32.msk $0xffff, v10  }
0x1b2: {  	s4 =	simm.s32 $0x0;
	s5 =	sadd.s32 $0x400, s5;
	[tilespmem:s6+$0x4060] =	vst.add.f32.msk $0xffff, v4  }
.LBB2_19:
0x1b3: {  	v4 =	vld.idx.msk [tilespmem:v3+s5+$0x4070 ss:$0x1], $0xffff;
	s4 =	sadd.s32 $0x80, s4  }
0x1b4: {  	v5 =	vld.idx.msk [tilespmem:v3+s5+$0x4010 ss:$0x1], $0xffff;
	p0 =	slt.u32 s4, $0x380  }
0x1b5: {  	v6 =	vld.idx.msk [tilespmem:v3+s5+$0x4020 ss:$0x1], $0xffff  }
0x1b6: {  	v7 =	vld.idx.msk [tilespmem:v3+s5+$0x4030 ss:$0x1], $0xffff  }
0x1b7: {  	s2 =	sadd.s32 $0x400, s2;
	v8 =	vld.idx.msk [tilespmem:v3+s5+$0x4040 ss:$0x1], $0xffff  }
0x1b8: {  	s6 =	sadd.s32 s0, s2;
	v9 =	vld.idx.msk [tilespmem:v3+s5+$0x4050 ss:$0x1], $0xffff  }
0x1b9: {  	[tilespmem:s6+$0x4070] =	vst.add.f32.msk $0xffff, v4  }
0x1ba: {  	v4 =	vld.idx.msk [tilespmem:v3+s5+$0x4060 ss:$0x1], $0xffff  }
0x1bb: {  	v10 =	vld.idx.msk [tilespmem:v3+s5+$0x4000 ss:$0x1], $0xffff  }
0x1bc: {  	[tilespmem:s6+$0x4010] =	vst.add.f32.msk $0xffff, v5  }
0x1bd: {  	[tilespmem:s6+$0x4020] =	vst.add.f32.msk $0xffff, v6  }
.Ltmp8:
0x1be: {  	[tilespmem:s6+$0x4030] =	vst.add.f32.msk $0xffff, v7;
	(pc) =	sbr.rel @p0 .LBB2_19-.Ltmp8, $4  }
0x1bf: {  	[tilespmem:s6+$0x4040] =	vst.add.f32.msk $0xffff, v8  }
0x1c0: {  	[tilespmem:s6+$0x4050] =	vst.add.f32.msk $0xffff, v9  }
0x1c1: {  	[tilespmem:s6+$0x4000] =	vst.add.f32.msk $0xffff, v10  }
0x1c2: {  	s5 =	sadd.s32 $0x400, s5;
	[tilespmem:s6+$0x4060] =	vst.add.f32.msk $0xffff, v4  }
0x1c3: {  	s28 =	sadd.s32 $0x1, s28  }
0x1c4: {  	p0 =	sne.s32 s28, $0x10  }
.Ltmp9:
0x1c5: {  	_ = 	snop;
	(pc) =	sbr.rel @p0 .LBB2_18-.Ltmp9, $2  }
0x1c6: {  	_ =	sdelay $0x2  }
0x1c7: {  	s26 =	sadd.s32 $0x1, s26;
	s25 =	sadd.s32 $0x400, s25  }
0x1c8: {  	s25 =	simm.s32 $0x0;
	s0 =	rddreg [dreg:$0xe]  }
0x1c9: {  	[hbm4b:s0+s25] =	stream.linear.scatter [tilespmem:s29], [sflag:$0x3], $0x4000, $0x38;
	[tilespmem:$0x18100] =	vst v63  }
0x1ca: {  	_ =	swait.ge [sflag:s23], $0x4000  }
0x1cb: {  	[sflag:s23] =	ssyncset.done $0x0  }
0x1cc: {  	[sflag:s23] =	ssyncadd.s32 $0xFFFFC000  }
0x1cd: {  	v3 =	vld [tilespmem:$0x60];
	_ =	sdelay $0x4  }
0x1ce: {  	v4 =	vshll.u32 v3, $0x3  }
0x1cf: {  	v3 =	vand.u32 $0x7, v3;
	v4 =	vand.u32 $0xFFFFFFC0, v4  }
0x1d0: {  	v3 =	vor.u32 v3, v4  }
0x1d1: {  	v4 =	vperm.xlane v3, v0;
	_ =	sdelay $0x1  }
0x1d2: {  	v4 =	vadd.s32 v1, v4;
	_ =	sdelay $0x4  }
0x1d3: {  	[tilespmem:s11], [sflag:$0x1] =	stream.indirect_vreg.gather [hbm4b:s3+s25], $0x80, v4, vm0, $0xb8;
	[tilespmem:$0x18100] =	vst v63  }
0x1d4: {  	v3 =	vperm.xlane v3, v2  }
0x1d5: {  	[tilespmem:s12], [sflag:$0x1] =	stream.indirect_vreg.gather [hbm4b:s7+s25], $0x80, v4, vm0, $0xb8;
	[tilespmem:$0x18100] =	vst v63  }
0x1d6: {  	v3 =	vadd.s32 v1, v3  }
0x1d7: {  	[tilespmem:s13], [sflag:$0x1] =	stream.indirect_vreg.gather [hbm4b:s8+s25], $0x80, v4, vm0, $0xb8;
	[tilespmem:$0x18100] =	vst v63  }
0x1d8: {  	_ = 	snop  }
0x1d9: {  	[tilespmem:s14], [sflag:$0x1] =	stream.indirect_vreg.gather [hbm4b:s9+s25], $0x80, v4, vm0, $0xb8;
	[tilespmem:$0x18100] =	vst v63  }
0x1da: {  	_ = 	snop  }
0x1db: {  	[tilespmem:s15], [sflag:$0x1] =	stream.indirect_vreg.gather [hbm4b:s3+s25], $0x80, v3, vm0, $0xb8;
	[tilespmem:$0x18100] =	vst v63  }
0x1dc: {  	_ = 	snop  }
0x1dd: {  	[tilespmem:s16], [sflag:$0x1] =	stream.indirect_vreg.gather [hbm4b:s7+s25], $0x80, v3, vm0, $0xb8;
	[tilespmem:$0x18100] =	vst v63  }
0x1de: {  	_ = 	snop  }
0x1df: {  	[tilespmem:s17], [sflag:$0x1] =	stream.indirect_vreg.gather [hbm4b:s8+s25], $0x80, v3, vm0, $0xb8;
	[tilespmem:$0x18100] =	vst v63  }
0x1e0: {  	_ = 	snop  }
0x1e1: {  	[tilespmem:s18], [sflag:$0x1] =	stream.indirect_vreg.gather [hbm4b:s9+s25], $0x80, v3, vm0, $0xb8;
	[tilespmem:$0x18100] =	vst v63  }
0x1e2: {  	s26 =	rddreg [dreg:$0xf]  }
0x1e3: {  	[tilespmem:s19], [sflag:$0x2] =	stream.linear.gather [hbm4b:s26+s25], $0x4000, $0x38;
	[tilespmem:$0x18100] =	vst v63  }
0x1e4: {  	_ =	swait.ge [sflag:s30], $0x4000  }
0x1e5: {  	[sflag:s30] =	ssyncset.done $0x0  }
0x1e6: {  	[sflag:s30] =	ssyncadd.s32 $0xFFFFC000  }
0x1e7: {  	_ =	swait.ge [sflag:s31], $0x4000  }
0x1e8: {  	[sflag:s31] =	ssyncset.done $0x0  }
0x1e9: {  	s28 =	simm.s32 $0x0;
	s26 =	simm.s32 $0x0;
	[sflag:s31] =	ssyncadd.s32 $0xFFFFC000  }
.LBB2_22:
0x1ea: {  	s0 =	sand.u32 $0x7, s26  }
0x1eb: {  	s0 =	sshll.u32 s0, $0x9  }
0x1ec: {  	s0 =	sshrl.u32 s0, $0x2  }
0x1ed: {  	v3 =	vmov s0;
	_ =	sdelay $0x2  }
0x1ee: {  	s2 =	sand.u32 $0x3FFFE000, s25  }
0x1ef: {  	s5 =	sor.u32 $0x100, s2  }
0x1f0: {  	v4 =	vld.idx.msk [tilespmem:v3+s5+$0x8070 ss:$0x1], $0xffff  }
0x1f1: {  	v5 =	vld.idx.msk [tilespmem:v3+s5+$0x8010 ss:$0x1], $0xffff  }
0x1f2: {  	v6 =	vld.idx.msk [tilespmem:v3+s5+$0x8020 ss:$0x1], $0xffff  }
0x1f3: {  	v7 =	vld.idx.msk [tilespmem:v3+s5+$0x8030 ss:$0x1], $0xffff  }
0x1f4: {  	v8 =	vld.idx.msk [tilespmem:v3+s5+$0x8040 ss:$0x1], $0xffff  }
0x1f5: {  	s2 =	sadd.s32 $0xC100, s2;
	v9 =	vld.idx.msk [tilespmem:v3+s5+$0x8050 ss:$0x1], $0xffff  }
0x1f6: {  	s6 =	sadd.s32 s0, s2;
	v10 =	vld.idx.msk [tilespmem:v3+s5+$0x8000 ss:$0x1], $0xffff  }
0x1f7: {  	[tilespmem:s6+$0x8070] =	vst.add.f32.msk $0xffff, v4  }
0x1f8: {  	v4 =	vld.idx.msk [tilespmem:v3+s5+$0x8060 ss:$0x1], $0xffff  }
0x1f9: {  	[tilespmem:s6+$0x8010] =	vst.add.f32.msk $0xffff, v5  }
0x1fa: {  	[tilespmem:s6+$0x8020] =	vst.add.f32.msk $0xffff, v6  }
0x1fb: {  	[tilespmem:s6+$0x8030] =	vst.add.f32.msk $0xffff, v7  }
0x1fc: {  	[tilespmem:s6+$0x8040] =	vst.add.f32.msk $0xffff, v8  }
0x1fd: {  	[tilespmem:s6+$0x8050] =	vst.add.f32.msk $0xffff, v9  }
0x1fe: {  	[tilespmem:s6+$0x8000] =	vst.add.f32.msk $0xffff, v10  }
0x1ff: {  	s4 =	simm.s32 $0x0;
	s5 =	sadd.s32 $0x400, s5;
	[tilespmem:s6+$0x8060] =	vst.add.f32.msk $0xffff, v4  }
.LBB2_23:
0x200: {  	v4 =	vld.idx.msk [tilespmem:v3+s5+$0x8070 ss:$0x1], $0xffff;
	s4 =	sadd.s32 $0x80, s4  }
0x201: {  	v5 =	vld.idx.msk [tilespmem:v3+s5+$0x8010 ss:$0x1], $0xffff;
	p0 =	slt.u32 s4, $0x380  }
0x202: {  	v6 =	vld.idx.msk [tilespmem:v3+s5+$0x8020 ss:$0x1], $0xffff  }
0x203: {  	v7 =	vld.idx.msk [tilespmem:v3+s5+$0x8030 ss:$0x1], $0xffff  }
0x204: {  	s2 =	sadd.s32 $0x400, s2;
	v8 =	vld.idx.msk [tilespmem:v3+s5+$0x8040 ss:$0x1], $0xffff  }
0x205: {  	s6 =	sadd.s32 s0, s2;
	v9 =	vld.idx.msk [tilespmem:v3+s5+$0x8050 ss:$0x1], $0xffff  }
0x206: {  	[tilespmem:s6+$0x8070] =	vst.add.f32.msk $0xffff, v4  }
0x207: {  	v4 =	vld.idx.msk [tilespmem:v3+s5+$0x8060 ss:$0x1], $0xffff  }
0x208: {  	v10 =	vld.idx.msk [tilespmem:v3+s5+$0x8000 ss:$0x1], $0xffff  }
0x209: {  	[tilespmem:s6+$0x8010] =	vst.add.f32.msk $0xffff, v5  }
0x20a: {  	[tilespmem:s6+$0x8020] =	vst.add.f32.msk $0xffff, v6  }
.Ltmp10:
0x20b: {  	[tilespmem:s6+$0x8030] =	vst.add.f32.msk $0xffff, v7;
	(pc) =	sbr.rel @p0 .LBB2_23-.Ltmp10, $4  }
0x20c: {  	[tilespmem:s6+$0x8040] =	vst.add.f32.msk $0xffff, v8  }
0x20d: {  	[tilespmem:s6+$0x8050] =	vst.add.f32.msk $0xffff, v9  }
0x20e: {  	[tilespmem:s6+$0x8000] =	vst.add.f32.msk $0xffff, v10  }
0x20f: {  	s5 =	sadd.s32 $0x400, s5;
	[tilespmem:s6+$0x8060] =	vst.add.f32.msk $0xffff, v4  }
0x210: {  	s28 =	sadd.s32 $0x1, s28  }
0x211: {  	p0 =	sne.s32 s28, $0x10  }
.Ltmp11:
0x212: {  	_ = 	snop;
	(pc) =	sbr.rel @p0 .LBB2_22-.Ltmp11, $2  }
0x213: {  	_ =	sdelay $0x2  }
0x214: {  	s26 =	sadd.s32 $0x1, s26;
	s25 =	sadd.s32 $0x400, s25  }
0x215: {  	s25 =	simm.s32 $0x0;
	s0 =	rddreg [dreg:$0x10]  }
0x216: {  	[hbm4b:s0+s25] =	stream.linear.scatter [tilespmem:s22], [sflag:$0x3], $0x4000, $0x38;
	[tilespmem:$0x18100] =	vst v63  }
0x217: {  	_ =	swait.ge [sflag:s23], $0x4000  }
0x218: {  	[sflag:s23] =	ssyncset.done $0x0  }
0x219: {  	[sflag:s23] =	ssyncadd.s32 $0xFFFFC000  }
0x21a: {  	v3 =	vld [tilespmem:$0x70];
	_ =	sdelay $0x4  }
0x21b: {  	v4 =	vshll.u32 v3, $0x3  }
0x21c: {  	v3 =	vand.u32 $0x7, v3;
	v4 =	vand.u32 $0xFFFFFFC0, v4  }
0x21d: {  	v3 =	vor.u32 v3, v4  }
0x21e: {  	v4 =	vperm.xlane v3, v0;
	_ =	sdelay $0x1  }
0x21f: {  	v4 =	vadd.s32 v1, v4;
	_ =	sdelay $0x3  }
0x220: {  	s4 =	simm.s32 $0x4100  }
0x221: {  	[tilespmem:s4], [sflag:$0x1] =	stream.indirect_vreg.gather [hbm4b:s3+s25], $0x80, v4, vm0, $0xb8;
	[tilespmem:$0x18100] =	vst v63  }
0x222: {  	s5 =	simm.s32 $0x4900;
	v3 =	vperm.xlane v3, v2  }
0x223: {  	[tilespmem:s5], [sflag:$0x1] =	stream.indirect_vreg.gather [hbm4b:s7+s25], $0x80, v4, vm0, $0xb8;
	[tilespmem:$0x18100] =	vst v63  }
0x224: {  	s6 =	simm.s32 $0x5100;
	v3 =	vadd.s32 v1, v3  }
0x225: {  	[tilespmem:s6], [sflag:$0x1] =	stream.indirect_vreg.gather [hbm4b:s8+s25], $0x80, v4, vm0, $0xb8;
	[tilespmem:$0x18100] =	vst v63  }
0x226: {  	s26 =	simm.s32 $0x5900  }
0x227: {  	[tilespmem:s26], [sflag:$0x1] =	stream.indirect_vreg.gather [hbm4b:s9+s25], $0x80, v4, vm0, $0xb8;
	[tilespmem:$0x18100] =	vst v63  }
0x228: {  	s2 =	simm.s32 $0x6100  }
0x229: {  	[tilespmem:s2], [sflag:$0x1] =	stream.indirect_vreg.gather [hbm4b:s3+s25], $0x80, v3, vm0, $0xb8;
	[tilespmem:$0x18100] =	vst v63  }
0x22a: {  	s4 =	simm.s32 $0x6900  }
0x22b: {  	[tilespmem:s4], [sflag:$0x1] =	stream.indirect_vreg.gather [hbm4b:s7+s25], $0x80, v3, vm0, $0xb8;
	[tilespmem:$0x18100] =	vst v63  }
0x22c: {  	s5 =	simm.s32 $0x7100  }
0x22d: {  	[tilespmem:s5], [sflag:$0x1] =	stream.indirect_vreg.gather [hbm4b:s8+s25], $0x80, v3, vm0, $0xb8;
	[tilespmem:$0x18100] =	vst v63  }
0x22e: {  	s6 =	simm.s32 $0x7900  }
0x22f: {  	[tilespmem:s6], [sflag:$0x1] =	stream.indirect_vreg.gather [hbm4b:s9+s25], $0x80, v3, vm0, $0xb8;
	[tilespmem:$0x18100] =	vst v63  }
0x230: {  	s26 =	rddreg [dreg:$0x11]  }
0x231: {  	[tilespmem:s29], [sflag:$0x2] =	stream.linear.gather [hbm4b:s26+s25], $0x4000, $0x38;
	[tilespmem:$0x18100] =	vst v63  }
0x232: {  	_ =	swait.ge [sflag:s30], $0x4000  }
0x233: {  	[sflag:s30] =	ssyncset.done $0x0  }
0x234: {  	[sflag:s30] =	ssyncadd.s32 $0xFFFFC000  }
0x235: {  	_ =	swait.ge [sflag:s31], $0x4000  }
0x236: {  	[sflag:s31] =	ssyncset.done $0x0  }
0x237: {  	s28 =	simm.s32 $0x0;
	s26 =	simm.s32 $0x0;
	[sflag:s31] =	ssyncadd.s32 $0xFFFFC000  }
.LBB2_26:
0x238: {  	s0 =	sand.u32 $0x7, s26  }
0x239: {  	s0 =	sshll.u32 s0, $0x9  }
0x23a: {  	s0 =	sshrl.u32 s0, $0x2  }
0x23b: {  	v3 =	vmov s0;
	_ =	sdelay $0x2  }
0x23c: {  	s2 =	sand.u32 $0x3FFFE000, s25  }
0x23d: {  	s5 =	sor.u32 $0x140, s2  }
0x23e: {  	v4 =	vld.idx.msk [tilespmem:v3+s5+$0x30 ss:$0x1], $0xffff  }
0x23f: {  	v5 =	vld.idx.msk [tilespmem:v3+s5+$0xFFFFFFD0 ss:$0x1], $0xffff  }
0x240: {  	v6 =	vld.idx.msk [tilespmem:v3+s5+$0xFFFFFFE0 ss:$0x1], $0xffff  }
0x241: {  	v7 =	vld.idx.msk [tilespmem:v3+s5+$0xFFFFFFF0 ss:$0x1], $0xffff  }
0x242: {  	v8 =	vld.idx.msk [tilespmem:v3+s5+$0x0 ss:$0x1], $0xffff  }
0x243: {  	s2 =	sadd.s32 $0xC100, s2;
	v9 =	vld.idx.msk [tilespmem:v3+s5+$0x10 ss:$0x1], $0xffff  }
0x244: {  	s6 =	sadd.s32 s0, s2;
	v10 =	vld.idx.msk [tilespmem:v3+s5+$0xFFFFFFC0 ss:$0x1], $0xffff  }
0x245: {  	[tilespmem:s6+$0x70] =	vst.add.f32.msk $0xffff, v4  }
0x246: {  	v4 =	vld.idx.msk [tilespmem:v3+s5+$0x20 ss:$0x1], $0xffff  }
0x247: {  	[tilespmem:s6+$0x10] =	vst.add.f32.msk $0xffff, v5  }
0x248: {  	[tilespmem:s6+$0x20] =	vst.add.f32.msk $0xffff, v6  }
0x249: {  	[tilespmem:s6+$0x30] =	vst.add.f32.msk $0xffff, v7  }
0x24a: {  	[tilespmem:s6+$0x40] =	vst.add.f32.msk $0xffff, v8  }
0x24b: {  	[tilespmem:s6+$0x50] =	vst.add.f32.msk $0xffff, v9  }
0x24c: {  	[tilespmem:s6+$0x0] =	vst.add.f32.msk $0xffff, v10  }
0x24d: {  	s4 =	simm.s32 $0x0;
	s5 =	sadd.s32 $0x400, s5;
	[tilespmem:s6+$0x60] =	vst.add.f32.msk $0xffff, v4  }
.LBB2_27:
0x24e: {  	v4 =	vld.idx.msk [tilespmem:v3+s5+$0x30 ss:$0x1], $0xffff;
	s4 =	sadd.s32 $0x80, s4  }
0x24f: {  	v5 =	vld.idx.msk [tilespmem:v3+s5+$0xFFFFFFD0 ss:$0x1], $0xffff;
	p0 =	slt.u32 s4, $0x380  }
0x250: {  	v6 =	vld.idx.msk [tilespmem:v3+s5+$0xFFFFFFE0 ss:$0x1], $0xffff  }
0x251: {  	v7 =	vld.idx.msk [tilespmem:v3+s5+$0xFFFFFFF0 ss:$0x1], $0xffff  }
0x252: {  	s2 =	sadd.s32 $0x400, s2;
	v8 =	vld.idx.msk [tilespmem:v3+s5+$0x0 ss:$0x1], $0xffff  }
0x253: {  	s6 =	sadd.s32 s0, s2;
	v9 =	vld.idx.msk [tilespmem:v3+s5+$0x10 ss:$0x1], $0xffff  }
0x254: {  	[tilespmem:s6+$0x70] =	vst.add.f32.msk $0xffff, v4  }
0x255: {  	v4 =	vld.idx.msk [tilespmem:v3+s5+$0x20 ss:$0x1], $0xffff  }
0x256: {  	v10 =	vld.idx.msk [tilespmem:v3+s5+$0xFFFFFFC0 ss:$0x1], $0xffff  }
0x257: {  	[tilespmem:s6+$0x10] =	vst.add.f32.msk $0xffff, v5  }
0x258: {  	[tilespmem:s6+$0x20] =	vst.add.f32.msk $0xffff, v6  }
.Ltmp12:
0x259: {  	[tilespmem:s6+$0x30] =	vst.add.f32.msk $0xffff, v7;
	(pc) =	sbr.rel @p0 .LBB2_27-.Ltmp12, $4  }
0x25a: {  	[tilespmem:s6+$0x40] =	vst.add.f32.msk $0xffff, v8  }
0x25b: {  	[tilespmem:s6+$0x50] =	vst.add.f32.msk $0xffff, v9  }
0x25c: {  	[tilespmem:s6+$0x0] =	vst.add.f32.msk $0xffff, v10  }
0x25d: {  	s5 =	sadd.s32 $0x400, s5;
	[tilespmem:s6+$0x60] =	vst.add.f32.msk $0xffff, v4  }
0x25e: {  	s28 =	sadd.s32 $0x1, s28  }
0x25f: {  	p0 =	sne.s32 s28, $0x10  }
.Ltmp13:
0x260: {  	_ = 	snop;
	(pc) =	sbr.rel @p0 .LBB2_26-.Ltmp13, $2  }
0x261: {  	_ =	sdelay $0x2  }
0x262: {  	s26 =	sadd.s32 $0x1, s26;
	s25 =	sadd.s32 $0x400, s25  }
0x263: {  	s25 =	simm.s32 $0x0;
	s0 =	rddreg [dreg:$0x12]  }
0x264: {  	[hbm4b:s0+s25] =	stream.linear.scatter [tilespmem:s19], [sflag:$0x3], $0x4000, $0x38;
	[tilespmem:$0x18100] =	vst v63  }
0x265: {  	_ =	swait.ge [sflag:s23], $0x4000  }
0x266: {  	[sflag:s23] =	ssyncset.done $0x0  }
0x267: {  	[sflag:s23] =	ssyncadd.s32 $0xFFFFC000  }
0x268: {  	v3 =	vld [tilespmem:$0x80];
	_ =	sdelay $0x4  }
0x269: {  	v4 =	vshll.u32 v3, $0x3  }
0x26a: {  	v3 =	vand.u32 $0x7, v3;
	v4 =	vand.u32 $0xFFFFFFC0, v4  }
0x26b: {  	v3 =	vor.u32 v3, v4  }
0x26c: {  	v4 =	vperm.xlane v3, v0;
	_ =	sdelay $0x1  }
0x26d: {  	v4 =	vadd.s32 v1, v4;
	_ =	sdelay $0x3  }
0x26e: {  	s26 =	simm.s32 $0x8100  }
0x26f: {  	[tilespmem:s26], [sflag:$0x1] =	stream.indirect_vreg.gather [hbm4b:s3+s25], $0x80, v4, vm0, $0xb8;
	[tilespmem:$0x18100] =	vst v63  }
0x270: {  	s2 =	simm.s32 $0x8900;
	v3 =	vperm.xlane v3, v2  }
0x271: {  	[tilespmem:s2], [sflag:$0x1] =	stream.indirect_vreg.gather [hbm4b:s7+s25], $0x80, v4, vm0, $0xb8;
	[tilespmem:$0x18100] =	vst v63  }
0x272: {  	s4 =	simm.s32 $0x9100;
	v3 =	vadd.s32 v1, v3  }
0x273: {  	[tilespmem:s4], [sflag:$0x1] =	stream.indirect_vreg.gather [hbm4b:s8+s25], $0x80, v4, vm0, $0xb8;
	[tilespmem:$0x18100] =	vst v63  }
0x274: {  	s5 =	simm.s32 $0x9900  }
0x275: {  	[tilespmem:s5], [sflag:$0x1] =	stream.indirect_vreg.gather [hbm4b:s9+s25], $0x80, v4, vm0, $0xb8;
	[tilespmem:$0x18100] =	vst v63  }
0x276: {  	s6 =	simm.s32 $0xA100  }
0x277: {  	[tilespmem:s6], [sflag:$0x1] =	stream.indirect_vreg.gather [hbm4b:s3+s25], $0x80, v3, vm0, $0xb8;
	[tilespmem:$0x18100] =	vst v63  }
0x278: {  	_ = 	snop  }
0x279: {  	[tilespmem:s10], [sflag:$0x1] =	stream.indirect_vreg.gather [hbm4b:s7+s25], $0x80, v3, vm0, $0xb8;
	[tilespmem:$0x18100] =	vst v63  }
0x27a: {  	_ = 	snop  }
0x27b: {  	[tilespmem:s20], [sflag:$0x1] =	stream.indirect_vreg.gather [hbm4b:s8+s25], $0x80, v3, vm0, $0xb8;
	[tilespmem:$0x18100] =	vst v63  }
0x27c: {  	_ = 	snop  }
0x27d: {  	[tilespmem:s21], [sflag:$0x1] =	stream.indirect_vreg.gather [hbm4b:s9+s25], $0x80, v3, vm0, $0xb8;
	[tilespmem:$0x18100] =	vst v63  }
0x27e: {  	s26 =	rddreg [dreg:$0x13]  }
0x27f: {  	[tilespmem:s22], [sflag:$0x2] =	stream.linear.gather [hbm4b:s26+s25], $0x4000, $0x38;
	[tilespmem:$0x18100] =	vst v63  }
0x280: {  	_ =	swait.ge [sflag:s30], $0x4000  }
0x281: {  	[sflag:s30] =	ssyncset.done $0x0  }
0x282: {  	[sflag:s30] =	ssyncadd.s32 $0xFFFFC000  }
0x283: {  	_ =	swait.ge [sflag:s31], $0x4000  }
0x284: {  	[sflag:s31] =	ssyncset.done $0x0  }
0x285: {  	s28 =	simm.s32 $0x0;
	s26 =	simm.s32 $0x0;
	[sflag:s31] =	ssyncadd.s32 $0xFFFFC000  }
.LBB2_30:
0x286: {  	s0 =	sand.u32 $0x7, s26  }
0x287: {  	s0 =	sshll.u32 s0, $0x9  }
0x288: {  	s0 =	sshrl.u32 s0, $0x2  }
0x289: {  	v3 =	vmov s0;
	_ =	sdelay $0x2  }
0x28a: {  	s2 =	sand.u32 $0x3FFFE000, s25  }
0x28b: {  	s5 =	sor.u32 $0x100, s2  }
0x28c: {  	v4 =	vld.idx.msk [tilespmem:v3+s5+$0x4070 ss:$0x1], $0xffff  }
0x28d: {  	v5 =	vld.idx.msk [tilespmem:v3+s5+$0x4010 ss:$0x1], $0xffff  }
0x28e: {  	v6 =	vld.idx.msk [tilespmem:v3+s5+$0x4020 ss:$0x1], $0xffff  }
0x28f: {  	v7 =	vld.idx.msk [tilespmem:v3+s5+$0x4030 ss:$0x1], $0xffff  }
0x290: {  	v8 =	vld.idx.msk [tilespmem:v3+s5+$0x4040 ss:$0x1], $0xffff  }
0x291: {  	s2 =	sadd.s32 $0xC100, s2;
	v9 =	vld.idx.msk [tilespmem:v3+s5+$0x4050 ss:$0x1], $0xffff  }
0x292: {  	s6 =	sadd.s32 s0, s2;
	v10 =	vld.idx.msk [tilespmem:v3+s5+$0x4000 ss:$0x1], $0xffff  }
0x293: {  	[tilespmem:s6+$0x4070] =	vst.add.f32.msk $0xffff, v4  }
0x294: {  	v4 =	vld.idx.msk [tilespmem:v3+s5+$0x4060 ss:$0x1], $0xffff  }
0x295: {  	[tilespmem:s6+$0x4010] =	vst.add.f32.msk $0xffff, v5  }
0x296: {  	[tilespmem:s6+$0x4020] =	vst.add.f32.msk $0xffff, v6  }
0x297: {  	[tilespmem:s6+$0x4030] =	vst.add.f32.msk $0xffff, v7  }
0x298: {  	[tilespmem:s6+$0x4040] =	vst.add.f32.msk $0xffff, v8  }
0x299: {  	[tilespmem:s6+$0x4050] =	vst.add.f32.msk $0xffff, v9  }
0x29a: {  	[tilespmem:s6+$0x4000] =	vst.add.f32.msk $0xffff, v10  }
0x29b: {  	s4 =	simm.s32 $0x0;
	s5 =	sadd.s32 $0x400, s5;
	[tilespmem:s6+$0x4060] =	vst.add.f32.msk $0xffff, v4  }
.LBB2_31:
0x29c: {  	v4 =	vld.idx.msk [tilespmem:v3+s5+$0x4070 ss:$0x1], $0xffff;
	s4 =	sadd.s32 $0x80, s4  }
0x29d: {  	v5 =	vld.idx.msk [tilespmem:v3+s5+$0x4010 ss:$0x1], $0xffff;
	p0 =	slt.u32 s4, $0x380  }
0x29e: {  	v6 =	vld.idx.msk [tilespmem:v3+s5+$0x4020 ss:$0x1], $0xffff  }
0x29f: {  	v7 =	vld.idx.msk [tilespmem:v3+s5+$0x4030 ss:$0x1], $0xffff  }
0x2a0: {  	s2 =	sadd.s32 $0x400, s2;
	v8 =	vld.idx.msk [tilespmem:v3+s5+$0x4040 ss:$0x1], $0xffff  }
0x2a1: {  	s6 =	sadd.s32 s0, s2;
	v9 =	vld.idx.msk [tilespmem:v3+s5+$0x4050 ss:$0x1], $0xffff  }
0x2a2: {  	[tilespmem:s6+$0x4070] =	vst.add.f32.msk $0xffff, v4  }
0x2a3: {  	v4 =	vld.idx.msk [tilespmem:v3+s5+$0x4060 ss:$0x1], $0xffff  }
0x2a4: {  	v10 =	vld.idx.msk [tilespmem:v3+s5+$0x4000 ss:$0x1], $0xffff  }
0x2a5: {  	[tilespmem:s6+$0x4010] =	vst.add.f32.msk $0xffff, v5  }
0x2a6: {  	[tilespmem:s6+$0x4020] =	vst.add.f32.msk $0xffff, v6  }
.Ltmp14:
0x2a7: {  	[tilespmem:s6+$0x4030] =	vst.add.f32.msk $0xffff, v7;
	(pc) =	sbr.rel @p0 .LBB2_31-.Ltmp14, $4  }
0x2a8: {  	[tilespmem:s6+$0x4040] =	vst.add.f32.msk $0xffff, v8  }
0x2a9: {  	[tilespmem:s6+$0x4050] =	vst.add.f32.msk $0xffff, v9  }
0x2aa: {  	[tilespmem:s6+$0x4000] =	vst.add.f32.msk $0xffff, v10  }
0x2ab: {  	s5 =	sadd.s32 $0x400, s5;
	[tilespmem:s6+$0x4060] =	vst.add.f32.msk $0xffff, v4  }
0x2ac: {  	s28 =	sadd.s32 $0x1, s28  }
0x2ad: {  	p0 =	sne.s32 s28, $0x10  }
.Ltmp15:
0x2ae: {  	_ = 	snop;
	(pc) =	sbr.rel @p0 .LBB2_30-.Ltmp15, $2  }
0x2af: {  	_ =	sdelay $0x2  }
0x2b0: {  	s26 =	sadd.s32 $0x1, s26;
	s25 =	sadd.s32 $0x400, s25  }
0x2b1: {  	s25 =	simm.s32 $0x0;
	s0 =	rddreg [dreg:$0x14]  }
0x2b2: {  	[hbm4b:s0+s25] =	stream.linear.scatter [tilespmem:s29], [sflag:$0x3], $0x4000, $0x38;
	[tilespmem:$0x18100] =	vst v63  }
0x2b3: {  	_ =	swait.ge [sflag:s23], $0x4000  }
0x2b4: {  	[sflag:s23] =	ssyncset.done $0x0  }
0x2b5: {  	[sflag:s23] =	ssyncadd.s32 $0xFFFFC000  }
0x2b6: {  	v3 =	vld [tilespmem:$0x90];
	_ =	sdelay $0x4  }
0x2b7: {  	v4 =	vshll.u32 v3, $0x3  }
0x2b8: {  	v3 =	vand.u32 $0x7, v3;
	v4 =	vand.u32 $0xFFFFFFC0, v4  }
0x2b9: {  	v3 =	vor.u32 v3, v4  }
0x2ba: {  	v4 =	vperm.xlane v3, v0;
	_ =	sdelay $0x1  }
0x2bb: {  	v4 =	vadd.s32 v1, v4;
	_ =	sdelay $0x4  }
0x2bc: {  	[tilespmem:s11], [sflag:$0x1] =	stream.indirect_vreg.gather [hbm4b:s3+s25], $0x80, v4, vm0, $0xb8;
	[tilespmem:$0x18100] =	vst v63  }
0x2bd: {  	v3 =	vperm.xlane v3, v2  }
0x2be: {  	[tilespmem:s12], [sflag:$0x1] =	stream.indirect_vreg.gather [hbm4b:s7+s25], $0x80, v4, vm0, $0xb8;
	[tilespmem:$0x18100] =	vst v63  }
0x2bf: {  	v3 =	vadd.s32 v1, v3  }
0x2c0: {  	[tilespmem:s13], [sflag:$0x1] =	stream.indirect_vreg.gather [hbm4b:s8+s25], $0x80, v4, vm0, $0xb8;
	[tilespmem:$0x18100] =	vst v63  }
0x2c1: {  	_ = 	snop  }
0x2c2: {  	[tilespmem:s14], [sflag:$0x1] =	stream.indirect_vreg.gather [hbm4b:s9+s25], $0x80, v4, vm0, $0xb8;
	[tilespmem:$0x18100] =	vst v63  }
0x2c3: {  	_ = 	snop  }
0x2c4: {  	[tilespmem:s15], [sflag:$0x1] =	stream.indirect_vreg.gather [hbm4b:s3+s25], $0x80, v3, vm0, $0xb8;
	[tilespmem:$0x18100] =	vst v63  }
0x2c5: {  	_ = 	snop  }
0x2c6: {  	[tilespmem:s16], [sflag:$0x1] =	stream.indirect_vreg.gather [hbm4b:s7+s25], $0x80, v3, vm0, $0xb8;
	[tilespmem:$0x18100] =	vst v63  }
0x2c7: {  	_ = 	snop  }
0x2c8: {  	[tilespmem:s17], [sflag:$0x1] =	stream.indirect_vreg.gather [hbm4b:s8+s25], $0x80, v3, vm0, $0xb8;
	[tilespmem:$0x18100] =	vst v63  }
0x2c9: {  	_ = 	snop  }
0x2ca: {  	[tilespmem:s18], [sflag:$0x1] =	stream.indirect_vreg.gather [hbm4b:s9+s25], $0x80, v3, vm0, $0xb8;
	[tilespmem:$0x18100] =	vst v63  }
0x2cb: {  	s26 =	rddreg [dreg:$0x15]  }
0x2cc: {  	[tilespmem:s19], [sflag:$0x2] =	stream.linear.gather [hbm4b:s26+s25], $0x4000, $0x38;
	[tilespmem:$0x18100] =	vst v63  }
0x2cd: {  	_ =	swait.ge [sflag:s30], $0x4000  }
0x2ce: {  	[sflag:s30] =	ssyncset.done $0x0  }
0x2cf: {  	[sflag:s30] =	ssyncadd.s32 $0xFFFFC000  }
0x2d0: {  	_ =	swait.ge [sflag:s31], $0x4000  }
0x2d1: {  	[sflag:s31] =	ssyncset.done $0x0  }
0x2d2: {  	s28 =	simm.s32 $0x0;
	s26 =	simm.s32 $0x0;
	[sflag:s31] =	ssyncadd.s32 $0xFFFFC000  }
.LBB2_34:
0x2d3: {  	s0 =	sand.u32 $0x7, s26  }
0x2d4: {  	s0 =	sshll.u32 s0, $0x9  }
0x2d5: {  	s0 =	sshrl.u32 s0, $0x2  }
0x2d6: {  	v3 =	vmov s0;
	_ =	sdelay $0x2  }
0x2d7: {  	s2 =	sand.u32 $0x3FFFE000, s25  }
0x2d8: {  	s5 =	sor.u32 $0x100, s2  }
0x2d9: {  	v4 =	vld.idx.msk [tilespmem:v3+s5+$0x8070 ss:$0x1], $0xffff  }
0x2da: {  	v5 =	vld.idx.msk [tilespmem:v3+s5+$0x8010 ss:$0x1], $0xffff  }
0x2db: {  	v6 =	vld.idx.msk [tilespmem:v3+s5+$0x8020 ss:$0x1], $0xffff  }
0x2dc: {  	v7 =	vld.idx.msk [tilespmem:v3+s5+$0x8030 ss:$0x1], $0xffff  }
0x2dd: {  	v8 =	vld.idx.msk [tilespmem:v3+s5+$0x8040 ss:$0x1], $0xffff  }
0x2de: {  	s2 =	sadd.s32 $0xC100, s2;
	v9 =	vld.idx.msk [tilespmem:v3+s5+$0x8050 ss:$0x1], $0xffff  }
0x2df: {  	s6 =	sadd.s32 s0, s2;
	v10 =	vld.idx.msk [tilespmem:v3+s5+$0x8000 ss:$0x1], $0xffff  }
0x2e0: {  	[tilespmem:s6+$0x8070] =	vst.add.f32.msk $0xffff, v4  }
0x2e1: {  	v4 =	vld.idx.msk [tilespmem:v3+s5+$0x8060 ss:$0x1], $0xffff  }
0x2e2: {  	[tilespmem:s6+$0x8010] =	vst.add.f32.msk $0xffff, v5  }
0x2e3: {  	[tilespmem:s6+$0x8020] =	vst.add.f32.msk $0xffff, v6  }
0x2e4: {  	[tilespmem:s6+$0x8030] =	vst.add.f32.msk $0xffff, v7  }
0x2e5: {  	[tilespmem:s6+$0x8040] =	vst.add.f32.msk $0xffff, v8  }
0x2e6: {  	[tilespmem:s6+$0x8050] =	vst.add.f32.msk $0xffff, v9  }
0x2e7: {  	[tilespmem:s6+$0x8000] =	vst.add.f32.msk $0xffff, v10  }
0x2e8: {  	s4 =	simm.s32 $0x0;
	s5 =	sadd.s32 $0x400, s5;
	[tilespmem:s6+$0x8060] =	vst.add.f32.msk $0xffff, v4  }
.LBB2_35:
0x2e9: {  	v4 =	vld.idx.msk [tilespmem:v3+s5+$0x8070 ss:$0x1], $0xffff;
	s4 =	sadd.s32 $0x80, s4  }
0x2ea: {  	v5 =	vld.idx.msk [tilespmem:v3+s5+$0x8010 ss:$0x1], $0xffff;
	p0 =	slt.u32 s4, $0x380  }
0x2eb: {  	v6 =	vld.idx.msk [tilespmem:v3+s5+$0x8020 ss:$0x1], $0xffff  }
0x2ec: {  	v7 =	vld.idx.msk [tilespmem:v3+s5+$0x8030 ss:$0x1], $0xffff  }
0x2ed: {  	s2 =	sadd.s32 $0x400, s2;
	v8 =	vld.idx.msk [tilespmem:v3+s5+$0x8040 ss:$0x1], $0xffff  }
0x2ee: {  	s6 =	sadd.s32 s0, s2;
	v9 =	vld.idx.msk [tilespmem:v3+s5+$0x8050 ss:$0x1], $0xffff  }
0x2ef: {  	[tilespmem:s6+$0x8070] =	vst.add.f32.msk $0xffff, v4  }
0x2f0: {  	v4 =	vld.idx.msk [tilespmem:v3+s5+$0x8060 ss:$0x1], $0xffff  }
0x2f1: {  	v10 =	vld.idx.msk [tilespmem:v3+s5+$0x8000 ss:$0x1], $0xffff  }
0x2f2: {  	[tilespmem:s6+$0x8010] =	vst.add.f32.msk $0xffff, v5  }
0x2f3: {  	[tilespmem:s6+$0x8020] =	vst.add.f32.msk $0xffff, v6  }
.Ltmp16:
0x2f4: {  	[tilespmem:s6+$0x8030] =	vst.add.f32.msk $0xffff, v7;
	(pc) =	sbr.rel @p0 .LBB2_35-.Ltmp16, $4  }
0x2f5: {  	[tilespmem:s6+$0x8040] =	vst.add.f32.msk $0xffff, v8  }
0x2f6: {  	[tilespmem:s6+$0x8050] =	vst.add.f32.msk $0xffff, v9  }
0x2f7: {  	[tilespmem:s6+$0x8000] =	vst.add.f32.msk $0xffff, v10  }
0x2f8: {  	s5 =	sadd.s32 $0x400, s5;
	[tilespmem:s6+$0x8060] =	vst.add.f32.msk $0xffff, v4  }
0x2f9: {  	s28 =	sadd.s32 $0x1, s28  }
0x2fa: {  	p0 =	sne.s32 s28, $0x10  }
.Ltmp17:
0x2fb: {  	_ = 	snop;
	(pc) =	sbr.rel @p0 .LBB2_34-.Ltmp17, $2  }
0x2fc: {  	_ =	sdelay $0x2  }
0x2fd: {  	s26 =	sadd.s32 $0x1, s26;
	s25 =	sadd.s32 $0x400, s25  }
0x2fe: {  	s25 =	simm.s32 $0x0;
	s0 =	rddreg [dreg:$0x16]  }
0x2ff: {  	[hbm4b:s0+s25] =	stream.linear.scatter [tilespmem:s22], [sflag:$0x3], $0x4000, $0x38;
	[tilespmem:$0x18100] =	vst v63  }
0x300: {  	_ =	swait.ge [sflag:s23], $0x4000  }
0x301: {  	[sflag:s23] =	ssyncset.done $0x0  }
0x302: {  	[sflag:s23] =	ssyncadd.s32 $0xFFFFC000  }
0x303: {  	v3 =	vld [tilespmem:$0xA0];
	_ =	sdelay $0x4  }
0x304: {  	v4 =	vshll.u32 v3, $0x3  }
0x305: {  	v3 =	vand.u32 $0x7, v3;
	v4 =	vand.u32 $0xFFFFFFC0, v4  }
0x306: {  	v3 =	vor.u32 v3, v4  }
0x307: {  	v4 =	vperm.xlane v3, v0;
	_ =	sdelay $0x1  }
0x308: {  	v4 =	vadd.s32 v1, v4;
	_ =	sdelay $0x3  }
0x309: {  	s4 =	simm.s32 $0x4100  }
0x30a: {  	[tilespmem:s4], [sflag:$0x1] =	stream.indirect_vreg.gather [hbm4b:s3+s25], $0x80, v4, vm0, $0xb8;
	[tilespmem:$0x18100] =	vst v63  }
0x30b: {  	s5 =	simm.s32 $0x4900;
	v3 =	vperm.xlane v3, v2  }
0x30c: {  	[tilespmem:s5], [sflag:$0x1] =	stream.indirect_vreg.gather [hbm4b:s7+s25], $0x80, v4, vm0, $0xb8;
	[tilespmem:$0x18100] =	vst v63  }
0x30d: {  	s6 =	simm.s32 $0x5100;
	v3 =	vadd.s32 v1, v3  }
0x30e: {  	[tilespmem:s6], [sflag:$0x1] =	stream.indirect_vreg.gather [hbm4b:s8+s25], $0x80, v4, vm0, $0xb8;
	[tilespmem:$0x18100] =	vst v63  }
0x30f: {  	s26 =	simm.s32 $0x5900  }
0x310: {  	[tilespmem:s26], [sflag:$0x1] =	stream.indirect_vreg.gather [hbm4b:s9+s25], $0x80, v4, vm0, $0xb8;
	[tilespmem:$0x18100] =	vst v63  }
0x311: {  	s2 =	simm.s32 $0x6100  }
0x312: {  	[tilespmem:s2], [sflag:$0x1] =	stream.indirect_vreg.gather [hbm4b:s3+s25], $0x80, v3, vm0, $0xb8;
	[tilespmem:$0x18100] =	vst v63  }
0x313: {  	s4 =	simm.s32 $0x6900  }
0x314: {  	[tilespmem:s4], [sflag:$0x1] =	stream.indirect_vreg.gather [hbm4b:s7+s25], $0x80, v3, vm0, $0xb8;
	[tilespmem:$0x18100] =	vst v63  }
0x315: {  	s5 =	simm.s32 $0x7100  }
0x316: {  	[tilespmem:s5], [sflag:$0x1] =	stream.indirect_vreg.gather [hbm4b:s8+s25], $0x80, v3, vm0, $0xb8;
	[tilespmem:$0x18100] =	vst v63  }
0x317: {  	s6 =	simm.s32 $0x7900  }
0x318: {  	[tilespmem:s6], [sflag:$0x1] =	stream.indirect_vreg.gather [hbm4b:s9+s25], $0x80, v3, vm0, $0xb8;
	[tilespmem:$0x18100] =	vst v63  }
0x319: {  	s26 =	rddreg [dreg:$0x18]  }
0x31a: {  	[tilespmem:s29], [sflag:$0x2] =	stream.linear.gather [hbm4b:s26+s25], $0x4000, $0x38;
	[tilespmem:$0x18100] =	vst v63  }
0x31b: {  	_ =	swait.ge [sflag:s30], $0x4000  }
0x31c: {  	[sflag:s30] =	ssyncset.done $0x0  }
0x31d: {  	[sflag:s30] =	ssyncadd.s32 $0xFFFFC000  }
0x31e: {  	_ =	swait.ge [sflag:s31], $0x4000  }
0x31f: {  	[sflag:s31] =	ssyncset.done $0x0  }
0x320: {  	s28 =	simm.s32 $0x0;
	s26 =	simm.s32 $0x0;
	[sflag:s31] =	ssyncadd.s32 $0xFFFFC000  }
.LBB2_38:
0x321: {  	s0 =	sand.u32 $0x7, s26  }
0x322: {  	s0 =	sshll.u32 s0, $0x9  }
0x323: {  	s0 =	sshrl.u32 s0, $0x2  }
0x324: {  	v3 =	vmov s0;
	_ =	sdelay $0x2  }
0x325: {  	s2 =	sand.u32 $0x3FFFE000, s25  }
0x326: {  	s5 =	sor.u32 $0x140, s2  }
0x327: {  	v4 =	vld.idx.msk [tilespmem:v3+s5+$0x30 ss:$0x1], $0xffff  }
0x328: {  	v5 =	vld.idx.msk [tilespmem:v3+s5+$0xFFFFFFD0 ss:$0x1], $0xffff  }
0x329: {  	v6 =	vld.idx.msk [tilespmem:v3+s5+$0xFFFFFFE0 ss:$0x1], $0xffff  }
0x32a: {  	v7 =	vld.idx.msk [tilespmem:v3+s5+$0xFFFFFFF0 ss:$0x1], $0xffff  }
0x32b: {  	v8 =	vld.idx.msk [tilespmem:v3+s5+$0x0 ss:$0x1], $0xffff  }
0x32c: {  	s2 =	sadd.s32 $0xC100, s2;
	v9 =	vld.idx.msk [tilespmem:v3+s5+$0x10 ss:$0x1], $0xffff  }
0x32d: {  	s6 =	sadd.s32 s0, s2;
	v10 =	vld.idx.msk [tilespmem:v3+s5+$0xFFFFFFC0 ss:$0x1], $0xffff  }
0x32e: {  	[tilespmem:s6+$0x70] =	vst.add.f32.msk $0xffff, v4  }
0x32f: {  	v4 =	vld.idx.msk [tilespmem:v3+s5+$0x20 ss:$0x1], $0xffff  }
0x330: {  	[tilespmem:s6+$0x10] =	vst.add.f32.msk $0xffff, v5  }
0x331: {  	[tilespmem:s6+$0x20] =	vst.add.f32.msk $0xffff, v6  }
0x332: {  	[tilespmem:s6+$0x30] =	vst.add.f32.msk $0xffff, v7  }
0x333: {  	[tilespmem:s6+$0x40] =	vst.add.f32.msk $0xffff, v8  }
0x334: {  	[tilespmem:s6+$0x50] =	vst.add.f32.msk $0xffff, v9  }
0x335: {  	[tilespmem:s6+$0x0] =	vst.add.f32.msk $0xffff, v10  }
0x336: {  	s4 =	simm.s32 $0x0;
	s5 =	sadd.s32 $0x400, s5;
	[tilespmem:s6+$0x60] =	vst.add.f32.msk $0xffff, v4  }
.LBB2_39:
0x337: {  	v4 =	vld.idx.msk [tilespmem:v3+s5+$0x30 ss:$0x1], $0xffff;
	s4 =	sadd.s32 $0x80, s4  }
0x338: {  	v5 =	vld.idx.msk [tilespmem:v3+s5+$0xFFFFFFD0 ss:$0x1], $0xffff;
	p0 =	slt.u32 s4, $0x380  }
0x339: {  	v6 =	vld.idx.msk [tilespmem:v3+s5+$0xFFFFFFE0 ss:$0x1], $0xffff  }
0x33a: {  	v7 =	vld.idx.msk [tilespmem:v3+s5+$0xFFFFFFF0 ss:$0x1], $0xffff  }
0x33b: {  	s2 =	sadd.s32 $0x400, s2;
	v8 =	vld.idx.msk [tilespmem:v3+s5+$0x0 ss:$0x1], $0xffff  }
0x33c: {  	s6 =	sadd.s32 s0, s2;
	v9 =	vld.idx.msk [tilespmem:v3+s5+$0x10 ss:$0x1], $0xffff  }
0x33d: {  	[tilespmem:s6+$0x70] =	vst.add.f32.msk $0xffff, v4  }
0x33e: {  	v4 =	vld.idx.msk [tilespmem:v3+s5+$0x20 ss:$0x1], $0xffff  }
0x33f: {  	v10 =	vld.idx.msk [tilespmem:v3+s5+$0xFFFFFFC0 ss:$0x1], $0xffff  }
0x340: {  	[tilespmem:s6+$0x10] =	vst.add.f32.msk $0xffff, v5  }
0x341: {  	[tilespmem:s6+$0x20] =	vst.add.f32.msk $0xffff, v6  }
.Ltmp18:
0x342: {  	[tilespmem:s6+$0x30] =	vst.add.f32.msk $0xffff, v7;
	(pc) =	sbr.rel @p0 .LBB2_39-.Ltmp18, $4  }
0x343: {  	[tilespmem:s6+$0x40] =	vst.add.f32.msk $0xffff, v8  }
0x344: {  	[tilespmem:s6+$0x50] =	vst.add.f32.msk $0xffff, v9  }
0x345: {  	[tilespmem:s6+$0x0] =	vst.add.f32.msk $0xffff, v10  }
0x346: {  	s5 =	sadd.s32 $0x400, s5;
	[tilespmem:s6+$0x60] =	vst.add.f32.msk $0xffff, v4  }
0x347: {  	s28 =	sadd.s32 $0x1, s28  }
0x348: {  	p0 =	sne.s32 s28, $0x10  }
.Ltmp19:
0x349: {  	_ = 	snop;
	(pc) =	sbr.rel @p0 .LBB2_38-.Ltmp19, $2  }
0x34a: {  	_ =	sdelay $0x2  }
0x34b: {  	s26 =	sadd.s32 $0x1, s26;
	s25 =	sadd.s32 $0x400, s25  }
0x34c: {  	s25 =	simm.s32 $0x0;
	s0 =	rddreg [dreg:$0x17]  }
0x34d: {  	[hbm4b:s0+s25] =	stream.linear.scatter [tilespmem:s19], [sflag:$0x3], $0x4000, $0x38;
	[tilespmem:$0x18100] =	vst v63  }
0x34e: {  	_ =	swait.ge [sflag:s23], $0x4000  }
0x34f: {  	[sflag:s23] =	ssyncset.done $0x0  }
0x350: {  	[sflag:s23] =	ssyncadd.s32 $0xFFFFC000  }
0x351: {  	v3 =	vld [tilespmem:$0xB0];
	_ =	sdelay $0x4  }
0x352: {  	v4 =	vshll.u32 v3, $0x3  }
0x353: {  	v3 =	vand.u32 $0x7, v3;
	v4 =	vand.u32 $0xFFFFFFC0, v4  }
0x354: {  	v3 =	vor.u32 v3, v4  }
0x355: {  	v4 =	vperm.xlane v3, v0;
	_ =	sdelay $0x1  }
0x356: {  	v4 =	vadd.s32 v1, v4;
	_ =	sdelay $0x3  }
0x357: {  	s26 =	simm.s32 $0x8100  }
0x358: {  	[tilespmem:s26], [sflag:$0x1] =	stream.indirect_vreg.gather [hbm4b:s3+s25], $0x80, v4, vm0, $0xb8;
	[tilespmem:$0x18100] =	vst v63  }
0x359: {  	s2 =	simm.s32 $0x8900;
	v3 =	vperm.xlane v3, v2  }
0x35a: {  	[tilespmem:s2], [sflag:$0x1] =	stream.indirect_vreg.gather [hbm4b:s7+s25], $0x80, v4, vm0, $0xb8;
	[tilespmem:$0x18100] =	vst v63  }
0x35b: {  	s4 =	simm.s32 $0x9100;
	v3 =	vadd.s32 v1, v3  }
0x35c: {  	[tilespmem:s4], [sflag:$0x1] =	stream.indirect_vreg.gather [hbm4b:s8+s25], $0x80, v4, vm0, $0xb8;
	[tilespmem:$0x18100] =	vst v63  }
0x35d: {  	s5 =	simm.s32 $0x9900  }
0x35e: {  	[tilespmem:s5], [sflag:$0x1] =	stream.indirect_vreg.gather [hbm4b:s9+s25], $0x80, v4, vm0, $0xb8;
	[tilespmem:$0x18100] =	vst v63  }
0x35f: {  	s6 =	simm.s32 $0xA100  }
0x360: {  	[tilespmem:s6], [sflag:$0x1] =	stream.indirect_vreg.gather [hbm4b:s3+s25], $0x80, v3, vm0, $0xb8;
	[tilespmem:$0x18100] =	vst v63  }
0x361: {  	_ = 	snop  }
0x362: {  	[tilespmem:s10], [sflag:$0x1] =	stream.indirect_vreg.gather [hbm4b:s7+s25], $0x80, v3, vm0, $0xb8;
	[tilespmem:$0x18100] =	vst v63  }
0x363: {  	_ = 	snop  }
0x364: {  	[tilespmem:s20], [sflag:$0x1] =	stream.indirect_vreg.gather [hbm4b:s8+s25], $0x80, v3, vm0, $0xb8;
	[tilespmem:$0x18100] =	vst v63  }
0x365: {  	_ = 	snop  }
0x366: {  	[tilespmem:s21], [sflag:$0x1] =	stream.indirect_vreg.gather [hbm4b:s9+s25], $0x80, v3, vm0, $0xb8;
	[tilespmem:$0x18100] =	vst v63  }
0x367: {  	s26 =	rddreg [dreg:$0x1a]  }
0x368: {  	[tilespmem:s22], [sflag:$0x2] =	stream.linear.gather [hbm4b:s26+s25], $0x4000, $0x38;
	[tilespmem:$0x18100] =	vst v63  }
0x369: {  	_ =	swait.ge [sflag:s30], $0x4000  }
0x36a: {  	[sflag:s30] =	ssyncset.done $0x0  }
0x36b: {  	[sflag:s30] =	ssyncadd.s32 $0xFFFFC000  }
0x36c: {  	_ =	swait.ge [sflag:s31], $0x4000  }
0x36d: {  	[sflag:s31] =	ssyncset.done $0x0  }
0x36e: {  	s28 =	simm.s32 $0x0;
	s26 =	simm.s32 $0x0;
	[sflag:s31] =	ssyncadd.s32 $0xFFFFC000  }
.LBB2_42:
0x36f: {  	s0 =	sand.u32 $0x7, s26  }
0x370: {  	s0 =	sshll.u32 s0, $0x9  }
0x371: {  	s0 =	sshrl.u32 s0, $0x2  }
0x372: {  	v3 =	vmov s0;
	_ =	sdelay $0x2  }
0x373: {  	s2 =	sand.u32 $0x3FFFE000, s25  }
0x374: {  	s5 =	sor.u32 $0x100, s2  }
0x375: {  	v4 =	vld.idx.msk [tilespmem:v3+s5+$0x4070 ss:$0x1], $0xffff  }
0x376: {  	v5 =	vld.idx.msk [tilespmem:v3+s5+$0x4010 ss:$0x1], $0xffff  }
0x377: {  	v6 =	vld.idx.msk [tilespmem:v3+s5+$0x4020 ss:$0x1], $0xffff  }
0x378: {  	v7 =	vld.idx.msk [tilespmem:v3+s5+$0x4030 ss:$0x1], $0xffff  }
0x379: {  	v8 =	vld.idx.msk [tilespmem:v3+s5+$0x4040 ss:$0x1], $0xffff  }
0x37a: {  	s2 =	sadd.s32 $0xC100, s2;
	v9 =	vld.idx.msk [tilespmem:v3+s5+$0x4050 ss:$0x1], $0xffff  }
0x37b: {  	s6 =	sadd.s32 s0, s2;
	v10 =	vld.idx.msk [tilespmem:v3+s5+$0x4000 ss:$0x1], $0xffff  }
0x37c: {  	[tilespmem:s6+$0x4070] =	vst.add.f32.msk $0xffff, v4  }
0x37d: {  	v4 =	vld.idx.msk [tilespmem:v3+s5+$0x4060 ss:$0x1], $0xffff  }
0x37e: {  	[tilespmem:s6+$0x4010] =	vst.add.f32.msk $0xffff, v5  }
0x37f: {  	[tilespmem:s6+$0x4020] =	vst.add.f32.msk $0xffff, v6  }
0x380: {  	[tilespmem:s6+$0x4030] =	vst.add.f32.msk $0xffff, v7  }
0x381: {  	[tilespmem:s6+$0x4040] =	vst.add.f32.msk $0xffff, v8  }
0x382: {  	[tilespmem:s6+$0x4050] =	vst.add.f32.msk $0xffff, v9  }
0x383: {  	[tilespmem:s6+$0x4000] =	vst.add.f32.msk $0xffff, v10  }
0x384: {  	s4 =	simm.s32 $0x0;
	s5 =	sadd.s32 $0x400, s5;
	[tilespmem:s6+$0x4060] =	vst.add.f32.msk $0xffff, v4  }
.LBB2_43:
0x385: {  	v4 =	vld.idx.msk [tilespmem:v3+s5+$0x4070 ss:$0x1], $0xffff;
	s4 =	sadd.s32 $0x80, s4  }
0x386: {  	v5 =	vld.idx.msk [tilespmem:v3+s5+$0x4010 ss:$0x1], $0xffff;
	p0 =	slt.u32 s4, $0x380  }
0x387: {  	v6 =	vld.idx.msk [tilespmem:v3+s5+$0x4020 ss:$0x1], $0xffff  }
0x388: {  	v7 =	vld.idx.msk [tilespmem:v3+s5+$0x4030 ss:$0x1], $0xffff  }
0x389: {  	s2 =	sadd.s32 $0x400, s2;
	v8 =	vld.idx.msk [tilespmem:v3+s5+$0x4040 ss:$0x1], $0xffff  }
0x38a: {  	s6 =	sadd.s32 s0, s2;
	v9 =	vld.idx.msk [tilespmem:v3+s5+$0x4050 ss:$0x1], $0xffff  }
0x38b: {  	[tilespmem:s6+$0x4070] =	vst.add.f32.msk $0xffff, v4  }
0x38c: {  	v4 =	vld.idx.msk [tilespmem:v3+s5+$0x4060 ss:$0x1], $0xffff  }
0x38d: {  	v10 =	vld.idx.msk [tilespmem:v3+s5+$0x4000 ss:$0x1], $0xffff  }
0x38e: {  	[tilespmem:s6+$0x4010] =	vst.add.f32.msk $0xffff, v5  }
0x38f: {  	[tilespmem:s6+$0x4020] =	vst.add.f32.msk $0xffff, v6  }
.Ltmp20:
0x390: {  	[tilespmem:s6+$0x4030] =	vst.add.f32.msk $0xffff, v7;
	(pc) =	sbr.rel @p0 .LBB2_43-.Ltmp20, $4  }
0x391: {  	[tilespmem:s6+$0x4040] =	vst.add.f32.msk $0xffff, v8  }
0x392: {  	[tilespmem:s6+$0x4050] =	vst.add.f32.msk $0xffff, v9  }
0x393: {  	[tilespmem:s6+$0x4000] =	vst.add.f32.msk $0xffff, v10  }
0x394: {  	s5 =	sadd.s32 $0x400, s5;
	[tilespmem:s6+$0x4060] =	vst.add.f32.msk $0xffff, v4  }
0x395: {  	s28 =	sadd.s32 $0x1, s28  }
0x396: {  	p0 =	sne.s32 s28, $0x10  }
.Ltmp21:
0x397: {  	_ = 	snop;
	(pc) =	sbr.rel @p0 .LBB2_42-.Ltmp21, $2  }
0x398: {  	_ =	sdelay $0x2  }
0x399: {  	s26 =	sadd.s32 $0x1, s26;
	s25 =	sadd.s32 $0x400, s25  }
0x39a: {  	s25 =	simm.s32 $0x0;
	s0 =	rddreg [dreg:$0x19]  }
0x39b: {  	[hbm4b:s0+s25] =	stream.linear.scatter [tilespmem:s29], [sflag:$0x3], $0x4000, $0x38;
	[tilespmem:$0x18100] =	vst v63  }
0x39c: {  	_ =	swait.ge [sflag:s23], $0x4000  }
0x39d: {  	[sflag:s23] =	ssyncset.done $0x0  }
0x39e: {  	[sflag:s23] =	ssyncadd.s32 $0xFFFFC000  }
0x39f: {  	v3 =	vld [tilespmem:$0xC0];
	_ =	sdelay $0x4  }
0x3a0: {  	v4 =	vshll.u32 v3, $0x3  }
0x3a1: {  	v3 =	vand.u32 $0x7, v3;
	v4 =	vand.u32 $0xFFFFFFC0, v4  }
0x3a2: {  	v3 =	vor.u32 v3, v4  }
0x3a3: {  	v4 =	vperm.xlane v3, v0;
	_ =	sdelay $0x1  }
0x3a4: {  	v4 =	vadd.s32 v1, v4;
	_ =	sdelay $0x4  }
0x3a5: {  	[tilespmem:s11], [sflag:$0x1] =	stream.indirect_vreg.gather [hbm4b:s3+s25], $0x80, v4, vm0, $0xb8;
	[tilespmem:$0x18100] =	vst v63  }
0x3a6: {  	v3 =	vperm.xlane v3, v2  }
0x3a7: {  	[tilespmem:s12], [sflag:$0x1] =	stream.indirect_vreg.gather [hbm4b:s7+s25], $0x80, v4, vm0, $0xb8;
	[tilespmem:$0x18100] =	vst v63  }
0x3a8: {  	v3 =	vadd.s32 v1, v3  }
0x3a9: {  	[tilespmem:s13], [sflag:$0x1] =	stream.indirect_vreg.gather [hbm4b:s8+s25], $0x80, v4, vm0, $0xb8;
	[tilespmem:$0x18100] =	vst v63  }
0x3aa: {  	_ = 	snop  }
0x3ab: {  	[tilespmem:s14], [sflag:$0x1] =	stream.indirect_vreg.gather [hbm4b:s9+s25], $0x80, v4, vm0, $0xb8;
	[tilespmem:$0x18100] =	vst v63  }
0x3ac: {  	_ = 	snop  }
0x3ad: {  	[tilespmem:s15], [sflag:$0x1] =	stream.indirect_vreg.gather [hbm4b:s3+s25], $0x80, v3, vm0, $0xb8;
	[tilespmem:$0x18100] =	vst v63  }
0x3ae: {  	_ = 	snop  }
0x3af: {  	[tilespmem:s16], [sflag:$0x1] =	stream.indirect_vreg.gather [hbm4b:s7+s25], $0x80, v3, vm0, $0xb8;
	[tilespmem:$0x18100] =	vst v63  }
0x3b0: {  	_ = 	snop  }
0x3b1: {  	[tilespmem:s17], [sflag:$0x1] =	stream.indirect_vreg.gather [hbm4b:s8+s25], $0x80, v3, vm0, $0xb8;
	[tilespmem:$0x18100] =	vst v63  }
0x3b2: {  	_ = 	snop  }
0x3b3: {  	[tilespmem:s18], [sflag:$0x1] =	stream.indirect_vreg.gather [hbm4b:s9+s25], $0x80, v3, vm0, $0xb8;
	[tilespmem:$0x18100] =	vst v63  }
0x3b4: {  	s26 =	rddreg [dreg:$0x1c]  }
0x3b5: {  	[tilespmem:s19], [sflag:$0x2] =	stream.linear.gather [hbm4b:s26+s25], $0x4000, $0x38;
	[tilespmem:$0x18100] =	vst v63  }
0x3b6: {  	_ =	swait.ge [sflag:s30], $0x4000  }
0x3b7: {  	[sflag:s30] =	ssyncset.done $0x0  }
0x3b8: {  	[sflag:s30] =	ssyncadd.s32 $0xFFFFC000  }
0x3b9: {  	_ =	swait.ge [sflag:s31], $0x4000  }
0x3ba: {  	[sflag:s31] =	ssyncset.done $0x0  }
0x3bb: {  	s28 =	simm.s32 $0x0;
	s26 =	simm.s32 $0x0;
	[sflag:s31] =	ssyncadd.s32 $0xFFFFC000  }
.LBB2_46:
0x3bc: {  	s0 =	sand.u32 $0x7, s26  }
0x3bd: {  	s0 =	sshll.u32 s0, $0x9  }
0x3be: {  	s0 =	sshrl.u32 s0, $0x2  }
0x3bf: {  	v3 =	vmov s0;
	_ =	sdelay $0x2  }
0x3c0: {  	s2 =	sand.u32 $0x3FFFE000, s25  }
0x3c1: {  	s5 =	sor.u32 $0x100, s2  }
0x3c2: {  	v4 =	vld.idx.msk [tilespmem:v3+s5+$0x8070 ss:$0x1], $0xffff  }
0x3c3: {  	v5 =	vld.idx.msk [tilespmem:v3+s5+$0x8010 ss:$0x1], $0xffff  }
0x3c4: {  	v6 =	vld.idx.msk [tilespmem:v3+s5+$0x8020 ss:$0x1], $0xffff  }
0x3c5: {  	v7 =	vld.idx.msk [tilespmem:v3+s5+$0x8030 ss:$0x1], $0xffff  }
0x3c6: {  	v8 =	vld.idx.msk [tilespmem:v3+s5+$0x8040 ss:$0x1], $0xffff  }
0x3c7: {  	s2 =	sadd.s32 $0xC100, s2;
	v9 =	vld.idx.msk [tilespmem:v3+s5+$0x8050 ss:$0x1], $0xffff  }
0x3c8: {  	s6 =	sadd.s32 s0, s2;
	v10 =	vld.idx.msk [tilespmem:v3+s5+$0x8000 ss:$0x1], $0xffff  }
0x3c9: {  	[tilespmem:s6+$0x8070] =	vst.add.f32.msk $0xffff, v4  }
0x3ca: {  	v4 =	vld.idx.msk [tilespmem:v3+s5+$0x8060 ss:$0x1], $0xffff  }
0x3cb: {  	[tilespmem:s6+$0x8010] =	vst.add.f32.msk $0xffff, v5  }
0x3cc: {  	[tilespmem:s6+$0x8020] =	vst.add.f32.msk $0xffff, v6  }
0x3cd: {  	[tilespmem:s6+$0x8030] =	vst.add.f32.msk $0xffff, v7  }
0x3ce: {  	[tilespmem:s6+$0x8040] =	vst.add.f32.msk $0xffff, v8  }
0x3cf: {  	[tilespmem:s6+$0x8050] =	vst.add.f32.msk $0xffff, v9  }
0x3d0: {  	[tilespmem:s6+$0x8000] =	vst.add.f32.msk $0xffff, v10  }
0x3d1: {  	s4 =	simm.s32 $0x0;
	s5 =	sadd.s32 $0x400, s5;
	[tilespmem:s6+$0x8060] =	vst.add.f32.msk $0xffff, v4  }
.LBB2_47:
0x3d2: {  	v4 =	vld.idx.msk [tilespmem:v3+s5+$0x8070 ss:$0x1], $0xffff;
	s4 =	sadd.s32 $0x80, s4  }
0x3d3: {  	v5 =	vld.idx.msk [tilespmem:v3+s5+$0x8010 ss:$0x1], $0xffff;
	p0 =	slt.u32 s4, $0x380  }
0x3d4: {  	v6 =	vld.idx.msk [tilespmem:v3+s5+$0x8020 ss:$0x1], $0xffff  }
0x3d5: {  	v7 =	vld.idx.msk [tilespmem:v3+s5+$0x8030 ss:$0x1], $0xffff  }
0x3d6: {  	s2 =	sadd.s32 $0x400, s2;
	v8 =	vld.idx.msk [tilespmem:v3+s5+$0x8040 ss:$0x1], $0xffff  }
0x3d7: {  	s6 =	sadd.s32 s0, s2;
	v9 =	vld.idx.msk [tilespmem:v3+s5+$0x8050 ss:$0x1], $0xffff  }
0x3d8: {  	[tilespmem:s6+$0x8070] =	vst.add.f32.msk $0xffff, v4  }
0x3d9: {  	v4 =	vld.idx.msk [tilespmem:v3+s5+$0x8060 ss:$0x1], $0xffff  }
0x3da: {  	v10 =	vld.idx.msk [tilespmem:v3+s5+$0x8000 ss:$0x1], $0xffff  }
0x3db: {  	[tilespmem:s6+$0x8010] =	vst.add.f32.msk $0xffff, v5  }
0x3dc: {  	[tilespmem:s6+$0x8020] =	vst.add.f32.msk $0xffff, v6  }
.Ltmp22:
0x3dd: {  	[tilespmem:s6+$0x8030] =	vst.add.f32.msk $0xffff, v7;
	(pc) =	sbr.rel @p0 .LBB2_47-.Ltmp22, $4  }
0x3de: {  	[tilespmem:s6+$0x8040] =	vst.add.f32.msk $0xffff, v8  }
0x3df: {  	[tilespmem:s6+$0x8050] =	vst.add.f32.msk $0xffff, v9  }
0x3e0: {  	[tilespmem:s6+$0x8000] =	vst.add.f32.msk $0xffff, v10  }
0x3e1: {  	s5 =	sadd.s32 $0x400, s5;
	[tilespmem:s6+$0x8060] =	vst.add.f32.msk $0xffff, v4  }
0x3e2: {  	s28 =	sadd.s32 $0x1, s28  }
0x3e3: {  	p0 =	sne.s32 s28, $0x10  }
.Ltmp23:
0x3e4: {  	_ = 	snop;
	(pc) =	sbr.rel @p0 .LBB2_46-.Ltmp23, $2  }
0x3e5: {  	_ =	sdelay $0x2  }
0x3e6: {  	s26 =	sadd.s32 $0x1, s26;
	s25 =	sadd.s32 $0x400, s25  }
0x3e7: {  	s25 =	simm.s32 $0x0;
	s0 =	rddreg [dreg:$0x1b]  }
0x3e8: {  	[hbm4b:s0+s25] =	stream.linear.scatter [tilespmem:s22], [sflag:$0x3], $0x4000, $0x38;
	[tilespmem:$0x18100] =	vst v63  }
0x3e9: {  	_ =	swait.ge [sflag:s23], $0x4000  }
0x3ea: {  	[sflag:s23] =	ssyncset.done $0x0  }
0x3eb: {  	[sflag:s23] =	ssyncadd.s32 $0xFFFFC000  }
0x3ec: {  	v3 =	vld [tilespmem:$0xD0];
	_ =	sdelay $0x4  }
0x3ed: {  	v4 =	vshll.u32 v3, $0x3  }
0x3ee: {  	v3 =	vand.u32 $0x7, v3;
	v4 =	vand.u32 $0xFFFFFFC0, v4  }
0x3ef: {  	v3 =	vor.u32 v3, v4  }
0x3f0: {  	v4 =	vperm.xlane v3, v0;
	_ =	sdelay $0x1  }
0x3f1: {  	v4 =	vadd.s32 v1, v4;
	_ =	sdelay $0x3  }
0x3f2: {  	s4 =	simm.s32 $0x4100  }
0x3f3: {  	[tilespmem:s4], [sflag:$0x1] =	stream.indirect_vreg.gather [hbm4b:s3+s25], $0x80, v4, vm0, $0xb8;
	[tilespmem:$0x18100] =	vst v63  }
0x3f4: {  	s5 =	simm.s32 $0x4900;
	v3 =	vperm.xlane v3, v2  }
0x3f5: {  	[tilespmem:s5], [sflag:$0x1] =	stream.indirect_vreg.gather [hbm4b:s7+s25], $0x80, v4, vm0, $0xb8;
	[tilespmem:$0x18100] =	vst v63  }
0x3f6: {  	s6 =	simm.s32 $0x5100;
	v3 =	vadd.s32 v1, v3  }
0x3f7: {  	[tilespmem:s6], [sflag:$0x1] =	stream.indirect_vreg.gather [hbm4b:s8+s25], $0x80, v4, vm0, $0xb8;
	[tilespmem:$0x18100] =	vst v63  }
0x3f8: {  	s26 =	simm.s32 $0x5900  }
0x3f9: {  	[tilespmem:s26], [sflag:$0x1] =	stream.indirect_vreg.gather [hbm4b:s9+s25], $0x80, v4, vm0, $0xb8;
	[tilespmem:$0x18100] =	vst v63  }
0x3fa: {  	s2 =	simm.s32 $0x6100  }
0x3fb: {  	[tilespmem:s2], [sflag:$0x1] =	stream.indirect_vreg.gather [hbm4b:s3+s25], $0x80, v3, vm0, $0xb8;
	[tilespmem:$0x18100] =	vst v63  }
0x3fc: {  	s4 =	simm.s32 $0x6900  }
0x3fd: {  	[tilespmem:s4], [sflag:$0x1] =	stream.indirect_vreg.gather [hbm4b:s7+s25], $0x80, v3, vm0, $0xb8;
	[tilespmem:$0x18100] =	vst v63  }
0x3fe: {  	s5 =	simm.s32 $0x7100  }
0x3ff: {  	[tilespmem:s5], [sflag:$0x1] =	stream.indirect_vreg.gather [hbm4b:s8+s25], $0x80, v3, vm0, $0xb8;
	[tilespmem:$0x18100] =	vst v63  }
0x400: {  	s6 =	simm.s32 $0x7900  }
0x401: {  	[tilespmem:s6], [sflag:$0x1] =	stream.indirect_vreg.gather [hbm4b:s9+s25], $0x80, v3, vm0, $0xb8;
	[tilespmem:$0x18100] =	vst v63  }
0x402: {  	s26 =	rddreg [dreg:$0x1e]  }
0x403: {  	[tilespmem:s29], [sflag:$0x2] =	stream.linear.gather [hbm4b:s26+s25], $0x4000, $0x38;
	[tilespmem:$0x18100] =	vst v63  }
0x404: {  	_ =	swait.ge [sflag:s30], $0x4000  }
0x405: {  	[sflag:s30] =	ssyncset.done $0x0  }
0x406: {  	[sflag:s30] =	ssyncadd.s32 $0xFFFFC000  }
0x407: {  	_ =	swait.ge [sflag:s31], $0x4000  }
0x408: {  	[sflag:s31] =	ssyncset.done $0x0  }
0x409: {  	s28 =	simm.s32 $0x0;
	s26 =	simm.s32 $0x0;
	[sflag:s31] =	ssyncadd.s32 $0xFFFFC000  }
.LBB2_50:
0x40a: {  	s0 =	sand.u32 $0x7, s26  }
0x40b: {  	s0 =	sshll.u32 s0, $0x9  }
0x40c: {  	s0 =	sshrl.u32 s0, $0x2  }
0x40d: {  	v3 =	vmov s0;
	_ =	sdelay $0x2  }
0x40e: {  	s2 =	sand.u32 $0x3FFFE000, s25  }
0x40f: {  	s5 =	sor.u32 $0x140, s2  }
0x410: {  	v4 =	vld.idx.msk [tilespmem:v3+s5+$0x30 ss:$0x1], $0xffff  }
0x411: {  	v5 =	vld.idx.msk [tilespmem:v3+s5+$0xFFFFFFD0 ss:$0x1], $0xffff  }
0x412: {  	v6 =	vld.idx.msk [tilespmem:v3+s5+$0xFFFFFFE0 ss:$0x1], $0xffff  }
0x413: {  	v7 =	vld.idx.msk [tilespmem:v3+s5+$0xFFFFFFF0 ss:$0x1], $0xffff  }
0x414: {  	v8 =	vld.idx.msk [tilespmem:v3+s5+$0x0 ss:$0x1], $0xffff  }
0x415: {  	s2 =	sadd.s32 $0xC100, s2;
	v9 =	vld.idx.msk [tilespmem:v3+s5+$0x10 ss:$0x1], $0xffff  }
0x416: {  	s6 =	sadd.s32 s0, s2;
	v10 =	vld.idx.msk [tilespmem:v3+s5+$0xFFFFFFC0 ss:$0x1], $0xffff  }
0x417: {  	[tilespmem:s6+$0x70] =	vst.add.f32.msk $0xffff, v4  }
0x418: {  	v4 =	vld.idx.msk [tilespmem:v3+s5+$0x20 ss:$0x1], $0xffff  }
0x419: {  	[tilespmem:s6+$0x10] =	vst.add.f32.msk $0xffff, v5  }
0x41a: {  	[tilespmem:s6+$0x20] =	vst.add.f32.msk $0xffff, v6  }
0x41b: {  	[tilespmem:s6+$0x30] =	vst.add.f32.msk $0xffff, v7  }
0x41c: {  	[tilespmem:s6+$0x40] =	vst.add.f32.msk $0xffff, v8  }
0x41d: {  	[tilespmem:s6+$0x50] =	vst.add.f32.msk $0xffff, v9  }
0x41e: {  	[tilespmem:s6+$0x0] =	vst.add.f32.msk $0xffff, v10  }
0x41f: {  	s4 =	simm.s32 $0x0;
	s5 =	sadd.s32 $0x400, s5;
	[tilespmem:s6+$0x60] =	vst.add.f32.msk $0xffff, v4  }
.LBB2_51:
0x420: {  	v4 =	vld.idx.msk [tilespmem:v3+s5+$0x30 ss:$0x1], $0xffff;
	s4 =	sadd.s32 $0x80, s4  }
0x421: {  	v5 =	vld.idx.msk [tilespmem:v3+s5+$0xFFFFFFD0 ss:$0x1], $0xffff;
	p0 =	slt.u32 s4, $0x380  }
0x422: {  	v6 =	vld.idx.msk [tilespmem:v3+s5+$0xFFFFFFE0 ss:$0x1], $0xffff  }
0x423: {  	v7 =	vld.idx.msk [tilespmem:v3+s5+$0xFFFFFFF0 ss:$0x1], $0xffff  }
0x424: {  	s2 =	sadd.s32 $0x400, s2;
	v8 =	vld.idx.msk [tilespmem:v3+s5+$0x0 ss:$0x1], $0xffff  }
0x425: {  	s6 =	sadd.s32 s0, s2;
	v9 =	vld.idx.msk [tilespmem:v3+s5+$0x10 ss:$0x1], $0xffff  }
0x426: {  	[tilespmem:s6+$0x70] =	vst.add.f32.msk $0xffff, v4  }
0x427: {  	v4 =	vld.idx.msk [tilespmem:v3+s5+$0x20 ss:$0x1], $0xffff  }
0x428: {  	v10 =	vld.idx.msk [tilespmem:v3+s5+$0xFFFFFFC0 ss:$0x1], $0xffff  }
0x429: {  	[tilespmem:s6+$0x10] =	vst.add.f32.msk $0xffff, v5  }
0x42a: {  	[tilespmem:s6+$0x20] =	vst.add.f32.msk $0xffff, v6  }
.Ltmp24:
0x42b: {  	[tilespmem:s6+$0x30] =	vst.add.f32.msk $0xffff, v7;
	(pc) =	sbr.rel @p0 .LBB2_51-.Ltmp24, $4  }
0x42c: {  	[tilespmem:s6+$0x40] =	vst.add.f32.msk $0xffff, v8  }
0x42d: {  	[tilespmem:s6+$0x50] =	vst.add.f32.msk $0xffff, v9  }
0x42e: {  	[tilespmem:s6+$0x0] =	vst.add.f32.msk $0xffff, v10  }
0x42f: {  	s5 =	sadd.s32 $0x400, s5;
	[tilespmem:s6+$0x60] =	vst.add.f32.msk $0xffff, v4  }
0x430: {  	s28 =	sadd.s32 $0x1, s28  }
0x431: {  	p0 =	sne.s32 s28, $0x10  }
.Ltmp25:
0x432: {  	_ = 	snop;
	(pc) =	sbr.rel @p0 .LBB2_50-.Ltmp25, $2  }
0x433: {  	_ =	sdelay $0x2  }
0x434: {  	s26 =	sadd.s32 $0x1, s26;
	s25 =	sadd.s32 $0x400, s25  }
0x435: {  	s25 =	simm.s32 $0x0;
	s0 =	rddreg [dreg:$0x1d]  }
0x436: {  	[hbm4b:s0+s25] =	stream.linear.scatter [tilespmem:s19], [sflag:$0x3], $0x4000, $0x38;
	[tilespmem:$0x18100] =	vst v63  }
0x437: {  	_ =	swait.ge [sflag:s23], $0x4000  }
0x438: {  	[sflag:s23] =	ssyncset.done $0x0  }
0x439: {  	[sflag:s23] =	ssyncadd.s32 $0xFFFFC000  }
0x43a: {  	v3 =	vld [tilespmem:$0xE0];
	_ =	sdelay $0x4  }
0x43b: {  	v4 =	vshll.u32 v3, $0x3  }
0x43c: {  	v3 =	vand.u32 $0x7, v3;
	v4 =	vand.u32 $0xFFFFFFC0, v4  }
0x43d: {  	v3 =	vor.u32 v3, v4  }
0x43e: {  	v4 =	vperm.xlane v3, v0;
	_ =	sdelay $0x1  }
0x43f: {  	v4 =	vadd.s32 v1, v4;
	_ =	sdelay $0x3  }
0x440: {  	s26 =	simm.s32 $0x8100  }
0x441: {  	[tilespmem:s26], [sflag:$0x1] =	stream.indirect_vreg.gather [hbm4b:s3+s25], $0x80, v4, vm0, $0xb8;
	[tilespmem:$0x18100] =	vst v63  }
0x442: {  	s2 =	simm.s32 $0x8900;
	v3 =	vperm.xlane v3, v2  }
0x443: {  	[tilespmem:s2], [sflag:$0x1] =	stream.indirect_vreg.gather [hbm4b:s7+s25], $0x80, v4, vm0, $0xb8;
	[tilespmem:$0x18100] =	vst v63  }
0x444: {  	s4 =	simm.s32 $0x9100;
	v3 =	vadd.s32 v1, v3  }
0x445: {  	[tilespmem:s4], [sflag:$0x1] =	stream.indirect_vreg.gather [hbm4b:s8+s25], $0x80, v4, vm0, $0xb8;
	[tilespmem:$0x18100] =	vst v63  }
0x446: {  	s5 =	simm.s32 $0x9900  }
0x447: {  	[tilespmem:s5], [sflag:$0x1] =	stream.indirect_vreg.gather [hbm4b:s9+s25], $0x80, v4, vm0, $0xb8;
	[tilespmem:$0x18100] =	vst v63  }
0x448: {  	s6 =	simm.s32 $0xA100  }
0x449: {  	[tilespmem:s6], [sflag:$0x1] =	stream.indirect_vreg.gather [hbm4b:s3+s25], $0x80, v3, vm0, $0xb8;
	[tilespmem:$0x18100] =	vst v63  }
0x44a: {  	_ = 	snop  }
0x44b: {  	[tilespmem:s10], [sflag:$0x1] =	stream.indirect_vreg.gather [hbm4b:s7+s25], $0x80, v3, vm0, $0xb8;
	[tilespmem:$0x18100] =	vst v63  }
0x44c: {  	_ = 	snop  }
0x44d: {  	[tilespmem:s20], [sflag:$0x1] =	stream.indirect_vreg.gather [hbm4b:s8+s25], $0x80, v3, vm0, $0xb8;
	[tilespmem:$0x18100] =	vst v63  }
0x44e: {  	s26 =	sld [smem:$0x7F9]  }
0x44f: {  	[tilespmem:s21], [sflag:$0x1] =	stream.indirect_vreg.gather [hbm4b:s9+s25], $0x80, v3, vm0, $0xb8;
	[tilespmem:$0x18100] =	vst v63  }
0x450: {  	_ = 	snop  }
0x451: {  	[tilespmem:s22], [sflag:$0x2] =	stream.linear.gather [hbm4b:s26+s25], $0x4000, $0x38;
	[tilespmem:$0x18100] =	vst v63  }
0x452: {  	_ =	swait.ge [sflag:s30], $0x4000  }
0x453: {  	[sflag:s30] =	ssyncset.done $0x0  }
0x454: {  	[sflag:s30] =	ssyncadd.s32 $0xFFFFC000  }
0x455: {  	_ =	swait.ge [sflag:s31], $0x4000  }
0x456: {  	[sflag:s31] =	ssyncset.done $0x0  }
0x457: {  	s28 =	simm.s32 $0x0;
	s26 =	simm.s32 $0x0;
	[sflag:s31] =	ssyncadd.s32 $0xFFFFC000  }
.LBB2_54:
0x458: {  	s0 =	sand.u32 $0x7, s26  }
0x459: {  	s0 =	sshll.u32 s0, $0x9  }
0x45a: {  	s0 =	sshrl.u32 s0, $0x2  }
0x45b: {  	v3 =	vmov s0;
	_ =	sdelay $0x2  }
0x45c: {  	s2 =	sand.u32 $0x3FFFE000, s25  }
0x45d: {  	s5 =	sor.u32 $0x100, s2  }
0x45e: {  	v4 =	vld.idx.msk [tilespmem:v3+s5+$0x4070 ss:$0x1], $0xffff  }
0x45f: {  	v5 =	vld.idx.msk [tilespmem:v3+s5+$0x4010 ss:$0x1], $0xffff  }
0x460: {  	v6 =	vld.idx.msk [tilespmem:v3+s5+$0x4020 ss:$0x1], $0xffff  }
0x461: {  	v7 =	vld.idx.msk [tilespmem:v3+s5+$0x4030 ss:$0x1], $0xffff  }
0x462: {  	v8 =	vld.idx.msk [tilespmem:v3+s5+$0x4040 ss:$0x1], $0xffff  }
0x463: {  	s2 =	sadd.s32 $0xC100, s2;
	v9 =	vld.idx.msk [tilespmem:v3+s5+$0x4050 ss:$0x1], $0xffff  }
0x464: {  	s6 =	sadd.s32 s0, s2;
	v10 =	vld.idx.msk [tilespmem:v3+s5+$0x4000 ss:$0x1], $0xffff  }
0x465: {  	[tilespmem:s6+$0x4070] =	vst.add.f32.msk $0xffff, v4  }
0x466: {  	v4 =	vld.idx.msk [tilespmem:v3+s5+$0x4060 ss:$0x1], $0xffff  }
0x467: {  	[tilespmem:s6+$0x4010] =	vst.add.f32.msk $0xffff, v5  }
0x468: {  	[tilespmem:s6+$0x4020] =	vst.add.f32.msk $0xffff, v6  }
0x469: {  	[tilespmem:s6+$0x4030] =	vst.add.f32.msk $0xffff, v7  }
0x46a: {  	[tilespmem:s6+$0x4040] =	vst.add.f32.msk $0xffff, v8  }
0x46b: {  	[tilespmem:s6+$0x4050] =	vst.add.f32.msk $0xffff, v9  }
0x46c: {  	[tilespmem:s6+$0x4000] =	vst.add.f32.msk $0xffff, v10  }
0x46d: {  	s4 =	simm.s32 $0x0;
	s5 =	sadd.s32 $0x400, s5;
	[tilespmem:s6+$0x4060] =	vst.add.f32.msk $0xffff, v4  }
.LBB2_55:
0x46e: {  	v4 =	vld.idx.msk [tilespmem:v3+s5+$0x4070 ss:$0x1], $0xffff;
	s4 =	sadd.s32 $0x80, s4  }
0x46f: {  	v5 =	vld.idx.msk [tilespmem:v3+s5+$0x4010 ss:$0x1], $0xffff;
	p0 =	slt.u32 s4, $0x380  }
0x470: {  	v6 =	vld.idx.msk [tilespmem:v3+s5+$0x4020 ss:$0x1], $0xffff  }
0x471: {  	v7 =	vld.idx.msk [tilespmem:v3+s5+$0x4030 ss:$0x1], $0xffff  }
0x472: {  	s2 =	sadd.s32 $0x400, s2;
	v8 =	vld.idx.msk [tilespmem:v3+s5+$0x4040 ss:$0x1], $0xffff  }
0x473: {  	s6 =	sadd.s32 s0, s2;
	v9 =	vld.idx.msk [tilespmem:v3+s5+$0x4050 ss:$0x1], $0xffff  }
0x474: {  	[tilespmem:s6+$0x4070] =	vst.add.f32.msk $0xffff, v4  }
0x475: {  	v4 =	vld.idx.msk [tilespmem:v3+s5+$0x4060 ss:$0x1], $0xffff  }
0x476: {  	v10 =	vld.idx.msk [tilespmem:v3+s5+$0x4000 ss:$0x1], $0xffff  }
0x477: {  	[tilespmem:s6+$0x4010] =	vst.add.f32.msk $0xffff, v5  }
0x478: {  	[tilespmem:s6+$0x4020] =	vst.add.f32.msk $0xffff, v6  }
.Ltmp26:
0x479: {  	[tilespmem:s6+$0x4030] =	vst.add.f32.msk $0xffff, v7;
	(pc) =	sbr.rel @p0 .LBB2_55-.Ltmp26, $4  }
0x47a: {  	[tilespmem:s6+$0x4040] =	vst.add.f32.msk $0xffff, v8  }
0x47b: {  	[tilespmem:s6+$0x4050] =	vst.add.f32.msk $0xffff, v9  }
0x47c: {  	[tilespmem:s6+$0x4000] =	vst.add.f32.msk $0xffff, v10  }
0x47d: {  	s5 =	sadd.s32 $0x400, s5;
	[tilespmem:s6+$0x4060] =	vst.add.f32.msk $0xffff, v4  }
0x47e: {  	s28 =	sadd.s32 $0x1, s28  }
0x47f: {  	p0 =	sne.s32 s28, $0x10  }
.Ltmp27:
0x480: {  	_ = 	snop;
	(pc) =	sbr.rel @p0 .LBB2_54-.Ltmp27, $2  }
0x481: {  	_ =	sdelay $0x2  }
0x482: {  	s26 =	sadd.s32 $0x1, s26;
	s25 =	sadd.s32 $0x400, s25  }
0x483: {  	s25 =	simm.s32 $0x0;
	s0 =	rddreg [dreg:$0x1f]  }
0x484: {  	[hbm4b:s0+s25] =	stream.linear.scatter [tilespmem:s29], [sflag:$0x3], $0x4000, $0x38;
	[tilespmem:$0x18100] =	vst v63  }
0x485: {  	_ =	swait.ge [sflag:s23], $0x4000  }
0x486: {  	[sflag:s23] =	ssyncset.done $0x0  }
0x487: {  	[sflag:s23] =	ssyncadd.s32 $0xFFFFC000  }
0x488: {  	v3 =	vld [tilespmem:$0xF0];
	_ =	sdelay $0x4  }
0x489: {  	v4 =	vshll.u32 v3, $0x3  }
0x48a: {  	v3 =	vand.u32 $0x7, v3;
	v4 =	vand.u32 $0xFFFFFFC0, v4  }
0x48b: {  	v3 =	vor.u32 v3, v4  }
0x48c: {  	v4 =	vperm.xlane v3, v0;
	_ =	sdelay $0x1  }
0x48d: {  	v4 =	vadd.s32 v1, v4;
	_ =	sdelay $0x4  }
0x48e: {  	[tilespmem:s11], [sflag:$0x1] =	stream.indirect_vreg.gather [hbm4b:s3+s25], $0x80, v4, vm0, $0xb8;
	[tilespmem:$0x18100] =	vst v63  }
0x48f: {  	v3 =	vperm.xlane v3, v2  }
0x490: {  	[tilespmem:s12], [sflag:$0x1] =	stream.indirect_vreg.gather [hbm4b:s7+s25], $0x80, v4, vm0, $0xb8;
	[tilespmem:$0x18100] =	vst v63  }
0x491: {  	v3 =	vadd.s32 v1, v3  }
0x492: {  	[tilespmem:s13], [sflag:$0x1] =	stream.indirect_vreg.gather [hbm4b:s8+s25], $0x80, v4, vm0, $0xb8;
	[tilespmem:$0x18100] =	vst v63  }
0x493: {  	_ = 	snop  }
0x494: {  	[tilespmem:s14], [sflag:$0x1] =	stream.indirect_vreg.gather [hbm4b:s9+s25], $0x80, v4, vm0, $0xb8;
	[tilespmem:$0x18100] =	vst v63  }
0x495: {  	_ = 	snop  }
0x496: {  	[tilespmem:s15], [sflag:$0x1] =	stream.indirect_vreg.gather [hbm4b:s3+s25], $0x80, v3, vm0, $0xb8;
	[tilespmem:$0x18100] =	vst v63  }
0x497: {  	_ = 	snop  }
0x498: {  	[tilespmem:s16], [sflag:$0x1] =	stream.indirect_vreg.gather [hbm4b:s7+s25], $0x80, v3, vm0, $0xb8;
	[tilespmem:$0x18100] =	vst v63  }
0x499: {  	_ = 	snop  }
0x49a: {  	[tilespmem:s17], [sflag:$0x1] =	stream.indirect_vreg.gather [hbm4b:s8+s25], $0x80, v3, vm0, $0xb8;
	[tilespmem:$0x18100] =	vst v63  }
0x49b: {  	s26 =	sld [smem:$0x7FA]  }
0x49c: {  	[tilespmem:s18], [sflag:$0x1] =	stream.indirect_vreg.gather [hbm4b:s9+s25], $0x80, v3, vm0, $0xb8;
	[tilespmem:$0x18100] =	vst v63  }
0x49d: {  	_ = 	snop  }
0x49e: {  	[tilespmem:s19], [sflag:$0x2] =	stream.linear.gather [hbm4b:s26+s25], $0x4000, $0x38;
	[tilespmem:$0x18100] =	vst v63  }
0x49f: {  	_ =	swait.ge [sflag:s30], $0x4000  }
0x4a0: {  	[sflag:s30] =	ssyncset.done $0x0  }
0x4a1: {  	[sflag:s30] =	ssyncadd.s32 $0xFFFFC000  }
0x4a2: {  	_ =	swait.ge [sflag:s31], $0x4000  }
0x4a3: {  	[sflag:s31] =	ssyncset.done $0x0  }
0x4a4: {  	s28 =	simm.s32 $0x0;
	s26 =	simm.s32 $0x0;
	[sflag:s31] =	ssyncadd.s32 $0xFFFFC000  }
.LBB2_58:
0x4a5: {  	s0 =	sand.u32 $0x7, s26  }
0x4a6: {  	s0 =	sshll.u32 s0, $0x9  }
0x4a7: {  	s0 =	sshrl.u32 s0, $0x2  }
0x4a8: {  	v3 =	vmov s0;
	_ =	sdelay $0x2  }
0x4a9: {  	s2 =	sand.u32 $0x3FFFE000, s25  }
0x4aa: {  	s5 =	sor.u32 $0x100, s2  }
0x4ab: {  	v4 =	vld.idx.msk [tilespmem:v3+s5+$0x8070 ss:$0x1], $0xffff  }
0x4ac: {  	v5 =	vld.idx.msk [tilespmem:v3+s5+$0x8010 ss:$0x1], $0xffff  }
0x4ad: {  	v6 =	vld.idx.msk [tilespmem:v3+s5+$0x8020 ss:$0x1], $0xffff  }
0x4ae: {  	v7 =	vld.idx.msk [tilespmem:v3+s5+$0x8030 ss:$0x1], $0xffff  }
0x4af: {  	v8 =	vld.idx.msk [tilespmem:v3+s5+$0x8040 ss:$0x1], $0xffff  }
0x4b0: {  	s2 =	sadd.s32 $0xC100, s2;
	v9 =	vld.idx.msk [tilespmem:v3+s5+$0x8050 ss:$0x1], $0xffff  }
0x4b1: {  	s6 =	sadd.s32 s0, s2;
	v10 =	vld.idx.msk [tilespmem:v3+s5+$0x8000 ss:$0x1], $0xffff  }
0x4b2: {  	[tilespmem:s6+$0x8070] =	vst.add.f32.msk $0xffff, v4  }
0x4b3: {  	v4 =	vld.idx.msk [tilespmem:v3+s5+$0x8060 ss:$0x1], $0xffff  }
0x4b4: {  	[tilespmem:s6+$0x8010] =	vst.add.f32.msk $0xffff, v5  }
0x4b5: {  	[tilespmem:s6+$0x8020] =	vst.add.f32.msk $0xffff, v6  }
0x4b6: {  	[tilespmem:s6+$0x8030] =	vst.add.f32.msk $0xffff, v7  }
0x4b7: {  	[tilespmem:s6+$0x8040] =	vst.add.f32.msk $0xffff, v8  }
0x4b8: {  	[tilespmem:s6+$0x8050] =	vst.add.f32.msk $0xffff, v9  }
0x4b9: {  	[tilespmem:s6+$0x8000] =	vst.add.f32.msk $0xffff, v10  }
0x4ba: {  	s4 =	simm.s32 $0x0;
	s5 =	sadd.s32 $0x400, s5;
	[tilespmem:s6+$0x8060] =	vst.add.f32.msk $0xffff, v4  }
.LBB2_59:
0x4bb: {  	v4 =	vld.idx.msk [tilespmem:v3+s5+$0x8070 ss:$0x1], $0xffff;
	s4 =	sadd.s32 $0x80, s4  }
0x4bc: {  	v5 =	vld.idx.msk [tilespmem:v3+s5+$0x8010 ss:$0x1], $0xffff;
	p0 =	slt.u32 s4, $0x380  }
0x4bd: {  	v6 =	vld.idx.msk [tilespmem:v3+s5+$0x8020 ss:$0x1], $0xffff  }
0x4be: {  	v7 =	vld.idx.msk [tilespmem:v3+s5+$0x8030 ss:$0x1], $0xffff  }
0x4bf: {  	s2 =	sadd.s32 $0x400, s2;
	v8 =	vld.idx.msk [tilespmem:v3+s5+$0x8040 ss:$0x1], $0xffff  }
0x4c0: {  	s6 =	sadd.s32 s0, s2;
	v9 =	vld.idx.msk [tilespmem:v3+s5+$0x8050 ss:$0x1], $0xffff  }
0x4c1: {  	[tilespmem:s6+$0x8070] =	vst.add.f32.msk $0xffff, v4  }
0x4c2: {  	v4 =	vld.idx.msk [tilespmem:v3+s5+$0x8060 ss:$0x1], $0xffff  }
0x4c3: {  	v10 =	vld.idx.msk [tilespmem:v3+s5+$0x8000 ss:$0x1], $0xffff  }
0x4c4: {  	[tilespmem:s6+$0x8010] =	vst.add.f32.msk $0xffff, v5  }
0x4c5: {  	[tilespmem:s6+$0x8020] =	vst.add.f32.msk $0xffff, v6  }
.Ltmp28:
0x4c6: {  	[tilespmem:s6+$0x8030] =	vst.add.f32.msk $0xffff, v7;
	(pc) =	sbr.rel @p0 .LBB2_59-.Ltmp28, $4  }
0x4c7: {  	[tilespmem:s6+$0x8040] =	vst.add.f32.msk $0xffff, v8  }
0x4c8: {  	[tilespmem:s6+$0x8050] =	vst.add.f32.msk $0xffff, v9  }
0x4c9: {  	[tilespmem:s6+$0x8000] =	vst.add.f32.msk $0xffff, v10  }
0x4ca: {  	s5 =	sadd.s32 $0x400, s5;
	[tilespmem:s6+$0x8060] =	vst.add.f32.msk $0xffff, v4  }
0x4cb: {  	s28 =	sadd.s32 $0x1, s28  }
0x4cc: {  	p0 =	sne.s32 s28, $0x10  }
.Ltmp29:
0x4cd: {  	_ = 	snop;
	(pc) =	sbr.rel @p0 .LBB2_58-.Ltmp29, $2  }
0x4ce: {  	_ =	sdelay $0x2  }
0x4cf: {  	s26 =	sadd.s32 $0x1, s26;
	s25 =	sadd.s32 $0x400, s25  }
0x4d0: {  	s0 =	sld [smem:$0x7FB];
	_ =	sdelay $0x1  }
0x4d1: {  	s25 =	simm.s32 $0x0  }
0x4d2: {  	[hbm4b:s0+s25] =	stream.linear.scatter [tilespmem:s22], [sflag:$0x3], $0x4000, $0x38;
	[tilespmem:$0x18100] =	vst v63  }
0x4d3: {  	_ =	swait.ge [sflag:s30], $0x4000  }
0x4d4: {  	[sflag:s30] =	ssyncset.done $0x0  }
0x4d5: {  	[sflag:s30] =	ssyncadd.s32 $0xFFFFC000  }
0x4d6: {  	_ =	swait.ge [sflag:s31], $0x4000  }
0x4d7: {  	[sflag:s31] =	ssyncset.done $0x0  }
0x4d8: {  	s26 =	simm.s32 $0x0;
	s28 =	simm.s32 $0x0;
	[sflag:s31] =	ssyncadd.s32 $0xFFFFC000  }
.LBB2_62:
0x4d9: {  	s0 =	sand.u32 $0x7, s26  }
0x4da: {  	s0 =	sshll.u32 s0, $0x9  }
0x4db: {  	s0 =	sshrl.u32 s0, $0x2  }
0x4dc: {  	v3 =	vmov s0;
	_ =	sdelay $0x2  }
0x4dd: {  	s2 =	sand.u32 $0x3FFFE000, s25  }
0x4de: {  	s5 =	sor.u32 $0x140, s2  }
0x4df: {  	v4 =	vld.idx.msk [tilespmem:v3+s5+$0x30 ss:$0x1], $0xffff  }
0x4e0: {  	v5 =	vld.idx.msk [tilespmem:v3+s5+$0xFFFFFFD0 ss:$0x1], $0xffff  }
0x4e1: {  	v6 =	vld.idx.msk [tilespmem:v3+s5+$0xFFFFFFE0 ss:$0x1], $0xffff  }
0x4e2: {  	v7 =	vld.idx.msk [tilespmem:v3+s5+$0xFFFFFFF0 ss:$0x1], $0xffff  }
0x4e3: {  	v8 =	vld.idx.msk [tilespmem:v3+s5+$0x0 ss:$0x1], $0xffff  }
0x4e4: {  	s2 =	sadd.s32 $0xC100, s2;
	v9 =	vld.idx.msk [tilespmem:v3+s5+$0x10 ss:$0x1], $0xffff  }
0x4e5: {  	s6 =	sadd.s32 s0, s2;
	v10 =	vld.idx.msk [tilespmem:v3+s5+$0xFFFFFFC0 ss:$0x1], $0xffff  }
0x4e6: {  	[tilespmem:s6+$0x70] =	vst.add.f32.msk $0xffff, v4  }
0x4e7: {  	v4 =	vld.idx.msk [tilespmem:v3+s5+$0x20 ss:$0x1], $0xffff  }
0x4e8: {  	[tilespmem:s6+$0x10] =	vst.add.f32.msk $0xffff, v5  }
0x4e9: {  	[tilespmem:s6+$0x20] =	vst.add.f32.msk $0xffff, v6  }
0x4ea: {  	[tilespmem:s6+$0x30] =	vst.add.f32.msk $0xffff, v7  }
0x4eb: {  	[tilespmem:s6+$0x40] =	vst.add.f32.msk $0xffff, v8  }
0x4ec: {  	[tilespmem:s6+$0x50] =	vst.add.f32.msk $0xffff, v9  }
0x4ed: {  	[tilespmem:s6+$0x0] =	vst.add.f32.msk $0xffff, v10  }
0x4ee: {  	s4 =	simm.s32 $0x0;
	s5 =	sadd.s32 $0x400, s5;
	[tilespmem:s6+$0x60] =	vst.add.f32.msk $0xffff, v4  }
.LBB2_63:
0x4ef: {  	v4 =	vld.idx.msk [tilespmem:v3+s5+$0x30 ss:$0x1], $0xffff;
	s4 =	sadd.s32 $0x80, s4  }
0x4f0: {  	v5 =	vld.idx.msk [tilespmem:v3+s5+$0xFFFFFFD0 ss:$0x1], $0xffff;
	p0 =	slt.u32 s4, $0x380  }
0x4f1: {  	v6 =	vld.idx.msk [tilespmem:v3+s5+$0xFFFFFFE0 ss:$0x1], $0xffff  }
0x4f2: {  	v7 =	vld.idx.msk [tilespmem:v3+s5+$0xFFFFFFF0 ss:$0x1], $0xffff  }
0x4f3: {  	s2 =	sadd.s32 $0x400, s2;
	v8 =	vld.idx.msk [tilespmem:v3+s5+$0x0 ss:$0x1], $0xffff  }
0x4f4: {  	s6 =	sadd.s32 s0, s2;
	v9 =	vld.idx.msk [tilespmem:v3+s5+$0x10 ss:$0x1], $0xffff  }
0x4f5: {  	[tilespmem:s6+$0x70] =	vst.add.f32.msk $0xffff, v4  }
0x4f6: {  	v4 =	vld.idx.msk [tilespmem:v3+s5+$0x20 ss:$0x1], $0xffff  }
0x4f7: {  	v10 =	vld.idx.msk [tilespmem:v3+s5+$0xFFFFFFC0 ss:$0x1], $0xffff  }
0x4f8: {  	[tilespmem:s6+$0x10] =	vst.add.f32.msk $0xffff, v5  }
0x4f9: {  	[tilespmem:s6+$0x20] =	vst.add.f32.msk $0xffff, v6  }
.Ltmp30:
0x4fa: {  	[tilespmem:s6+$0x30] =	vst.add.f32.msk $0xffff, v7;
	(pc) =	sbr.rel @p0 .LBB2_63-.Ltmp30, $4  }
0x4fb: {  	[tilespmem:s6+$0x40] =	vst.add.f32.msk $0xffff, v8  }
0x4fc: {  	[tilespmem:s6+$0x50] =	vst.add.f32.msk $0xffff, v9  }
0x4fd: {  	[tilespmem:s6+$0x0] =	vst.add.f32.msk $0xffff, v10  }
0x4fe: {  	s5 =	sadd.s32 $0x400, s5;
	[tilespmem:s6+$0x60] =	vst.add.f32.msk $0xffff, v4  }
0x4ff: {  	s28 =	sadd.s32 $0x1, s28  }
0x500: {  	p0 =	sne.s32 s28, $0x10  }
.Ltmp31:
0x501: {  	_ = 	snop;
	(pc) =	sbr.rel @p0 .LBB2_62-.Ltmp31, $2  }
0x502: {  	_ =	sdelay $0x2  }
0x503: {  	s26 =	sadd.s32 $0x1, s26;
	s25 =	sadd.s32 $0x400, s25  }
0x504: {  	s0 =	sld [smem:$0x7FC];
	_ =	sdelay $0x2  }
0x505: {  	[hbm4b:s0+s1] =	stream.linear.scatter [tilespmem:s19], [sflag:$0x3], $0x4000, $0x38;
	[tilespmem:$0x18100] =	vst v63  }
0x506: {  	_ =	swait.ge [sflag:s23], $0x4000  }
0x507: {  	[sflag:s23] =	ssyncset.done $0x0  }
0x508: {  	[sflag:s23] =	ssyncadd.s32 $0xFFFFC000  }
0x509: {  	_ =	swait.ge [sflag:s23], $0x4000  }
0x50a: {  	[sflag:s23] =	ssyncset.done $0x0  }
0x50b: {  	[sflag:s23] =	ssyncadd.s32 $0xFFFFC000  }
0x50c: {  	_ =	swait.ge [sflag:s23], $0x4000  }
0x50d: {  	s28 =	sld [smem:$0x7FD];
	_ =	sdelay $0x1  }
0x50e: {  	s24 =	sadd.s32 $0x1, s24  }
0x50f: {  	p0 =	sne.s32 s24, s28  }
.Ltmp32:
0x510: {  	_ = 	snop;
	(pc) =	sbr.rel @p0 .LBB2_1-.Ltmp32, $3  }
0x511: {  	_ =	sdelay $0x1  }
0x512: {  	[sflag:s23] =	ssyncset.done $0x0  }
0x513: {  	[sflag:s23] =	ssyncadd.s32 $0xFFFFC000  }
0x514: {  	_ =	sfence.sel $0x180000  }
0x515: {  	[bflag:$0x0] =	sbarrier.arrive $0xFFFF  }
0x516: {  	_ =	strace $0x90000047  }
0x517: {  	s0 =	stileid.u32;
	[bflag:$0x2] =	sbarrier.arrive $0xFFFF  }
0x518: {  	p0 =	sne.s32 s0, $0x0;
	s0 =	rddreg [dreg:$0x4]  }
0x519: {  	s0 =	sadd.s32 @!p0 $0x100000, s0  }
0x51a: {  	[sflag:s0] =	ssyncadd.tile.s32 @!p0 $0x1;
	_ =	shalt  }
.Lfunc_end2:
_tile_overlayer_lowered:
.L_overlay_start_2:
0x51b: {  	(tag) =	ssettag $0x2  }
0x51c: {  	s0 =	rddreg [dreg:$0x0];
	s2 =	stileid.u32  }
0x51d: {  	s1 =	rddreg [dreg:$0x1];
	p0 =	sne.s32 s2, $0x0  }
0x51e: {  	s3 =	rddreg [dreg:$0x2];
	[bflag:$0x3] =	sbarrier.arrive $0xFFFF;
	s2 =	simm.s32 @!p0 $0x1C04  }
0x51f: {  	[timem:s3], [sflag:s2] =	dma.local @!p0 [hbm:s0], s1  }
0x520: {  	s0 =	simm.s32 @!p0 $0x4  }
0x521: {  	_ =	swait.ge @!p0 [sflag:s0], s1  }
0x522: {  	s1 =	ssub.s32 @!p0 $0x0, s1;
	[sflag:s0] =	ssyncset.done @!p0 $0x0  }
0x523: {  	[sflag:s0] =	ssyncadd.s32 @!p0 s1  }
0x524: {  	[bflag:$0x3] =	sbarrier.arrive $0xFFFF  }
0x525: {  	_ =	shalt  }

</sc_bundles>
